<compile_context>
chip_gen: v7x
topology: tpu7x:2x2x1
jax: 0.10.2.dev20260603
libtpu: 0.0.44.dev20260713+nightly
codegen_flags: <defaults>
</compile_context>

<pallas_src>
import functools

import jax
import jax.numpy as jnp
from jax import lax
from jax.experimental import pallas as pl
from jax.experimental.pallas import tpu as pltpu
from jax.experimental.pallas import tpu_sc as plsc

N_NODES = 100000
EMB_DIM = 128
N_TYPES = 119
CHUNK = 128
NC, NS = 2, 16
NW = NC * NS
NCHUNKS = (N_NODES + CHUNK - 1) // CHUNK
LAST = NCHUNKS - 1
TAIL_ROWS = N_NODES - LAST * CHUNK
SLOTS = (NCHUNKS + NW - 1) // NW
IDX_PER_W = SLOTS * CHUNK
IDX_PAD = 4096
NBUF = 6


@functools.partial(
    pl.kernel,
    out_type=jax.ShapeDtypeStruct((N_NODES, EMB_DIM), jnp.float32),
    mesh=plsc.VectorSubcoreMesh(
        core_axis_name="c", subcore_axis_name="s", num_cores=NC, num_subcores=NS
    ),
    scratch_types=[
        pltpu.VMEM((1, IDX_PAD), jnp.int32),
        pltpu.VMEM((NBUF, CHUNK, EMB_DIM), jnp.float32),
    ]
    + [pltpu.SemaphoreType.DMA] * (2 * NBUF),
)
def _sc_gather(idx_hbm, table_hbm, out_hbm, idx_v, buf_v, *sems):
    gsems = sems[:NBUF]
    ssems = sems[NBUF:]
    c = lax.axis_index("c")
    s = lax.axis_index("s")
    w = s * NC + c

    pltpu.sync_copy(idx_hbm.at[w], idx_v)

    def g_desc(j):
        return pltpu.make_async_copy(
            table_hbm.at[idx_v.at[0, pl.ds(CHUNK * j, CHUNK)]],
            buf_v.at[j % NBUF],
            gsems[j % NBUF],
        )

    def s_full(j):
        return pltpu.make_async_copy(
            buf_v.at[j % NBUF],
            out_hbm.at[pl.ds((SLOTS * w + j) * CHUNK, CHUNK)],
            ssems[j % NBUF],
        )

    def s_tail(j):
        return pltpu.make_async_copy(
            buf_v.at[j % NBUF, pl.ds(0, TAIL_ROWS)],
            out_hbm.at[pl.ds(LAST * CHUNK, TAIL_ROWS)],
            ssems[j % NBUF],
        )

    def when_valid(j, fn):
        pl.when(SLOTS * w + j <= LAST)(fn)

    def start_gather(j):
        when_valid(j, lambda: g_desc(j).start())

    def wait_gather(j):
        when_valid(j, lambda: g_desc(j).wait())

    def start_store(j):
        pl.when(SLOTS * w + j < LAST)(lambda: s_full(j).start())
        pl.when(SLOTS * w + j == LAST)(lambda: s_tail(j).start())

    def wait_store(j):
        pl.when(SLOTS * w + j < LAST)(lambda: s_full(j).wait())
        pl.when(SLOTS * w + j == LAST)(lambda: s_tail(j).wait())

    for j in range(NBUF - 1):
        start_gather(j)

    for j in range(SLOTS):
        wait_gather(j)
        start_store(j)
        jn = j + NBUF - 1
        if jn < SLOTS:
            if j >= 1:
                wait_store(j - 1)
            start_gather(jn)

    for j in range(max(0, SLOTS - NBUF), SLOTS):
        wait_store(j)


def kernel(node_feature, atom_type_embedding):
    idx = node_feature[:, 0]
    idx = jnp.pad(idx, (0, NW * IDX_PER_W - N_NODES))
    idx = idx.reshape(NW, IDX_PER_W)
    idx = idx + (jnp.arange(NW, dtype=jnp.int32) * N_TYPES)[:, None]
    idx = jnp.pad(idx, ((0, 0), (0, IDX_PAD - IDX_PER_W)))
    idx = idx.reshape(NW, 1, IDX_PAD)
    table_rep = jnp.tile(atom_type_embedding, (NW, 1))
    return _sc_gather(idx, table_rep)

# --- scband reference (transcript-rebuilt; emitter-appended) ---
"""Pipeline reference for scband-single-atom-encoder-19731079758635 (READ-ONLY COPY).

The authoritative reference and input builder live on the scoring server;
editing this copy changes nothing except your own understanding.
"""

import jax, jax.numpy as jnp
import numpy as np

NUM_ATOM_TYPES = 119
EMB_DIM = 128
N_NODES = 100000
N_FEATS = 9


def setup_inputs(seed: int = 0) -> dict:
    key = jax.random.key(seed)
    k1, k2 = jax.random.split(key)
    node_feature = jax.random.randint(k1, (N_NODES, N_FEATS), 0, NUM_ATOM_TYPES, dtype=jnp.int32)
    # xavier_uniform init for embedding weight [num_atom_types, emb_dim]
    bound = float(np.sqrt(6.0 / (NUM_ATOM_TYPES + EMB_DIM)))
    atom_type_embedding = jax.random.uniform(k2, (NUM_ATOM_TYPES, EMB_DIM), dtype=jnp.float32, minval=-bound, maxval=bound)
    return {"node_feature": node_feature, "atom_type_embedding": atom_type_embedding}


def reference(node_feature, atom_type_embedding):
    # batch.node_feature = self.atom_type_embedding(batch.node_feature[:, 0])
    atom_type_ids = node_feature[:, 0]
    out = jnp.take(atom_type_embedding, atom_type_ids, axis=0)
    return out

if __name__ == "__main__":
    import jax
    _d = setup_inputs()
    print(jax.jit(kernel)(*tuple(_d.values())))

</pallas_src>

<mosaic_0001>
#map = affine_map<(d0, d1) -> (0, 0, 0)>
#map1 = affine_map<(d0, d1) -> (0, 0)>
module attributes {stable_mosaic.version = 14 : i64} {
  func.func @_sc_gather(%arg0: i32, %arg1: i32, %arg2: memref<32x1x4096xi32, #tpu.memory_space<hbm>>, %arg3: memref<3808x128xf32, #tpu.memory_space<hbm>>, %arg4: memref<100000x128xf32, #tpu.memory_space<hbm>>, %arg5: memref<1x4096xi32, #tpu.memory_space<vmem>>, %arg6: memref<6x128x128xf32, #tpu.memory_space<vmem>>, %arg7: memref<!tpu.dma_semaphore, #tpu.memory_space<semaphore_mem>>, %arg8: memref<!tpu.dma_semaphore, #tpu.memory_space<semaphore_mem>>, %arg9: memref<!tpu.dma_semaphore, #tpu.memory_space<semaphore_mem>>, %arg10: memref<!tpu.dma_semaphore, #tpu.memory_space<semaphore_mem>>, %arg11: memref<!tpu.dma_semaphore, #tpu.memory_space<semaphore_mem>>, %arg12: memref<!tpu.dma_semaphore, #tpu.memory_space<semaphore_mem>>, %arg13: memref<!tpu.dma_semaphore, #tpu.memory_space<semaphore_mem>>, %arg14: memref<!tpu.dma_semaphore, #tpu.memory_space<semaphore_mem>>, %arg15: memref<!tpu.dma_semaphore, #tpu.memory_space<semaphore_mem>>, %arg16: memref<!tpu.dma_semaphore, #tpu.memory_space<semaphore_mem>>, %arg17: memref<!tpu.dma_semaphore, #tpu.memory_space<semaphore_mem>>, %arg18: memref<!tpu.dma_semaphore, #tpu.memory_space<semaphore_mem>>) attributes {dimension_semantics = [#tpu.dimension_semantics<core_parallel>, #tpu.dimension_semantics<subcore_parallel>], iteration_bounds = array<i64: 2, 16>, scalar_prefetch = 0 : i64, scratch_operands = 14 : i64, tpu.core_type = #tpu.core_type<sc_vector_subcore>, window_params = [{transform_indices = #map}, {transform_indices = #map1}, {transform_indices = #map1}]} {
    %mul3A = arith.constant 2 : i32
    %mul3A_0 = arith.muli %arg1, %mul3A : i32
    %add3A = arith.addi %mul3A_0, %arg0 : i32
    "tpu.region"() ({
      %run_scoped3A = tpu.sem_alloc : memref<!tpu.dma_semaphore, #tpu.memory_space<semaphore_mem>>
      %dma_start3A = arith.constant 0 : i32
      %dma_start3A_1346 = arith.constant 0 : i32
      %dma_start3A_1347 = tpu.memref_slice %arg2[%add3A, %dma_start3A, %dma_start3A_1346] : memref<32x1x4096xi32, #tpu.memory_space<hbm>> -> memref<1x1x4096xi32, #tpu.memory_space<hbm>>
      %dma_start3A_1348 = tpu.memref_squeeze %dma_start3A_1347 : memref<1x1x4096xi32, #tpu.memory_space<hbm>> -> memref<1x4096xi32, #tpu.memory_space<hbm>>
      %dma_start3A_1349 = arith.constant 0 : i32
      %dma_start3A_1350 = arith.constant 0 : i32
      %dma_start3A_1351 = tpu.memref_slice %arg2[%add3A, %dma_start3A_1349, %dma_start3A_1350] : memref<32x1x4096xi32, #tpu.memory_space<hbm>> -> memref<1x1x4096xi32, #tpu.memory_space<hbm>>
      %dma_start3A_1352 = tpu.memref_squeeze %dma_start3A_1351 : memref<1x1x4096xi32, #tpu.memory_space<hbm>> -> memref<1x4096xi32, #tpu.memory_space<hbm>>
      tpu.enqueue_dma source(%dma_start3A_1352 : memref<1x4096xi32, #tpu.memory_space<hbm>>) target(%arg5 : memref<1x4096xi32, #tpu.memory_space<vmem>>) target_semaphore(%run_scoped3A : memref<!tpu.dma_semaphore, #tpu.memory_space<semaphore_mem>>)
      %dma_wait3A = arith.constant 0 : i32
      %dma_wait3A_1353 = arith.constant 0 : i32
      %dma_wait3A_1354 = tpu.memref_slice %arg2[%add3A, %dma_wait3A, %dma_wait3A_1353] : memref<32x1x4096xi32, #tpu.memory_space<hbm>> -> memref<1x1x4096xi32, #tpu.memory_space<hbm>>
      %dma_wait3A_1355 = tpu.memref_squeeze %dma_wait3A_1354 : memref<1x1x4096xi32, #tpu.memory_space<hbm>> -> memref<1x4096xi32, #tpu.memory_space<hbm>>
      %dma_wait3A_1356 = arith.constant 0 : i32
      %dma_wait3A_1357 = arith.constant 0 : i32
      %dma_wait3A_1358 = tpu.memref_slice %arg2[%add3A, %dma_wait3A_1356, %dma_wait3A_1357] : memref<32x1x4096xi32, #tpu.memory_space<hbm>> -> memref<1x1x4096xi32, #tpu.memory_space<hbm>>
      %dma_wait3A_1359 = tpu.memref_squeeze %dma_wait3A_1358 : memref<1x1x4096xi32, #tpu.memory_space<hbm>> -> memref<1x4096xi32, #tpu.memory_space<hbm>>
      tpu.wait_dma2 semaphore(%run_scoped3A : memref<!tpu.dma_semaphore, #tpu.memory_space<semaphore_mem>>) src(%dma_wait3A_1359 : memref<1x4096xi32, #tpu.memory_space<hbm>>) dst(%arg5 : memref<1x4096xi32, #tpu.memory_space<vmem>>)
      tpu.yield
    }) : () -> ()
    %mul3A_1 = arith.constant 25 : i32
    %mul3A_2 = arith.muli %mul3A_1, %add3A : i32
    %add3A_3 = arith.constant 0 : i32
    %add3A_4 = arith.addi %mul3A_2, %add3A_3 : i32
    %le3A = arith.constant 781 : i32
    %le3A_5 = arith.cmpi sle, %add3A_4, %le3A : i32
    %convert_element_type3A = arith.extui %le3A_5 : i1 to i32
    %cond3A = arith.constant 0 : i32
    %cond3A_6 = arith.cmpi ne, %convert_element_type3A, %cond3A : i32
    scf.if %cond3A_6 {
      %dma_start3A = arith.constant 0 : i32
      %dma_start3A_1346 = arith.constant 0 : i32
      %dma_start3A_1347 = arith.constant 0 : i32
      %dma_start3A_1348 = arith.constant 0 : i32
      %dma_start3A_1349 = tpu.memref_slice %arg6[%dma_start3A_1346, %dma_start3A_1347, %dma_start3A_1348] : memref<6x128x128xf32, #tpu.memory_space<vmem>> -> memref<1x128x128xf32, #tpu.memory_space<vmem>>
      %dma_start3A_1350 = tpu.memref_squeeze %dma_start3A_1349 : memref<1x128x128xf32, #tpu.memory_space<vmem>> -> memref<128x128xf32, #tpu.memory_space<vmem>>
      %dma_start3A_1351 = arith.constant 0 : i32
      %dma_start3A_1352 = tpu.memref_slice %arg5[%dma_start3A, %dma_start3A_1351] : memref<1x4096xi32, #tpu.memory_space<vmem>> -> memref<1x128xi32, #tpu.memory_space<vmem>>
      %dma_start3A_1353 = tpu.memref_squeeze %dma_start3A_1352 : memref<1x128xi32, #tpu.memory_space<vmem>> -> memref<128xi32, #tpu.memory_space<vmem>>
      %dma_start3A_1354 = arith.constant 0 : i32
      %dma_start3A_1355 = arith.constant 0 : i32
      %dma_start3A_1356 = tpu.memref_slice %arg3[%dma_start3A_1354, %dma_start3A_1355] : memref<3808x128xf32, #tpu.memory_space<hbm>> -> memref<3808x128xf32, #tpu.memory_space<hbm>>
      tpu.enqueue_indirect_dma source(%dma_start3A_1356 : memref<3808x128xf32, #tpu.memory_space<hbm>>) target(%dma_start3A_1350 : memref<128x128xf32, #tpu.memory_space<vmem>>) offsets(%dma_start3A_1353 : memref<128xi32, #tpu.memory_space<vmem>>) semaphore(%arg7 : memref<!tpu.dma_semaphore, #tpu.memory_space<semaphore_mem>>)
    } else {
    }
    %mul3A_7 = arith.constant 25 : i32
    %mul3A_8 = arith.muli %mul3A_7, %add3A : i32
    %add3A_9 = arith.constant 1 : i32
    %add3A_10 = arith.addi %mul3A_8, %add3A_9 : i32
    %le3A_11 = arith.constant 781 : i32
    %le3A_12 = arith.cmpi sle, %add3A_10, %le3A_11 : i32
    %convert_element_type3A_13 = arith.extui %le3A_12 : i1 to i32
    %cond3A_14 = arith.constant 0 : i32
    %cond3A_15 = arith.cmpi ne, %convert_element_type3A_13, %cond3A_14 : i32
    scf.if %cond3A_15 {
      %dma_start3A = arith.constant 0 : i32
      %dma_start3A_1346 = arith.constant 1 : i32
      %dma_start3A_1347 = arith.constant 0 : i32
      %dma_start3A_1348 = arith.constant 0 : i32
      %dma_start3A_1349 = tpu.memref_slice %arg6[%dma_start3A_1346, %dma_start3A_1347, %dma_start3A_1348] : memref<6x128x128xf32, #tpu.memory_space<vmem>> -> memref<1x128x128xf32, #tpu.memory_space<vmem>>
      %dma_start3A_1350 = tpu.memref_squeeze %dma_start3A_1349 : memref<1x128x128xf32, #tpu.memory_space<vmem>> -> memref<128x128xf32, #tpu.memory_space<vmem>>
      %dma_start3A_1351 = arith.constant 128 : i32
      %dma_start3A_1352 = tpu.memref_slice %arg5[%dma_start3A, %dma_start3A_1351] : memref<1x4096xi32, #tpu.memory_space<vmem>> -> memref<1x128xi32, #tpu.memory_space<vmem>>
      %dma_start3A_1353 = tpu.memref_squeeze %dma_start3A_1352 : memref<1x128xi32, #tpu.memory_space<vmem>> -> memref<128xi32, #tpu.memory_space<vmem>>
      %dma_start3A_1354 = arith.constant 0 : i32
      %dma_start3A_1355 = arith.constant 0 : i32
      %dma_start3A_1356 = tpu.memref_slice %arg3[%dma_start3A_1354, %dma_start3A_1355] : memref<3808x128xf32, #tpu.memory_space<hbm>> -> memref<3808x128xf32, #tpu.memory_space<hbm>>
      tpu.enqueue_indirect_dma source(%dma_start3A_1356 : memref<3808x128xf32, #tpu.memory_space<hbm>>) target(%dma_start3A_1350 : memref<128x128xf32, #tpu.memory_space<vmem>>) offsets(%dma_start3A_1353 : memref<128xi32, #tpu.memory_space<vmem>>) semaphore(%arg8 : memref<!tpu.dma_semaphore, #tpu.memory_space<semaphore_mem>>)
    } else {
    }
    %mul3A_16 = arith.constant 25 : i32
    %mul3A_17 = arith.muli %mul3A_16, %add3A : i32
    %add3A_18 = arith.constant 2 : i32
    %add3A_19 = arith.addi %mul3A_17, %add3A_18 : i32
    %le3A_20 = arith.constant 781 : i32
    %le3A_21 = arith.cmpi sle, %add3A_19, %le3A_20 : i32
    %convert_element_type3A_22 = arith.extui %le3A_21 : i1 to i32
    %cond3A_23 = arith.constant 0 : i32
    %cond3A_24 = arith.cmpi ne, %convert_element_type3A_22, %cond3A_23 : i32
    scf.if %cond3A_24 {
      %dma_start3A = arith.constant 0 : i32
      %dma_start3A_1346 = arith.constant 2 : i32
      %dma_start3A_1347 = arith.constant 0 : i32
      %dma_start3A_1348 = arith.constant 0 : i32
      %dma_start3A_1349 = tpu.memref_slice %arg6[%dma_start3A_1346, %dma_start3A_1347, %dma_start3A_1348] : memref<6x128x128xf32, #tpu.memory_space<vmem>> -> memref<1x128x128xf32, #tpu.memory_space<vmem>>
      %dma_start3A_1350 = tpu.memref_squeeze %dma_start3A_1349 : memref<1x128x128xf32, #tpu.memory_space<vmem>> -> memref<128x128xf32, #tpu.memory_space<vmem>>
      %dma_start3A_1351 = arith.constant 256 : i32
      %dma_start3A_1352 = tpu.memref_slice %arg5[%dma_start3A, %dma_start3A_1351] : memref<1x4096xi32, #tpu.memory_space<vmem>> -> memref<1x128xi32, #tpu.memory_space<vmem>>
      %dma_start3A_1353 = tpu.memref_squeeze %dma_start3A_1352 : memref<1x128xi32, #tpu.memory_space<vmem>> -> memref<128xi32, #tpu.memory_space<vmem>>
      %dma_start3A_1354 = arith.constant 0 : i32
      %dma_start3A_1355 = arith.constant 0 : i32
      %dma_start3A_1356 = tpu.memref_slice %arg3[%dma_start3A_1354, %dma_start3A_1355] : memref<3808x128xf32, #tpu.memory_space<hbm>> -> memref<3808x128xf32, #tpu.memory_space<hbm>>
      tpu.enqueue_indirect_dma source(%dma_start3A_1356 : memref<3808x128xf32, #tpu.memory_space<hbm>>) target(%dma_start3A_1350 : memref<128x128xf32, #tpu.memory_space<vmem>>) offsets(%dma_start3A_1353 : memref<128xi32, #tpu.memory_space<vmem>>) semaphore(%arg9 : memref<!tpu.dma_semaphore, #tpu.memory_space<semaphore_mem>>)
    } else {
    }
    %mul3A_25 = arith.constant 25 : i32
    %mul3A_26 = arith.muli %mul3A_25, %add3A : i32
    %add3A_27 = arith.constant 3 : i32
    %add3A_28 = arith.addi %mul3A_26, %add3A_27 : i32
    %le3A_29 = arith.constant 781 : i32
    %le3A_30 = arith.cmpi sle, %add3A_28, %le3A_29 : i32
    %convert_element_type3A_31 = arith.extui %le3A_30 : i1 to i32
    %cond3A_32 = arith.constant 0 : i32
    %cond3A_33 = arith.cmpi ne, %convert_element_type3A_31, %cond3A_32 : i32
    scf.if %cond3A_33 {
      %dma_start3A = arith.constant 0 : i32
      %dma_start3A_1346 = arith.constant 3 : i32
      %dma_start3A_1347 = arith.constant 0 : i32
      %dma_start3A_1348 = arith.constant 0 : i32
      %dma_start3A_1349 = tpu.memref_slice %arg6[%dma_start3A_1346, %dma_start3A_1347, %dma_start3A_1348] : memref<6x128x128xf32, #tpu.memory_space<vmem>> -> memref<1x128x128xf32, #tpu.memory_space<vmem>>
      %dma_start3A_1350 = tpu.memref_squeeze %dma_start3A_1349 : memref<1x128x128xf32, #tpu.memory_space<vmem>> -> memref<128x128xf32, #tpu.memory_space<vmem>>
      %dma_start3A_1351 = arith.constant 384 : i32
      %dma_start3A_1352 = tpu.memref_slice %arg5[%dma_start3A, %dma_start3A_1351] : memref<1x4096xi32, #tpu.memory_space<vmem>> -> memref<1x128xi32, #tpu.memory_space<vmem>>
      %dma_start3A_1353 = tpu.memref_squeeze %dma_start3A_1352 : memref<1x128xi32, #tpu.memory_space<vmem>> -> memref<128xi32, #tpu.memory_space<vmem>>
      %dma_start3A_1354 = arith.constant 0 : i32
      %dma_start3A_1355 = arith.constant 0 : i32
      %dma_start3A_1356 = tpu.memref_slice %arg3[%dma_start3A_1354, %dma_start3A_1355] : memref<3808x128xf32, #tpu.memory_space<hbm>> -> memref<3808x128xf32, #tpu.memory_space<hbm>>
      tpu.enqueue_indirect_dma source(%dma_start3A_1356 : memref<3808x128xf32, #tpu.memory_space<hbm>>) target(%dma_start3A_1350 : memref<128x128xf32, #tpu.memory_space<vmem>>) offsets(%dma_start3A_1353 : memref<128xi32, #tpu.memory_space<vmem>>) semaphore(%arg10 : memref<!tpu.dma_semaphore, #tpu.memory_space<semaphore_mem>>)
    } else {
    }
    %mul3A_34 = arith.constant 25 : i32
    %mul3A_35 = arith.muli %mul3A_34, %add3A : i32
    %add3A_36 = arith.constant 4 : i32
    %add3A_37 = arith.addi %mul3A_35, %add3A_36 : i32
    %le3A_38 = arith.constant 781 : i32
    %le3A_39 = arith.cmpi sle, %add3A_37, %le3A_38 : i32
    %convert_element_type3A_40 = arith.extui %le3A_39 : i1 to i32
    %cond3A_41 = arith.constant 0 : i32
    %cond3A_42 = arith.cmpi ne, %convert_element_type3A_40, %cond3A_41 : i32
    scf.if %cond3A_42 {
      %dma_start3A = arith.constant 0 : i32
      %dma_start3A_1346 = arith.constant 4 : i32
      %dma_start3A_1347 = arith.constant 0 : i32
      %dma_start3A_1348 = arith.constant 0 : i32
      %dma_start3A_1349 = tpu.memref_slice %arg6[%dma_start3A_1346, %dma_start3A_1347, %dma_start3A_1348] : memref<6x128x128xf32, #tpu.memory_space<vmem>> -> memref<1x128x128xf32, #tpu.memory_space<vmem>>
      %dma_start3A_1350 = tpu.memref_squeeze %dma_start3A_1349 : memref<1x128x128xf32, #tpu.memory_space<vmem>> -> memref<128x128xf32, #tpu.memory_space<vmem>>
      %dma_start3A_1351 = arith.constant 512 : i32
      %dma_start3A_1352 = tpu.memref_slice %arg5[%dma_start3A, %dma_start3A_1351] : memref<1x4096xi32, #tpu.memory_space<vmem>> -> memref<1x128xi32, #tpu.memory_space<vmem>>
      %dma_start3A_1353 = tpu.memref_squeeze %dma_start3A_1352 : memref<1x128xi32, #tpu.memory_space<vmem>> -> memref<128xi32, #tpu.memory_space<vmem>>
      %dma_start3A_1354 = arith.constant 0 : i32
      %dma_start3A_1355 = arith.constant 0 : i32
      %dma_start3A_1356 = tpu.memref_slice %arg3[%dma_start3A_1354, %dma_start3A_1355] : memref<3808x128xf32, #tpu.memory_space<hbm>> -> memref<3808x128xf32, #tpu.memory_space<hbm>>
      tpu.enqueue_indirect_dma source(%dma_start3A_1356 : memref<3808x128xf32, #tpu.memory_space<hbm>>) target(%dma_start3A_1350 : memref<128x128xf32, #tpu.memory_space<vmem>>) offsets(%dma_start3A_1353 : memref<128xi32, #tpu.memory_space<vmem>>) semaphore(%arg11 : memref<!tpu.dma_semaphore, #tpu.memory_space<semaphore_mem>>)
    } else {
    }
    %mul3A_43 = arith.constant 25 : i32
    %mul3A_44 = arith.muli %mul3A_43, %add3A : i32
    %add3A_45 = arith.constant 0 : i32
    %add3A_46 = arith.addi %mul3A_44, %add3A_45 : i32
    %le3A_47 = arith.constant 781 : i32
    %le3A_48 = arith.cmpi sle, %add3A_46, %le3A_47 : i32
    %convert_element_type3A_49 = arith.extui %le3A_48 : i1 to i32
    %cond3A_50 = arith.constant 0 : i32
    %cond3A_51 = arith.cmpi ne, %convert_element_type3A_49, %cond3A_50 : i32
    scf.if %cond3A_51 {
      %dma_wait3A = arith.constant 0 : i32
      %dma_wait3A_1346 = arith.constant 0 : i32
      %dma_wait3A_1347 = arith.constant 0 : i32
      %dma_wait3A_1348 = arith.constant 0 : i32
      %dma_wait3A_1349 = tpu.memref_slice %arg6[%dma_wait3A_1346, %dma_wait3A_1347, %dma_wait3A_1348] : memref<6x128x128xf32, #tpu.memory_space<vmem>> -> memref<1x128x128xf32, #tpu.memory_space<vmem>>
      %dma_wait3A_1350 = tpu.memref_squeeze %dma_wait3A_1349 : memref<1x128x128xf32, #tpu.memory_space<vmem>> -> memref<128x128xf32, #tpu.memory_space<vmem>>
      %dma_wait3A_1351 = arith.constant 0 : i32
      %dma_wait3A_1352 = tpu.memref_slice %arg5[%dma_wait3A, %dma_wait3A_1351] : memref<1x4096xi32, #tpu.memory_space<vmem>> -> memref<1x128xi32, #tpu.memory_space<vmem>>
      %dma_wait3A_1353 = tpu.memref_squeeze %dma_wait3A_1352 : memref<1x128xi32, #tpu.memory_space<vmem>> -> memref<128xi32, #tpu.memory_space<vmem>>
      %dma_wait3A_1354 = arith.constant 0 : i32
      %dma_wait3A_1355 = arith.constant 0 : i32
      %dma_wait3A_1356 = tpu.memref_slice %arg3[%dma_wait3A_1354, %dma_wait3A_1355] : memref<3808x128xf32, #tpu.memory_space<hbm>> -> memref<3808x128xf32, #tpu.memory_space<hbm>>
      tpu.wait_indirect_dma semaphore(%arg7 : memref<!tpu.dma_semaphore, #tpu.memory_space<semaphore_mem>>) src(%dma_wait3A_1356 : memref<3808x128xf32, #tpu.memory_space<hbm>>) dst(%dma_wait3A_1350 : memref<128x128xf32, #tpu.memory_space<vmem>>)
    } else {
    }
    %mul3A_52 = arith.constant 25 : i32
    %mul3A_53 = arith.muli %mul3A_52, %add3A : i32
    %add3A_54 = arith.constant 0 : i32
    %add3A_55 = arith.addi %mul3A_53, %add3A_54 : i32
    %lt3A = arith.constant 781 : i32
    %lt3A_56 = arith.cmpi slt, %add3A_55, %lt3A : i32
    %convert_element_type3A_57 = arith.extui %lt3A_56 : i1 to i32
    %cond3A_58 = arith.constant 0 : i32
    %cond3A_59 = arith.cmpi ne, %convert_element_type3A_57, %cond3A_58 : i32
    scf.if %cond3A_59 {
      %mul3A_1346 = arith.constant 25 : i32
      %mul3A_1347 = arith.muli %mul3A_1346, %add3A : i32
      %add3A_1348 = arith.constant 0 : i32
      %add3A_1349 = arith.addi %mul3A_1347, %add3A_1348 : i32
      %mul3A_1350 = arith.constant 128 : i32
      %mul3A_1351 = arith.muli %add3A_1349, %mul3A_1350 : i32
      %dma_start3A = arith.constant 0 : i32
      %dma_start3A_1352 = arith.constant 0 : i32
      %dma_start3A_1353 = arith.constant 0 : i32
      %dma_start3A_1354 = tpu.memref_slice %arg6[%dma_start3A, %dma_start3A_1352, %dma_start3A_1353] : memref<6x128x128xf32, #tpu.memory_space<vmem>> -> memref<1x128x128xf32, #tpu.memory_space<vmem>>
      %dma_start3A_1355 = tpu.memref_squeeze %dma_start3A_1354 : memref<1x128x128xf32, #tpu.memory_space<vmem>> -> memref<128x128xf32, #tpu.memory_space<vmem>>
      %dma_start3A_1356 = arith.constant 0 : i32
      %dma_start3A_1357 = tpu.memref_slice %arg4[%mul3A_1351, %dma_start3A_1356] : memref<100000x128xf32, #tpu.memory_space<hbm>> -> memref<128x128xf32, #tpu.memory_space<hbm>>
      %dma_start3A_1358 = arith.constant 0 : i32
      %dma_start3A_1359 = tpu.memref_slice %arg4[%mul3A_1351, %dma_start3A_1358] : memref<100000x128xf32, #tpu.memory_space<hbm>> -> memref<128x128xf32, #tpu.memory_space<hbm>>
      %dma_start3A_1360 = arith.constant 0 : i32
      %dma_start3A_1361 = arith.constant 0 : i32
      %dma_start3A_1362 = tpu.memref_slice %arg6[%dma_start3A, %dma_start3A_1360, %dma_start3A_1361] : memref<6x128x128xf32, #tpu.memory_space<vmem>> -> memref<1x128x128xf32, #tpu.memory_space<vmem>>
      %dma_start3A_1363 = tpu.memref_squeeze %dma_start3A_1362 : memref<1x128x128xf32, #tpu.memory_space<vmem>> -> memref<128x128xf32, #tpu.memory_space<vmem>>
      tpu.enqueue_dma source(%dma_start3A_1363 : memref<128x128xf32, #tpu.memory_space<vmem>>) target(%dma_start3A_1359 : memref<128x128xf32, #tpu.memory_space<hbm>>) target_semaphore(%arg13 : memref<!tpu.dma_semaphore, #tpu.memory_space<semaphore_mem>>)
    } else {
    }
    %mul3A_60 = arith.constant 25 : i32
    %mul3A_61 = arith.muli %mul3A_60, %add3A : i32
    %add3A_62 = arith.constant 0 : i32
    %add3A_63 = arith.addi %mul3A_61, %add3A_62 : i32
    %eq3A = arith.constant 781 : i32
    %eq3A_64 = arith.cmpi eq, %add3A_63, %eq3A : i32
    %convert_element_type3A_65 = arith.extui %eq3A_64 : i1 to i32
    %cond3A_66 = arith.constant 0 : i32
    %cond3A_67 = arith.cmpi ne, %convert_element_type3A_65, %cond3A_66 : i32
    scf.if %cond3A_67 {
      %dma_start3A = arith.constant 0 : i32
      %dma_start3A_1346 = arith.constant 0 : i32
      %dma_start3A_1347 = arith.constant 0 : i32
      %dma_start3A_1348 = tpu.memref_slice %arg6[%dma_start3A, %dma_start3A_1346, %dma_start3A_1347] : memref<6x128x128xf32, #tpu.memory_space<vmem>> -> memref<1x32x128xf32, #tpu.memory_space<vmem>>
      %dma_start3A_1349 = tpu.memref_squeeze %dma_start3A_1348 : memref<1x32x128xf32, #tpu.memory_space<vmem>> -> memref<32x128xf32, #tpu.memory_space<vmem>>
      %dma_start3A_1350 = arith.constant 99968 : i32
      %dma_start3A_1351 = arith.constant 0 : i32
      %dma_start3A_1352 = tpu.memref_slice %arg4[%dma_start3A_1350, %dma_start3A_1351] : memref<100000x128xf32, #tpu.memory_space<hbm>> -> memref<32x128xf32, #tpu.memory_space<hbm>>
      %dma_start3A_1353 = arith.constant 99968 : i32
      %dma_start3A_1354 = arith.constant 0 : i32
      %dma_start3A_1355 = tpu.memref_slice %arg4[%dma_start3A_1353, %dma_start3A_1354] : memref<100000x128xf32, #tpu.memory_space<hbm>> -> memref<32x128xf32, #tpu.memory_space<hbm>>
      %dma_start3A_1356 = arith.constant 0 : i32
      %dma_start3A_1357 = arith.constant 0 : i32
      %dma_start3A_1358 = tpu.memref_slice %arg6[%dma_start3A, %dma_start3A_1356, %dma_start3A_1357] : memref<6x128x128xf32, #tpu.memory_space<vmem>> -> memref<1x32x128xf32, #tpu.memory_space<vmem>>
      %dma_start3A_1359 = tpu.memref_squeeze %dma_start3A_1358 : memref<1x32x128xf32, #tpu.memory_space<vmem>> -> memref<32x128xf32, #tpu.memory_space<vmem>>
      tpu.enqueue_dma source(%dma_start3A_1359 : memref<32x128xf32, #tpu.memory_space<vmem>>) target(%dma_start3A_1355 : memref<32x128xf32, #tpu.memory_space<hbm>>) target_semaphore(%arg13 : memref<!tpu.dma_semaphore, #tpu.memory_space<semaphore_mem>>)
    } else {
    }
    %mul3A_68 = arith.constant 25 : i32
    %mul3A_69 = arith.muli %mul3A_68, %add3A : i32
    %add3A_70 = arith.constant 5 : i32
    %add3A_71 = arith.addi %mul3A_69, %add3A_70 : i32
    %le3A_72 = arith.constant 781 : i32
    %le3A_73 = arith.cmpi sle, %add3A_71, %le3A_72 : i32
    %convert_element_type3A_74 = arith.extui %le3A_73 : i1 to i32
    %cond3A_75 = arith.constant 0 : i32
    %cond3A_76 = arith.cmpi ne, %convert_element_type3A_74, %cond3A_75 : i32
    scf.if %cond3A_76 {
      %dma_start3A = arith.constant 0 : i32
      %dma_start3A_1346 = arith.constant 5 : i32
      %dma_start3A_1347 = arith.constant 0 : i32
      %dma_start3A_1348 = arith.constant 0 : i32
      %dma_start3A_1349 = tpu.memref_slice %arg6[%dma_start3A_1346, %dma_start3A_1347, %dma_start3A_1348] : memref<6x128x128xf32, #tpu.memory_space<vmem>> -> memref<1x128x128xf32, #tpu.memory_space<vmem>>
      %dma_start3A_1350 = tpu.memref_squeeze %dma_start3A_1349 : memref<1x128x128xf32, #tpu.memory_space<vmem>> -> memref<128x128xf32, #tpu.memory_space<vmem>>
      %dma_start3A_1351 = arith.constant 640 : i32
      %dma_start3A_1352 = tpu.memref_slice %arg5[%dma_start3A, %dma_start3A_1351] : memref<1x4096xi32, #tpu.memory_space<vmem>> -> memref<1x128xi32, #tpu.memory_space<vmem>>
      %dma_start3A_1353 = tpu.memref_squeeze %dma_start3A_1352 : memref<1x128xi32, #tpu.memory_space<vmem>> -> memref<128xi32, #tpu.memory_space<vmem>>
      %dma_start3A_1354 = arith.constant 0 : i32
      %dma_start3A_1355 = arith.constant 0 : i32
      %dma_start3A_1356 = tpu.memref_slice %arg3[%dma_start3A_1354, %dma_start3A_1355] : memref<3808x128xf32, #tpu.memory_space<hbm>> -> memref<3808x128xf32, #tpu.memory_space<hbm>>
      tpu.enqueue_indirect_dma source(%dma_start3A_1356 : memref<3808x128xf32, #tpu.memory_space<hbm>>) target(%dma_start3A_1350 : memref<128x128xf32, #tpu.memory_space<vmem>>) offsets(%dma_start3A_1353 : memref<128xi32, #tpu.memory_space<vmem>>) semaphore(%arg12 : memref<!tpu.dma_semaphore, #tpu.memory_space<semaphore_mem>>)
    } else {
    }
    %mul3A_77 = arith.constant 25 : i32
    %mul3A_78 = arith.muli %mul3A_77, %add3A : i32
    %add3A_79 = arith.constant 1 : i32
    %add3A_80 = arith.addi %mul3A_78, %add3A_79 : i32
    %le3A_81 = arith.constant 781 : i32
    %le3A_82 = arith.cmpi sle, %add3A_80, %le3A_81 : i32
    %convert_element_type3A_83 = arith.extui %le3A_82 : i1 to i32
    %cond3A_84 = arith.constant 0 : i32
    %cond3A_85 = arith.cmpi ne, %convert_element_type3A_83, %cond3A_84 : i32
    scf.if %cond3A_85 {
      %dma_wait3A = arith.constant 0 : i32
      %dma_wait3A_1346 = arith.constant 1 : i32
      %dma_wait3A_1347 = arith.constant 0 : i32
      %dma_wait3A_1348 = arith.constant 0 : i32
      %dma_wait3A_1349 = tpu.memref_slice %arg6[%dma_wait3A_1346, %dma_wait3A_1347, %dma_wait3A_1348] : memref<6x128x128xf32, #tpu.memory_space<vmem>> -> memref<1x128x128xf32, #tpu.memory_space<vmem>>
      %dma_wait3A_1350 = tpu.memref_squeeze %dma_wait3A_1349 : memref<1x128x128xf32, #tpu.memory_space<vmem>> -> memref<128x128xf32, #tpu.memory_space<vmem>>
      %dma_wait3A_1351 = arith.constant 128 : i32
      %dma_wait3A_1352 = tpu.memref_slice %arg5[%dma_wait3A, %dma_wait3A_1351] : memref<1x4096xi32, #tpu.memory_space<vmem>> -> memref<1x128xi32, #tpu.memory_space<vmem>>
      %dma_wait3A_1353 = tpu.memref_squeeze %dma_wait3A_1352 : memref<1x128xi32, #tpu.memory_space<vmem>> -> memref<128xi32, #tpu.memory_space<vmem>>
      %dma_wait3A_1354 = arith.constant 0 : i32
      %dma_wait3A_1355 = arith.constant 0 : i32
      %dma_wait3A_1356 = tpu.memref_slice %arg3[%dma_wait3A_1354, %dma_wait3A_1355] : memref<3808x128xf32, #tpu.memory_space<hbm>> -> memref<3808x128xf32, #tpu.memory_space<hbm>>
      tpu.wait_indirect_dma semaphore(%arg8 : memref<!tpu.dma_semaphore, #tpu.memory_space<semaphore_mem>>) src(%dma_wait3A_1356 : memref<3808x128xf32, #tpu.memory_space<hbm>>) dst(%dma_wait3A_1350 : memref<128x128xf32, #tpu.memory_space<vmem>>)
    } else {
    }
    %mul3A_86 = arith.constant 25 : i32
    %mul3A_87 = arith.muli %mul3A_86, %add3A : i32
    %add3A_88 = arith.constant 1 : i32
    %add3A_89 = arith.addi %mul3A_87, %add3A_88 : i32
    %lt3A_90 = arith.constant 781 : i32
    %lt3A_91 = arith.cmpi slt, %add3A_89, %lt3A_90 : i32
    %convert_element_type3A_92 = arith.extui %lt3A_91 : i1 to i32
    %cond3A_93 = arith.constant 0 : i32
    %cond3A_94 = arith.cmpi ne, %convert_element_type3A_92, %cond3A_93 : i32
    scf.if %cond3A_94 {
      %mul3A_1346 = arith.constant 25 : i32
      %mul3A_1347 = arith.muli %mul3A_1346, %add3A : i32
      %add3A_1348 = arith.constant 1 : i32
      %add3A_1349 = arith.addi %mul3A_1347, %add3A_1348 : i32
      %mul3A_1350 = arith.constant 128 : i32
      %mul3A_1351 = arith.muli %add3A_1349, %mul3A_1350 : i32
      %dma_start3A = arith.constant 1 : i32
      %dma_start3A_1352 = arith.constant 0 : i32
      %dma_start3A_1353 = arith.constant 0 : i32
      %dma_start3A_1354 = tpu.memref_slice %arg6[%dma_start3A, %dma_start3A_1352, %dma_start3A_1353] : memref<6x128x128xf32, #tpu.memory_space<vmem>> -> memref<1x128x128xf32, #tpu.memory_space<vmem>>
      %dma_start3A_1355 = tpu.memref_squeeze %dma_start3A_1354 : memref<1x128x128xf32, #tpu.memory_space<vmem>> -> memref<128x128xf32, #tpu.memory_space<vmem>>
      %dma_start3A_1356 = arith.constant 0 : i32
      %dma_start3A_1357 = tpu.memref_slice %arg4[%mul3A_1351, %dma_start3A_1356] : memref<100000x128xf32, #tpu.memory_space<hbm>> -> memref<128x128xf32, #tpu.memory_space<hbm>>
      %dma_start3A_1358 = arith.constant 0 : i32
      %dma_start3A_1359 = tpu.memref_slice %arg4[%mul3A_1351, %dma_start3A_1358] : memref<100000x128xf32, #tpu.memory_space<hbm>> -> memref<128x128xf32, #tpu.memory_space<hbm>>
      %dma_start3A_1360 = arith.constant 0 : i32
      %dma_start3A_1361 = arith.constant 0 : i32
      %dma_start3A_1362 = tpu.memref_slice %arg6[%dma_start3A, %dma_start3A_1360, %dma_start3A_1361] : memref<6x128x128xf32, #tpu.memory_space<vmem>> -> memref<1x128x128xf32, #tpu.memory_space<vmem>>
      %dma_start3A_1363 = tpu.memref_squeeze %dma_start3A_1362 : memref<1x128x128xf32, #tpu.memory_space<vmem>> -> memref<128x128xf32, #tpu.memory_space<vmem>>
      tpu.enqueue_dma source(%dma_start3A_1363 : memref<128x128xf32, #tpu.memory_space<vmem>>) target(%dma_start3A_1359 : memref<128x128xf32, #tpu.memory_space<hbm>>) target_semaphore(%arg14 : memref<!tpu.dma_semaphore, #tpu.memory_space<semaphore_mem>>)
    } else {
    }
    %mul3A_95 = arith.constant 25 : i32
    %mul3A_96 = arith.muli %mul3A_95, %add3A : i32
    %add3A_97 = arith.constant 1 : i32
    %add3A_98 = arith.addi %mul3A_96, %add3A_97 : i32
    %eq3A_99 = arith.constant 781 : i32
    %eq3A_100 = arith.cmpi eq, %add3A_98, %eq3A_99 : i32
    %convert_element_type3A_101 = arith.extui %eq3A_100 : i1 to i32
    %cond3A_102 = arith.constant 0 : i32
    %cond3A_103 = arith.cmpi ne, %convert_element_type3A_101, %cond3A_102 : i32
    scf.if %cond3A_103 {
      %dma_start3A = arith.constant 1 : i32
      %dma_start3A_1346 = arith.constant 0 : i32
      %dma_start3A_1347 = arith.constant 0 : i32
      %dma_start3A_1348 = tpu.memref_slice %arg6[%dma_start3A, %dma_start3A_1346, %dma_start3A_1347] : memref<6x128x128xf32, #tpu.memory_space<vmem>> -> memref<1x32x128xf32, #tpu.memory_space<vmem>>
      %dma_start3A_1349 = tpu.memref_squeeze %dma_start3A_1348 : memref<1x32x128xf32, #tpu.memory_space<vmem>> -> memref<32x128xf32, #tpu.memory_space<vmem>>
      %dma_start3A_1350 = arith.constant 99968 : i32
      %dma_start3A_1351 = arith.constant 0 : i32
      %dma_start3A_1352 = tpu.memref_slice %arg4[%dma_start3A_1350, %dma_start3A_1351] : memref<100000x128xf32, #tpu.memory_space<hbm>> -> memref<32x128xf32, #tpu.memory_space<hbm>>
      %dma_start3A_1353 = arith.constant 99968 : i32
      %dma_start3A_1354 = arith.constant 0 : i32
      %dma_start3A_1355 = tpu.memref_slice %arg4[%dma_start3A_1353, %dma_start3A_1354] : memref<100000x128xf32, #tpu.memory_space<hbm>> -> memref<32x128xf32, #tpu.memory_space<hbm>>
      %dma_start3A_1356 = arith.constant 0 : i32
      %dma_start3A_1357 = arith.constant 0 : i32
      %dma_start3A_1358 = tpu.memref_slice %arg6[%dma_start3A, %dma_start3A_1356, %dma_start3A_1357] : memref<6x128x128xf32, #tpu.memory_space<vmem>> -> memref<1x32x128xf32, #tpu.memory_space<vmem>>
      %dma_start3A_1359 = tpu.memref_squeeze %dma_start3A_1358 : memref<1x32x128xf32, #tpu.memory_space<vmem>> -> memref<32x128xf32, #tpu.memory_space<vmem>>
      tpu.enqueue_dma source(%dma_start3A_1359 : memref<32x128xf32, #tpu.memory_space<vmem>>) target(%dma_start3A_1355 : memref<32x128xf32, #tpu.memory_space<hbm>>) target_semaphore(%arg14 : memref<!tpu.dma_semaphore, #tpu.memory_space<semaphore_mem>>)
    } else {
    }
    %mul3A_104 = arith.constant 25 : i32
    %mul3A_105 = arith.muli %mul3A_104, %add3A : i32
    %add3A_106 = arith.constant 0 : i32
    %add3A_107 = arith.addi %mul3A_105, %add3A_106 : i32
    %lt3A_108 = arith.constant 781 : i32
    %lt3A_109 = arith.cmpi slt, %add3A_107, %lt3A_108 : i32
    %convert_element_type3A_110 = arith.extui %lt3A_109 : i1 to i32
    %cond3A_111 = arith.constant 0 : i32
    %cond3A_112 = arith.cmpi ne, %convert_element_type3A_110, %cond3A_111 : i32
    scf.if %cond3A_112 {
      %mul3A_1346 = arith.constant 25 : i32
      %mul3A_1347 = arith.muli %mul3A_1346, %add3A : i32
      %add3A_1348 = arith.constant 0 : i32
      %add3A_1349 = arith.addi %mul3A_1347, %add3A_1348 : i32
      %mul3A_1350 = arith.constant 128 : i32
      %mul3A_1351 = arith.muli %add3A_1349, %mul3A_1350 : i32
      %dma_wait3A = arith.constant 0 : i32
      %dma_wait3A_1352 = arith.constant 0 : i32
      %dma_wait3A_1353 = arith.constant 0 : i32
      %dma_wait3A_1354 = tpu.memref_slice %arg6[%dma_wait3A, %dma_wait3A_1352, %dma_wait3A_1353] : memref<6x128x128xf32, #tpu.memory_space<vmem>> -> memref<1x128x128xf32, #tpu.memory_space<vmem>>
      %dma_wait3A_1355 = tpu.memref_squeeze %dma_wait3A_1354 : memref<1x128x128xf32, #tpu.memory_space<vmem>> -> memref<128x128xf32, #tpu.memory_space<vmem>>
      %dma_wait3A_1356 = arith.constant 0 : i32
      %dma_wait3A_1357 = tpu.memref_slice %arg4[%mul3A_1351, %dma_wait3A_1356] : memref<100000x128xf32, #tpu.memory_space<hbm>> -> memref<128x128xf32, #tpu.memory_space<hbm>>
      %dma_wait3A_1358 = arith.constant 0 : i32
      %dma_wait3A_1359 = tpu.memref_slice %arg4[%mul3A_1351, %dma_wait3A_1358] : memref<100000x128xf32, #tpu.memory_space<hbm>> -> memref<128x128xf32, #tpu.memory_space<hbm>>
      %dma_wait3A_1360 = arith.constant 0 : i32
      %dma_wait3A_1361 = arith.constant 0 : i32
      %dma_wait3A_1362 = tpu.memref_slice %arg6[%dma_wait3A, %dma_wait3A_1360, %dma_wait3A_1361] : memref<6x128x128xf32, #tpu.memory_space<vmem>> -> memref<1x128x128xf32, #tpu.memory_space<vmem>>
      %dma_wait3A_1363 = tpu.memref_squeeze %dma_wait3A_1362 : memref<1x128x128xf32, #tpu.memory_space<vmem>> -> memref<128x128xf32, #tpu.memory_space<vmem>>
      tpu.wait_dma2 semaphore(%arg13 : memref<!tpu.dma_semaphore, #tpu.memory_space<semaphore_mem>>) src(%dma_wait3A_1363 : memref<128x128xf32, #tpu.memory_space<vmem>>) dst(%dma_wait3A_1359 : memref<128x128xf32, #tpu.memory_space<hbm>>)
    } else {
    }
    %mul3A_113 = arith.constant 25 : i32
    %mul3A_114 = arith.muli %mul3A_113, %add3A : i32
    %add3A_115 = arith.constant 0 : i32
    %add3A_116 = arith.addi %mul3A_114, %add3A_115 : i32
    %eq3A_117 = arith.constant 781 : i32
    %eq3A_118 = arith.cmpi eq, %add3A_116, %eq3A_117 : i32
    %convert_element_type3A_119 = arith.extui %eq3A_118 : i1 to i32
    %cond3A_120 = arith.constant 0 : i32
    %cond3A_121 = arith.cmpi ne, %convert_element_type3A_119, %cond3A_120 : i32
    scf.if %cond3A_121 {
      %dma_wait3A = arith.constant 0 : i32
      %dma_wait3A_1346 = arith.constant 0 : i32
      %dma_wait3A_1347 = arith.constant 0 : i32
      %dma_wait3A_1348 = tpu.memref_slice %arg6[%dma_wait3A, %dma_wait3A_1346, %dma_wait3A_1347] : memref<6x128x128xf32, #tpu.memory_space<vmem>> -> memref<1x32x128xf32, #tpu.memory_space<vmem>>
      %dma_wait3A_1349 = tpu.memref_squeeze %dma_wait3A_1348 : memref<1x32x128xf32, #tpu.memory_space<vmem>> -> memref<32x128xf32, #tpu.memory_space<vmem>>
      %dma_wait3A_1350 = arith.constant 99968 : i32
      %dma_wait3A_1351 = arith.constant 0 : i32
      %dma_wait3A_1352 = tpu.memref_slice %arg4[%dma_wait3A_1350, %dma_wait3A_1351] : memref<100000x128xf32, #tpu.memory_space<hbm>> -> memref<32x128xf32, #tpu.memory_space<hbm>>
      %dma_wait3A_1353 = arith.constant 99968 : i32
      %dma_wait3A_1354 = arith.constant 0 : i32
      %dma_wait3A_1355 = tpu.memref_slice %arg4[%dma_wait3A_1353, %dma_wait3A_1354] : memref<100000x128xf32, #tpu.memory_space<hbm>> -> memref<32x128xf32, #tpu.memory_space<hbm>>
      %dma_wait3A_1356 = arith.constant 0 : i32
      %dma_wait3A_1357 = arith.constant 0 : i32
      %dma_wait3A_1358 = tpu.memref_slice %arg6[%dma_wait3A, %dma_wait3A_1356, %dma_wait3A_1357] : memref<6x128x128xf32, #tpu.memory_space<vmem>> -> memref<1x32x128xf32, #tpu.memory_space<vmem>>
      %dma_wait3A_1359 = tpu.memref_squeeze %dma_wait3A_1358 : memref<1x32x128xf32, #tpu.memory_space<vmem>> -> memref<32x128xf32, #tpu.memory_space<vmem>>
      tpu.wait_dma2 semaphore(%arg13 : memref<!tpu.dma_semaphore, #tpu.memory_space<semaphore_mem>>) src(%dma_wait3A_1359 : memref<32x128xf32, #tpu.memory_space<vmem>>) dst(%dma_wait3A_1355 : memref<32x128xf32, #tpu.memory_space<hbm>>)
    } else {
    }
    %mul3A_122 = arith.constant 25 : i32
    %mul3A_123 = arith.muli %mul3A_122, %add3A : i32
    %add3A_124 = arith.constant 6 : i32
    %add3A_125 = arith.addi %mul3A_123, %add3A_124 : i32
    %le3A_126 = arith.constant 781 : i32
    %le3A_127 = arith.cmpi sle, %add3A_125, %le3A_126 : i32
    %convert_element_type3A_128 = arith.extui %le3A_127 : i1 to i32
    %cond3A_129 = arith.constant 0 : i32
    %cond3A_130 = arith.cmpi ne, %convert_element_type3A_128, %cond3A_129 : i32
    scf.if %cond3A_130 {
      %dma_start3A = arith.constant 0 : i32
      %dma_start3A_1346 = arith.constant 0 : i32
      %dma_start3A_1347 = arith.constant 0 : i32
      %dma_start3A_1348 = arith.constant 0 : i32
      %dma_start3A_1349 = tpu.memref_slice %arg6[%dma_start3A_1346, %dma_start3A_1347, %dma_start3A_1348] : memref<6x128x128xf32, #tpu.memory_space<vmem>> -> memref<1x128x128xf32, #tpu.memory_space<vmem>>
      %dma_start3A_1350 = tpu.memref_squeeze %dma_start3A_1349 : memref<1x128x128xf32, #tpu.memory_space<vmem>> -> memref<128x128xf32, #tpu.memory_space<vmem>>
      %dma_start3A_1351 = arith.constant 768 : i32
      %dma_start3A_1352 = tpu.memref_slice %arg5[%dma_start3A, %dma_start3A_1351] : memref<1x4096xi32, #tpu.memory_space<vmem>> -> memref<1x128xi32, #tpu.memory_space<vmem>>
      %dma_start3A_1353 = tpu.memref_squeeze %dma_start3A_1352 : memref<1x128xi32, #tpu.memory_space<vmem>> -> memref<128xi32, #tpu.memory_space<vmem>>
      %dma_start3A_1354 = arith.constant 0 : i32
      %dma_start3A_1355 = arith.constant 0 : i32
      %dma_start3A_1356 = tpu.memref_slice %arg3[%dma_start3A_1354, %dma_start3A_1355] : memref<3808x128xf32, #tpu.memory_space<hbm>> -> memref<3808x128xf32, #tpu.memory_space<hbm>>
      tpu.enqueue_indirect_dma source(%dma_start3A_1356 : memref<3808x128xf32, #tpu.memory_space<hbm>>) target(%dma_start3A_1350 : memref<128x128xf32, #tpu.memory_space<vmem>>) offsets(%dma_start3A_1353 : memref<128xi32, #tpu.memory_space<vmem>>) semaphore(%arg7 : memref<!tpu.dma_semaphore, #tpu.memory_space<semaphore_mem>>)
    } else {
    }
    %mul3A_131 = arith.constant 25 : i32
    %mul3A_132 = arith.muli %mul3A_131, %add3A : i32
    %add3A_133 = arith.constant 2 : i32
    %add3A_134 = arith.addi %mul3A_132, %add3A_133 : i32
    %le3A_135 = arith.constant 781 : i32
    %le3A_136 = arith.cmpi sle, %add3A_134, %le3A_135 : i32
    %convert_element_type3A_137 = arith.extui %le3A_136 : i1 to i32
    %cond3A_138 = arith.constant 0 : i32
    %cond3A_139 = arith.cmpi ne, %convert_element_type3A_137, %cond3A_138 : i32
    scf.if %cond3A_139 {
      %dma_wait3A = arith.constant 0 : i32
      %dma_wait3A_1346 = arith.constant 2 : i32
      %dma_wait3A_1347 = arith.constant 0 : i32
      %dma_wait3A_1348 = arith.constant 0 : i32
      %dma_wait3A_1349 = tpu.memref_slice %arg6[%dma_wait3A_1346, %dma_wait3A_1347, %dma_wait3A_1348] : memref<6x128x128xf32, #tpu.memory_space<vmem>> -> memref<1x128x128xf32, #tpu.memory_space<vmem>>
      %dma_wait3A_1350 = tpu.memref_squeeze %dma_wait3A_1349 : memref<1x128x128xf32, #tpu.memory_space<vmem>> -> memref<128x128xf32, #tpu.memory_space<vmem>>
      %dma_wait3A_1351 = arith.constant 256 : i32
      %dma_wait3A_1352 = tpu.memref_slice %arg5[%dma_wait3A, %dma_wait3A_1351] : memref<1x4096xi32, #tpu.memory_space<vmem>> -> memref<1x128xi32, #tpu.memory_space<vmem>>
      %dma_wait3A_1353 = tpu.memref_squeeze %dma_wait3A_1352 : memref<1x128xi32, #tpu.memory_space<vmem>> -> memref<128xi32, #tpu.memory_space<vmem>>
      %dma_wait3A_1354 = arith.constant 0 : i32
      %dma_wait3A_1355 = arith.constant 0 : i32
      %dma_wait3A_1356 = tpu.memref_slice %arg3[%dma_wait3A_1354, %dma_wait3A_1355] : memref<3808x128xf32, #tpu.memory_space<hbm>> -> memref<3808x128xf32, #tpu.memory_space<hbm>>
      tpu.wait_indirect_dma semaphore(%arg9 : memref<!tpu.dma_semaphore, #tpu.memory_space<semaphore_mem>>) src(%dma_wait3A_1356 : memref<3808x128xf32, #tpu.memory_space<hbm>>) dst(%dma_wait3A_1350 : memref<128x128xf32, #tpu.memory_space<vmem>>)
    } else {
    }
    %mul3A_140 = arith.constant 25 : i32
    %mul3A_141 = arith.muli %mul3A_140, %add3A : i32
    %add3A_142 = arith.constant 2 : i32
    %add3A_143 = arith.addi %mul3A_141, %add3A_142 : i32
    %lt3A_144 = arith.constant 781 : i32
    %lt3A_145 = arith.cmpi slt, %add3A_143, %lt3A_144 : i32
    %convert_element_type3A_146 = arith.extui %lt3A_145 : i1 to i32
    %cond3A_147 = arith.constant 0 : i32
    %cond3A_148 = arith.cmpi ne, %convert_element_type3A_146, %cond3A_147 : i32
    scf.if %cond3A_148 {
      %mul3A_1346 = arith.constant 25 : i32
      %mul3A_1347 = arith.muli %mul3A_1346, %add3A : i32
      %add3A_1348 = arith.constant 2 : i32
      %add3A_1349 = arith.addi %mul3A_1347, %add3A_1348 : i32
      %mul3A_1350 = arith.constant 128 : i32
      %mul3A_1351 = arith.muli %add3A_1349, %mul3A_1350 : i32
      %dma_start3A = arith.constant 2 : i32
      %dma_start3A_1352 = arith.constant 0 : i32
      %dma_start3A_1353 = arith.constant 0 : i32
      %dma_start3A_1354 = tpu.memref_slice %arg6[%dma_start3A, %dma_start3A_1352, %dma_start3A_1353] : memref<6x128x128xf32, #tpu.memory_space<vmem>> -> memref<1x128x128xf32, #tpu.memory_space<vmem>>
      %dma_start3A_1355 = tpu.memref_squeeze %dma_start3A_1354 : memref<1x128x128xf32, #tpu.memory_space<vmem>> -> memref<128x128xf32, #tpu.memory_space<vmem>>
      %dma_start3A_1356 = arith.constant 0 : i32
      %dma_start3A_1357 = tpu.memref_slice %arg4[%mul3A_1351, %dma_start3A_1356] : memref<100000x128xf32, #tpu.memory_space<hbm>> -> memref<128x128xf32, #tpu.memory_space<hbm>>
      %dma_start3A_1358 = arith.constant 0 : i32
      %dma_start3A_1359 = tpu.memref_slice %arg4[%mul3A_1351, %dma_start3A_1358] : memref<100000x128xf32, #tpu.memory_space<hbm>> -> memref<128x128xf32, #tpu.memory_space<hbm>>
      %dma_start3A_1360 = arith.constant 0 : i32
      %dma_start3A_1361 = arith.constant 0 : i32
      %dma_start3A_1362 = tpu.memref_slice %arg6[%dma_start3A, %dma_start3A_1360, %dma_start3A_1361] : memref<6x128x128xf32, #tpu.memory_space<vmem>> -> memref<1x128x128xf32, #tpu.memory_space<vmem>>
      %dma_start3A_1363 = tpu.memref_squeeze %dma_start3A_1362 : memref<1x128x128xf32, #tpu.memory_space<vmem>> -> memref<128x128xf32, #tpu.memory_space<vmem>>
      tpu.enqueue_dma source(%dma_start3A_1363 : memref<128x128xf32, #tpu.memory_space<vmem>>) target(%dma_start3A_1359 : memref<128x128xf32, #tpu.memory_space<hbm>>) target_semaphore(%arg15 : memref<!tpu.dma_semaphore, #tpu.memory_space<semaphore_mem>>)
    } else {
    }
    %mul3A_149 = arith.constant 25 : i32
    %mul3A_150 = arith.muli %mul3A_149, %add3A : i32
    %add3A_151 = arith.constant 2 : i32
    %add3A_152 = arith.addi %mul3A_150, %add3A_151 : i32
    %eq3A_153 = arith.constant 781 : i32
    %eq3A_154 = arith.cmpi eq, %add3A_152, %eq3A_153 : i32
    %convert_element_type3A_155 = arith.extui %eq3A_154 : i1 to i32
    %cond3A_156 = arith.constant 0 : i32
    %cond3A_157 = arith.cmpi ne, %convert_element_type3A_155, %cond3A_156 : i32
    scf.if %cond3A_157 {
      %dma_start3A = arith.constant 2 : i32
      %dma_start3A_1346 = arith.constant 0 : i32
      %dma_start3A_1347 = arith.constant 0 : i32
      %dma_start3A_1348 = tpu.memref_slice %arg6[%dma_start3A, %dma_start3A_1346, %dma_start3A_1347] : memref<6x128x128xf32, #tpu.memory_space<vmem>> -> memref<1x32x128xf32, #tpu.memory_space<vmem>>
      %dma_start3A_1349 = tpu.memref_squeeze %dma_start3A_1348 : memref<1x32x128xf32, #tpu.memory_space<vmem>> -> memref<32x128xf32, #tpu.memory_space<vmem>>
      %dma_start3A_1350 = arith.constant 99968 : i32
      %dma_start3A_1351 = arith.constant 0 : i32
      %dma_start3A_1352 = tpu.memref_slice %arg4[%dma_start3A_1350, %dma_start3A_1351] : memref<100000x128xf32, #tpu.memory_space<hbm>> -> memref<32x128xf32, #tpu.memory_space<hbm>>
      %dma_start3A_1353 = arith.constant 99968 : i32
      %dma_start3A_1354 = arith.constant 0 : i32
      %dma_start3A_1355 = tpu.memref_slice %arg4[%dma_start3A_1353, %dma_start3A_1354] : memref<100000x128xf32, #tpu.memory_space<hbm>> -> memref<32x128xf32, #tpu.memory_space<hbm>>
      %dma_start3A_1356 = arith.constant 0 : i32
      %dma_start3A_1357 = arith.constant 0 : i32
      %dma_start3A_1358 = tpu.memref_slice %arg6[%dma_start3A, %dma_start3A_1356, %dma_start3A_1357] : memref<6x128x128xf32, #tpu.memory_space<vmem>> -> memref<1x32x128xf32, #tpu.memory_space<vmem>>
      %dma_start3A_1359 = tpu.memref_squeeze %dma_start3A_1358 : memref<1x32x128xf32, #tpu.memory_space<vmem>> -> memref<32x128xf32, #tpu.memory_space<vmem>>
      tpu.enqueue_dma source(%dma_start3A_1359 : memref<32x128xf32, #tpu.memory_space<vmem>>) target(%dma_start3A_1355 : memref<32x128xf32, #tpu.memory_space<hbm>>) target_semaphore(%arg15 : memref<!tpu.dma_semaphore, #tpu.memory_space<semaphore_mem>>)
    } else {
    }
    %mul3A_158 = arith.constant 25 : i32
    %mul3A_159 = arith.muli %mul3A_158, %add3A : i32
    %add3A_160 = arith.constant 1 : i32
    %add3A_161 = arith.addi %mul3A_159, %add3A_160 : i32
    %lt3A_162 = arith.constant 781 : i32
    %lt3A_163 = arith.cmpi slt, %add3A_161, %lt3A_162 : i32
    %convert_element_type3A_164 = arith.extui %lt3A_163 : i1 to i32
    %cond3A_165 = arith.constant 0 : i32
    %cond3A_166 = arith.cmpi ne, %convert_element_type3A_164, %cond3A_165 : i32
    scf.if %cond3A_166 {
      %mul3A_1346 = arith.constant 25 : i32
      %mul3A_1347 = arith.muli %mul3A_1346, %add3A : i32
      %add3A_1348 = arith.constant 1 : i32
      %add3A_1349 = arith.addi %mul3A_1347, %add3A_1348 : i32
      %mul3A_1350 = arith.constant 128 : i32
      %mul3A_1351 = arith.muli %add3A_1349, %mul3A_1350 : i32
      %dma_wait3A = arith.constant 1 : i32
      %dma_wait3A_1352 = arith.constant 0 : i32
      %dma_wait3A_1353 = arith.constant 0 : i32
      %dma_wait3A_1354 = tpu.memref_slice %arg6[%dma_wait3A, %dma_wait3A_1352, %dma_wait3A_1353] : memref<6x128x128xf32, #tpu.memory_space<vmem>> -> memref<1x128x128xf32, #tpu.memory_space<vmem>>
      %dma_wait3A_1355 = tpu.memref_squeeze %dma_wait3A_1354 : memref<1x128x128xf32, #tpu.memory_space<vmem>> -> memref<128x128xf32, #tpu.memory_space<vmem>>
      %dma_wait3A_1356 = arith.constant 0 : i32
      %dma_wait3A_1357 = tpu.memref_slice %arg4[%mul3A_1351, %dma_wait3A_1356] : memref<100000x128xf32, #tpu.memory_space<hbm>> -> memref<128x128xf32, #tpu.memory_space<hbm>>
      %dma_wait3A_1358 = arith.constant 0 : i32
      %dma_wait3A_1359 = tpu.memref_slice %arg4[%mul3A_1351, %dma_wait3A_1358] : memref<100000x128xf32, #tpu.memory_space<hbm>> -> memref<128x128xf32, #tpu.memory_space<hbm>>
      %dma_wait3A_1360 = arith.constant 0 : i32
      %dma_wait3A_1361 = arith.constant 0 : i32
      %dma_wait3A_1362 = tpu.memref_slice %arg6[%dma_wait3A, %dma_wait3A_1360, %dma_wait3A_1361] : memref<6x128x128xf32, #tpu.memory_space<vmem>> -> memref<1x128x128xf32, #tpu.memory_space<vmem>>
      %dma_wait3A_1363 = tpu.memref_squeeze %dma_wait3A_1362 : memref<1x128x128xf32, #tpu.memory_space<vmem>> -> memref<128x128xf32, #tpu.memory_space<vmem>>
      tpu.wait_dma2 semaphore(%arg14 : memref<!tpu.dma_semaphore, #tpu.memory_space<semaphore_mem>>) src(%dma_wait3A_1363 : memref<128x128xf32, #tpu.memory_space<vmem>>) dst(%dma_wait3A_1359 : memref<128x128xf32, #tpu.memory_space<hbm>>)
    } else {
    }
    %mul3A_167 = arith.constant 25 : i32
    %mul3A_168 = arith.muli %mul3A_167, %add3A : i32
    %add3A_169 = arith.constant 1 : i32
    %add3A_170 = arith.addi %mul3A_168, %add3A_169 : i32
    %eq3A_171 = arith.constant 781 : i32
    %eq3A_172 = arith.cmpi eq, %add3A_170, %eq3A_171 : i32
    %convert_element_type3A_173 = arith.extui %eq3A_172 : i1 to i32
    %cond3A_174 = arith.constant 0 : i32
    %cond3A_175 = arith.cmpi ne, %convert_element_type3A_173, %cond3A_174 : i32
    scf.if %cond3A_175 {
      %dma_wait3A = arith.constant 1 : i32
      %dma_wait3A_1346 = arith.constant 0 : i32
      %dma_wait3A_1347 = arith.constant 0 : i32
      %dma_wait3A_1348 = tpu.memref_slice %arg6[%dma_wait3A, %dma_wait3A_1346, %dma_wait3A_1347] : memref<6x128x128xf32, #tpu.memory_space<vmem>> -> memref<1x32x128xf32, #tpu.memory_space<vmem>>
      %dma_wait3A_1349 = tpu.memref_squeeze %dma_wait3A_1348 : memref<1x32x128xf32, #tpu.memory_space<vmem>> -> memref<32x128xf32, #tpu.memory_space<vmem>>
      %dma_wait3A_1350 = arith.constant 99968 : i32
      %dma_wait3A_1351 = arith.constant 0 : i32
      %dma_wait3A_1352 = tpu.memref_slice %arg4[%dma_wait3A_1350, %dma_wait3A_1351] : memref<100000x128xf32, #tpu.memory_space<hbm>> -> memref<32x128xf32, #tpu.memory_space<hbm>>
      %dma_wait3A_1353 = arith.constant 99968 : i32
      %dma_wait3A_1354 = arith.constant 0 : i32
      %dma_wait3A_1355 = tpu.memref_slice %arg4[%dma_wait3A_1353, %dma_wait3A_1354] : memref<100000x128xf32, #tpu.memory_space<hbm>> -> memref<32x128xf32, #tpu.memory_space<hbm>>
      %dma_wait3A_1356 = arith.constant 0 : i32
      %dma_wait3A_1357 = arith.constant 0 : i32
      %dma_wait3A_1358 = tpu.memref_slice %arg6[%dma_wait3A, %dma_wait3A_1356, %dma_wait3A_1357] : memref<6x128x128xf32, #tpu.memory_space<vmem>> -> memref<1x32x128xf32, #tpu.memory_space<vmem>>
      %dma_wait3A_1359 = tpu.memref_squeeze %dma_wait3A_1358 : memref<1x32x128xf32, #tpu.memory_space<vmem>> -> memref<32x128xf32, #tpu.memory_space<vmem>>
      tpu.wait_dma2 semaphore(%arg14 : memref<!tpu.dma_semaphore, #tpu.memory_space<semaphore_mem>>) src(%dma_wait3A_1359 : memref<32x128xf32, #tpu.memory_space<vmem>>) dst(%dma_wait3A_1355 : memref<32x128xf32, #tpu.memory_space<hbm>>)
    } else {
    }
    %mul3A_176 = arith.constant 25 : i32
    %mul3A_177 = arith.muli %mul3A_176, %add3A : i32
    %add3A_178 = arith.constant 7 : i32
    %add3A_179 = arith.addi %mul3A_177, %add3A_178 : i32
    %le3A_180 = arith.constant 781 : i32
    %le3A_181 = arith.cmpi sle, %add3A_179, %le3A_180 : i32
    %convert_element_type3A_182 = arith.extui %le3A_181 : i1 to i32
    %cond3A_183 = arith.constant 0 : i32
    %cond3A_184 = arith.cmpi ne, %convert_element_type3A_182, %cond3A_183 : i32
    scf.if %cond3A_184 {
      %dma_start3A = arith.constant 0 : i32
      %dma_start3A_1346 = arith.constant 1 : i32
      %dma_start3A_1347 = arith.constant 0 : i32
      %dma_start3A_1348 = arith.constant 0 : i32
      %dma_start3A_1349 = tpu.memref_slice %arg6[%dma_start3A_1346, %dma_start3A_1347, %dma_start3A_1348] : memref<6x128x128xf32, #tpu.memory_space<vmem>> -> memref<1x128x128xf32, #tpu.memory_space<vmem>>
      %dma_start3A_1350 = tpu.memref_squeeze %dma_start3A_1349 : memref<1x128x128xf32, #tpu.memory_space<vmem>> -> memref<128x128xf32, #tpu.memory_space<vmem>>
      %dma_start3A_1351 = arith.constant 896 : i32
      %dma_start3A_1352 = tpu.memref_slice %arg5[%dma_start3A, %dma_start3A_1351] : memref<1x4096xi32, #tpu.memory_space<vmem>> -> memref<1x128xi32, #tpu.memory_space<vmem>>
      %dma_start3A_1353 = tpu.memref_squeeze %dma_start3A_1352 : memref<1x128xi32, #tpu.memory_space<vmem>> -> memref<128xi32, #tpu.memory_space<vmem>>
      %dma_start3A_1354 = arith.constant 0 : i32
      %dma_start3A_1355 = arith.constant 0 : i32
      %dma_start3A_1356 = tpu.memref_slice %arg3[%dma_start3A_1354, %dma_start3A_1355] : memref<3808x128xf32, #tpu.memory_space<hbm>> -> memref<3808x128xf32, #tpu.memory_space<hbm>>
      tpu.enqueue_indirect_dma source(%dma_start3A_1356 : memref<3808x128xf32, #tpu.memory_space<hbm>>) target(%dma_start3A_1350 : memref<128x128xf32, #tpu.memory_space<vmem>>) offsets(%dma_start3A_1353 : memref<128xi32, #tpu.memory_space<vmem>>) semaphore(%arg8 : memref<!tpu.dma_semaphore, #tpu.memory_space<semaphore_mem>>)
    } else {
    }
    %mul3A_185 = arith.constant 25 : i32
    %mul3A_186 = arith.muli %mul3A_185, %add3A : i32
    %add3A_187 = arith.constant 3 : i32
    %add3A_188 = arith.addi %mul3A_186, %add3A_187 : i32
    %le3A_189 = arith.constant 781 : i32
    %le3A_190 = arith.cmpi sle, %add3A_188, %le3A_189 : i32
    %convert_element_type3A_191 = arith.extui %le3A_190 : i1 to i32
    %cond3A_192 = arith.constant 0 : i32
    %cond3A_193 = arith.cmpi ne, %convert_element_type3A_191, %cond3A_192 : i32
    scf.if %cond3A_193 {
      %dma_wait3A = arith.constant 0 : i32
      %dma_wait3A_1346 = arith.constant 3 : i32
      %dma_wait3A_1347 = arith.constant 0 : i32
      %dma_wait3A_1348 = arith.constant 0 : i32
      %dma_wait3A_1349 = tpu.memref_slice %arg6[%dma_wait3A_1346, %dma_wait3A_1347, %dma_wait3A_1348] : memref<6x128x128xf32, #tpu.memory_space<vmem>> -> memref<1x128x128xf32, #tpu.memory_space<vmem>>
      %dma_wait3A_1350 = tpu.memref_squeeze %dma_wait3A_1349 : memref<1x128x128xf32, #tpu.memory_space<vmem>> -> memref<128x128xf32, #tpu.memory_space<vmem>>
      %dma_wait3A_1351 = arith.constant 384 : i32
      %dma_wait3A_1352 = tpu.memref_slice %arg5[%dma_wait3A, %dma_wait3A_1351] : memref<1x4096xi32, #tpu.memory_space<vmem>> -> memref<1x128xi32, #tpu.memory_space<vmem>>
      %dma_wait3A_1353 = tpu.memref_squeeze %dma_wait3A_1352 : memref<1x128xi32, #tpu.memory_space<vmem>> -> memref<128xi32, #tpu.memory_space<vmem>>
      %dma_wait3A_1354 = arith.constant 0 : i32
      %dma_wait3A_1355 = arith.constant 0 : i32
      %dma_wait3A_1356 = tpu.memref_slice %arg3[%dma_wait3A_1354, %dma_wait3A_1355] : memref<3808x128xf32, #tpu.memory_space<hbm>> -> memref<3808x128xf32, #tpu.memory_space<hbm>>
      tpu.wait_indirect_dma semaphore(%arg10 : memref<!tpu.dma_semaphore, #tpu.memory_space<semaphore_mem>>) src(%dma_wait3A_1356 : memref<3808x128xf32, #tpu.memory_space<hbm>>) dst(%dma_wait3A_1350 : memref<128x128xf32, #tpu.memory_space<vmem>>)
    } else {
    }
    %mul3A_194 = arith.constant 25 : i32
    %mul3A_195 = arith.muli %mul3A_194, %add3A : i32
    %add3A_196 = arith.constant 3 : i32
    %add3A_197 = arith.addi %mul3A_195, %add3A_196 : i32
    %lt3A_198 = arith.constant 781 : i32
    %lt3A_199 = arith.cmpi slt, %add3A_197, %lt3A_198 : i32
    %convert_element_type3A_200 = arith.extui %lt3A_199 : i1 to i32
    %cond3A_201 = arith.constant 0 : i32
    %cond3A_202 = arith.cmpi ne, %convert_element_type3A_200, %cond3A_201 : i32
    scf.if %cond3A_202 {
      %mul3A_1346 = arith.constant 25 : i32
      %mul3A_1347 = arith.muli %mul3A_1346, %add3A : i32
      %add3A_1348 = arith.constant 3 : i32
      %add3A_1349 = arith.addi %mul3A_1347, %add3A_1348 : i32
      %mul3A_1350 = arith.constant 128 : i32
      %mul3A_1351 = arith.muli %add3A_1349, %mul3A_1350 : i32
      %dma_start3A = arith.constant 3 : i32
      %dma_start3A_1352 = arith.constant 0 : i32
      %dma_start3A_1353 = arith.constant 0 : i32
      %dma_start3A_1354 = tpu.memref_slice %arg6[%dma_start3A, %dma_start3A_1352, %dma_start3A_1353] : memref<6x128x128xf32, #tpu.memory_space<vmem>> -> memref<1x128x128xf32, #tpu.memory_space<vmem>>
      %dma_start3A_1355 = tpu.memref_squeeze %dma_start3A_1354 : memref<1x128x128xf32, #tpu.memory_space<vmem>> -> memref<128x128xf32, #tpu.memory_space<vmem>>
      %dma_start3A_1356 = arith.constant 0 : i32
      %dma_start3A_1357 = tpu.memref_slice %arg4[%mul3A_1351, %dma_start3A_1356] : memref<100000x128xf32, #tpu.memory_space<hbm>> -> memref<128x128xf32, #tpu.memory_space<hbm>>
      %dma_start3A_1358 = arith.constant 0 : i32
      %dma_start3A_1359 = tpu.memref_slice %arg4[%mul3A_1351, %dma_start3A_1358] : memref<100000x128xf32, #tpu.memory_space<hbm>> -> memref<128x128xf32, #tpu.memory_space<hbm>>
      %dma_start3A_1360 = arith.constant 0 : i32
      %dma_start3A_1361 = arith.constant 0 : i32
      %dma_start3A_1362 = tpu.memref_slice %arg6[%dma_start3A, %dma_start3A_1360, %dma_start3A_1361] : memref<6x128x128xf32, #tpu.memory_space<vmem>> -> memref<1x128x128xf32, #tpu.memory_space<vmem>>
      %dma_start3A_1363 = tpu.memref_squeeze %dma_start3A_1362 : memref<1x128x128xf32, #tpu.memory_space<vmem>> -> memref<128x128xf32, #tpu.memory_space<vmem>>
      tpu.enqueue_dma source(%dma_start3A_1363 : memref<128x128xf32, #tpu.memory_space<vmem>>) target(%dma_start3A_1359 : memref<128x128xf32, #tpu.memory_space<hbm>>) target_semaphore(%arg16 : memref<!tpu.dma_semaphore, #tpu.memory_space<semaphore_mem>>)
    } else {
    }
    %mul3A_203 = arith.constant 25 : i32
    %mul3A_204 = arith.muli %mul3A_203, %add3A : i32
    %add3A_205 = arith.constant 3 : i32
    %add3A_206 = arith.addi %mul3A_204, %add3A_205 : i32
    %eq3A_207 = arith.constant 781 : i32
    %eq3A_208 = arith.cmpi eq, %add3A_206, %eq3A_207 : i32
    %convert_element_type3A_209 = arith.extui %eq3A_208 : i1 to i32
    %cond3A_210 = arith.constant 0 : i32
    %cond3A_211 = arith.cmpi ne, %convert_element_type3A_209, %cond3A_210 : i32
    scf.if %cond3A_211 {
      %dma_start3A = arith.constant 3 : i32
      %dma_start3A_1346 = arith.constant 0 : i32
      %dma_start3A_1347 = arith.constant 0 : i32
      %dma_start3A_1348 = tpu.memref_slice %arg6[%dma_start3A, %dma_start3A_1346, %dma_start3A_1347] : memref<6x128x128xf32, #tpu.memory_space<vmem>> -> memref<1x32x128xf32, #tpu.memory_space<vmem>>
      %dma_start3A_1349 = tpu.memref_squeeze %dma_start3A_1348 : memref<1x32x128xf32, #tpu.memory_space<vmem>> -> memref<32x128xf32, #tpu.memory_space<vmem>>
      %dma_start3A_1350 = arith.constant 99968 : i32
      %dma_start3A_1351 = arith.constant 0 : i32
      %dma_start3A_1352 = tpu.memref_slice %arg4[%dma_start3A_1350, %dma_start3A_1351] : memref<100000x128xf32, #tpu.memory_space<hbm>> -> memref<32x128xf32, #tpu.memory_space<hbm>>
      %dma_start3A_1353 = arith.constant 99968 : i32
      %dma_start3A_1354 = arith.constant 0 : i32
      %dma_start3A_1355 = tpu.memref_slice %arg4[%dma_start3A_1353, %dma_start3A_1354] : memref<100000x128xf32, #tpu.memory_space<hbm>> -> memref<32x128xf32, #tpu.memory_space<hbm>>
      %dma_start3A_1356 = arith.constant 0 : i32
      %dma_start3A_1357 = arith.constant 0 : i32
      %dma_start3A_1358 = tpu.memref_slice %arg6[%dma_start3A, %dma_start3A_1356, %dma_start3A_1357] : memref<6x128x128xf32, #tpu.memory_space<vmem>> -> memref<1x32x128xf32, #tpu.memory_space<vmem>>
      %dma_start3A_1359 = tpu.memref_squeeze %dma_start3A_1358 : memref<1x32x128xf32, #tpu.memory_space<vmem>> -> memref<32x128xf32, #tpu.memory_space<vmem>>
      tpu.enqueue_dma source(%dma_start3A_1359 : memref<32x128xf32, #tpu.memory_space<vmem>>) target(%dma_start3A_1355 : memref<32x128xf32, #tpu.memory_space<hbm>>) target_semaphore(%arg16 : memref<!tpu.dma_semaphore, #tpu.memory_space<semaphore_mem>>)
    } else {
    }
    %mul3A_212 = arith.constant 25 : i32
    %mul3A_213 = arith.muli %mul3A_212, %add3A : i32
    %add3A_214 = arith.constant 2 : i32
    %add3A_215 = arith.addi %mul3A_213, %add3A_214 : i32
    %lt3A_216 = arith.constant 781 : i32
    %lt3A_217 = arith.cmpi slt, %add3A_215, %lt3A_216 : i32
    %convert_element_type3A_218 = arith.extui %lt3A_217 : i1 to i32
    %cond3A_219 = arith.constant 0 : i32
    %cond3A_220 = arith.cmpi ne, %convert_element_type3A_218, %cond3A_219 : i32
    scf.if %cond3A_220 {
      %mul3A_1346 = arith.constant 25 : i32
      %mul3A_1347 = arith.muli %mul3A_1346, %add3A : i32
      %add3A_1348 = arith.constant 2 : i32
      %add3A_1349 = arith.addi %mul3A_1347, %add3A_1348 : i32
      %mul3A_1350 = arith.constant 128 : i32
      %mul3A_1351 = arith.muli %add3A_1349, %mul3A_1350 : i32
      %dma_wait3A = arith.constant 2 : i32
      %dma_wait3A_1352 = arith.constant 0 : i32
      %dma_wait3A_1353 = arith.constant 0 : i32
      %dma_wait3A_1354 = tpu.memref_slice %arg6[%dma_wait3A, %dma_wait3A_1352, %dma_wait3A_1353] : memref<6x128x128xf32, #tpu.memory_space<vmem>> -> memref<1x128x128xf32, #tpu.memory_space<vmem>>
      %dma_wait3A_1355 = tpu.memref_squeeze %dma_wait3A_1354 : memref<1x128x128xf32, #tpu.memory_space<vmem>> -> memref<128x128xf32, #tpu.memory_space<vmem>>
      %dma_wait3A_1356 = arith.constant 0 : i32
      %dma_wait3A_1357 = tpu.memref_slice %arg4[%mul3A_1351, %dma_wait3A_1356] : memref<100000x128xf32, #tpu.memory_space<hbm>> -> memref<128x128xf32, #tpu.memory_space<hbm>>
      %dma_wait3A_1358 = arith.constant 0 : i32
      %dma_wait3A_1359 = tpu.memref_slice %arg4[%mul3A_1351, %dma_wait3A_1358] : memref<100000x128xf32, #tpu.memory_space<hbm>> -> memref<128x128xf32, #tpu.memory_space<hbm>>
      %dma_wait3A_1360 = arith.constant 0 : i32
      %dma_wait3A_1361 = arith.constant 0 : i32
      %dma_wait3A_1362 = tpu.memref_slice %arg6[%dma_wait3A, %dma_wait3A_1360, %dma_wait3A_1361] : memref<6x128x128xf32, #tpu.memory_space<vmem>> -> memref<1x128x128xf32, #tpu.memory_space<vmem>>
      %dma_wait3A_1363 = tpu.memref_squeeze %dma_wait3A_1362 : memref<1x128x128xf32, #tpu.memory_space<vmem>> -> memref<128x128xf32, #tpu.memory_space<vmem>>
      tpu.wait_dma2 semaphore(%arg15 : memref<!tpu.dma_semaphore, #tpu.memory_space<semaphore_mem>>) src(%dma_wait3A_1363 : memref<128x128xf32, #tpu.memory_space<vmem>>) dst(%dma_wait3A_1359 : memref<128x128xf32, #tpu.memory_space<hbm>>)
    } else {
    }
    %mul3A_221 = arith.constant 25 : i32
    %mul3A_222 = arith.muli %mul3A_221, %add3A : i32
    %add3A_223 = arith.constant 2 : i32
    %add3A_224 = arith.addi %mul3A_222, %add3A_223 : i32
    %eq3A_225 = arith.constant 781 : i32
    %eq3A_226 = arith.cmpi eq, %add3A_224, %eq3A_225 : i32
    %convert_element_type3A_227 = arith.extui %eq3A_226 : i1 to i32
    %cond3A_228 = arith.constant 0 : i32
    %cond3A_229 = arith.cmpi ne, %convert_element_type3A_227, %cond3A_228 : i32
    scf.if %cond3A_229 {
      %dma_wait3A = arith.constant 2 : i32
      %dma_wait3A_1346 = arith.constant 0 : i32
      %dma_wait3A_1347 = arith.constant 0 : i32
      %dma_wait3A_1348 = tpu.memref_slice %arg6[%dma_wait3A, %dma_wait3A_1346, %dma_wait3A_1347] : memref<6x128x128xf32, #tpu.memory_space<vmem>> -> memref<1x32x128xf32, #tpu.memory_space<vmem>>
      %dma_wait3A_1349 = tpu.memref_squeeze %dma_wait3A_1348 : memref<1x32x128xf32, #tpu.memory_space<vmem>> -> memref<32x128xf32, #tpu.memory_space<vmem>>
      %dma_wait3A_1350 = arith.constant 99968 : i32
      %dma_wait3A_1351 = arith.constant 0 : i32
      %dma_wait3A_1352 = tpu.memref_slice %arg4[%dma_wait3A_1350, %dma_wait3A_1351] : memref<100000x128xf32, #tpu.memory_space<hbm>> -> memref<32x128xf32, #tpu.memory_space<hbm>>
      %dma_wait3A_1353 = arith.constant 99968 : i32
      %dma_wait3A_1354 = arith.constant 0 : i32
      %dma_wait3A_1355 = tpu.memref_slice %arg4[%dma_wait3A_1353, %dma_wait3A_1354] : memref<100000x128xf32, #tpu.memory_space<hbm>> -> memref<32x128xf32, #tpu.memory_space<hbm>>
      %dma_wait3A_1356 = arith.constant 0 : i32
      %dma_wait3A_1357 = arith.constant 0 : i32
      %dma_wait3A_1358 = tpu.memref_slice %arg6[%dma_wait3A, %dma_wait3A_1356, %dma_wait3A_1357] : memref<6x128x128xf32, #tpu.memory_space<vmem>> -> memref<1x32x128xf32, #tpu.memory_space<vmem>>
      %dma_wait3A_1359 = tpu.memref_squeeze %dma_wait3A_1358 : memref<1x32x128xf32, #tpu.memory_space<vmem>> -> memref<32x128xf32, #tpu.memory_space<vmem>>
      tpu.wait_dma2 semaphore(%arg15 : memref<!tpu.dma_semaphore, #tpu.memory_space<semaphore_mem>>) src(%dma_wait3A_1359 : memref<32x128xf32, #tpu.memory_space<vmem>>) dst(%dma_wait3A_1355 : memref<32x128xf32, #tpu.memory_space<hbm>>)
    } else {
    }
    %mul3A_230 = arith.constant 25 : i32
    %mul3A_231 = arith.muli %mul3A_230, %add3A : i32
    %add3A_232 = arith.constant 8 : i32
    %add3A_233 = arith.addi %mul3A_231, %add3A_232 : i32
    %le3A_234 = arith.constant 781 : i32
    %le3A_235 = arith.cmpi sle, %add3A_233, %le3A_234 : i32
    %convert_element_type3A_236 = arith.extui %le3A_235 : i1 to i32
    %cond3A_237 = arith.constant 0 : i32
    %cond3A_238 = arith.cmpi ne, %convert_element_type3A_236, %cond3A_237 : i32
    scf.if %cond3A_238 {
      %dma_start3A = arith.constant 0 : i32
      %dma_start3A_1346 = arith.constant 2 : i32
      %dma_start3A_1347 = arith.constant 0 : i32
      %dma_start3A_1348 = arith.constant 0 : i32
      %dma_start3A_1349 = tpu.memref_slice %arg6[%dma_start3A_1346, %dma_start3A_1347, %dma_start3A_1348] : memref<6x128x128xf32, #tpu.memory_space<vmem>> -> memref<1x128x128xf32, #tpu.memory_space<vmem>>
      %dma_start3A_1350 = tpu.memref_squeeze %dma_start3A_1349 : memref<1x128x128xf32, #tpu.memory_space<vmem>> -> memref<128x128xf32, #tpu.memory_space<vmem>>
      %dma_start3A_1351 = arith.constant 1024 : i32
      %dma_start3A_1352 = tpu.memref_slice %arg5[%dma_start3A, %dma_start3A_1351] : memref<1x4096xi32, #tpu.memory_space<vmem>> -> memref<1x128xi32, #tpu.memory_space<vmem>>
      %dma_start3A_1353 = tpu.memref_squeeze %dma_start3A_1352 : memref<1x128xi32, #tpu.memory_space<vmem>> -> memref<128xi32, #tpu.memory_space<vmem>>
      %dma_start3A_1354 = arith.constant 0 : i32
      %dma_start3A_1355 = arith.constant 0 : i32
      %dma_start3A_1356 = tpu.memref_slice %arg3[%dma_start3A_1354, %dma_start3A_1355] : memref<3808x128xf32, #tpu.memory_space<hbm>> -> memref<3808x128xf32, #tpu.memory_space<hbm>>
      tpu.enqueue_indirect_dma source(%dma_start3A_1356 : memref<3808x128xf32, #tpu.memory_space<hbm>>) target(%dma_start3A_1350 : memref<128x128xf32, #tpu.memory_space<vmem>>) offsets(%dma_start3A_1353 : memref<128xi32, #tpu.memory_space<vmem>>) semaphore(%arg9 : memref<!tpu.dma_semaphore, #tpu.memory_space<semaphore_mem>>)
    } else {
    }
    %mul3A_239 = arith.constant 25 : i32
    %mul3A_240 = arith.muli %mul3A_239, %add3A : i32
    %add3A_241 = arith.constant 4 : i32
    %add3A_242 = arith.addi %mul3A_240, %add3A_241 : i32
    %le3A_243 = arith.constant 781 : i32
    %le3A_244 = arith.cmpi sle, %add3A_242, %le3A_243 : i32
    %convert_element_type3A_245 = arith.extui %le3A_244 : i1 to i32
    %cond3A_246 = arith.constant 0 : i32
    %cond3A_247 = arith.cmpi ne, %convert_element_type3A_245, %cond3A_246 : i32
    scf.if %cond3A_247 {
      %dma_wait3A = arith.constant 0 : i32
      %dma_wait3A_1346 = arith.constant 4 : i32
      %dma_wait3A_1347 = arith.constant 0 : i32
      %dma_wait3A_1348 = arith.constant 0 : i32
      %dma_wait3A_1349 = tpu.memref_slice %arg6[%dma_wait3A_1346, %dma_wait3A_1347, %dma_wait3A_1348] : memref<6x128x128xf32, #tpu.memory_space<vmem>> -> memref<1x128x128xf32, #tpu.memory_space<vmem>>
      %dma_wait3A_1350 = tpu.memref_squeeze %dma_wait3A_1349 : memref<1x128x128xf32, #tpu.memory_space<vmem>> -> memref<128x128xf32, #tpu.memory_space<vmem>>
      %dma_wait3A_1351 = arith.constant 512 : i32
      %dma_wait3A_1352 = tpu.memref_slice %arg5[%dma_wait3A, %dma_wait3A_1351] : memref<1x4096xi32, #tpu.memory_space<vmem>> -> memref<1x128xi32, #tpu.memory_space<vmem>>
      %dma_wait3A_1353 = tpu.memref_squeeze %dma_wait3A_1352 : memref<1x128xi32, #tpu.memory_space<vmem>> -> memref<128xi32, #tpu.memory_space<vmem>>
      %dma_wait3A_1354 = arith.constant 0 : i32
      %dma_wait3A_1355 = arith.constant 0 : i32
      %dma_wait3A_1356 = tpu.memref_slice %arg3[%dma_wait3A_1354, %dma_wait3A_1355] : memref<3808x128xf32, #tpu.memory_space<hbm>> -> memref<3808x128xf32, #tpu.memory_space<hbm>>
      tpu.wait_indirect_dma semaphore(%arg11 : memref<!tpu.dma_semaphore, #tpu.memory_space<semaphore_mem>>) src(%dma_wait3A_1356 : memref<3808x128xf32, #tpu.memory_space<hbm>>) dst(%dma_wait3A_1350 : memref<128x128xf32, #tpu.memory_space<vmem>>)
    } else {
    }
    %mul3A_248 = arith.constant 25 : i32
    %mul3A_249 = arith.muli %mul3A_248, %add3A : i32
    %add3A_250 = arith.constant 4 : i32
    %add3A_251 = arith.addi %mul3A_249, %add3A_250 : i32
    %lt3A_252 = arith.constant 781 : i32
    %lt3A_253 = arith.cmpi slt, %add3A_251, %lt3A_252 : i32
    %convert_element_type3A_254 = arith.extui %lt3A_253 : i1 to i32
    %cond3A_255 = arith.constant 0 : i32
    %cond3A_256 = arith.cmpi ne, %convert_element_type3A_254, %cond3A_255 : i32
    scf.if %cond3A_256 {
      %mul3A_1346 = arith.constant 25 : i32
      %mul3A_1347 = arith.muli %mul3A_1346, %add3A : i32
      %add3A_1348 = arith.constant 4 : i32
      %add3A_1349 = arith.addi %mul3A_1347, %add3A_1348 : i32
      %mul3A_1350 = arith.constant 128 : i32
      %mul3A_1351 = arith.muli %add3A_1349, %mul3A_1350 : i32
      %dma_start3A = arith.constant 4 : i32
      %dma_start3A_1352 = arith.constant 0 : i32
      %dma_start3A_1353 = arith.constant 0 : i32
      %dma_start3A_1354 = tpu.memref_slice %arg6[%dma_start3A, %dma_start3A_1352, %dma_start3A_1353] : memref<6x128x128xf32, #tpu.memory_space<vmem>> -> memref<1x128x128xf32, #tpu.memory_space<vmem>>
      %dma_start3A_1355 = tpu.memref_squeeze %dma_start3A_1354 : memref<1x128x128xf32, #tpu.memory_space<vmem>> -> memref<128x128xf32, #tpu.memory_space<vmem>>
      %dma_start3A_1356 = arith.constant 0 : i32
      %dma_start3A_1357 = tpu.memref_slice %arg4[%mul3A_1351, %dma_start3A_1356] : memref<100000x128xf32, #tpu.memory_space<hbm>> -> memref<128x128xf32, #tpu.memory_space<hbm>>
      %dma_start3A_1358 = arith.constant 0 : i32
      %dma_start3A_1359 = tpu.memref_slice %arg4[%mul3A_1351, %dma_start3A_1358] : memref<100000x128xf32, #tpu.memory_space<hbm>> -> memref<128x128xf32, #tpu.memory_space<hbm>>
      %dma_start3A_1360 = arith.constant 0 : i32
      %dma_start3A_1361 = arith.constant 0 : i32
      %dma_start3A_1362 = tpu.memref_slice %arg6[%dma_start3A, %dma_start3A_1360, %dma_start3A_1361] : memref<6x128x128xf32, #tpu.memory_space<vmem>> -> memref<1x128x128xf32, #tpu.memory_space<vmem>>
      %dma_start3A_1363 = tpu.memref_squeeze %dma_start3A_1362 : memref<1x128x128xf32, #tpu.memory_space<vmem>> -> memref<128x128xf32, #tpu.memory_space<vmem>>
      tpu.enqueue_dma source(%dma_start3A_1363 : memref<128x128xf32, #tpu.memory_space<vmem>>) target(%dma_start3A_1359 : memref<128x128xf32, #tpu.memory_space<hbm>>) target_semaphore(%arg17 : memref<!tpu.dma_semaphore, #tpu.memory_space<semaphore_mem>>)
    } else {
    }
    %mul3A_257 = arith.constant 25 : i32
    %mul3A_258 = arith.muli %mul3A_257, %add3A : i32
    %add3A_259 = arith.constant 4 : i32
    %add3A_260 = arith.addi %mul3A_258, %add3A_259 : i32
    %eq3A_261 = arith.constant 781 : i32
    %eq3A_262 = arith.cmpi eq, %add3A_260, %eq3A_261 : i32
    %convert_element_type3A_263 = arith.extui %eq3A_262 : i1 to i32
    %cond3A_264 = arith.constant 0 : i32
    %cond3A_265 = arith.cmpi ne, %convert_element_type3A_263, %cond3A_264 : i32
    scf.if %cond3A_265 {
      %dma_start3A = arith.constant 4 : i32
      %dma_start3A_1346 = arith.constant 0 : i32
      %dma_start3A_1347 = arith.constant 0 : i32
      %dma_start3A_1348 = tpu.memref_slice %arg6[%dma_start3A, %dma_start3A_1346, %dma_start3A_1347] : memref<6x128x128xf32, #tpu.memory_space<vmem>> -> memref<1x32x128xf32, #tpu.memory_space<vmem>>
      %dma_start3A_1349 = tpu.memref_squeeze %dma_start3A_1348 : memref<1x32x128xf32, #tpu.memory_space<vmem>> -> memref<32x128xf32, #tpu.memory_space<vmem>>
      %dma_start3A_1350 = arith.constant 99968 : i32
      %dma_start3A_1351 = arith.constant 0 : i32
      %dma_start3A_1352 = tpu.memref_slice %arg4[%dma_start3A_1350, %dma_start3A_1351] : memref<100000x128xf32, #tpu.memory_space<hbm>> -> memref<32x128xf32, #tpu.memory_space<hbm>>
      %dma_start3A_1353 = arith.constant 99968 : i32
      %dma_start3A_1354 = arith.constant 0 : i32
      %dma_start3A_1355 = tpu.memref_slice %arg4[%dma_start3A_1353, %dma_start3A_1354] : memref<100000x128xf32, #tpu.memory_space<hbm>> -> memref<32x128xf32, #tpu.memory_space<hbm>>
      %dma_start3A_1356 = arith.constant 0 : i32
      %dma_start3A_1357 = arith.constant 0 : i32
      %dma_start3A_1358 = tpu.memref_slice %arg6[%dma_start3A, %dma_start3A_1356, %dma_start3A_1357] : memref<6x128x128xf32, #tpu.memory_space<vmem>> -> memref<1x32x128xf32, #tpu.memory_space<vmem>>
      %dma_start3A_1359 = tpu.memref_squeeze %dma_start3A_1358 : memref<1x32x128xf32, #tpu.memory_space<vmem>> -> memref<32x128xf32, #tpu.memory_space<vmem>>
      tpu.enqueue_dma source(%dma_start3A_1359 : memref<32x128xf32, #tpu.memory_space<vmem>>) target(%dma_start3A_1355 : memref<32x128xf32, #tpu.memory_space<hbm>>) target_semaphore(%arg17 : memref<!tpu.dma_semaphore, #tpu.memory_space<semaphore_mem>>)
    } else {
    }
    %mul3A_266 = arith.constant 25 : i32
    %mul3A_267 = arith.muli %mul3A_266, %add3A : i32
    %add3A_268 = arith.constant 3 : i32
    %add3A_269 = arith.addi %mul3A_267, %add3A_268 : i32
    %lt3A_270 = arith.constant 781 : i32
    %lt3A_271 = arith.cmpi slt, %add3A_269, %lt3A_270 : i32
    %convert_element_type3A_272 = arith.extui %lt3A_271 : i1 to i32
    %cond3A_273 = arith.constant 0 : i32
    %cond3A_274 = arith.cmpi ne, %convert_element_type3A_272, %cond3A_273 : i32
    scf.if %cond3A_274 {
      %mul3A_1346 = arith.constant 25 : i32
      %mul3A_1347 = arith.muli %mul3A_1346, %add3A : i32
      %add3A_1348 = arith.constant 3 : i32
      %add3A_1349 = arith.addi %mul3A_1347, %add3A_1348 : i32
      %mul3A_1350 = arith.constant 128 : i32
      %mul3A_1351 = arith.muli %add3A_1349, %mul3A_1350 : i32
      %dma_wait3A = arith.constant 3 : i32
      %dma_wait3A_1352 = arith.constant 0 : i32
      %dma_wait3A_1353 = arith.constant 0 : i32
      %dma_wait3A_1354 = tpu.memref_slice %arg6[%dma_wait3A, %dma_wait3A_1352, %dma_wait3A_1353] : memref<6x128x128xf32, #tpu.memory_space<vmem>> -> memref<1x128x128xf32, #tpu.memory_space<vmem>>
      %dma_wait3A_1355 = tpu.memref_squeeze %dma_wait3A_1354 : memref<1x128x128xf32, #tpu.memory_space<vmem>> -> memref<128x128xf32, #tpu.memory_space<vmem>>
      %dma_wait3A_1356 = arith.constant 0 : i32
      %dma_wait3A_1357 = tpu.memref_slice %arg4[%mul3A_1351, %dma_wait3A_1356] : memref<100000x128xf32, #tpu.memory_space<hbm>> -> memref<128x128xf32, #tpu.memory_space<hbm>>
      %dma_wait3A_1358 = arith.constant 0 : i32
      %dma_wait3A_1359 = tpu.memref_slice %arg4[%mul3A_1351, %dma_wait3A_1358] : memref<100000x128xf32, #tpu.memory_space<hbm>> -> memref<128x128xf32, #tpu.memory_space<hbm>>
      %dma_wait3A_1360 = arith.constant 0 : i32
      %dma_wait3A_1361 = arith.constant 0 : i32
      %dma_wait3A_1362 = tpu.memref_slice %arg6[%dma_wait3A, %dma_wait3A_1360, %dma_wait3A_1361] : memref<6x128x128xf32, #tpu.memory_space<vmem>> -> memref<1x128x128xf32, #tpu.memory_space<vmem>>
      %dma_wait3A_1363 = tpu.memref_squeeze %dma_wait3A_1362 : memref<1x128x128xf32, #tpu.memory_space<vmem>> -> memref<128x128xf32, #tpu.memory_space<vmem>>
      tpu.wait_dma2 semaphore(%arg16 : memref<!tpu.dma_semaphore, #tpu.memory_space<semaphore_mem>>) src(%dma_wait3A_1363 : memref<128x128xf32, #tpu.memory_space<vmem>>) dst(%dma_wait3A_1359 : memref<128x128xf32, #tpu.memory_space<hbm>>)
    } else {
    }
    %mul3A_275 = arith.constant 25 : i32
    %mul3A_276 = arith.muli %mul3A_275, %add3A : i32
    %add3A_277 = arith.constant 3 : i32
    %add3A_278 = arith.addi %mul3A_276, %add3A_277 : i32
    %eq3A_279 = arith.constant 781 : i32
    %eq3A_280 = arith.cmpi eq, %add3A_278, %eq3A_279 : i32
    %convert_element_type3A_281 = arith.extui %eq3A_280 : i1 to i32
    %cond3A_282 = arith.constant 0 : i32
    %cond3A_283 = arith.cmpi ne, %convert_element_type3A_281, %cond3A_282 : i32
    scf.if %cond3A_283 {
      %dma_wait3A = arith.constant 3 : i32
      %dma_wait3A_1346 = arith.constant 0 : i32
      %dma_wait3A_1347 = arith.constant 0 : i32
      %dma_wait3A_1348 = tpu.memref_slice %arg6[%dma_wait3A, %dma_wait3A_1346, %dma_wait3A_1347] : memref<6x128x128xf32, #tpu.memory_space<vmem>> -> memref<1x32x128xf32, #tpu.memory_space<vmem>>
      %dma_wait3A_1349 = tpu.memref_squeeze %dma_wait3A_1348 : memref<1x32x128xf32, #tpu.memory_space<vmem>> -> memref<32x128xf32, #tpu.memory_space<vmem>>
      %dma_wait3A_1350 = arith.constant 99968 : i32
      %dma_wait3A_1351 = arith.constant 0 : i32
      %dma_wait3A_1352 = tpu.memref_slice %arg4[%dma_wait3A_1350, %dma_wait3A_1351] : memref<100000x128xf32, #tpu.memory_space<hbm>> -> memref<32x128xf32, #tpu.memory_space<hbm>>
      %dma_wait3A_1353 = arith.constant 99968 : i32
      %dma_wait3A_1354 = arith.constant 0 : i32
      %dma_wait3A_1355 = tpu.memref_slice %arg4[%dma_wait3A_1353, %dma_wait3A_1354] : memref<100000x128xf32, #tpu.memory_space<hbm>> -> memref<32x128xf32, #tpu.memory_space<hbm>>
      %dma_wait3A_1356 = arith.constant 0 : i32
      %dma_wait3A_1357 = arith.constant 0 : i32
      %dma_wait3A_1358 = tpu.memref_slice %arg6[%dma_wait3A, %dma_wait3A_1356, %dma_wait3A_1357] : memref<6x128x128xf32, #tpu.memory_space<vmem>> -> memref<1x32x128xf32, #tpu.memory_space<vmem>>
      %dma_wait3A_1359 = tpu.memref_squeeze %dma_wait3A_1358 : memref<1x32x128xf32, #tpu.memory_space<vmem>> -> memref<32x128xf32, #tpu.memory_space<vmem>>
      tpu.wait_dma2 semaphore(%arg16 : memref<!tpu.dma_semaphore, #tpu.memory_space<semaphore_mem>>) src(%dma_wait3A_1359 : memref<32x128xf32, #tpu.memory_space<vmem>>) dst(%dma_wait3A_1355 : memref<32x128xf32, #tpu.memory_space<hbm>>)
    } else {
    }
    %mul3A_284 = arith.constant 25 : i32
    %mul3A_285 = arith.muli %mul3A_284, %add3A : i32
    %add3A_286 = arith.constant 9 : i32
    %add3A_287 = arith.addi %mul3A_285, %add3A_286 : i32
    %le3A_288 = arith.constant 781 : i32
    %le3A_289 = arith.cmpi sle, %add3A_287, %le3A_288 : i32
    %convert_element_type3A_290 = arith.extui %le3A_289 : i1 to i32
    %cond3A_291 = arith.constant 0 : i32
    %cond3A_292 = arith.cmpi ne, %convert_element_type3A_290, %cond3A_291 : i32
    scf.if %cond3A_292 {
      %dma_start3A = arith.constant 0 : i32
      %dma_start3A_1346 = arith.constant 3 : i32
      %dma_start3A_1347 = arith.constant 0 : i32
      %dma_start3A_1348 = arith.constant 0 : i32
      %dma_start3A_1349 = tpu.memref_slice %arg6[%dma_start3A_1346, %dma_start3A_1347, %dma_start3A_1348] : memref<6x128x128xf32, #tpu.memory_space<vmem>> -> memref<1x128x128xf32, #tpu.memory_space<vmem>>
      %dma_start3A_1350 = tpu.memref_squeeze %dma_start3A_1349 : memref<1x128x128xf32, #tpu.memory_space<vmem>> -> memref<128x128xf32, #tpu.memory_space<vmem>>
      %dma_start3A_1351 = arith.constant 1152 : i32
      %dma_start3A_1352 = tpu.memref_slice %arg5[%dma_start3A, %dma_start3A_1351] : memref<1x4096xi32, #tpu.memory_space<vmem>> -> memref<1x128xi32, #tpu.memory_space<vmem>>
      %dma_start3A_1353 = tpu.memref_squeeze %dma_start3A_1352 : memref<1x128xi32, #tpu.memory_space<vmem>> -> memref<128xi32, #tpu.memory_space<vmem>>
      %dma_start3A_1354 = arith.constant 0 : i32
      %dma_start3A_1355 = arith.constant 0 : i32
      %dma_start3A_1356 = tpu.memref_slice %arg3[%dma_start3A_1354, %dma_start3A_1355] : memref<3808x128xf32, #tpu.memory_space<hbm>> -> memref<3808x128xf32, #tpu.memory_space<hbm>>
      tpu.enqueue_indirect_dma source(%dma_start3A_1356 : memref<3808x128xf32, #tpu.memory_space<hbm>>) target(%dma_start3A_1350 : memref<128x128xf32, #tpu.memory_space<vmem>>) offsets(%dma_start3A_1353 : memref<128xi32, #tpu.memory_space<vmem>>) semaphore(%arg10 : memref<!tpu.dma_semaphore, #tpu.memory_space<semaphore_mem>>)
    } else {
    }
    %mul3A_293 = arith.constant 25 : i32
    %mul3A_294 = arith.muli %mul3A_293, %add3A : i32
    %add3A_295 = arith.constant 5 : i32
    %add3A_296 = arith.addi %mul3A_294, %add3A_295 : i32
    %le3A_297 = arith.constant 781 : i32
    %le3A_298 = arith.cmpi sle, %add3A_296, %le3A_297 : i32
    %convert_element_type3A_299 = arith.extui %le3A_298 : i1 to i32
    %cond3A_300 = arith.constant 0 : i32
    %cond3A_301 = arith.cmpi ne, %convert_element_type3A_299, %cond3A_300 : i32
    scf.if %cond3A_301 {
      %dma_wait3A = arith.constant 0 : i32
      %dma_wait3A_1346 = arith.constant 5 : i32
      %dma_wait3A_1347 = arith.constant 0 : i32
      %dma_wait3A_1348 = arith.constant 0 : i32
      %dma_wait3A_1349 = tpu.memref_slice %arg6[%dma_wait3A_1346, %dma_wait3A_1347, %dma_wait3A_1348] : memref<6x128x128xf32, #tpu.memory_space<vmem>> -> memref<1x128x128xf32, #tpu.memory_space<vmem>>
      %dma_wait3A_1350 = tpu.memref_squeeze %dma_wait3A_1349 : memref<1x128x128xf32, #tpu.memory_space<vmem>> -> memref<128x128xf32, #tpu.memory_space<vmem>>
      %dma_wait3A_1351 = arith.constant 640 : i32
      %dma_wait3A_1352 = tpu.memref_slice %arg5[%dma_wait3A, %dma_wait3A_1351] : memref<1x4096xi32, #tpu.memory_space<vmem>> -> memref<1x128xi32, #tpu.memory_space<vmem>>
      %dma_wait3A_1353 = tpu.memref_squeeze %dma_wait3A_1352 : memref<1x128xi32, #tpu.memory_space<vmem>> -> memref<128xi32, #tpu.memory_space<vmem>>
      %dma_wait3A_1354 = arith.constant 0 : i32
      %dma_wait3A_1355 = arith.constant 0 : i32
      %dma_wait3A_1356 = tpu.memref_slice %arg3[%dma_wait3A_1354, %dma_wait3A_1355] : memref<3808x128xf32, #tpu.memory_space<hbm>> -> memref<3808x128xf32, #tpu.memory_space<hbm>>
      tpu.wait_indirect_dma semaphore(%arg12 : memref<!tpu.dma_semaphore, #tpu.memory_space<semaphore_mem>>) src(%dma_wait3A_1356 : memref<3808x128xf32, #tpu.memory_space<hbm>>) dst(%dma_wait3A_1350 : memref<128x128xf32, #tpu.memory_space<vmem>>)
    } else {
    }
    %mul3A_302 = arith.constant 25 : i32
    %mul3A_303 = arith.muli %mul3A_302, %add3A : i32
    %add3A_304 = arith.constant 5 : i32
    %add3A_305 = arith.addi %mul3A_303, %add3A_304 : i32
    %lt3A_306 = arith.constant 781 : i32
    %lt3A_307 = arith.cmpi slt, %add3A_305, %lt3A_306 : i32
    %convert_element_type3A_308 = arith.extui %lt3A_307 : i1 to i32
    %cond3A_309 = arith.constant 0 : i32
    %cond3A_310 = arith.cmpi ne, %convert_element_type3A_308, %cond3A_309 : i32
    scf.if %cond3A_310 {
      %mul3A_1346 = arith.constant 25 : i32
      %mul3A_1347 = arith.muli %mul3A_1346, %add3A : i32
      %add3A_1348 = arith.constant 5 : i32
      %add3A_1349 = arith.addi %mul3A_1347, %add3A_1348 : i32
      %mul3A_1350 = arith.constant 128 : i32
      %mul3A_1351 = arith.muli %add3A_1349, %mul3A_1350 : i32
      %dma_start3A = arith.constant 5 : i32
      %dma_start3A_1352 = arith.constant 0 : i32
      %dma_start3A_1353 = arith.constant 0 : i32
      %dma_start3A_1354 = tpu.memref_slice %arg6[%dma_start3A, %dma_start3A_1352, %dma_start3A_1353] : memref<6x128x128xf32, #tpu.memory_space<vmem>> -> memref<1x128x128xf32, #tpu.memory_space<vmem>>
      %dma_start3A_1355 = tpu.memref_squeeze %dma_start3A_1354 : memref<1x128x128xf32, #tpu.memory_space<vmem>> -> memref<128x128xf32, #tpu.memory_space<vmem>>
      %dma_start3A_1356 = arith.constant 0 : i32
      %dma_start3A_1357 = tpu.memref_slice %arg4[%mul3A_1351, %dma_start3A_1356] : memref<100000x128xf32, #tpu.memory_space<hbm>> -> memref<128x128xf32, #tpu.memory_space<hbm>>
      %dma_start3A_1358 = arith.constant 0 : i32
      %dma_start3A_1359 = tpu.memref_slice %arg4[%mul3A_1351, %dma_start3A_1358] : memref<100000x128xf32, #tpu.memory_space<hbm>> -> memref<128x128xf32, #tpu.memory_space<hbm>>
      %dma_start3A_1360 = arith.constant 0 : i32
      %dma_start3A_1361 = arith.constant 0 : i32
      %dma_start3A_1362 = tpu.memref_slice %arg6[%dma_start3A, %dma_start3A_1360, %dma_start3A_1361] : memref<6x128x128xf32, #tpu.memory_space<vmem>> -> memref<1x128x128xf32, #tpu.memory_space<vmem>>
      %dma_start3A_1363 = tpu.memref_squeeze %dma_start3A_1362 : memref<1x128x128xf32, #tpu.memory_space<vmem>> -> memref<128x128xf32, #tpu.memory_space<vmem>>
      tpu.enqueue_dma source(%dma_start3A_1363 : memref<128x128xf32, #tpu.memory_space<vmem>>) target(%dma_start3A_1359 : memref<128x128xf32, #tpu.memory_space<hbm>>) target_semaphore(%arg18 : memref<!tpu.dma_semaphore, #tpu.memory_space<semaphore_mem>>)
    } else {
    }
    %mul3A_311 = arith.constant 25 : i32
    %mul3A_312 = arith.muli %mul3A_311, %add3A : i32
    %add3A_313 = arith.constant 5 : i32
    %add3A_314 = arith.addi %mul3A_312, %add3A_313 : i32
    %eq3A_315 = arith.constant 781 : i32
    %eq3A_316 = arith.cmpi eq, %add3A_314, %eq3A_315 : i32
    %convert_element_type3A_317 = arith.extui %eq3A_316 : i1 to i32
    %cond3A_318 = arith.constant 0 : i32
    %cond3A_319 = arith.cmpi ne, %convert_element_type3A_317, %cond3A_318 : i32
    scf.if %cond3A_319 {
      %dma_start3A = arith.constant 5 : i32
      %dma_start3A_1346 = arith.constant 0 : i32
      %dma_start3A_1347 = arith.constant 0 : i32
      %dma_start3A_1348 = tpu.memref_slice %arg6[%dma_start3A, %dma_start3A_1346, %dma_start3A_1347] : memref<6x128x128xf32, #tpu.memory_space<vmem>> -> memref<1x32x128xf32, #tpu.memory_space<vmem>>
      %dma_start3A_1349 = tpu.memref_squeeze %dma_start3A_1348 : memref<1x32x128xf32, #tpu.memory_space<vmem>> -> memref<32x128xf32, #tpu.memory_space<vmem>>
      %dma_start3A_1350 = arith.constant 99968 : i32
      %dma_start3A_1351 = arith.constant 0 : i32
      %dma_start3A_1352 = tpu.memref_slice %arg4[%dma_start3A_1350, %dma_start3A_1351] : memref<100000x128xf32, #tpu.memory_space<hbm>> -> memref<32x128xf32, #tpu.memory_space<hbm>>
      %dma_start3A_1353 = arith.constant 99968 : i32
      %dma_start3A_1354 = arith.constant 0 : i32
      %dma_start3A_1355 = tpu.memref_slice %arg4[%dma_start3A_1353, %dma_start3A_1354] : memref<100000x128xf32, #tpu.memory_space<hbm>> -> memref<32x128xf32, #tpu.memory_space<hbm>>
      %dma_start3A_1356 = arith.constant 0 : i32
      %dma_start3A_1357 = arith.constant 0 : i32
      %dma_start3A_1358 = tpu.memref_slice %arg6[%dma_start3A, %dma_start3A_1356, %dma_start3A_1357] : memref<6x128x128xf32, #tpu.memory_space<vmem>> -> memref<1x32x128xf32, #tpu.memory_space<vmem>>
      %dma_start3A_1359 = tpu.memref_squeeze %dma_start3A_1358 : memref<1x32x128xf32, #tpu.memory_space<vmem>> -> memref<32x128xf32, #tpu.memory_space<vmem>>
      tpu.enqueue_dma source(%dma_start3A_1359 : memref<32x128xf32, #tpu.memory_space<vmem>>) target(%dma_start3A_1355 : memref<32x128xf32, #tpu.memory_space<hbm>>) target_semaphore(%arg18 : memref<!tpu.dma_semaphore, #tpu.memory_space<semaphore_mem>>)
    } else {
    }
    %mul3A_320 = arith.constant 25 : i32
    %mul3A_321 = arith.muli %mul3A_320, %add3A : i32
    %add3A_322 = arith.constant 4 : i32
    %add3A_323 = arith.addi %mul3A_321, %add3A_322 : i32
    %lt3A_324 = arith.constant 781 : i32
    %lt3A_325 = arith.cmpi slt, %add3A_323, %lt3A_324 : i32
    %convert_element_type3A_326 = arith.extui %lt3A_325 : i1 to i32
    %cond3A_327 = arith.constant 0 : i32
    %cond3A_328 = arith.cmpi ne, %convert_element_type3A_326, %cond3A_327 : i32
    scf.if %cond3A_328 {
      %mul3A_1346 = arith.constant 25 : i32
      %mul3A_1347 = arith.muli %mul3A_1346, %add3A : i32
      %add3A_1348 = arith.constant 4 : i32
      %add3A_1349 = arith.addi %mul3A_1347, %add3A_1348 : i32
      %mul3A_1350 = arith.constant 128 : i32
      %mul3A_1351 = arith.muli %add3A_1349, %mul3A_1350 : i32
      %dma_wait3A = arith.constant 4 : i32
      %dma_wait3A_1352 = arith.constant 0 : i32
      %dma_wait3A_1353 = arith.constant 0 : i32
      %dma_wait3A_1354 = tpu.memref_slice %arg6[%dma_wait3A, %dma_wait3A_1352, %dma_wait3A_1353] : memref<6x128x128xf32, #tpu.memory_space<vmem>> -> memref<1x128x128xf32, #tpu.memory_space<vmem>>
      %dma_wait3A_1355 = tpu.memref_squeeze %dma_wait3A_1354 : memref<1x128x128xf32, #tpu.memory_space<vmem>> -> memref<128x128xf32, #tpu.memory_space<vmem>>
      %dma_wait3A_1356 = arith.constant 0 : i32
      %dma_wait3A_1357 = tpu.memref_slice %arg4[%mul3A_1351, %dma_wait3A_1356] : memref<100000x128xf32, #tpu.memory_space<hbm>> -> memref<128x128xf32, #tpu.memory_space<hbm>>
      %dma_wait3A_1358 = arith.constant 0 : i32
      %dma_wait3A_1359 = tpu.memref_slice %arg4[%mul3A_1351, %dma_wait3A_1358] : memref<100000x128xf32, #tpu.memory_space<hbm>> -> memref<128x128xf32, #tpu.memory_space<hbm>>
      %dma_wait3A_1360 = arith.constant 0 : i32
      %dma_wait3A_1361 = arith.constant 0 : i32
      %dma_wait3A_1362 = tpu.memref_slice %arg6[%dma_wait3A, %dma_wait3A_1360, %dma_wait3A_1361] : memref<6x128x128xf32, #tpu.memory_space<vmem>> -> memref<1x128x128xf32, #tpu.memory_space<vmem>>
      %dma_wait3A_1363 = tpu.memref_squeeze %dma_wait3A_1362 : memref<1x128x128xf32, #tpu.memory_space<vmem>> -> memref<128x128xf32, #tpu.memory_space<vmem>>
      tpu.wait_dma2 semaphore(%arg17 : memref<!tpu.dma_semaphore, #tpu.memory_space<semaphore_mem>>) src(%dma_wait3A_1363 : memref<128x128xf32, #tpu.memory_space<vmem>>) dst(%dma_wait3A_1359 : memref<128x128xf32, #tpu.memory_space<hbm>>)
    } else {
    }
    %mul3A_329 = arith.constant 25 : i32
    %mul3A_330 = arith.muli %mul3A_329, %add3A : i32
    %add3A_331 = arith.constant 4 : i32
    %add3A_332 = arith.addi %mul3A_330, %add3A_331 : i32
    %eq3A_333 = arith.constant 781 : i32
    %eq3A_334 = arith.cmpi eq, %add3A_332, %eq3A_333 : i32
    %convert_element_type3A_335 = arith.extui %eq3A_334 : i1 to i32
    %cond3A_336 = arith.constant 0 : i32
    %cond3A_337 = arith.cmpi ne, %convert_element_type3A_335, %cond3A_336 : i32
    scf.if %cond3A_337 {
      %dma_wait3A = arith.constant 4 : i32
      %dma_wait3A_1346 = arith.constant 0 : i32
      %dma_wait3A_1347 = arith.constant 0 : i32
      %dma_wait3A_1348 = tpu.memref_slice %arg6[%dma_wait3A, %dma_wait3A_1346, %dma_wait3A_1347] : memref<6x128x128xf32, #tpu.memory_space<vmem>> -> memref<1x32x128xf32, #tpu.memory_space<vmem>>
      %dma_wait3A_1349 = tpu.memref_squeeze %dma_wait3A_1348 : memref<1x32x128xf32, #tpu.memory_space<vmem>> -> memref<32x128xf32, #tpu.memory_space<vmem>>
      %dma_wait3A_1350 = arith.constant 99968 : i32
      %dma_wait3A_1351 = arith.constant 0 : i32
      %dma_wait3A_1352 = tpu.memref_slice %arg4[%dma_wait3A_1350, %dma_wait3A_1351] : memref<100000x128xf32, #tpu.memory_space<hbm>> -> memref<32x128xf32, #tpu.memory_space<hbm>>
      %dma_wait3A_1353 = arith.constant 99968 : i32
      %dma_wait3A_1354 = arith.constant 0 : i32
      %dma_wait3A_1355 = tpu.memref_slice %arg4[%dma_wait3A_1353, %dma_wait3A_1354] : memref<100000x128xf32, #tpu.memory_space<hbm>> -> memref<32x128xf32, #tpu.memory_space<hbm>>
      %dma_wait3A_1356 = arith.constant 0 : i32
      %dma_wait3A_1357 = arith.constant 0 : i32
      %dma_wait3A_1358 = tpu.memref_slice %arg6[%dma_wait3A, %dma_wait3A_1356, %dma_wait3A_1357] : memref<6x128x128xf32, #tpu.memory_space<vmem>> -> memref<1x32x128xf32, #tpu.memory_space<vmem>>
      %dma_wait3A_1359 = tpu.memref_squeeze %dma_wait3A_1358 : memref<1x32x128xf32, #tpu.memory_space<vmem>> -> memref<32x128xf32, #tpu.memory_space<vmem>>
      tpu.wait_dma2 semaphore(%arg17 : memref<!tpu.dma_semaphore, #tpu.memory_space<semaphore_mem>>) src(%dma_wait3A_1359 : memref<32x128xf32, #tpu.memory_space<vmem>>) dst(%dma_wait3A_1355 : memref<32x128xf32, #tpu.memory_space<hbm>>)
    } else {
    }
    %mul3A_338 = arith.constant 25 : i32
    %mul3A_339 = arith.muli %mul3A_338, %add3A : i32
    %add3A_340 = arith.constant 10 : i32
    %add3A_341 = arith.addi %mul3A_339, %add3A_340 : i32
    %le3A_342 = arith.constant 781 : i32
    %le3A_343 = arith.cmpi sle, %add3A_341, %le3A_342 : i32
    %convert_element_type3A_344 = arith.extui %le3A_343 : i1 to i32
    %cond3A_345 = arith.constant 0 : i32
    %cond3A_346 = arith.cmpi ne, %convert_element_type3A_344, %cond3A_345 : i32
    scf.if %cond3A_346 {
      %dma_start3A = arith.constant 0 : i32
      %dma_start3A_1346 = arith.constant 4 : i32
      %dma_start3A_1347 = arith.constant 0 : i32
      %dma_start3A_1348 = arith.constant 0 : i32
      %dma_start3A_1349 = tpu.memref_slice %arg6[%dma_start3A_1346, %dma_start3A_1347, %dma_start3A_1348] : memref<6x128x128xf32, #tpu.memory_space<vmem>> -> memref<1x128x128xf32, #tpu.memory_space<vmem>>
      %dma_start3A_1350 = tpu.memref_squeeze %dma_start3A_1349 : memref<1x128x128xf32, #tpu.memory_space<vmem>> -> memref<128x128xf32, #tpu.memory_space<vmem>>
      %dma_start3A_1351 = arith.constant 1280 : i32
      %dma_start3A_1352 = tpu.memref_slice %arg5[%dma_start3A, %dma_start3A_1351] : memref<1x4096xi32, #tpu.memory_space<vmem>> -> memref<1x128xi32, #tpu.memory_space<vmem>>
      %dma_start3A_1353 = tpu.memref_squeeze %dma_start3A_1352 : memref<1x128xi32, #tpu.memory_space<vmem>> -> memref<128xi32, #tpu.memory_space<vmem>>
      %dma_start3A_1354 = arith.constant 0 : i32
      %dma_start3A_1355 = arith.constant 0 : i32
      %dma_start3A_1356 = tpu.memref_slice %arg3[%dma_start3A_1354, %dma_start3A_1355] : memref<3808x128xf32, #tpu.memory_space<hbm>> -> memref<3808x128xf32, #tpu.memory_space<hbm>>
      tpu.enqueue_indirect_dma source(%dma_start3A_1356 : memref<3808x128xf32, #tpu.memory_space<hbm>>) target(%dma_start3A_1350 : memref<128x128xf32, #tpu.memory_space<vmem>>) offsets(%dma_start3A_1353 : memref<128xi32, #tpu.memory_space<vmem>>) semaphore(%arg11 : memref<!tpu.dma_semaphore, #tpu.memory_space<semaphore_mem>>)
    } else {
    }
    %mul3A_347 = arith.constant 25 : i32
    %mul3A_348 = arith.muli %mul3A_347, %add3A : i32
    %add3A_349 = arith.constant 6 : i32
    %add3A_350 = arith.addi %mul3A_348, %add3A_349 : i32
    %le3A_351 = arith.constant 781 : i32
    %le3A_352 = arith.cmpi sle, %add3A_350, %le3A_351 : i32
    %convert_element_type3A_353 = arith.extui %le3A_352 : i1 to i32
    %cond3A_354 = arith.constant 0 : i32
    %cond3A_355 = arith.cmpi ne, %convert_element_type3A_353, %cond3A_354 : i32
    scf.if %cond3A_355 {
      %dma_wait3A = arith.constant 0 : i32
      %dma_wait3A_1346 = arith.constant 0 : i32
      %dma_wait3A_1347 = arith.constant 0 : i32
      %dma_wait3A_1348 = arith.constant 0 : i32
      %dma_wait3A_1349 = tpu.memref_slice %arg6[%dma_wait3A_1346, %dma_wait3A_1347, %dma_wait3A_1348] : memref<6x128x128xf32, #tpu.memory_space<vmem>> -> memref<1x128x128xf32, #tpu.memory_space<vmem>>
      %dma_wait3A_1350 = tpu.memref_squeeze %dma_wait3A_1349 : memref<1x128x128xf32, #tpu.memory_space<vmem>> -> memref<128x128xf32, #tpu.memory_space<vmem>>
      %dma_wait3A_1351 = arith.constant 768 : i32
      %dma_wait3A_1352 = tpu.memref_slice %arg5[%dma_wait3A, %dma_wait3A_1351] : memref<1x4096xi32, #tpu.memory_space<vmem>> -> memref<1x128xi32, #tpu.memory_space<vmem>>
      %dma_wait3A_1353 = tpu.memref_squeeze %dma_wait3A_1352 : memref<1x128xi32, #tpu.memory_space<vmem>> -> memref<128xi32, #tpu.memory_space<vmem>>
      %dma_wait3A_1354 = arith.constant 0 : i32
      %dma_wait3A_1355 = arith.constant 0 : i32
      %dma_wait3A_1356 = tpu.memref_slice %arg3[%dma_wait3A_1354, %dma_wait3A_1355] : memref<3808x128xf32, #tpu.memory_space<hbm>> -> memref<3808x128xf32, #tpu.memory_space<hbm>>
      tpu.wait_indirect_dma semaphore(%arg7 : memref<!tpu.dma_semaphore, #tpu.memory_space<semaphore_mem>>) src(%dma_wait3A_1356 : memref<3808x128xf32, #tpu.memory_space<hbm>>) dst(%dma_wait3A_1350 : memref<128x128xf32, #tpu.memory_space<vmem>>)
    } else {
    }
    %mul3A_356 = arith.constant 25 : i32
    %mul3A_357 = arith.muli %mul3A_356, %add3A : i32
    %add3A_358 = arith.constant 6 : i32
    %add3A_359 = arith.addi %mul3A_357, %add3A_358 : i32
    %lt3A_360 = arith.constant 781 : i32
    %lt3A_361 = arith.cmpi slt, %add3A_359, %lt3A_360 : i32
    %convert_element_type3A_362 = arith.extui %lt3A_361 : i1 to i32
    %cond3A_363 = arith.constant 0 : i32
    %cond3A_364 = arith.cmpi ne, %convert_element_type3A_362, %cond3A_363 : i32
    scf.if %cond3A_364 {
      %mul3A_1346 = arith.constant 25 : i32
      %mul3A_1347 = arith.muli %mul3A_1346, %add3A : i32
      %add3A_1348 = arith.constant 6 : i32
      %add3A_1349 = arith.addi %mul3A_1347, %add3A_1348 : i32
      %mul3A_1350 = arith.constant 128 : i32
      %mul3A_1351 = arith.muli %add3A_1349, %mul3A_1350 : i32
      %dma_start3A = arith.constant 0 : i32
      %dma_start3A_1352 = arith.constant 0 : i32
      %dma_start3A_1353 = arith.constant 0 : i32
      %dma_start3A_1354 = tpu.memref_slice %arg6[%dma_start3A, %dma_start3A_1352, %dma_start3A_1353] : memref<6x128x128xf32, #tpu.memory_space<vmem>> -> memref<1x128x128xf32, #tpu.memory_space<vmem>>
      %dma_start3A_1355 = tpu.memref_squeeze %dma_start3A_1354 : memref<1x128x128xf32, #tpu.memory_space<vmem>> -> memref<128x128xf32, #tpu.memory_space<vmem>>
      %dma_start3A_1356 = arith.constant 0 : i32
      %dma_start3A_1357 = tpu.memref_slice %arg4[%mul3A_1351, %dma_start3A_1356] : memref<100000x128xf32, #tpu.memory_space<hbm>> -> memref<128x128xf32, #tpu.memory_space<hbm>>
      %dma_start3A_1358 = arith.constant 0 : i32
      %dma_start3A_1359 = tpu.memref_slice %arg4[%mul3A_1351, %dma_start3A_1358] : memref<100000x128xf32, #tpu.memory_space<hbm>> -> memref<128x128xf32, #tpu.memory_space<hbm>>
      %dma_start3A_1360 = arith.constant 0 : i32
      %dma_start3A_1361 = arith.constant 0 : i32
      %dma_start3A_1362 = tpu.memref_slice %arg6[%dma_start3A, %dma_start3A_1360, %dma_start3A_1361] : memref<6x128x128xf32, #tpu.memory_space<vmem>> -> memref<1x128x128xf32, #tpu.memory_space<vmem>>
      %dma_start3A_1363 = tpu.memref_squeeze %dma_start3A_1362 : memref<1x128x128xf32, #tpu.memory_space<vmem>> -> memref<128x128xf32, #tpu.memory_space<vmem>>
      tpu.enqueue_dma source(%dma_start3A_1363 : memref<128x128xf32, #tpu.memory_space<vmem>>) target(%dma_start3A_1359 : memref<128x128xf32, #tpu.memory_space<hbm>>) target_semaphore(%arg13 : memref<!tpu.dma_semaphore, #tpu.memory_space<semaphore_mem>>)
    } else {
    }
    %mul3A_365 = arith.constant 25 : i32
    %mul3A_366 = arith.muli %mul3A_365, %add3A : i32
    %add3A_367 = arith.constant 6 : i32
    %add3A_368 = arith.addi %mul3A_366, %add3A_367 : i32
    %eq3A_369 = arith.constant 781 : i32
    %eq3A_370 = arith.cmpi eq, %add3A_368, %eq3A_369 : i32
    %convert_element_type3A_371 = arith.extui %eq3A_370 : i1 to i32
    %cond3A_372 = arith.constant 0 : i32
    %cond3A_373 = arith.cmpi ne, %convert_element_type3A_371, %cond3A_372 : i32
    scf.if %cond3A_373 {
      %dma_start3A = arith.constant 0 : i32
      %dma_start3A_1346 = arith.constant 0 : i32
      %dma_start3A_1347 = arith.constant 0 : i32
      %dma_start3A_1348 = tpu.memref_slice %arg6[%dma_start3A, %dma_start3A_1346, %dma_start3A_1347] : memref<6x128x128xf32, #tpu.memory_space<vmem>> -> memref<1x32x128xf32, #tpu.memory_space<vmem>>
      %dma_start3A_1349 = tpu.memref_squeeze %dma_start3A_1348 : memref<1x32x128xf32, #tpu.memory_space<vmem>> -> memref<32x128xf32, #tpu.memory_space<vmem>>
      %dma_start3A_1350 = arith.constant 99968 : i32
      %dma_start3A_1351 = arith.constant 0 : i32
      %dma_start3A_1352 = tpu.memref_slice %arg4[%dma_start3A_1350, %dma_start3A_1351] : memref<100000x128xf32, #tpu.memory_space<hbm>> -> memref<32x128xf32, #tpu.memory_space<hbm>>
      %dma_start3A_1353 = arith.constant 99968 : i32
      %dma_start3A_1354 = arith.constant 0 : i32
      %dma_start3A_1355 = tpu.memref_slice %arg4[%dma_start3A_1353, %dma_start3A_1354] : memref<100000x128xf32, #tpu.memory_space<hbm>> -> memref<32x128xf32, #tpu.memory_space<hbm>>
      %dma_start3A_1356 = arith.constant 0 : i32
      %dma_start3A_1357 = arith.constant 0 : i32
      %dma_start3A_1358 = tpu.memref_slice %arg6[%dma_start3A, %dma_start3A_1356, %dma_start3A_1357] : memref<6x128x128xf32, #tpu.memory_space<vmem>> -> memref<1x32x128xf32, #tpu.memory_space<vmem>>
      %dma_start3A_1359 = tpu.memref_squeeze %dma_start3A_1358 : memref<1x32x128xf32, #tpu.memory_space<vmem>> -> memref<32x128xf32, #tpu.memory_space<vmem>>
      tpu.enqueue_dma source(%dma_start3A_1359 : memref<32x128xf32, #tpu.memory_space<vmem>>) target(%dma_start3A_1355 : memref<32x128xf32, #tpu.memory_space<hbm>>) target_semaphore(%arg13 : memref<!tpu.dma_semaphore, #tpu.memory_space<semaphore_mem>>)
    } else {
    }
    %mul3A_374 = arith.constant 25 : i32
    %mul3A_375 = arith.muli %mul3A_374, %add3A : i32
    %add3A_376 = arith.constant 5 : i32
    %add3A_377 = arith.addi %mul3A_375, %add3A_376 : i32
    %lt3A_378 = arith.constant 781 : i32
    %lt3A_379 = arith.cmpi slt, %add3A_377, %lt3A_378 : i32
    %convert_element_type3A_380 = arith.extui %lt3A_379 : i1 to i32
    %cond3A_381 = arith.constant 0 : i32
    %cond3A_382 = arith.cmpi ne, %convert_element_type3A_380, %cond3A_381 : i32
    scf.if %cond3A_382 {
      %mul3A_1346 = arith.constant 25 : i32
      %mul3A_1347 = arith.muli %mul3A_1346, %add3A : i32
      %add3A_1348 = arith.constant 5 : i32
      %add3A_1349 = arith.addi %mul3A_1347, %add3A_1348 : i32
      %mul3A_1350 = arith.constant 128 : i32
      %mul3A_1351 = arith.muli %add3A_1349, %mul3A_1350 : i32
      %dma_wait3A = arith.constant 5 : i32
      %dma_wait3A_1352 = arith.constant 0 : i32
      %dma_wait3A_1353 = arith.constant 0 : i32
      %dma_wait3A_1354 = tpu.memref_slice %arg6[%dma_wait3A, %dma_wait3A_1352, %dma_wait3A_1353] : memref<6x128x128xf32, #tpu.memory_space<vmem>> -> memref<1x128x128xf32, #tpu.memory_space<vmem>>
      %dma_wait3A_1355 = tpu.memref_squeeze %dma_wait3A_1354 : memref<1x128x128xf32, #tpu.memory_space<vmem>> -> memref<128x128xf32, #tpu.memory_space<vmem>>
      %dma_wait3A_1356 = arith.constant 0 : i32
      %dma_wait3A_1357 = tpu.memref_slice %arg4[%mul3A_1351, %dma_wait3A_1356] : memref<100000x128xf32, #tpu.memory_space<hbm>> -> memref<128x128xf32, #tpu.memory_space<hbm>>
      %dma_wait3A_1358 = arith.constant 0 : i32
      %dma_wait3A_1359 = tpu.memref_slice %arg4[%mul3A_1351, %dma_wait3A_1358] : memref<100000x128xf32, #tpu.memory_space<hbm>> -> memref<128x128xf32, #tpu.memory_space<hbm>>
      %dma_wait3A_1360 = arith.constant 0 : i32
      %dma_wait3A_1361 = arith.constant 0 : i32
      %dma_wait3A_1362 = tpu.memref_slice %arg6[%dma_wait3A, %dma_wait3A_1360, %dma_wait3A_1361] : memref<6x128x128xf32, #tpu.memory_space<vmem>> -> memref<1x128x128xf32, #tpu.memory_space<vmem>>
      %dma_wait3A_1363 = tpu.memref_squeeze %dma_wait3A_1362 : memref<1x128x128xf32, #tpu.memory_space<vmem>> -> memref<128x128xf32, #tpu.memory_space<vmem>>
      tpu.wait_dma2 semaphore(%arg18 : memref<!tpu.dma_semaphore, #tpu.memory_space<semaphore_mem>>) src(%dma_wait3A_1363 : memref<128x128xf32, #tpu.memory_space<vmem>>) dst(%dma_wait3A_1359 : memref<128x128xf32, #tpu.memory_space<hbm>>)
    } else {
    }
    %mul3A_383 = arith.constant 25 : i32
    %mul3A_384 = arith.muli %mul3A_383, %add3A : i32
    %add3A_385 = arith.constant 5 : i32
    %add3A_386 = arith.addi %mul3A_384, %add3A_385 : i32
    %eq3A_387 = arith.constant 781 : i32
    %eq3A_388 = arith.cmpi eq, %add3A_386, %eq3A_387 : i32
    %convert_element_type3A_389 = arith.extui %eq3A_388 : i1 to i32
    %cond3A_390 = arith.constant 0 : i32
    %cond3A_391 = arith.cmpi ne, %convert_element_type3A_389, %cond3A_390 : i32
    scf.if %cond3A_391 {
      %dma_wait3A = arith.constant 5 : i32
      %dma_wait3A_1346 = arith.constant 0 : i32
      %dma_wait3A_1347 = arith.constant 0 : i32
      %dma_wait3A_1348 = tpu.memref_slice %arg6[%dma_wait3A, %dma_wait3A_1346, %dma_wait3A_1347] : memref<6x128x128xf32, #tpu.memory_space<vmem>> -> memref<1x32x128xf32, #tpu.memory_space<vmem>>
      %dma_wait3A_1349 = tpu.memref_squeeze %dma_wait3A_1348 : memref<1x32x128xf32, #tpu.memory_space<vmem>> -> memref<32x128xf32, #tpu.memory_space<vmem>>
      %dma_wait3A_1350 = arith.constant 99968 : i32
      %dma_wait3A_1351 = arith.constant 0 : i32
      %dma_wait3A_1352 = tpu.memref_slice %arg4[%dma_wait3A_1350, %dma_wait3A_1351] : memref<100000x128xf32, #tpu.memory_space<hbm>> -> memref<32x128xf32, #tpu.memory_space<hbm>>
      %dma_wait3A_1353 = arith.constant 99968 : i32
      %dma_wait3A_1354 = arith.constant 0 : i32
      %dma_wait3A_1355 = tpu.memref_slice %arg4[%dma_wait3A_1353, %dma_wait3A_1354] : memref<100000x128xf32, #tpu.memory_space<hbm>> -> memref<32x128xf32, #tpu.memory_space<hbm>>
      %dma_wait3A_1356 = arith.constant 0 : i32
      %dma_wait3A_1357 = arith.constant 0 : i32
      %dma_wait3A_1358 = tpu.memref_slice %arg6[%dma_wait3A, %dma_wait3A_1356, %dma_wait3A_1357] : memref<6x128x128xf32, #tpu.memory_space<vmem>> -> memref<1x32x128xf32, #tpu.memory_space<vmem>>
      %dma_wait3A_1359 = tpu.memref_squeeze %dma_wait3A_1358 : memref<1x32x128xf32, #tpu.memory_space<vmem>> -> memref<32x128xf32, #tpu.memory_space<vmem>>
      tpu.wait_dma2 semaphore(%arg18 : memref<!tpu.dma_semaphore, #tpu.memory_space<semaphore_mem>>) src(%dma_wait3A_1359 : memref<32x128xf32, #tpu.memory_space<vmem>>) dst(%dma_wait3A_1355 : memref<32x128xf32, #tpu.memory_space<hbm>>)
    } else {
    }
    %mul3A_392 = arith.constant 25 : i32
    %mul3A_393 = arith.muli %mul3A_392, %add3A : i32
    %add3A_394 = arith.constant 11 : i32
    %add3A_395 = arith.addi %mul3A_393, %add3A_394 : i32
    %le3A_396 = arith.constant 781 : i32
    %le3A_397 = arith.cmpi sle, %add3A_395, %le3A_396 : i32
    %convert_element_type3A_398 = arith.extui %le3A_397 : i1 to i32
    %cond3A_399 = arith.constant 0 : i32
    %cond3A_400 = arith.cmpi ne, %convert_element_type3A_398, %cond3A_399 : i32
    scf.if %cond3A_400 {
      %dma_start3A = arith.constant 0 : i32
      %dma_start3A_1346 = arith.constant 5 : i32
      %dma_start3A_1347 = arith.constant 0 : i32
      %dma_start3A_1348 = arith.constant 0 : i32
      %dma_start3A_1349 = tpu.memref_slice %arg6[%dma_start3A_1346, %dma_start3A_1347, %dma_start3A_1348] : memref<6x128x128xf32, #tpu.memory_space<vmem>> -> memref<1x128x128xf32, #tpu.memory_space<vmem>>
      %dma_start3A_1350 = tpu.memref_squeeze %dma_start3A_1349 : memref<1x128x128xf32, #tpu.memory_space<vmem>> -> memref<128x128xf32, #tpu.memory_space<vmem>>
      %dma_start3A_1351 = arith.constant 1408 : i32
      %dma_start3A_1352 = tpu.memref_slice %arg5[%dma_start3A, %dma_start3A_1351] : memref<1x4096xi32, #tpu.memory_space<vmem>> -> memref<1x128xi32, #tpu.memory_space<vmem>>
      %dma_start3A_1353 = tpu.memref_squeeze %dma_start3A_1352 : memref<1x128xi32, #tpu.memory_space<vmem>> -> memref<128xi32, #tpu.memory_space<vmem>>
      %dma_start3A_1354 = arith.constant 0 : i32
      %dma_start3A_1355 = arith.constant 0 : i32
      %dma_start3A_1356 = tpu.memref_slice %arg3[%dma_start3A_1354, %dma_start3A_1355] : memref<3808x128xf32, #tpu.memory_space<hbm>> -> memref<3808x128xf32, #tpu.memory_space<hbm>>
      tpu.enqueue_indirect_dma source(%dma_start3A_1356 : memref<3808x128xf32, #tpu.memory_space<hbm>>) target(%dma_start3A_1350 : memref<128x128xf32, #tpu.memory_space<vmem>>) offsets(%dma_start3A_1353 : memref<128xi32, #tpu.memory_space<vmem>>) semaphore(%arg12 : memref<!tpu.dma_semaphore, #tpu.memory_space<semaphore_mem>>)
    } else {
    }
    %mul3A_401 = arith.constant 25 : i32
    %mul3A_402 = arith.muli %mul3A_401, %add3A : i32
    %add3A_403 = arith.constant 7 : i32
    %add3A_404 = arith.addi %mul3A_402, %add3A_403 : i32
    %le3A_405 = arith.constant 781 : i32
    %le3A_406 = arith.cmpi sle, %add3A_404, %le3A_405 : i32
    %convert_element_type3A_407 = arith.extui %le3A_406 : i1 to i32
    %cond3A_408 = arith.constant 0 : i32
    %cond3A_409 = arith.cmpi ne, %convert_element_type3A_407, %cond3A_408 : i32
    scf.if %cond3A_409 {
      %dma_wait3A = arith.constant 0 : i32
      %dma_wait3A_1346 = arith.constant 1 : i32
      %dma_wait3A_1347 = arith.constant 0 : i32
      %dma_wait3A_1348 = arith.constant 0 : i32
      %dma_wait3A_1349 = tpu.memref_slice %arg6[%dma_wait3A_1346, %dma_wait3A_1347, %dma_wait3A_1348] : memref<6x128x128xf32, #tpu.memory_space<vmem>> -> memref<1x128x128xf32, #tpu.memory_space<vmem>>
      %dma_wait3A_1350 = tpu.memref_squeeze %dma_wait3A_1349 : memref<1x128x128xf32, #tpu.memory_space<vmem>> -> memref<128x128xf32, #tpu.memory_space<vmem>>
      %dma_wait3A_1351 = arith.constant 896 : i32
      %dma_wait3A_1352 = tpu.memref_slice %arg5[%dma_wait3A, %dma_wait3A_1351] : memref<1x4096xi32, #tpu.memory_space<vmem>> -> memref<1x128xi32, #tpu.memory_space<vmem>>
      %dma_wait3A_1353 = tpu.memref_squeeze %dma_wait3A_1352 : memref<1x128xi32, #tpu.memory_space<vmem>> -> memref<128xi32, #tpu.memory_space<vmem>>
      %dma_wait3A_1354 = arith.constant 0 : i32
      %dma_wait3A_1355 = arith.constant 0 : i32
      %dma_wait3A_1356 = tpu.memref_slice %arg3[%dma_wait3A_1354, %dma_wait3A_1355] : memref<3808x128xf32, #tpu.memory_space<hbm>> -> memref<3808x128xf32, #tpu.memory_space<hbm>>
      tpu.wait_indirect_dma semaphore(%arg8 : memref<!tpu.dma_semaphore, #tpu.memory_space<semaphore_mem>>) src(%dma_wait3A_1356 : memref<3808x128xf32, #tpu.memory_space<hbm>>) dst(%dma_wait3A_1350 : memref<128x128xf32, #tpu.memory_space<vmem>>)
    } else {
    }
    %mul3A_410 = arith.constant 25 : i32
    %mul3A_411 = arith.muli %mul3A_410, %add3A : i32
    %add3A_412 = arith.constant 7 : i32
    %add3A_413 = arith.addi %mul3A_411, %add3A_412 : i32
    %lt3A_414 = arith.constant 781 : i32
    %lt3A_415 = arith.cmpi slt, %add3A_413, %lt3A_414 : i32
    %convert_element_type3A_416 = arith.extui %lt3A_415 : i1 to i32
    %cond3A_417 = arith.constant 0 : i32
    %cond3A_418 = arith.cmpi ne, %convert_element_type3A_416, %cond3A_417 : i32
    scf.if %cond3A_418 {
      %mul3A_1346 = arith.constant 25 : i32
      %mul3A_1347 = arith.muli %mul3A_1346, %add3A : i32
      %add3A_1348 = arith.constant 7 : i32
      %add3A_1349 = arith.addi %mul3A_1347, %add3A_1348 : i32
      %mul3A_1350 = arith.constant 128 : i32
      %mul3A_1351 = arith.muli %add3A_1349, %mul3A_1350 : i32
      %dma_start3A = arith.constant 1 : i32
      %dma_start3A_1352 = arith.constant 0 : i32
      %dma_start3A_1353 = arith.constant 0 : i32
      %dma_start3A_1354 = tpu.memref_slice %arg6[%dma_start3A, %dma_start3A_1352, %dma_start3A_1353] : memref<6x128x128xf32, #tpu.memory_space<vmem>> -> memref<1x128x128xf32, #tpu.memory_space<vmem>>
      %dma_start3A_1355 = tpu.memref_squeeze %dma_start3A_1354 : memref<1x128x128xf32, #tpu.memory_space<vmem>> -> memref<128x128xf32, #tpu.memory_space<vmem>>
      %dma_start3A_1356 = arith.constant 0 : i32
      %dma_start3A_1357 = tpu.memref_slice %arg4[%mul3A_1351, %dma_start3A_1356] : memref<100000x128xf32, #tpu.memory_space<hbm>> -> memref<128x128xf32, #tpu.memory_space<hbm>>
      %dma_start3A_1358 = arith.constant 0 : i32
      %dma_start3A_1359 = tpu.memref_slice %arg4[%mul3A_1351, %dma_start3A_1358] : memref<100000x128xf32, #tpu.memory_space<hbm>> -> memref<128x128xf32, #tpu.memory_space<hbm>>
      %dma_start3A_1360 = arith.constant 0 : i32
      %dma_start3A_1361 = arith.constant 0 : i32
      %dma_start3A_1362 = tpu.memref_slice %arg6[%dma_start3A, %dma_start3A_1360, %dma_start3A_1361] : memref<6x128x128xf32, #tpu.memory_space<vmem>> -> memref<1x128x128xf32, #tpu.memory_space<vmem>>
      %dma_start3A_1363 = tpu.memref_squeeze %dma_start3A_1362 : memref<1x128x128xf32, #tpu.memory_space<vmem>> -> memref<128x128xf32, #tpu.memory_space<vmem>>
      tpu.enqueue_dma source(%dma_start3A_1363 : memref<128x128xf32, #tpu.memory_space<vmem>>) target(%dma_start3A_1359 : memref<128x128xf32, #tpu.memory_space<hbm>>) target_semaphore(%arg14 : memref<!tpu.dma_semaphore, #tpu.memory_space<semaphore_mem>>)
    } else {
    }
    %mul3A_419 = arith.constant 25 : i32
    %mul3A_420 = arith.muli %mul3A_419, %add3A : i32
    %add3A_421 = arith.constant 7 : i32
    %add3A_422 = arith.addi %mul3A_420, %add3A_421 : i32
    %eq3A_423 = arith.constant 781 : i32
    %eq3A_424 = arith.cmpi eq, %add3A_422, %eq3A_423 : i32
    %convert_element_type3A_425 = arith.extui %eq3A_424 : i1 to i32
    %cond3A_426 = arith.constant 0 : i32
    %cond3A_427 = arith.cmpi ne, %convert_element_type3A_425, %cond3A_426 : i32
    scf.if %cond3A_427 {
      %dma_start3A = arith.constant 1 : i32
      %dma_start3A_1346 = arith.constant 0 : i32
      %dma_start3A_1347 = arith.constant 0 : i32
      %dma_start3A_1348 = tpu.memref_slice %arg6[%dma_start3A, %dma_start3A_1346, %dma_start3A_1347] : memref<6x128x128xf32, #tpu.memory_space<vmem>> -> memref<1x32x128xf32, #tpu.memory_space<vmem>>
      %dma_start3A_1349 = tpu.memref_squeeze %dma_start3A_1348 : memref<1x32x128xf32, #tpu.memory_space<vmem>> -> memref<32x128xf32, #tpu.memory_space<vmem>>
      %dma_start3A_1350 = arith.constant 99968 : i32
      %dma_start3A_1351 = arith.constant 0 : i32
      %dma_start3A_1352 = tpu.memref_slice %arg4[%dma_start3A_1350, %dma_start3A_1351] : memref<100000x128xf32, #tpu.memory_space<hbm>> -> memref<32x128xf32, #tpu.memory_space<hbm>>
      %dma_start3A_1353 = arith.constant 99968 : i32
      %dma_start3A_1354 = arith.constant 0 : i32
      %dma_start3A_1355 = tpu.memref_slice %arg4[%dma_start3A_1353, %dma_start3A_1354] : memref<100000x128xf32, #tpu.memory_space<hbm>> -> memref<32x128xf32, #tpu.memory_space<hbm>>
      %dma_start3A_1356 = arith.constant 0 : i32
      %dma_start3A_1357 = arith.constant 0 : i32
      %dma_start3A_1358 = tpu.memref_slice %arg6[%dma_start3A, %dma_start3A_1356, %dma_start3A_1357] : memref<6x128x128xf32, #tpu.memory_space<vmem>> -> memref<1x32x128xf32, #tpu.memory_space<vmem>>
      %dma_start3A_1359 = tpu.memref_squeeze %dma_start3A_1358 : memref<1x32x128xf32, #tpu.memory_space<vmem>> -> memref<32x128xf32, #tpu.memory_space<vmem>>
      tpu.enqueue_dma source(%dma_start3A_1359 : memref<32x128xf32, #tpu.memory_space<vmem>>) target(%dma_start3A_1355 : memref<32x128xf32, #tpu.memory_space<hbm>>) target_semaphore(%arg14 : memref<!tpu.dma_semaphore, #tpu.memory_space<semaphore_mem>>)
    } else {
    }
    %mul3A_428 = arith.constant 25 : i32
    %mul3A_429 = arith.muli %mul3A_428, %add3A : i32
    %add3A_430 = arith.constant 6 : i32
    %add3A_431 = arith.addi %mul3A_429, %add3A_430 : i32
    %lt3A_432 = arith.constant 781 : i32
    %lt3A_433 = arith.cmpi slt, %add3A_431, %lt3A_432 : i32
    %convert_element_type3A_434 = arith.extui %lt3A_433 : i1 to i32
    %cond3A_435 = arith.constant 0 : i32
    %cond3A_436 = arith.cmpi ne, %convert_element_type3A_434, %cond3A_435 : i32
    scf.if %cond3A_436 {
      %mul3A_1346 = arith.constant 25 : i32
      %mul3A_1347 = arith.muli %mul3A_1346, %add3A : i32
      %add3A_1348 = arith.constant 6 : i32
      %add3A_1349 = arith.addi %mul3A_1347, %add3A_1348 : i32
      %mul3A_1350 = arith.constant 128 : i32
      %mul3A_1351 = arith.muli %add3A_1349, %mul3A_1350 : i32
      %dma_wait3A = arith.constant 0 : i32
      %dma_wait3A_1352 = arith.constant 0 : i32
      %dma_wait3A_1353 = arith.constant 0 : i32
      %dma_wait3A_1354 = tpu.memref_slice %arg6[%dma_wait3A, %dma_wait3A_1352, %dma_wait3A_1353] : memref<6x128x128xf32, #tpu.memory_space<vmem>> -> memref<1x128x128xf32, #tpu.memory_space<vmem>>
      %dma_wait3A_1355 = tpu.memref_squeeze %dma_wait3A_1354 : memref<1x128x128xf32, #tpu.memory_space<vmem>> -> memref<128x128xf32, #tpu.memory_space<vmem>>
      %dma_wait3A_1356 = arith.constant 0 : i32
      %dma_wait3A_1357 = tpu.memref_slice %arg4[%mul3A_1351, %dma_wait3A_1356] : memref<100000x128xf32, #tpu.memory_space<hbm>> -> memref<128x128xf32, #tpu.memory_space<hbm>>
      %dma_wait3A_1358 = arith.constant 0 : i32
      %dma_wait3A_1359 = tpu.memref_slice %arg4[%mul3A_1351, %dma_wait3A_1358] : memref<100000x128xf32, #tpu.memory_space<hbm>> -> memref<128x128xf32, #tpu.memory_space<hbm>>
      %dma_wait3A_1360 = arith.constant 0 : i32
      %dma_wait3A_1361 = arith.constant 0 : i32
      %dma_wait3A_1362 = tpu.memref_slice %arg6[%dma_wait3A, %dma_wait3A_1360, %dma_wait3A_1361] : memref<6x128x128xf32, #tpu.memory_space<vmem>> -> memref<1x128x128xf32, #tpu.memory_space<vmem>>
      %dma_wait3A_1363 = tpu.memref_squeeze %dma_wait3A_1362 : memref<1x128x128xf32, #tpu.memory_space<vmem>> -> memref<128x128xf32, #tpu.memory_space<vmem>>
      tpu.wait_dma2 semaphore(%arg13 : memref<!tpu.dma_semaphore, #tpu.memory_space<semaphore_mem>>) src(%dma_wait3A_1363 : memref<128x128xf32, #tpu.memory_space<vmem>>) dst(%dma_wait3A_1359 : memref<128x128xf32, #tpu.memory_space<hbm>>)
    } else {
    }
    %mul3A_437 = arith.constant 25 : i32
    %mul3A_438 = arith.muli %mul3A_437, %add3A : i32
    %add3A_439 = arith.constant 6 : i32
    %add3A_440 = arith.addi %mul3A_438, %add3A_439 : i32
    %eq3A_441 = arith.constant 781 : i32
    %eq3A_442 = arith.cmpi eq, %add3A_440, %eq3A_441 : i32
    %convert_element_type3A_443 = arith.extui %eq3A_442 : i1 to i32
    %cond3A_444 = arith.constant 0 : i32
    %cond3A_445 = arith.cmpi ne, %convert_element_type3A_443, %cond3A_444 : i32
    scf.if %cond3A_445 {
      %dma_wait3A = arith.constant 0 : i32
      %dma_wait3A_1346 = arith.constant 0 : i32
      %dma_wait3A_1347 = arith.constant 0 : i32
      %dma_wait3A_1348 = tpu.memref_slice %arg6[%dma_wait3A, %dma_wait3A_1346, %dma_wait3A_1347] : memref<6x128x128xf32, #tpu.memory_space<vmem>> -> memref<1x32x128xf32, #tpu.memory_space<vmem>>
      %dma_wait3A_1349 = tpu.memref_squeeze %dma_wait3A_1348 : memref<1x32x128xf32, #tpu.memory_space<vmem>> -> memref<32x128xf32, #tpu.memory_space<vmem>>
      %dma_wait3A_1350 = arith.constant 99968 : i32
      %dma_wait3A_1351 = arith.constant 0 : i32
      %dma_wait3A_1352 = tpu.memref_slice %arg4[%dma_wait3A_1350, %dma_wait3A_1351] : memref<100000x128xf32, #tpu.memory_space<hbm>> -> memref<32x128xf32, #tpu.memory_space<hbm>>
      %dma_wait3A_1353 = arith.constant 99968 : i32
      %dma_wait3A_1354 = arith.constant 0 : i32
      %dma_wait3A_1355 = tpu.memref_slice %arg4[%dma_wait3A_1353, %dma_wait3A_1354] : memref<100000x128xf32, #tpu.memory_space<hbm>> -> memref<32x128xf32, #tpu.memory_space<hbm>>
      %dma_wait3A_1356 = arith.constant 0 : i32
      %dma_wait3A_1357 = arith.constant 0 : i32
      %dma_wait3A_1358 = tpu.memref_slice %arg6[%dma_wait3A, %dma_wait3A_1356, %dma_wait3A_1357] : memref<6x128x128xf32, #tpu.memory_space<vmem>> -> memref<1x32x128xf32, #tpu.memory_space<vmem>>
      %dma_wait3A_1359 = tpu.memref_squeeze %dma_wait3A_1358 : memref<1x32x128xf32, #tpu.memory_space<vmem>> -> memref<32x128xf32, #tpu.memory_space<vmem>>
      tpu.wait_dma2 semaphore(%arg13 : memref<!tpu.dma_semaphore, #tpu.memory_space<semaphore_mem>>) src(%dma_wait3A_1359 : memref<32x128xf32, #tpu.memory_space<vmem>>) dst(%dma_wait3A_1355 : memref<32x128xf32, #tpu.memory_space<hbm>>)
    } else {
    }
    %mul3A_446 = arith.constant 25 : i32
    %mul3A_447 = arith.muli %mul3A_446, %add3A : i32
    %add3A_448 = arith.constant 12 : i32
    %add3A_449 = arith.addi %mul3A_447, %add3A_448 : i32
    %le3A_450 = arith.constant 781 : i32
    %le3A_451 = arith.cmpi sle, %add3A_449, %le3A_450 : i32
    %convert_element_type3A_452 = arith.extui %le3A_451 : i1 to i32
    %cond3A_453 = arith.constant 0 : i32
    %cond3A_454 = arith.cmpi ne, %convert_element_type3A_452, %cond3A_453 : i32
    scf.if %cond3A_454 {
      %dma_start3A = arith.constant 0 : i32
      %dma_start3A_1346 = arith.constant 0 : i32
      %dma_start3A_1347 = arith.constant 0 : i32
      %dma_start3A_1348 = arith.constant 0 : i32
      %dma_start3A_1349 = tpu.memref_slice %arg6[%dma_start3A_1346, %dma_start3A_1347, %dma_start3A_1348] : memref<6x128x128xf32, #tpu.memory_space<vmem>> -> memref<1x128x128xf32, #tpu.memory_space<vmem>>
      %dma_start3A_1350 = tpu.memref_squeeze %dma_start3A_1349 : memref<1x128x128xf32, #tpu.memory_space<vmem>> -> memref<128x128xf32, #tpu.memory_space<vmem>>
      %dma_start3A_1351 = arith.constant 1536 : i32
      %dma_start3A_1352 = tpu.memref_slice %arg5[%dma_start3A, %dma_start3A_1351] : memref<1x4096xi32, #tpu.memory_space<vmem>> -> memref<1x128xi32, #tpu.memory_space<vmem>>
      %dma_start3A_1353 = tpu.memref_squeeze %dma_start3A_1352 : memref<1x128xi32, #tpu.memory_space<vmem>> -> memref<128xi32, #tpu.memory_space<vmem>>
      %dma_start3A_1354 = arith.constant 0 : i32
      %dma_start3A_1355 = arith.constant 0 : i32
      %dma_start3A_1356 = tpu.memref_slice %arg3[%dma_start3A_1354, %dma_start3A_1355] : memref<3808x128xf32, #tpu.memory_space<hbm>> -> memref<3808x128xf32, #tpu.memory_space<hbm>>
      tpu.enqueue_indirect_dma source(%dma_start3A_1356 : memref<3808x128xf32, #tpu.memory_space<hbm>>) target(%dma_start3A_1350 : memref<128x128xf32, #tpu.memory_space<vmem>>) offsets(%dma_start3A_1353 : memref<128xi32, #tpu.memory_space<vmem>>) semaphore(%arg7 : memref<!tpu.dma_semaphore, #tpu.memory_space<semaphore_mem>>)
    } else {
    }
    %mul3A_455 = arith.constant 25 : i32
    %mul3A_456 = arith.muli %mul3A_455, %add3A : i32
    %add3A_457 = arith.constant 8 : i32
    %add3A_458 = arith.addi %mul3A_456, %add3A_457 : i32
    %le3A_459 = arith.constant 781 : i32
    %le3A_460 = arith.cmpi sle, %add3A_458, %le3A_459 : i32
    %convert_element_type3A_461 = arith.extui %le3A_460 : i1 to i32
    %cond3A_462 = arith.constant 0 : i32
    %cond3A_463 = arith.cmpi ne, %convert_element_type3A_461, %cond3A_462 : i32
    scf.if %cond3A_463 {
      %dma_wait3A = arith.constant 0 : i32
      %dma_wait3A_1346 = arith.constant 2 : i32
      %dma_wait3A_1347 = arith.constant 0 : i32
      %dma_wait3A_1348 = arith.constant 0 : i32
      %dma_wait3A_1349 = tpu.memref_slice %arg6[%dma_wait3A_1346, %dma_wait3A_1347, %dma_wait3A_1348] : memref<6x128x128xf32, #tpu.memory_space<vmem>> -> memref<1x128x128xf32, #tpu.memory_space<vmem>>
      %dma_wait3A_1350 = tpu.memref_squeeze %dma_wait3A_1349 : memref<1x128x128xf32, #tpu.memory_space<vmem>> -> memref<128x128xf32, #tpu.memory_space<vmem>>
      %dma_wait3A_1351 = arith.constant 1024 : i32
      %dma_wait3A_1352 = tpu.memref_slice %arg5[%dma_wait3A, %dma_wait3A_1351] : memref<1x4096xi32, #tpu.memory_space<vmem>> -> memref<1x128xi32, #tpu.memory_space<vmem>>
      %dma_wait3A_1353 = tpu.memref_squeeze %dma_wait3A_1352 : memref<1x128xi32, #tpu.memory_space<vmem>> -> memref<128xi32, #tpu.memory_space<vmem>>
      %dma_wait3A_1354 = arith.constant 0 : i32
      %dma_wait3A_1355 = arith.constant 0 : i32
      %dma_wait3A_1356 = tpu.memref_slice %arg3[%dma_wait3A_1354, %dma_wait3A_1355] : memref<3808x128xf32, #tpu.memory_space<hbm>> -> memref<3808x128xf32, #tpu.memory_space<hbm>>
      tpu.wait_indirect_dma semaphore(%arg9 : memref<!tpu.dma_semaphore, #tpu.memory_space<semaphore_mem>>) src(%dma_wait3A_1356 : memref<3808x128xf32, #tpu.memory_space<hbm>>) dst(%dma_wait3A_1350 : memref<128x128xf32, #tpu.memory_space<vmem>>)
    } else {
    }
    %mul3A_464 = arith.constant 25 : i32
    %mul3A_465 = arith.muli %mul3A_464, %add3A : i32
    %add3A_466 = arith.constant 8 : i32
    %add3A_467 = arith.addi %mul3A_465, %add3A_466 : i32
    %lt3A_468 = arith.constant 781 : i32
    %lt3A_469 = arith.cmpi slt, %add3A_467, %lt3A_468 : i32
    %convert_element_type3A_470 = arith.extui %lt3A_469 : i1 to i32
    %cond3A_471 = arith.constant 0 : i32
    %cond3A_472 = arith.cmpi ne, %convert_element_type3A_470, %cond3A_471 : i32
    scf.if %cond3A_472 {
      %mul3A_1346 = arith.constant 25 : i32
      %mul3A_1347 = arith.muli %mul3A_1346, %add3A : i32
      %add3A_1348 = arith.constant 8 : i32
      %add3A_1349 = arith.addi %mul3A_1347, %add3A_1348 : i32
      %mul3A_1350 = arith.constant 128 : i32
      %mul3A_1351 = arith.muli %add3A_1349, %mul3A_1350 : i32
      %dma_start3A = arith.constant 2 : i32
      %dma_start3A_1352 = arith.constant 0 : i32
      %dma_start3A_1353 = arith.constant 0 : i32
      %dma_start3A_1354 = tpu.memref_slice %arg6[%dma_start3A, %dma_start3A_1352, %dma_start3A_1353] : memref<6x128x128xf32, #tpu.memory_space<vmem>> -> memref<1x128x128xf32, #tpu.memory_space<vmem>>
      %dma_start3A_1355 = tpu.memref_squeeze %dma_start3A_1354 : memref<1x128x128xf32, #tpu.memory_space<vmem>> -> memref<128x128xf32, #tpu.memory_space<vmem>>
      %dma_start3A_1356 = arith.constant 0 : i32
      %dma_start3A_1357 = tpu.memref_slice %arg4[%mul3A_1351, %dma_start3A_1356] : memref<100000x128xf32, #tpu.memory_space<hbm>> -> memref<128x128xf32, #tpu.memory_space<hbm>>
      %dma_start3A_1358 = arith.constant 0 : i32
      %dma_start3A_1359 = tpu.memref_slice %arg4[%mul3A_1351, %dma_start3A_1358] : memref<100000x128xf32, #tpu.memory_space<hbm>> -> memref<128x128xf32, #tpu.memory_space<hbm>>
      %dma_start3A_1360 = arith.constant 0 : i32
      %dma_start3A_1361 = arith.constant 0 : i32
      %dma_start3A_1362 = tpu.memref_slice %arg6[%dma_start3A, %dma_start3A_1360, %dma_start3A_1361] : memref<6x128x128xf32, #tpu.memory_space<vmem>> -> memref<1x128x128xf32, #tpu.memory_space<vmem>>
      %dma_start3A_1363 = tpu.memref_squeeze %dma_start3A_1362 : memref<1x128x128xf32, #tpu.memory_space<vmem>> -> memref<128x128xf32, #tpu.memory_space<vmem>>
      tpu.enqueue_dma source(%dma_start3A_1363 : memref<128x128xf32, #tpu.memory_space<vmem>>) target(%dma_start3A_1359 : memref<128x128xf32, #tpu.memory_space<hbm>>) target_semaphore(%arg15 : memref<!tpu.dma_semaphore, #tpu.memory_space<semaphore_mem>>)
    } else {
    }
    %mul3A_473 = arith.constant 25 : i32
    %mul3A_474 = arith.muli %mul3A_473, %add3A : i32
    %add3A_475 = arith.constant 8 : i32
    %add3A_476 = arith.addi %mul3A_474, %add3A_475 : i32
    %eq3A_477 = arith.constant 781 : i32
    %eq3A_478 = arith.cmpi eq, %add3A_476, %eq3A_477 : i32
    %convert_element_type3A_479 = arith.extui %eq3A_478 : i1 to i32
    %cond3A_480 = arith.constant 0 : i32
    %cond3A_481 = arith.cmpi ne, %convert_element_type3A_479, %cond3A_480 : i32
    scf.if %cond3A_481 {
      %dma_start3A = arith.constant 2 : i32
      %dma_start3A_1346 = arith.constant 0 : i32
      %dma_start3A_1347 = arith.constant 0 : i32
      %dma_start3A_1348 = tpu.memref_slice %arg6[%dma_start3A, %dma_start3A_1346, %dma_start3A_1347] : memref<6x128x128xf32, #tpu.memory_space<vmem>> -> memref<1x32x128xf32, #tpu.memory_space<vmem>>
      %dma_start3A_1349 = tpu.memref_squeeze %dma_start3A_1348 : memref<1x32x128xf32, #tpu.memory_space<vmem>> -> memref<32x128xf32, #tpu.memory_space<vmem>>
      %dma_start3A_1350 = arith.constant 99968 : i32
      %dma_start3A_1351 = arith.constant 0 : i32
      %dma_start3A_1352 = tpu.memref_slice %arg4[%dma_start3A_1350, %dma_start3A_1351] : memref<100000x128xf32, #tpu.memory_space<hbm>> -> memref<32x128xf32, #tpu.memory_space<hbm>>
      %dma_start3A_1353 = arith.constant 99968 : i32
      %dma_start3A_1354 = arith.constant 0 : i32
      %dma_start3A_1355 = tpu.memref_slice %arg4[%dma_start3A_1353, %dma_start3A_1354] : memref<100000x128xf32, #tpu.memory_space<hbm>> -> memref<32x128xf32, #tpu.memory_space<hbm>>
      %dma_start3A_1356 = arith.constant 0 : i32
      %dma_start3A_1357 = arith.constant 0 : i32
      %dma_start3A_1358 = tpu.memref_slice %arg6[%dma_start3A, %dma_start3A_1356, %dma_start3A_1357] : memref<6x128x128xf32, #tpu.memory_space<vmem>> -> memref<1x32x128xf32, #tpu.memory_space<vmem>>
      %dma_start3A_1359 = tpu.memref_squeeze %dma_start3A_1358 : memref<1x32x128xf32, #tpu.memory_space<vmem>> -> memref<32x128xf32, #tpu.memory_space<vmem>>
      tpu.enqueue_dma source(%dma_start3A_1359 : memref<32x128xf32, #tpu.memory_space<vmem>>) target(%dma_start3A_1355 : memref<32x128xf32, #tpu.memory_space<hbm>>) target_semaphore(%arg15 : memref<!tpu.dma_semaphore, #tpu.memory_space<semaphore_mem>>)
    } else {
    }
    %mul3A_482 = arith.constant 25 : i32
    %mul3A_483 = arith.muli %mul3A_482, %add3A : i32
    %add3A_484 = arith.constant 7 : i32
    %add3A_485 = arith.addi %mul3A_483, %add3A_484 : i32
    %lt3A_486 = arith.constant 781 : i32
    %lt3A_487 = arith.cmpi slt, %add3A_485, %lt3A_486 : i32
    %convert_element_type3A_488 = arith.extui %lt3A_487 : i1 to i32
    %cond3A_489 = arith.constant 0 : i32
    %cond3A_490 = arith.cmpi ne, %convert_element_type3A_488, %cond3A_489 : i32
    scf.if %cond3A_490 {
      %mul3A_1346 = arith.constant 25 : i32
      %mul3A_1347 = arith.muli %mul3A_1346, %add3A : i32
      %add3A_1348 = arith.constant 7 : i32
      %add3A_1349 = arith.addi %mul3A_1347, %add3A_1348 : i32
      %mul3A_1350 = arith.constant 128 : i32
      %mul3A_1351 = arith.muli %add3A_1349, %mul3A_1350 : i32
      %dma_wait3A = arith.constant 1 : i32
      %dma_wait3A_1352 = arith.constant 0 : i32
      %dma_wait3A_1353 = arith.constant 0 : i32
      %dma_wait3A_1354 = tpu.memref_slice %arg6[%dma_wait3A, %dma_wait3A_1352, %dma_wait3A_1353] : memref<6x128x128xf32, #tpu.memory_space<vmem>> -> memref<1x128x128xf32, #tpu.memory_space<vmem>>
      %dma_wait3A_1355 = tpu.memref_squeeze %dma_wait3A_1354 : memref<1x128x128xf32, #tpu.memory_space<vmem>> -> memref<128x128xf32, #tpu.memory_space<vmem>>
      %dma_wait3A_1356 = arith.constant 0 : i32
      %dma_wait3A_1357 = tpu.memref_slice %arg4[%mul3A_1351, %dma_wait3A_1356] : memref<100000x128xf32, #tpu.memory_space<hbm>> -> memref<128x128xf32, #tpu.memory_space<hbm>>
      %dma_wait3A_1358 = arith.constant 0 : i32
      %dma_wait3A_1359 = tpu.memref_slice %arg4[%mul3A_1351, %dma_wait3A_1358] : memref<100000x128xf32, #tpu.memory_space<hbm>> -> memref<128x128xf32, #tpu.memory_space<hbm>>
      %dma_wait3A_1360 = arith.constant 0 : i32
      %dma_wait3A_1361 = arith.constant 0 : i32
      %dma_wait3A_1362 = tpu.memref_slice %arg6[%dma_wait3A, %dma_wait3A_1360, %dma_wait3A_1361] : memref<6x128x128xf32, #tpu.memory_space<vmem>> -> memref<1x128x128xf32, #tpu.memory_space<vmem>>
      %dma_wait3A_1363 = tpu.memref_squeeze %dma_wait3A_1362 : memref<1x128x128xf32, #tpu.memory_space<vmem>> -> memref<128x128xf32, #tpu.memory_space<vmem>>
      tpu.wait_dma2 semaphore(%arg14 : memref<!tpu.dma_semaphore, #tpu.memory_space<semaphore_mem>>) src(%dma_wait3A_1363 : memref<128x128xf32, #tpu.memory_space<vmem>>) dst(%dma_wait3A_1359 : memref<128x128xf32, #tpu.memory_space<hbm>>)
    } else {
    }
    %mul3A_491 = arith.constant 25 : i32
    %mul3A_492 = arith.muli %mul3A_491, %add3A : i32
    %add3A_493 = arith.constant 7 : i32
    %add3A_494 = arith.addi %mul3A_492, %add3A_493 : i32
    %eq3A_495 = arith.constant 781 : i32
    %eq3A_496 = arith.cmpi eq, %add3A_494, %eq3A_495 : i32
    %convert_element_type3A_497 = arith.extui %eq3A_496 : i1 to i32
    %cond3A_498 = arith.constant 0 : i32
    %cond3A_499 = arith.cmpi ne, %convert_element_type3A_497, %cond3A_498 : i32
    scf.if %cond3A_499 {
      %dma_wait3A = arith.constant 1 : i32
      %dma_wait3A_1346 = arith.constant 0 : i32
      %dma_wait3A_1347 = arith.constant 0 : i32
      %dma_wait3A_1348 = tpu.memref_slice %arg6[%dma_wait3A, %dma_wait3A_1346, %dma_wait3A_1347] : memref<6x128x128xf32, #tpu.memory_space<vmem>> -> memref<1x32x128xf32, #tpu.memory_space<vmem>>
      %dma_wait3A_1349 = tpu.memref_squeeze %dma_wait3A_1348 : memref<1x32x128xf32, #tpu.memory_space<vmem>> -> memref<32x128xf32, #tpu.memory_space<vmem>>
      %dma_wait3A_1350 = arith.constant 99968 : i32
      %dma_wait3A_1351 = arith.constant 0 : i32
      %dma_wait3A_1352 = tpu.memref_slice %arg4[%dma_wait3A_1350, %dma_wait3A_1351] : memref<100000x128xf32, #tpu.memory_space<hbm>> -> memref<32x128xf32, #tpu.memory_space<hbm>>
      %dma_wait3A_1353 = arith.constant 99968 : i32
      %dma_wait3A_1354 = arith.constant 0 : i32
      %dma_wait3A_1355 = tpu.memref_slice %arg4[%dma_wait3A_1353, %dma_wait3A_1354] : memref<100000x128xf32, #tpu.memory_space<hbm>> -> memref<32x128xf32, #tpu.memory_space<hbm>>
      %dma_wait3A_1356 = arith.constant 0 : i32
      %dma_wait3A_1357 = arith.constant 0 : i32
      %dma_wait3A_1358 = tpu.memref_slice %arg6[%dma_wait3A, %dma_wait3A_1356, %dma_wait3A_1357] : memref<6x128x128xf32, #tpu.memory_space<vmem>> -> memref<1x32x128xf32, #tpu.memory_space<vmem>>
      %dma_wait3A_1359 = tpu.memref_squeeze %dma_wait3A_1358 : memref<1x32x128xf32, #tpu.memory_space<vmem>> -> memref<32x128xf32, #tpu.memory_space<vmem>>
      tpu.wait_dma2 semaphore(%arg14 : memref<!tpu.dma_semaphore, #tpu.memory_space<semaphore_mem>>) src(%dma_wait3A_1359 : memref<32x128xf32, #tpu.memory_space<vmem>>) dst(%dma_wait3A_1355 : memref<32x128xf32, #tpu.memory_space<hbm>>)
    } else {
    }
    %mul3A_500 = arith.constant 25 : i32
    %mul3A_501 = arith.muli %mul3A_500, %add3A : i32
    %add3A_502 = arith.constant 13 : i32
    %add3A_503 = arith.addi %mul3A_501, %add3A_502 : i32
    %le3A_504 = arith.constant 781 : i32
    %le3A_505 = arith.cmpi sle, %add3A_503, %le3A_504 : i32
    %convert_element_type3A_506 = arith.extui %le3A_505 : i1 to i32
    %cond3A_507 = arith.constant 0 : i32
    %cond3A_508 = arith.cmpi ne, %convert_element_type3A_506, %cond3A_507 : i32
    scf.if %cond3A_508 {
      %dma_start3A = arith.constant 0 : i32
      %dma_start3A_1346 = arith.constant 1 : i32
      %dma_start3A_1347 = arith.constant 0 : i32
      %dma_start3A_1348 = arith.constant 0 : i32
      %dma_start3A_1349 = tpu.memref_slice %arg6[%dma_start3A_1346, %dma_start3A_1347, %dma_start3A_1348] : memref<6x128x128xf32, #tpu.memory_space<vmem>> -> memref<1x128x128xf32, #tpu.memory_space<vmem>>
      %dma_start3A_1350 = tpu.memref_squeeze %dma_start3A_1349 : memref<1x128x128xf32, #tpu.memory_space<vmem>> -> memref<128x128xf32, #tpu.memory_space<vmem>>
      %dma_start3A_1351 = arith.constant 1664 : i32
      %dma_start3A_1352 = tpu.memref_slice %arg5[%dma_start3A, %dma_start3A_1351] : memref<1x4096xi32, #tpu.memory_space<vmem>> -> memref<1x128xi32, #tpu.memory_space<vmem>>
      %dma_start3A_1353 = tpu.memref_squeeze %dma_start3A_1352 : memref<1x128xi32, #tpu.memory_space<vmem>> -> memref<128xi32, #tpu.memory_space<vmem>>
      %dma_start3A_1354 = arith.constant 0 : i32
      %dma_start3A_1355 = arith.constant 0 : i32
      %dma_start3A_1356 = tpu.memref_slice %arg3[%dma_start3A_1354, %dma_start3A_1355] : memref<3808x128xf32, #tpu.memory_space<hbm>> -> memref<3808x128xf32, #tpu.memory_space<hbm>>
      tpu.enqueue_indirect_dma source(%dma_start3A_1356 : memref<3808x128xf32, #tpu.memory_space<hbm>>) target(%dma_start3A_1350 : memref<128x128xf32, #tpu.memory_space<vmem>>) offsets(%dma_start3A_1353 : memref<128xi32, #tpu.memory_space<vmem>>) semaphore(%arg8 : memref<!tpu.dma_semaphore, #tpu.memory_space<semaphore_mem>>)
    } else {
    }
    %mul3A_509 = arith.constant 25 : i32
    %mul3A_510 = arith.muli %mul3A_509, %add3A : i32
    %add3A_511 = arith.constant 9 : i32
    %add3A_512 = arith.addi %mul3A_510, %add3A_511 : i32
    %le3A_513 = arith.constant 781 : i32
    %le3A_514 = arith.cmpi sle, %add3A_512, %le3A_513 : i32
    %convert_element_type3A_515 = arith.extui %le3A_514 : i1 to i32
    %cond3A_516 = arith.constant 0 : i32
    %cond3A_517 = arith.cmpi ne, %convert_element_type3A_515, %cond3A_516 : i32
    scf.if %cond3A_517 {
      %dma_wait3A = arith.constant 0 : i32
      %dma_wait3A_1346 = arith.constant 3 : i32
      %dma_wait3A_1347 = arith.constant 0 : i32
      %dma_wait3A_1348 = arith.constant 0 : i32
      %dma_wait3A_1349 = tpu.memref_slice %arg6[%dma_wait3A_1346, %dma_wait3A_1347, %dma_wait3A_1348] : memref<6x128x128xf32, #tpu.memory_space<vmem>> -> memref<1x128x128xf32, #tpu.memory_space<vmem>>
      %dma_wait3A_1350 = tpu.memref_squeeze %dma_wait3A_1349 : memref<1x128x128xf32, #tpu.memory_space<vmem>> -> memref<128x128xf32, #tpu.memory_space<vmem>>
      %dma_wait3A_1351 = arith.constant 1152 : i32
      %dma_wait3A_1352 = tpu.memref_slice %arg5[%dma_wait3A, %dma_wait3A_1351] : memref<1x4096xi32, #tpu.memory_space<vmem>> -> memref<1x128xi32, #tpu.memory_space<vmem>>
      %dma_wait3A_1353 = tpu.memref_squeeze %dma_wait3A_1352 : memref<1x128xi32, #tpu.memory_space<vmem>> -> memref<128xi32, #tpu.memory_space<vmem>>
      %dma_wait3A_1354 = arith.constant 0 : i32
      %dma_wait3A_1355 = arith.constant 0 : i32
      %dma_wait3A_1356 = tpu.memref_slice %arg3[%dma_wait3A_1354, %dma_wait3A_1355] : memref<3808x128xf32, #tpu.memory_space<hbm>> -> memref<3808x128xf32, #tpu.memory_space<hbm>>
      tpu.wait_indirect_dma semaphore(%arg10 : memref<!tpu.dma_semaphore, #tpu.memory_space<semaphore_mem>>) src(%dma_wait3A_1356 : memref<3808x128xf32, #tpu.memory_space<hbm>>) dst(%dma_wait3A_1350 : memref<128x128xf32, #tpu.memory_space<vmem>>)
    } else {
    }
    %mul3A_518 = arith.constant 25 : i32
    %mul3A_519 = arith.muli %mul3A_518, %add3A : i32
    %add3A_520 = arith.constant 9 : i32
    %add3A_521 = arith.addi %mul3A_519, %add3A_520 : i32
    %lt3A_522 = arith.constant 781 : i32
    %lt3A_523 = arith.cmpi slt, %add3A_521, %lt3A_522 : i32
    %convert_element_type3A_524 = arith.extui %lt3A_523 : i1 to i32
    %cond3A_525 = arith.constant 0 : i32
    %cond3A_526 = arith.cmpi ne, %convert_element_type3A_524, %cond3A_525 : i32
    scf.if %cond3A_526 {
      %mul3A_1346 = arith.constant 25 : i32
      %mul3A_1347 = arith.muli %mul3A_1346, %add3A : i32
      %add3A_1348 = arith.constant 9 : i32
      %add3A_1349 = arith.addi %mul3A_1347, %add3A_1348 : i32
      %mul3A_1350 = arith.constant 128 : i32
      %mul3A_1351 = arith.muli %add3A_1349, %mul3A_1350 : i32
      %dma_start3A = arith.constant 3 : i32
      %dma_start3A_1352 = arith.constant 0 : i32
      %dma_start3A_1353 = arith.constant 0 : i32
      %dma_start3A_1354 = tpu.memref_slice %arg6[%dma_start3A, %dma_start3A_1352, %dma_start3A_1353] : memref<6x128x128xf32, #tpu.memory_space<vmem>> -> memref<1x128x128xf32, #tpu.memory_space<vmem>>
      %dma_start3A_1355 = tpu.memref_squeeze %dma_start3A_1354 : memref<1x128x128xf32, #tpu.memory_space<vmem>> -> memref<128x128xf32, #tpu.memory_space<vmem>>
      %dma_start3A_1356 = arith.constant 0 : i32
      %dma_start3A_1357 = tpu.memref_slice %arg4[%mul3A_1351, %dma_start3A_1356] : memref<100000x128xf32, #tpu.memory_space<hbm>> -> memref<128x128xf32, #tpu.memory_space<hbm>>
      %dma_start3A_1358 = arith.constant 0 : i32
      %dma_start3A_1359 = tpu.memref_slice %arg4[%mul3A_1351, %dma_start3A_1358] : memref<100000x128xf32, #tpu.memory_space<hbm>> -> memref<128x128xf32, #tpu.memory_space<hbm>>
      %dma_start3A_1360 = arith.constant 0 : i32
      %dma_start3A_1361 = arith.constant 0 : i32
      %dma_start3A_1362 = tpu.memref_slice %arg6[%dma_start3A, %dma_start3A_1360, %dma_start3A_1361] : memref<6x128x128xf32, #tpu.memory_space<vmem>> -> memref<1x128x128xf32, #tpu.memory_space<vmem>>
      %dma_start3A_1363 = tpu.memref_squeeze %dma_start3A_1362 : memref<1x128x128xf32, #tpu.memory_space<vmem>> -> memref<128x128xf32, #tpu.memory_space<vmem>>
      tpu.enqueue_dma source(%dma_start3A_1363 : memref<128x128xf32, #tpu.memory_space<vmem>>) target(%dma_start3A_1359 : memref<128x128xf32, #tpu.memory_space<hbm>>) target_semaphore(%arg16 : memref<!tpu.dma_semaphore, #tpu.memory_space<semaphore_mem>>)
    } else {
    }
    %mul3A_527 = arith.constant 25 : i32
    %mul3A_528 = arith.muli %mul3A_527, %add3A : i32
    %add3A_529 = arith.constant 9 : i32
    %add3A_530 = arith.addi %mul3A_528, %add3A_529 : i32
    %eq3A_531 = arith.constant 781 : i32
    %eq3A_532 = arith.cmpi eq, %add3A_530, %eq3A_531 : i32
    %convert_element_type3A_533 = arith.extui %eq3A_532 : i1 to i32
    %cond3A_534 = arith.constant 0 : i32
    %cond3A_535 = arith.cmpi ne, %convert_element_type3A_533, %cond3A_534 : i32
    scf.if %cond3A_535 {
      %dma_start3A = arith.constant 3 : i32
      %dma_start3A_1346 = arith.constant 0 : i32
      %dma_start3A_1347 = arith.constant 0 : i32
      %dma_start3A_1348 = tpu.memref_slice %arg6[%dma_start3A, %dma_start3A_1346, %dma_start3A_1347] : memref<6x128x128xf32, #tpu.memory_space<vmem>> -> memref<1x32x128xf32, #tpu.memory_space<vmem>>
      %dma_start3A_1349 = tpu.memref_squeeze %dma_start3A_1348 : memref<1x32x128xf32, #tpu.memory_space<vmem>> -> memref<32x128xf32, #tpu.memory_space<vmem>>
      %dma_start3A_1350 = arith.constant 99968 : i32
      %dma_start3A_1351 = arith.constant 0 : i32
      %dma_start3A_1352 = tpu.memref_slice %arg4[%dma_start3A_1350, %dma_start3A_1351] : memref<100000x128xf32, #tpu.memory_space<hbm>> -> memref<32x128xf32, #tpu.memory_space<hbm>>
      %dma_start3A_1353 = arith.constant 99968 : i32
      %dma_start3A_1354 = arith.constant 0 : i32
      %dma_start3A_1355 = tpu.memref_slice %arg4[%dma_start3A_1353, %dma_start3A_1354] : memref<100000x128xf32, #tpu.memory_space<hbm>> -> memref<32x128xf32, #tpu.memory_space<hbm>>
      %dma_start3A_1356 = arith.constant 0 : i32
      %dma_start3A_1357 = arith.constant 0 : i32
      %dma_start3A_1358 = tpu.memref_slice %arg6[%dma_start3A, %dma_start3A_1356, %dma_start3A_1357] : memref<6x128x128xf32, #tpu.memory_space<vmem>> -> memref<1x32x128xf32, #tpu.memory_space<vmem>>
      %dma_start3A_1359 = tpu.memref_squeeze %dma_start3A_1358 : memref<1x32x128xf32, #tpu.memory_space<vmem>> -> memref<32x128xf32, #tpu.memory_space<vmem>>
      tpu.enqueue_dma source(%dma_start3A_1359 : memref<32x128xf32, #tpu.memory_space<vmem>>) target(%dma_start3A_1355 : memref<32x128xf32, #tpu.memory_space<hbm>>) target_semaphore(%arg16 : memref<!tpu.dma_semaphore, #tpu.memory_space<semaphore_mem>>)
    } else {
    }
    %mul3A_536 = arith.constant 25 : i32
    %mul3A_537 = arith.muli %mul3A_536, %add3A : i32
    %add3A_538 = arith.constant 8 : i32
    %add3A_539 = arith.addi %mul3A_537, %add3A_538 : i32
    %lt3A_540 = arith.constant 781 : i32
    %lt3A_541 = arith.cmpi slt, %add3A_539, %lt3A_540 : i32
    %convert_element_type3A_542 = arith.extui %lt3A_541 : i1 to i32
    %cond3A_543 = arith.constant 0 : i32
    %cond3A_544 = arith.cmpi ne, %convert_element_type3A_542, %cond3A_543 : i32
    scf.if %cond3A_544 {
      %mul3A_1346 = arith.constant 25 : i32
      %mul3A_1347 = arith.muli %mul3A_1346, %add3A : i32
      %add3A_1348 = arith.constant 8 : i32
      %add3A_1349 = arith.addi %mul3A_1347, %add3A_1348 : i32
      %mul3A_1350 = arith.constant 128 : i32
      %mul3A_1351 = arith.muli %add3A_1349, %mul3A_1350 : i32
      %dma_wait3A = arith.constant 2 : i32
      %dma_wait3A_1352 = arith.constant 0 : i32
      %dma_wait3A_1353 = arith.constant 0 : i32
      %dma_wait3A_1354 = tpu.memref_slice %arg6[%dma_wait3A, %dma_wait3A_1352, %dma_wait3A_1353] : memref<6x128x128xf32, #tpu.memory_space<vmem>> -> memref<1x128x128xf32, #tpu.memory_space<vmem>>
      %dma_wait3A_1355 = tpu.memref_squeeze %dma_wait3A_1354 : memref<1x128x128xf32, #tpu.memory_space<vmem>> -> memref<128x128xf32, #tpu.memory_space<vmem>>
      %dma_wait3A_1356 = arith.constant 0 : i32
      %dma_wait3A_1357 = tpu.memref_slice %arg4[%mul3A_1351, %dma_wait3A_1356] : memref<100000x128xf32, #tpu.memory_space<hbm>> -> memref<128x128xf32, #tpu.memory_space<hbm>>
      %dma_wait3A_1358 = arith.constant 0 : i32
      %dma_wait3A_1359 = tpu.memref_slice %arg4[%mul3A_1351, %dma_wait3A_1358] : memref<100000x128xf32, #tpu.memory_space<hbm>> -> memref<128x128xf32, #tpu.memory_space<hbm>>
      %dma_wait3A_1360 = arith.constant 0 : i32
      %dma_wait3A_1361 = arith.constant 0 : i32
      %dma_wait3A_1362 = tpu.memref_slice %arg6[%dma_wait3A, %dma_wait3A_1360, %dma_wait3A_1361] : memref<6x128x128xf32, #tpu.memory_space<vmem>> -> memref<1x128x128xf32, #tpu.memory_space<vmem>>
      %dma_wait3A_1363 = tpu.memref_squeeze %dma_wait3A_1362 : memref<1x128x128xf32, #tpu.memory_space<vmem>> -> memref<128x128xf32, #tpu.memory_space<vmem>>
      tpu.wait_dma2 semaphore(%arg15 : memref<!tpu.dma_semaphore, #tpu.memory_space<semaphore_mem>>) src(%dma_wait3A_1363 : memref<128x128xf32, #tpu.memory_space<vmem>>) dst(%dma_wait3A_1359 : memref<128x128xf32, #tpu.memory_space<hbm>>)
    } else {
    }
    %mul3A_545 = arith.constant 25 : i32
    %mul3A_546 = arith.muli %mul3A_545, %add3A : i32
    %add3A_547 = arith.constant 8 : i32
    %add3A_548 = arith.addi %mul3A_546, %add3A_547 : i32
    %eq3A_549 = arith.constant 781 : i32
    %eq3A_550 = arith.cmpi eq, %add3A_548, %eq3A_549 : i32
    %convert_element_type3A_551 = arith.extui %eq3A_550 : i1 to i32
    %cond3A_552 = arith.constant 0 : i32
    %cond3A_553 = arith.cmpi ne, %convert_element_type3A_551, %cond3A_552 : i32
    scf.if %cond3A_553 {
      %dma_wait3A = arith.constant 2 : i32
      %dma_wait3A_1346 = arith.constant 0 : i32
      %dma_wait3A_1347 = arith.constant 0 : i32
      %dma_wait3A_1348 = tpu.memref_slice %arg6[%dma_wait3A, %dma_wait3A_1346, %dma_wait3A_1347] : memref<6x128x128xf32, #tpu.memory_space<vmem>> -> memref<1x32x128xf32, #tpu.memory_space<vmem>>
      %dma_wait3A_1349 = tpu.memref_squeeze %dma_wait3A_1348 : memref<1x32x128xf32, #tpu.memory_space<vmem>> -> memref<32x128xf32, #tpu.memory_space<vmem>>
      %dma_wait3A_1350 = arith.constant 99968 : i32
      %dma_wait3A_1351 = arith.constant 0 : i32
      %dma_wait3A_1352 = tpu.memref_slice %arg4[%dma_wait3A_1350, %dma_wait3A_1351] : memref<100000x128xf32, #tpu.memory_space<hbm>> -> memref<32x128xf32, #tpu.memory_space<hbm>>
      %dma_wait3A_1353 = arith.constant 99968 : i32
      %dma_wait3A_1354 = arith.constant 0 : i32
      %dma_wait3A_1355 = tpu.memref_slice %arg4[%dma_wait3A_1353, %dma_wait3A_1354] : memref<100000x128xf32, #tpu.memory_space<hbm>> -> memref<32x128xf32, #tpu.memory_space<hbm>>
      %dma_wait3A_1356 = arith.constant 0 : i32
      %dma_wait3A_1357 = arith.constant 0 : i32
      %dma_wait3A_1358 = tpu.memref_slice %arg6[%dma_wait3A, %dma_wait3A_1356, %dma_wait3A_1357] : memref<6x128x128xf32, #tpu.memory_space<vmem>> -> memref<1x32x128xf32, #tpu.memory_space<vmem>>
      %dma_wait3A_1359 = tpu.memref_squeeze %dma_wait3A_1358 : memref<1x32x128xf32, #tpu.memory_space<vmem>> -> memref<32x128xf32, #tpu.memory_space<vmem>>
      tpu.wait_dma2 semaphore(%arg15 : memref<!tpu.dma_semaphore, #tpu.memory_space<semaphore_mem>>) src(%dma_wait3A_1359 : memref<32x128xf32, #tpu.memory_space<vmem>>) dst(%dma_wait3A_1355 : memref<32x128xf32, #tpu.memory_space<hbm>>)
    } else {
    }
    %mul3A_554 = arith.constant 25 : i32
    %mul3A_555 = arith.muli %mul3A_554, %add3A : i32
    %add3A_556 = arith.constant 14 : i32
    %add3A_557 = arith.addi %mul3A_555, %add3A_556 : i32
    %le3A_558 = arith.constant 781 : i32
    %le3A_559 = arith.cmpi sle, %add3A_557, %le3A_558 : i32
    %convert_element_type3A_560 = arith.extui %le3A_559 : i1 to i32
    %cond3A_561 = arith.constant 0 : i32
    %cond3A_562 = arith.cmpi ne, %convert_element_type3A_560, %cond3A_561 : i32
    scf.if %cond3A_562 {
      %dma_start3A = arith.constant 0 : i32
      %dma_start3A_1346 = arith.constant 2 : i32
      %dma_start3A_1347 = arith.constant 0 : i32
      %dma_start3A_1348 = arith.constant 0 : i32
      %dma_start3A_1349 = tpu.memref_slice %arg6[%dma_start3A_1346, %dma_start3A_1347, %dma_start3A_1348] : memref<6x128x128xf32, #tpu.memory_space<vmem>> -> memref<1x128x128xf32, #tpu.memory_space<vmem>>
      %dma_start3A_1350 = tpu.memref_squeeze %dma_start3A_1349 : memref<1x128x128xf32, #tpu.memory_space<vmem>> -> memref<128x128xf32, #tpu.memory_space<vmem>>
      %dma_start3A_1351 = arith.constant 1792 : i32
      %dma_start3A_1352 = tpu.memref_slice %arg5[%dma_start3A, %dma_start3A_1351] : memref<1x4096xi32, #tpu.memory_space<vmem>> -> memref<1x128xi32, #tpu.memory_space<vmem>>
      %dma_start3A_1353 = tpu.memref_squeeze %dma_start3A_1352 : memref<1x128xi32, #tpu.memory_space<vmem>> -> memref<128xi32, #tpu.memory_space<vmem>>
      %dma_start3A_1354 = arith.constant 0 : i32
      %dma_start3A_1355 = arith.constant 0 : i32
      %dma_start3A_1356 = tpu.memref_slice %arg3[%dma_start3A_1354, %dma_start3A_1355] : memref<3808x128xf32, #tpu.memory_space<hbm>> -> memref<3808x128xf32, #tpu.memory_space<hbm>>
      tpu.enqueue_indirect_dma source(%dma_start3A_1356 : memref<3808x128xf32, #tpu.memory_space<hbm>>) target(%dma_start3A_1350 : memref<128x128xf32, #tpu.memory_space<vmem>>) offsets(%dma_start3A_1353 : memref<128xi32, #tpu.memory_space<vmem>>) semaphore(%arg9 : memref<!tpu.dma_semaphore, #tpu.memory_space<semaphore_mem>>)
    } else {
    }
    %mul3A_563 = arith.constant 25 : i32
    %mul3A_564 = arith.muli %mul3A_563, %add3A : i32
    %add3A_565 = arith.constant 10 : i32
    %add3A_566 = arith.addi %mul3A_564, %add3A_565 : i32
    %le3A_567 = arith.constant 781 : i32
    %le3A_568 = arith.cmpi sle, %add3A_566, %le3A_567 : i32
    %convert_element_type3A_569 = arith.extui %le3A_568 : i1 to i32
    %cond3A_570 = arith.constant 0 : i32
    %cond3A_571 = arith.cmpi ne, %convert_element_type3A_569, %cond3A_570 : i32
    scf.if %cond3A_571 {
      %dma_wait3A = arith.constant 0 : i32
      %dma_wait3A_1346 = arith.constant 4 : i32
      %dma_wait3A_1347 = arith.constant 0 : i32
      %dma_wait3A_1348 = arith.constant 0 : i32
      %dma_wait3A_1349 = tpu.memref_slice %arg6[%dma_wait3A_1346, %dma_wait3A_1347, %dma_wait3A_1348] : memref<6x128x128xf32, #tpu.memory_space<vmem>> -> memref<1x128x128xf32, #tpu.memory_space<vmem>>
      %dma_wait3A_1350 = tpu.memref_squeeze %dma_wait3A_1349 : memref<1x128x128xf32, #tpu.memory_space<vmem>> -> memref<128x128xf32, #tpu.memory_space<vmem>>
      %dma_wait3A_1351 = arith.constant 1280 : i32
      %dma_wait3A_1352 = tpu.memref_slice %arg5[%dma_wait3A, %dma_wait3A_1351] : memref<1x4096xi32, #tpu.memory_space<vmem>> -> memref<1x128xi32, #tpu.memory_space<vmem>>
      %dma_wait3A_1353 = tpu.memref_squeeze %dma_wait3A_1352 : memref<1x128xi32, #tpu.memory_space<vmem>> -> memref<128xi32, #tpu.memory_space<vmem>>
      %dma_wait3A_1354 = arith.constant 0 : i32
      %dma_wait3A_1355 = arith.constant 0 : i32
      %dma_wait3A_1356 = tpu.memref_slice %arg3[%dma_wait3A_1354, %dma_wait3A_1355] : memref<3808x128xf32, #tpu.memory_space<hbm>> -> memref<3808x128xf32, #tpu.memory_space<hbm>>
      tpu.wait_indirect_dma semaphore(%arg11 : memref<!tpu.dma_semaphore, #tpu.memory_space<semaphore_mem>>) src(%dma_wait3A_1356 : memref<3808x128xf32, #tpu.memory_space<hbm>>) dst(%dma_wait3A_1350 : memref<128x128xf32, #tpu.memory_space<vmem>>)
    } else {
    }
    %mul3A_572 = arith.constant 25 : i32
    %mul3A_573 = arith.muli %mul3A_572, %add3A : i32
    %add3A_574 = arith.constant 10 : i32
    %add3A_575 = arith.addi %mul3A_573, %add3A_574 : i32
    %lt3A_576 = arith.constant 781 : i32
    %lt3A_577 = arith.cmpi slt, %add3A_575, %lt3A_576 : i32
    %convert_element_type3A_578 = arith.extui %lt3A_577 : i1 to i32
    %cond3A_579 = arith.constant 0 : i32
    %cond3A_580 = arith.cmpi ne, %convert_element_type3A_578, %cond3A_579 : i32
    scf.if %cond3A_580 {
      %mul3A_1346 = arith.constant 25 : i32
      %mul3A_1347 = arith.muli %mul3A_1346, %add3A : i32
      %add3A_1348 = arith.constant 10 : i32
      %add3A_1349 = arith.addi %mul3A_1347, %add3A_1348 : i32
      %mul3A_1350 = arith.constant 128 : i32
      %mul3A_1351 = arith.muli %add3A_1349, %mul3A_1350 : i32
      %dma_start3A = arith.constant 4 : i32
      %dma_start3A_1352 = arith.constant 0 : i32
      %dma_start3A_1353 = arith.constant 0 : i32
      %dma_start3A_1354 = tpu.memref_slice %arg6[%dma_start3A, %dma_start3A_1352, %dma_start3A_1353] : memref<6x128x128xf32, #tpu.memory_space<vmem>> -> memref<1x128x128xf32, #tpu.memory_space<vmem>>
      %dma_start3A_1355 = tpu.memref_squeeze %dma_start3A_1354 : memref<1x128x128xf32, #tpu.memory_space<vmem>> -> memref<128x128xf32, #tpu.memory_space<vmem>>
      %dma_start3A_1356 = arith.constant 0 : i32
      %dma_start3A_1357 = tpu.memref_slice %arg4[%mul3A_1351, %dma_start3A_1356] : memref<100000x128xf32, #tpu.memory_space<hbm>> -> memref<128x128xf32, #tpu.memory_space<hbm>>
      %dma_start3A_1358 = arith.constant 0 : i32
      %dma_start3A_1359 = tpu.memref_slice %arg4[%mul3A_1351, %dma_start3A_1358] : memref<100000x128xf32, #tpu.memory_space<hbm>> -> memref<128x128xf32, #tpu.memory_space<hbm>>
      %dma_start3A_1360 = arith.constant 0 : i32
      %dma_start3A_1361 = arith.constant 0 : i32
      %dma_start3A_1362 = tpu.memref_slice %arg6[%dma_start3A, %dma_start3A_1360, %dma_start3A_1361] : memref<6x128x128xf32, #tpu.memory_space<vmem>> -> memref<1x128x128xf32, #tpu.memory_space<vmem>>
      %dma_start3A_1363 = tpu.memref_squeeze %dma_start3A_1362 : memref<1x128x128xf32, #tpu.memory_space<vmem>> -> memref<128x128xf32, #tpu.memory_space<vmem>>
      tpu.enqueue_dma source(%dma_start3A_1363 : memref<128x128xf32, #tpu.memory_space<vmem>>) target(%dma_start3A_1359 : memref<128x128xf32, #tpu.memory_space<hbm>>) target_semaphore(%arg17 : memref<!tpu.dma_semaphore, #tpu.memory_space<semaphore_mem>>)
    } else {
    }
    %mul3A_581 = arith.constant 25 : i32
    %mul3A_582 = arith.muli %mul3A_581, %add3A : i32
    %add3A_583 = arith.constant 10 : i32
    %add3A_584 = arith.addi %mul3A_582, %add3A_583 : i32
    %eq3A_585 = arith.constant 781 : i32
    %eq3A_586 = arith.cmpi eq, %add3A_584, %eq3A_585 : i32
    %convert_element_type3A_587 = arith.extui %eq3A_586 : i1 to i32
    %cond3A_588 = arith.constant 0 : i32
    %cond3A_589 = arith.cmpi ne, %convert_element_type3A_587, %cond3A_588 : i32
    scf.if %cond3A_589 {
      %dma_start3A = arith.constant 4 : i32
      %dma_start3A_1346 = arith.constant 0 : i32
      %dma_start3A_1347 = arith.constant 0 : i32
      %dma_start3A_1348 = tpu.memref_slice %arg6[%dma_start3A, %dma_start3A_1346, %dma_start3A_1347] : memref<6x128x128xf32, #tpu.memory_space<vmem>> -> memref<1x32x128xf32, #tpu.memory_space<vmem>>
      %dma_start3A_1349 = tpu.memref_squeeze %dma_start3A_1348 : memref<1x32x128xf32, #tpu.memory_space<vmem>> -> memref<32x128xf32, #tpu.memory_space<vmem>>
      %dma_start3A_1350 = arith.constant 99968 : i32
      %dma_start3A_1351 = arith.constant 0 : i32
      %dma_start3A_1352 = tpu.memref_slice %arg4[%dma_start3A_1350, %dma_start3A_1351] : memref<100000x128xf32, #tpu.memory_space<hbm>> -> memref<32x128xf32, #tpu.memory_space<hbm>>
      %dma_start3A_1353 = arith.constant 99968 : i32
      %dma_start3A_1354 = arith.constant 0 : i32
      %dma_start3A_1355 = tpu.memref_slice %arg4[%dma_start3A_1353, %dma_start3A_1354] : memref<100000x128xf32, #tpu.memory_space<hbm>> -> memref<32x128xf32, #tpu.memory_space<hbm>>
      %dma_start3A_1356 = arith.constant 0 : i32
      %dma_start3A_1357 = arith.constant 0 : i32
      %dma_start3A_1358 = tpu.memref_slice %arg6[%dma_start3A, %dma_start3A_1356, %dma_start3A_1357] : memref<6x128x128xf32, #tpu.memory_space<vmem>> -> memref<1x32x128xf32, #tpu.memory_space<vmem>>
      %dma_start3A_1359 = tpu.memref_squeeze %dma_start3A_1358 : memref<1x32x128xf32, #tpu.memory_space<vmem>> -> memref<32x128xf32, #tpu.memory_space<vmem>>
      tpu.enqueue_dma source(%dma_start3A_1359 : memref<32x128xf32, #tpu.memory_space<vmem>>) target(%dma_start3A_1355 : memref<32x128xf32, #tpu.memory_space<hbm>>) target_semaphore(%arg17 : memref<!tpu.dma_semaphore, #tpu.memory_space<semaphore_mem>>)
    } else {
    }
    %mul3A_590 = arith.constant 25 : i32
    %mul3A_591 = arith.muli %mul3A_590, %add3A : i32
    %add3A_592 = arith.constant 9 : i32
    %add3A_593 = arith.addi %mul3A_591, %add3A_592 : i32
    %lt3A_594 = arith.constant 781 : i32
    %lt3A_595 = arith.cmpi slt, %add3A_593, %lt3A_594 : i32
    %convert_element_type3A_596 = arith.extui %lt3A_595 : i1 to i32
    %cond3A_597 = arith.constant 0 : i32
    %cond3A_598 = arith.cmpi ne, %convert_element_type3A_596, %cond3A_597 : i32
    scf.if %cond3A_598 {
      %mul3A_1346 = arith.constant 25 : i32
      %mul3A_1347 = arith.muli %mul3A_1346, %add3A : i32
      %add3A_1348 = arith.constant 9 : i32
      %add3A_1349 = arith.addi %mul3A_1347, %add3A_1348 : i32
      %mul3A_1350 = arith.constant 128 : i32
      %mul3A_1351 = arith.muli %add3A_1349, %mul3A_1350 : i32
      %dma_wait3A = arith.constant 3 : i32
      %dma_wait3A_1352 = arith.constant 0 : i32
      %dma_wait3A_1353 = arith.constant 0 : i32
      %dma_wait3A_1354 = tpu.memref_slice %arg6[%dma_wait3A, %dma_wait3A_1352, %dma_wait3A_1353] : memref<6x128x128xf32, #tpu.memory_space<vmem>> -> memref<1x128x128xf32, #tpu.memory_space<vmem>>
      %dma_wait3A_1355 = tpu.memref_squeeze %dma_wait3A_1354 : memref<1x128x128xf32, #tpu.memory_space<vmem>> -> memref<128x128xf32, #tpu.memory_space<vmem>>
      %dma_wait3A_1356 = arith.constant 0 : i32
      %dma_wait3A_1357 = tpu.memref_slice %arg4[%mul3A_1351, %dma_wait3A_1356] : memref<100000x128xf32, #tpu.memory_space<hbm>> -> memref<128x128xf32, #tpu.memory_space<hbm>>
      %dma_wait3A_1358 = arith.constant 0 : i32
      %dma_wait3A_1359 = tpu.memref_slice %arg4[%mul3A_1351, %dma_wait3A_1358] : memref<100000x128xf32, #tpu.memory_space<hbm>> -> memref<128x128xf32, #tpu.memory_space<hbm>>
      %dma_wait3A_1360 = arith.constant 0 : i32
      %dma_wait3A_1361 = arith.constant 0 : i32
      %dma_wait3A_1362 = tpu.memref_slice %arg6[%dma_wait3A, %dma_wait3A_1360, %dma_wait3A_1361] : memref<6x128x128xf32, #tpu.memory_space<vmem>> -> memref<1x128x128xf32, #tpu.memory_space<vmem>>
      %dma_wait3A_1363 = tpu.memref_squeeze %dma_wait3A_1362 : memref<1x128x128xf32, #tpu.memory_space<vmem>> -> memref<128x128xf32, #tpu.memory_space<vmem>>
      tpu.wait_dma2 semaphore(%arg16 : memref<!tpu.dma_semaphore, #tpu.memory_space<semaphore_mem>>) src(%dma_wait3A_1363 : memref<128x128xf32, #tpu.memory_space<vmem>>) dst(%dma_wait3A_1359 : memref<128x128xf32, #tpu.memory_space<hbm>>)
    } else {
    }
    %mul3A_599 = arith.constant 25 : i32
    %mul3A_600 = arith.muli %mul3A_599, %add3A : i32
    %add3A_601 = arith.constant 9 : i32
    %add3A_602 = arith.addi %mul3A_600, %add3A_601 : i32
    %eq3A_603 = arith.constant 781 : i32
    %eq3A_604 = arith.cmpi eq, %add3A_602, %eq3A_603 : i32
    %convert_element_type3A_605 = arith.extui %eq3A_604 : i1 to i32
    %cond3A_606 = arith.constant 0 : i32
    %cond3A_607 = arith.cmpi ne, %convert_element_type3A_605, %cond3A_606 : i32
    scf.if %cond3A_607 {
      %dma_wait3A = arith.constant 3 : i32
      %dma_wait3A_1346 = arith.constant 0 : i32
      %dma_wait3A_1347 = arith.constant 0 : i32
      %dma_wait3A_1348 = tpu.memref_slice %arg6[%dma_wait3A, %dma_wait3A_1346, %dma_wait3A_1347] : memref<6x128x128xf32, #tpu.memory_space<vmem>> -> memref<1x32x128xf32, #tpu.memory_space<vmem>>
      %dma_wait3A_1349 = tpu.memref_squeeze %dma_wait3A_1348 : memref<1x32x128xf32, #tpu.memory_space<vmem>> -> memref<32x128xf32, #tpu.memory_space<vmem>>
      %dma_wait3A_1350 = arith.constant 99968 : i32
      %dma_wait3A_1351 = arith.constant 0 : i32
      %dma_wait3A_1352 = tpu.memref_slice %arg4[%dma_wait3A_1350, %dma_wait3A_1351] : memref<100000x128xf32, #tpu.memory_space<hbm>> -> memref<32x128xf32, #tpu.memory_space<hbm>>
      %dma_wait3A_1353 = arith.constant 99968 : i32
      %dma_wait3A_1354 = arith.constant 0 : i32
      %dma_wait3A_1355 = tpu.memref_slice %arg4[%dma_wait3A_1353, %dma_wait3A_1354] : memref<100000x128xf32, #tpu.memory_space<hbm>> -> memref<32x128xf32, #tpu.memory_space<hbm>>
      %dma_wait3A_1356 = arith.constant 0 : i32
      %dma_wait3A_1357 = arith.constant 0 : i32
      %dma_wait3A_1358 = tpu.memref_slice %arg6[%dma_wait3A, %dma_wait3A_1356, %dma_wait3A_1357] : memref<6x128x128xf32, #tpu.memory_space<vmem>> -> memref<1x32x128xf32, #tpu.memory_space<vmem>>
      %dma_wait3A_1359 = tpu.memref_squeeze %dma_wait3A_1358 : memref<1x32x128xf32, #tpu.memory_space<vmem>> -> memref<32x128xf32, #tpu.memory_space<vmem>>
      tpu.wait_dma2 semaphore(%arg16 : memref<!tpu.dma_semaphore, #tpu.memory_space<semaphore_mem>>) src(%dma_wait3A_1359 : memref<32x128xf32, #tpu.memory_space<vmem>>) dst(%dma_wait3A_1355 : memref<32x128xf32, #tpu.memory_space<hbm>>)
    } else {
    }
    %mul3A_608 = arith.constant 25 : i32
    %mul3A_609 = arith.muli %mul3A_608, %add3A : i32
    %add3A_610 = arith.constant 15 : i32
    %add3A_611 = arith.addi %mul3A_609, %add3A_610 : i32
    %le3A_612 = arith.constant 781 : i32
    %le3A_613 = arith.cmpi sle, %add3A_611, %le3A_612 : i32
    %convert_element_type3A_614 = arith.extui %le3A_613 : i1 to i32
    %cond3A_615 = arith.constant 0 : i32
    %cond3A_616 = arith.cmpi ne, %convert_element_type3A_614, %cond3A_615 : i32
    scf.if %cond3A_616 {
      %dma_start3A = arith.constant 0 : i32
      %dma_start3A_1346 = arith.constant 3 : i32
      %dma_start3A_1347 = arith.constant 0 : i32
      %dma_start3A_1348 = arith.constant 0 : i32
      %dma_start3A_1349 = tpu.memref_slice %arg6[%dma_start3A_1346, %dma_start3A_1347, %dma_start3A_1348] : memref<6x128x128xf32, #tpu.memory_space<vmem>> -> memref<1x128x128xf32, #tpu.memory_space<vmem>>
      %dma_start3A_1350 = tpu.memref_squeeze %dma_start3A_1349 : memref<1x128x128xf32, #tpu.memory_space<vmem>> -> memref<128x128xf32, #tpu.memory_space<vmem>>
      %dma_start3A_1351 = arith.constant 1920 : i32
      %dma_start3A_1352 = tpu.memref_slice %arg5[%dma_start3A, %dma_start3A_1351] : memref<1x4096xi32, #tpu.memory_space<vmem>> -> memref<1x128xi32, #tpu.memory_space<vmem>>
      %dma_start3A_1353 = tpu.memref_squeeze %dma_start3A_1352 : memref<1x128xi32, #tpu.memory_space<vmem>> -> memref<128xi32, #tpu.memory_space<vmem>>
      %dma_start3A_1354 = arith.constant 0 : i32
      %dma_start3A_1355 = arith.constant 0 : i32
      %dma_start3A_1356 = tpu.memref_slice %arg3[%dma_start3A_1354, %dma_start3A_1355] : memref<3808x128xf32, #tpu.memory_space<hbm>> -> memref<3808x128xf32, #tpu.memory_space<hbm>>
      tpu.enqueue_indirect_dma source(%dma_start3A_1356 : memref<3808x128xf32, #tpu.memory_space<hbm>>) target(%dma_start3A_1350 : memref<128x128xf32, #tpu.memory_space<vmem>>) offsets(%dma_start3A_1353 : memref<128xi32, #tpu.memory_space<vmem>>) semaphore(%arg10 : memref<!tpu.dma_semaphore, #tpu.memory_space<semaphore_mem>>)
    } else {
    }
    %mul3A_617 = arith.constant 25 : i32
    %mul3A_618 = arith.muli %mul3A_617, %add3A : i32
    %add3A_619 = arith.constant 11 : i32
    %add3A_620 = arith.addi %mul3A_618, %add3A_619 : i32
    %le3A_621 = arith.constant 781 : i32
    %le3A_622 = arith.cmpi sle, %add3A_620, %le3A_621 : i32
    %convert_element_type3A_623 = arith.extui %le3A_622 : i1 to i32
    %cond3A_624 = arith.constant 0 : i32
    %cond3A_625 = arith.cmpi ne, %convert_element_type3A_623, %cond3A_624 : i32
    scf.if %cond3A_625 {
      %dma_wait3A = arith.constant 0 : i32
      %dma_wait3A_1346 = arith.constant 5 : i32
      %dma_wait3A_1347 = arith.constant 0 : i32
      %dma_wait3A_1348 = arith.constant 0 : i32
      %dma_wait3A_1349 = tpu.memref_slice %arg6[%dma_wait3A_1346, %dma_wait3A_1347, %dma_wait3A_1348] : memref<6x128x128xf32, #tpu.memory_space<vmem>> -> memref<1x128x128xf32, #tpu.memory_space<vmem>>
      %dma_wait3A_1350 = tpu.memref_squeeze %dma_wait3A_1349 : memref<1x128x128xf32, #tpu.memory_space<vmem>> -> memref<128x128xf32, #tpu.memory_space<vmem>>
      %dma_wait3A_1351 = arith.constant 1408 : i32
      %dma_wait3A_1352 = tpu.memref_slice %arg5[%dma_wait3A, %dma_wait3A_1351] : memref<1x4096xi32, #tpu.memory_space<vmem>> -> memref<1x128xi32, #tpu.memory_space<vmem>>
      %dma_wait3A_1353 = tpu.memref_squeeze %dma_wait3A_1352 : memref<1x128xi32, #tpu.memory_space<vmem>> -> memref<128xi32, #tpu.memory_space<vmem>>
      %dma_wait3A_1354 = arith.constant 0 : i32
      %dma_wait3A_1355 = arith.constant 0 : i32
      %dma_wait3A_1356 = tpu.memref_slice %arg3[%dma_wait3A_1354, %dma_wait3A_1355] : memref<3808x128xf32, #tpu.memory_space<hbm>> -> memref<3808x128xf32, #tpu.memory_space<hbm>>
      tpu.wait_indirect_dma semaphore(%arg12 : memref<!tpu.dma_semaphore, #tpu.memory_space<semaphore_mem>>) src(%dma_wait3A_1356 : memref<3808x128xf32, #tpu.memory_space<hbm>>) dst(%dma_wait3A_1350 : memref<128x128xf32, #tpu.memory_space<vmem>>)
    } else {
    }
    %mul3A_626 = arith.constant 25 : i32
    %mul3A_627 = arith.muli %mul3A_626, %add3A : i32
    %add3A_628 = arith.constant 11 : i32
    %add3A_629 = arith.addi %mul3A_627, %add3A_628 : i32
    %lt3A_630 = arith.constant 781 : i32
    %lt3A_631 = arith.cmpi slt, %add3A_629, %lt3A_630 : i32
    %convert_element_type3A_632 = arith.extui %lt3A_631 : i1 to i32
    %cond3A_633 = arith.constant 0 : i32
    %cond3A_634 = arith.cmpi ne, %convert_element_type3A_632, %cond3A_633 : i32
    scf.if %cond3A_634 {
      %mul3A_1346 = arith.constant 25 : i32
      %mul3A_1347 = arith.muli %mul3A_1346, %add3A : i32
      %add3A_1348 = arith.constant 11 : i32
      %add3A_1349 = arith.addi %mul3A_1347, %add3A_1348 : i32
      %mul3A_1350 = arith.constant 128 : i32
      %mul3A_1351 = arith.muli %add3A_1349, %mul3A_1350 : i32
      %dma_start3A = arith.constant 5 : i32
      %dma_start3A_1352 = arith.constant 0 : i32
      %dma_start3A_1353 = arith.constant 0 : i32
      %dma_start3A_1354 = tpu.memref_slice %arg6[%dma_start3A, %dma_start3A_1352, %dma_start3A_1353] : memref<6x128x128xf32, #tpu.memory_space<vmem>> -> memref<1x128x128xf32, #tpu.memory_space<vmem>>
      %dma_start3A_1355 = tpu.memref_squeeze %dma_start3A_1354 : memref<1x128x128xf32, #tpu.memory_space<vmem>> -> memref<128x128xf32, #tpu.memory_space<vmem>>
      %dma_start3A_1356 = arith.constant 0 : i32
      %dma_start3A_1357 = tpu.memref_slice %arg4[%mul3A_1351, %dma_start3A_1356] : memref<100000x128xf32, #tpu.memory_space<hbm>> -> memref<128x128xf32, #tpu.memory_space<hbm>>
      %dma_start3A_1358 = arith.constant 0 : i32
      %dma_start3A_1359 = tpu.memref_slice %arg4[%mul3A_1351, %dma_start3A_1358] : memref<100000x128xf32, #tpu.memory_space<hbm>> -> memref<128x128xf32, #tpu.memory_space<hbm>>
      %dma_start3A_1360 = arith.constant 0 : i32
      %dma_start3A_1361 = arith.constant 0 : i32
      %dma_start3A_1362 = tpu.memref_slice %arg6[%dma_start3A, %dma_start3A_1360, %dma_start3A_1361] : memref<6x128x128xf32, #tpu.memory_space<vmem>> -> memref<1x128x128xf32, #tpu.memory_space<vmem>>
      %dma_start3A_1363 = tpu.memref_squeeze %dma_start3A_1362 : memref<1x128x128xf32, #tpu.memory_space<vmem>> -> memref<128x128xf32, #tpu.memory_space<vmem>>
      tpu.enqueue_dma source(%dma_start3A_1363 : memref<128x128xf32, #tpu.memory_space<vmem>>) target(%dma_start3A_1359 : memref<128x128xf32, #tpu.memory_space<hbm>>) target_semaphore(%arg18 : memref<!tpu.dma_semaphore, #tpu.memory_space<semaphore_mem>>)
    } else {
    }
    %mul3A_635 = arith.constant 25 : i32
    %mul3A_636 = arith.muli %mul3A_635, %add3A : i32
    %add3A_637 = arith.constant 11 : i32
    %add3A_638 = arith.addi %mul3A_636, %add3A_637 : i32
    %eq3A_639 = arith.constant 781 : i32
    %eq3A_640 = arith.cmpi eq, %add3A_638, %eq3A_639 : i32
    %convert_element_type3A_641 = arith.extui %eq3A_640 : i1 to i32
    %cond3A_642 = arith.constant 0 : i32
    %cond3A_643 = arith.cmpi ne, %convert_element_type3A_641, %cond3A_642 : i32
    scf.if %cond3A_643 {
      %dma_start3A = arith.constant 5 : i32
      %dma_start3A_1346 = arith.constant 0 : i32
      %dma_start3A_1347 = arith.constant 0 : i32
      %dma_start3A_1348 = tpu.memref_slice %arg6[%dma_start3A, %dma_start3A_1346, %dma_start3A_1347] : memref<6x128x128xf32, #tpu.memory_space<vmem>> -> memref<1x32x128xf32, #tpu.memory_space<vmem>>
      %dma_start3A_1349 = tpu.memref_squeeze %dma_start3A_1348 : memref<1x32x128xf32, #tpu.memory_space<vmem>> -> memref<32x128xf32, #tpu.memory_space<vmem>>
      %dma_start3A_1350 = arith.constant 99968 : i32
      %dma_start3A_1351 = arith.constant 0 : i32
      %dma_start3A_1352 = tpu.memref_slice %arg4[%dma_start3A_1350, %dma_start3A_1351] : memref<100000x128xf32, #tpu.memory_space<hbm>> -> memref<32x128xf32, #tpu.memory_space<hbm>>
      %dma_start3A_1353 = arith.constant 99968 : i32
      %dma_start3A_1354 = arith.constant 0 : i32
      %dma_start3A_1355 = tpu.memref_slice %arg4[%dma_start3A_1353, %dma_start3A_1354] : memref<100000x128xf32, #tpu.memory_space<hbm>> -> memref<32x128xf32, #tpu.memory_space<hbm>>
      %dma_start3A_1356 = arith.constant 0 : i32
      %dma_start3A_1357 = arith.constant 0 : i32
      %dma_start3A_1358 = tpu.memref_slice %arg6[%dma_start3A, %dma_start3A_1356, %dma_start3A_1357] : memref<6x128x128xf32, #tpu.memory_space<vmem>> -> memref<1x32x128xf32, #tpu.memory_space<vmem>>
      %dma_start3A_1359 = tpu.memref_squeeze %dma_start3A_1358 : memref<1x32x128xf32, #tpu.memory_space<vmem>> -> memref<32x128xf32, #tpu.memory_space<vmem>>
      tpu.enqueue_dma source(%dma_start3A_1359 : memref<32x128xf32, #tpu.memory_space<vmem>>) target(%dma_start3A_1355 : memref<32x128xf32, #tpu.memory_space<hbm>>) target_semaphore(%arg18 : memref<!tpu.dma_semaphore, #tpu.memory_space<semaphore_mem>>)
    } else {
    }
    %mul3A_644 = arith.constant 25 : i32
    %mul3A_645 = arith.muli %mul3A_644, %add3A : i32
    %add3A_646 = arith.constant 10 : i32
    %add3A_647 = arith.addi %mul3A_645, %add3A_646 : i32
    %lt3A_648 = arith.constant 781 : i32
    %lt3A_649 = arith.cmpi slt, %add3A_647, %lt3A_648 : i32
    %convert_element_type3A_650 = arith.extui %lt3A_649 : i1 to i32
    %cond3A_651 = arith.constant 0 : i32
    %cond3A_652 = arith.cmpi ne, %convert_element_type3A_650, %cond3A_651 : i32
    scf.if %cond3A_652 {
      %mul3A_1346 = arith.constant 25 : i32
      %mul3A_1347 = arith.muli %mul3A_1346, %add3A : i32
      %add3A_1348 = arith.constant 10 : i32
      %add3A_1349 = arith.addi %mul3A_1347, %add3A_1348 : i32
      %mul3A_1350 = arith.constant 128 : i32
      %mul3A_1351 = arith.muli %add3A_1349, %mul3A_1350 : i32
      %dma_wait3A = arith.constant 4 : i32
      %dma_wait3A_1352 = arith.constant 0 : i32
      %dma_wait3A_1353 = arith.constant 0 : i32
      %dma_wait3A_1354 = tpu.memref_slice %arg6[%dma_wait3A, %dma_wait3A_1352, %dma_wait3A_1353] : memref<6x128x128xf32, #tpu.memory_space<vmem>> -> memref<1x128x128xf32, #tpu.memory_space<vmem>>
      %dma_wait3A_1355 = tpu.memref_squeeze %dma_wait3A_1354 : memref<1x128x128xf32, #tpu.memory_space<vmem>> -> memref<128x128xf32, #tpu.memory_space<vmem>>
      %dma_wait3A_1356 = arith.constant 0 : i32
      %dma_wait3A_1357 = tpu.memref_slice %arg4[%mul3A_1351, %dma_wait3A_1356] : memref<100000x128xf32, #tpu.memory_space<hbm>> -> memref<128x128xf32, #tpu.memory_space<hbm>>
      %dma_wait3A_1358 = arith.constant 0 : i32
      %dma_wait3A_1359 = tpu.memref_slice %arg4[%mul3A_1351, %dma_wait3A_1358] : memref<100000x128xf32, #tpu.memory_space<hbm>> -> memref<128x128xf32, #tpu.memory_space<hbm>>
      %dma_wait3A_1360 = arith.constant 0 : i32
      %dma_wait3A_1361 = arith.constant 0 : i32
      %dma_wait3A_1362 = tpu.memref_slice %arg6[%dma_wait3A, %dma_wait3A_1360, %dma_wait3A_1361] : memref<6x128x128xf32, #tpu.memory_space<vmem>> -> memref<1x128x128xf32, #tpu.memory_space<vmem>>
      %dma_wait3A_1363 = tpu.memref_squeeze %dma_wait3A_1362 : memref<1x128x128xf32, #tpu.memory_space<vmem>> -> memref<128x128xf32, #tpu.memory_space<vmem>>
      tpu.wait_dma2 semaphore(%arg17 : memref<!tpu.dma_semaphore, #tpu.memory_space<semaphore_mem>>) src(%dma_wait3A_1363 : memref<128x128xf32, #tpu.memory_space<vmem>>) dst(%dma_wait3A_1359 : memref<128x128xf32, #tpu.memory_space<hbm>>)
    } else {
    }
    %mul3A_653 = arith.constant 25 : i32
    %mul3A_654 = arith.muli %mul3A_653, %add3A : i32
    %add3A_655 = arith.constant 10 : i32
    %add3A_656 = arith.addi %mul3A_654, %add3A_655 : i32
    %eq3A_657 = arith.constant 781 : i32
    %eq3A_658 = arith.cmpi eq, %add3A_656, %eq3A_657 : i32
    %convert_element_type3A_659 = arith.extui %eq3A_658 : i1 to i32
    %cond3A_660 = arith.constant 0 : i32
    %cond3A_661 = arith.cmpi ne, %convert_element_type3A_659, %cond3A_660 : i32
    scf.if %cond3A_661 {
      %dma_wait3A = arith.constant 4 : i32
      %dma_wait3A_1346 = arith.constant 0 : i32
      %dma_wait3A_1347 = arith.constant 0 : i32
      %dma_wait3A_1348 = tpu.memref_slice %arg6[%dma_wait3A, %dma_wait3A_1346, %dma_wait3A_1347] : memref<6x128x128xf32, #tpu.memory_space<vmem>> -> memref<1x32x128xf32, #tpu.memory_space<vmem>>
      %dma_wait3A_1349 = tpu.memref_squeeze %dma_wait3A_1348 : memref<1x32x128xf32, #tpu.memory_space<vmem>> -> memref<32x128xf32, #tpu.memory_space<vmem>>
      %dma_wait3A_1350 = arith.constant 99968 : i32
      %dma_wait3A_1351 = arith.constant 0 : i32
      %dma_wait3A_1352 = tpu.memref_slice %arg4[%dma_wait3A_1350, %dma_wait3A_1351] : memref<100000x128xf32, #tpu.memory_space<hbm>> -> memref<32x128xf32, #tpu.memory_space<hbm>>
      %dma_wait3A_1353 = arith.constant 99968 : i32
      %dma_wait3A_1354 = arith.constant 0 : i32
      %dma_wait3A_1355 = tpu.memref_slice %arg4[%dma_wait3A_1353, %dma_wait3A_1354] : memref<100000x128xf32, #tpu.memory_space<hbm>> -> memref<32x128xf32, #tpu.memory_space<hbm>>
      %dma_wait3A_1356 = arith.constant 0 : i32
      %dma_wait3A_1357 = arith.constant 0 : i32
      %dma_wait3A_1358 = tpu.memref_slice %arg6[%dma_wait3A, %dma_wait3A_1356, %dma_wait3A_1357] : memref<6x128x128xf32, #tpu.memory_space<vmem>> -> memref<1x32x128xf32, #tpu.memory_space<vmem>>
      %dma_wait3A_1359 = tpu.memref_squeeze %dma_wait3A_1358 : memref<1x32x128xf32, #tpu.memory_space<vmem>> -> memref<32x128xf32, #tpu.memory_space<vmem>>
      tpu.wait_dma2 semaphore(%arg17 : memref<!tpu.dma_semaphore, #tpu.memory_space<semaphore_mem>>) src(%dma_wait3A_1359 : memref<32x128xf32, #tpu.memory_space<vmem>>) dst(%dma_wait3A_1355 : memref<32x128xf32, #tpu.memory_space<hbm>>)
    } else {
    }
    %mul3A_662 = arith.constant 25 : i32
    %mul3A_663 = arith.muli %mul3A_662, %add3A : i32
    %add3A_664 = arith.constant 16 : i32
    %add3A_665 = arith.addi %mul3A_663, %add3A_664 : i32
    %le3A_666 = arith.constant 781 : i32
    %le3A_667 = arith.cmpi sle, %add3A_665, %le3A_666 : i32
    %convert_element_type3A_668 = arith.extui %le3A_667 : i1 to i32
    %cond3A_669 = arith.constant 0 : i32
    %cond3A_670 = arith.cmpi ne, %convert_element_type3A_668, %cond3A_669 : i32
    scf.if %cond3A_670 {
      %dma_start3A = arith.constant 0 : i32
      %dma_start3A_1346 = arith.constant 4 : i32
      %dma_start3A_1347 = arith.constant 0 : i32
      %dma_start3A_1348 = arith.constant 0 : i32
      %dma_start3A_1349 = tpu.memref_slice %arg6[%dma_start3A_1346, %dma_start3A_1347, %dma_start3A_1348] : memref<6x128x128xf32, #tpu.memory_space<vmem>> -> memref<1x128x128xf32, #tpu.memory_space<vmem>>
      %dma_start3A_1350 = tpu.memref_squeeze %dma_start3A_1349 : memref<1x128x128xf32, #tpu.memory_space<vmem>> -> memref<128x128xf32, #tpu.memory_space<vmem>>
      %dma_start3A_1351 = arith.constant 2048 : i32
      %dma_start3A_1352 = tpu.memref_slice %arg5[%dma_start3A, %dma_start3A_1351] : memref<1x4096xi32, #tpu.memory_space<vmem>> -> memref<1x128xi32, #tpu.memory_space<vmem>>
      %dma_start3A_1353 = tpu.memref_squeeze %dma_start3A_1352 : memref<1x128xi32, #tpu.memory_space<vmem>> -> memref<128xi32, #tpu.memory_space<vmem>>
      %dma_start3A_1354 = arith.constant 0 : i32
      %dma_start3A_1355 = arith.constant 0 : i32
      %dma_start3A_1356 = tpu.memref_slice %arg3[%dma_start3A_1354, %dma_start3A_1355] : memref<3808x128xf32, #tpu.memory_space<hbm>> -> memref<3808x128xf32, #tpu.memory_space<hbm>>
      tpu.enqueue_indirect_dma source(%dma_start3A_1356 : memref<3808x128xf32, #tpu.memory_space<hbm>>) target(%dma_start3A_1350 : memref<128x128xf32, #tpu.memory_space<vmem>>) offsets(%dma_start3A_1353 : memref<128xi32, #tpu.memory_space<vmem>>) semaphore(%arg11 : memref<!tpu.dma_semaphore, #tpu.memory_space<semaphore_mem>>)
    } else {
    }
    %mul3A_671 = arith.constant 25 : i32
    %mul3A_672 = arith.muli %mul3A_671, %add3A : i32
    %add3A_673 = arith.constant 12 : i32
    %add3A_674 = arith.addi %mul3A_672, %add3A_673 : i32
    %le3A_675 = arith.constant 781 : i32
    %le3A_676 = arith.cmpi sle, %add3A_674, %le3A_675 : i32
    %convert_element_type3A_677 = arith.extui %le3A_676 : i1 to i32
    %cond3A_678 = arith.constant 0 : i32
    %cond3A_679 = arith.cmpi ne, %convert_element_type3A_677, %cond3A_678 : i32
    scf.if %cond3A_679 {
      %dma_wait3A = arith.constant 0 : i32
      %dma_wait3A_1346 = arith.constant 0 : i32
      %dma_wait3A_1347 = arith.constant 0 : i32
      %dma_wait3A_1348 = arith.constant 0 : i32
      %dma_wait3A_1349 = tpu.memref_slice %arg6[%dma_wait3A_1346, %dma_wait3A_1347, %dma_wait3A_1348] : memref<6x128x128xf32, #tpu.memory_space<vmem>> -> memref<1x128x128xf32, #tpu.memory_space<vmem>>
      %dma_wait3A_1350 = tpu.memref_squeeze %dma_wait3A_1349 : memref<1x128x128xf32, #tpu.memory_space<vmem>> -> memref<128x128xf32, #tpu.memory_space<vmem>>
      %dma_wait3A_1351 = arith.constant 1536 : i32
      %dma_wait3A_1352 = tpu.memref_slice %arg5[%dma_wait3A, %dma_wait3A_1351] : memref<1x4096xi32, #tpu.memory_space<vmem>> -> memref<1x128xi32, #tpu.memory_space<vmem>>
      %dma_wait3A_1353 = tpu.memref_squeeze %dma_wait3A_1352 : memref<1x128xi32, #tpu.memory_space<vmem>> -> memref<128xi32, #tpu.memory_space<vmem>>
      %dma_wait3A_1354 = arith.constant 0 : i32
      %dma_wait3A_1355 = arith.constant 0 : i32
      %dma_wait3A_1356 = tpu.memref_slice %arg3[%dma_wait3A_1354, %dma_wait3A_1355] : memref<3808x128xf32, #tpu.memory_space<hbm>> -> memref<3808x128xf32, #tpu.memory_space<hbm>>
      tpu.wait_indirect_dma semaphore(%arg7 : memref<!tpu.dma_semaphore, #tpu.memory_space<semaphore_mem>>) src(%dma_wait3A_1356 : memref<3808x128xf32, #tpu.memory_space<hbm>>) dst(%dma_wait3A_1350 : memref<128x128xf32, #tpu.memory_space<vmem>>)
    } else {
    }
    %mul3A_680 = arith.constant 25 : i32
    %mul3A_681 = arith.muli %mul3A_680, %add3A : i32
    %add3A_682 = arith.constant 12 : i32
    %add3A_683 = arith.addi %mul3A_681, %add3A_682 : i32
    %lt3A_684 = arith.constant 781 : i32
    %lt3A_685 = arith.cmpi slt, %add3A_683, %lt3A_684 : i32
    %convert_element_type3A_686 = arith.extui %lt3A_685 : i1 to i32
    %cond3A_687 = arith.constant 0 : i32
    %cond3A_688 = arith.cmpi ne, %convert_element_type3A_686, %cond3A_687 : i32
    scf.if %cond3A_688 {
      %mul3A_1346 = arith.constant 25 : i32
      %mul3A_1347 = arith.muli %mul3A_1346, %add3A : i32
      %add3A_1348 = arith.constant 12 : i32
      %add3A_1349 = arith.addi %mul3A_1347, %add3A_1348 : i32
      %mul3A_1350 = arith.constant 128 : i32
      %mul3A_1351 = arith.muli %add3A_1349, %mul3A_1350 : i32
      %dma_start3A = arith.constant 0 : i32
      %dma_start3A_1352 = arith.constant 0 : i32
      %dma_start3A_1353 = arith.constant 0 : i32
      %dma_start3A_1354 = tpu.memref_slice %arg6[%dma_start3A, %dma_start3A_1352, %dma_start3A_1353] : memref<6x128x128xf32, #tpu.memory_space<vmem>> -> memref<1x128x128xf32, #tpu.memory_space<vmem>>
      %dma_start3A_1355 = tpu.memref_squeeze %dma_start3A_1354 : memref<1x128x128xf32, #tpu.memory_space<vmem>> -> memref<128x128xf32, #tpu.memory_space<vmem>>
      %dma_start3A_1356 = arith.constant 0 : i32
      %dma_start3A_1357 = tpu.memref_slice %arg4[%mul3A_1351, %dma_start3A_1356] : memref<100000x128xf32, #tpu.memory_space<hbm>> -> memref<128x128xf32, #tpu.memory_space<hbm>>
      %dma_start3A_1358 = arith.constant 0 : i32
      %dma_start3A_1359 = tpu.memref_slice %arg4[%mul3A_1351, %dma_start3A_1358] : memref<100000x128xf32, #tpu.memory_space<hbm>> -> memref<128x128xf32, #tpu.memory_space<hbm>>
      %dma_start3A_1360 = arith.constant 0 : i32
      %dma_start3A_1361 = arith.constant 0 : i32
      %dma_start3A_1362 = tpu.memref_slice %arg6[%dma_start3A, %dma_start3A_1360, %dma_start3A_1361] : memref<6x128x128xf32, #tpu.memory_space<vmem>> -> memref<1x128x128xf32, #tpu.memory_space<vmem>>
      %dma_start3A_1363 = tpu.memref_squeeze %dma_start3A_1362 : memref<1x128x128xf32, #tpu.memory_space<vmem>> -> memref<128x128xf32, #tpu.memory_space<vmem>>
      tpu.enqueue_dma source(%dma_start3A_1363 : memref<128x128xf32, #tpu.memory_space<vmem>>) target(%dma_start3A_1359 : memref<128x128xf32, #tpu.memory_space<hbm>>) target_semaphore(%arg13 : memref<!tpu.dma_semaphore, #tpu.memory_space<semaphore_mem>>)
    } else {
    }
    %mul3A_689 = arith.constant 25 : i32
    %mul3A_690 = arith.muli %mul3A_689, %add3A : i32
    %add3A_691 = arith.constant 12 : i32
    %add3A_692 = arith.addi %mul3A_690, %add3A_691 : i32
    %eq3A_693 = arith.constant 781 : i32
    %eq3A_694 = arith.cmpi eq, %add3A_692, %eq3A_693 : i32
    %convert_element_type3A_695 = arith.extui %eq3A_694 : i1 to i32
    %cond3A_696 = arith.constant 0 : i32
    %cond3A_697 = arith.cmpi ne, %convert_element_type3A_695, %cond3A_696 : i32
    scf.if %cond3A_697 {
      %dma_start3A = arith.constant 0 : i32
      %dma_start3A_1346 = arith.constant 0 : i32
      %dma_start3A_1347 = arith.constant 0 : i32
      %dma_start3A_1348 = tpu.memref_slice %arg6[%dma_start3A, %dma_start3A_1346, %dma_start3A_1347] : memref<6x128x128xf32, #tpu.memory_space<vmem>> -> memref<1x32x128xf32, #tpu.memory_space<vmem>>
      %dma_start3A_1349 = tpu.memref_squeeze %dma_start3A_1348 : memref<1x32x128xf32, #tpu.memory_space<vmem>> -> memref<32x128xf32, #tpu.memory_space<vmem>>
      %dma_start3A_1350 = arith.constant 99968 : i32
      %dma_start3A_1351 = arith.constant 0 : i32
      %dma_start3A_1352 = tpu.memref_slice %arg4[%dma_start3A_1350, %dma_start3A_1351] : memref<100000x128xf32, #tpu.memory_space<hbm>> -> memref<32x128xf32, #tpu.memory_space<hbm>>
      %dma_start3A_1353 = arith.constant 99968 : i32
      %dma_start3A_1354 = arith.constant 0 : i32
      %dma_start3A_1355 = tpu.memref_slice %arg4[%dma_start3A_1353, %dma_start3A_1354] : memref<100000x128xf32, #tpu.memory_space<hbm>> -> memref<32x128xf32, #tpu.memory_space<hbm>>
      %dma_start3A_1356 = arith.constant 0 : i32
      %dma_start3A_1357 = arith.constant 0 : i32
      %dma_start3A_1358 = tpu.memref_slice %arg6[%dma_start3A, %dma_start3A_1356, %dma_start3A_1357] : memref<6x128x128xf32, #tpu.memory_space<vmem>> -> memref<1x32x128xf32, #tpu.memory_space<vmem>>
      %dma_start3A_1359 = tpu.memref_squeeze %dma_start3A_1358 : memref<1x32x128xf32, #tpu.memory_space<vmem>> -> memref<32x128xf32, #tpu.memory_space<vmem>>
      tpu.enqueue_dma source(%dma_start3A_1359 : memref<32x128xf32, #tpu.memory_space<vmem>>) target(%dma_start3A_1355 : memref<32x128xf32, #tpu.memory_space<hbm>>) target_semaphore(%arg13 : memref<!tpu.dma_semaphore, #tpu.memory_space<semaphore_mem>>)
    } else {
    }
    %mul3A_698 = arith.constant 25 : i32
    %mul3A_699 = arith.muli %mul3A_698, %add3A : i32
    %add3A_700 = arith.constant 11 : i32
    %add3A_701 = arith.addi %mul3A_699, %add3A_700 : i32
    %lt3A_702 = arith.constant 781 : i32
    %lt3A_703 = arith.cmpi slt, %add3A_701, %lt3A_702 : i32
    %convert_element_type3A_704 = arith.extui %lt3A_703 : i1 to i32
    %cond3A_705 = arith.constant 0 : i32
    %cond3A_706 = arith.cmpi ne, %convert_element_type3A_704, %cond3A_705 : i32
    scf.if %cond3A_706 {
      %mul3A_1346 = arith.constant 25 : i32
      %mul3A_1347 = arith.muli %mul3A_1346, %add3A : i32
      %add3A_1348 = arith.constant 11 : i32
      %add3A_1349 = arith.addi %mul3A_1347, %add3A_1348 : i32
      %mul3A_1350 = arith.constant 128 : i32
      %mul3A_1351 = arith.muli %add3A_1349, %mul3A_1350 : i32
      %dma_wait3A = arith.constant 5 : i32
      %dma_wait3A_1352 = arith.constant 0 : i32
      %dma_wait3A_1353 = arith.constant 0 : i32
      %dma_wait3A_1354 = tpu.memref_slice %arg6[%dma_wait3A, %dma_wait3A_1352, %dma_wait3A_1353] : memref<6x128x128xf32, #tpu.memory_space<vmem>> -> memref<1x128x128xf32, #tpu.memory_space<vmem>>
      %dma_wait3A_1355 = tpu.memref_squeeze %dma_wait3A_1354 : memref<1x128x128xf32, #tpu.memory_space<vmem>> -> memref<128x128xf32, #tpu.memory_space<vmem>>
      %dma_wait3A_1356 = arith.constant 0 : i32
      %dma_wait3A_1357 = tpu.memref_slice %arg4[%mul3A_1351, %dma_wait3A_1356] : memref<100000x128xf32, #tpu.memory_space<hbm>> -> memref<128x128xf32, #tpu.memory_space<hbm>>
      %dma_wait3A_1358 = arith.constant 0 : i32
      %dma_wait3A_1359 = tpu.memref_slice %arg4[%mul3A_1351, %dma_wait3A_1358] : memref<100000x128xf32, #tpu.memory_space<hbm>> -> memref<128x128xf32, #tpu.memory_space<hbm>>
      %dma_wait3A_1360 = arith.constant 0 : i32
      %dma_wait3A_1361 = arith.constant 0 : i32
      %dma_wait3A_1362 = tpu.memref_slice %arg6[%dma_wait3A, %dma_wait3A_1360, %dma_wait3A_1361] : memref<6x128x128xf32, #tpu.memory_space<vmem>> -> memref<1x128x128xf32, #tpu.memory_space<vmem>>
      %dma_wait3A_1363 = tpu.memref_squeeze %dma_wait3A_1362 : memref<1x128x128xf32, #tpu.memory_space<vmem>> -> memref<128x128xf32, #tpu.memory_space<vmem>>
      tpu.wait_dma2 semaphore(%arg18 : memref<!tpu.dma_semaphore, #tpu.memory_space<semaphore_mem>>) src(%dma_wait3A_1363 : memref<128x128xf32, #tpu.memory_space<vmem>>) dst(%dma_wait3A_1359 : memref<128x128xf32, #tpu.memory_space<hbm>>)
    } else {
    }
    %mul3A_707 = arith.constant 25 : i32
    %mul3A_708 = arith.muli %mul3A_707, %add3A : i32
    %add3A_709 = arith.constant 11 : i32
    %add3A_710 = arith.addi %mul3A_708, %add3A_709 : i32
    %eq3A_711 = arith.constant 781 : i32
    %eq3A_712 = arith.cmpi eq, %add3A_710, %eq3A_711 : i32
    %convert_element_type3A_713 = arith.extui %eq3A_712 : i1 to i32
    %cond3A_714 = arith.constant 0 : i32
    %cond3A_715 = arith.cmpi ne, %convert_element_type3A_713, %cond3A_714 : i32
    scf.if %cond3A_715 {
      %dma_wait3A = arith.constant 5 : i32
      %dma_wait3A_1346 = arith.constant 0 : i32
      %dma_wait3A_1347 = arith.constant 0 : i32
      %dma_wait3A_1348 = tpu.memref_slice %arg6[%dma_wait3A, %dma_wait3A_1346, %dma_wait3A_1347] : memref<6x128x128xf32, #tpu.memory_space<vmem>> -> memref<1x32x128xf32, #tpu.memory_space<vmem>>
      %dma_wait3A_1349 = tpu.memref_squeeze %dma_wait3A_1348 : memref<1x32x128xf32, #tpu.memory_space<vmem>> -> memref<32x128xf32, #tpu.memory_space<vmem>>
      %dma_wait3A_1350 = arith.constant 99968 : i32
      %dma_wait3A_1351 = arith.constant 0 : i32
      %dma_wait3A_1352 = tpu.memref_slice %arg4[%dma_wait3A_1350, %dma_wait3A_1351] : memref<100000x128xf32, #tpu.memory_space<hbm>> -> memref<32x128xf32, #tpu.memory_space<hbm>>
      %dma_wait3A_1353 = arith.constant 99968 : i32
      %dma_wait3A_1354 = arith.constant 0 : i32
      %dma_wait3A_1355 = tpu.memref_slice %arg4[%dma_wait3A_1353, %dma_wait3A_1354] : memref<100000x128xf32, #tpu.memory_space<hbm>> -> memref<32x128xf32, #tpu.memory_space<hbm>>
      %dma_wait3A_1356 = arith.constant 0 : i32
      %dma_wait3A_1357 = arith.constant 0 : i32
      %dma_wait3A_1358 = tpu.memref_slice %arg6[%dma_wait3A, %dma_wait3A_1356, %dma_wait3A_1357] : memref<6x128x128xf32, #tpu.memory_space<vmem>> -> memref<1x32x128xf32, #tpu.memory_space<vmem>>
      %dma_wait3A_1359 = tpu.memref_squeeze %dma_wait3A_1358 : memref<1x32x128xf32, #tpu.memory_space<vmem>> -> memref<32x128xf32, #tpu.memory_space<vmem>>
      tpu.wait_dma2 semaphore(%arg18 : memref<!tpu.dma_semaphore, #tpu.memory_space<semaphore_mem>>) src(%dma_wait3A_1359 : memref<32x128xf32, #tpu.memory_space<vmem>>) dst(%dma_wait3A_1355 : memref<32x128xf32, #tpu.memory_space<hbm>>)
    } else {
    }
    %mul3A_716 = arith.constant 25 : i32
    %mul3A_717 = arith.muli %mul3A_716, %add3A : i32
    %add3A_718 = arith.constant 17 : i32
    %add3A_719 = arith.addi %mul3A_717, %add3A_718 : i32
    %le3A_720 = arith.constant 781 : i32
    %le3A_721 = arith.cmpi sle, %add3A_719, %le3A_720 : i32
    %convert_element_type3A_722 = arith.extui %le3A_721 : i1 to i32
    %cond3A_723 = arith.constant 0 : i32
    %cond3A_724 = arith.cmpi ne, %convert_element_type3A_722, %cond3A_723 : i32
    scf.if %cond3A_724 {
      %dma_start3A = arith.constant 0 : i32
      %dma_start3A_1346 = arith.constant 5 : i32
      %dma_start3A_1347 = arith.constant 0 : i32
      %dma_start3A_1348 = arith.constant 0 : i32
      %dma_start3A_1349 = tpu.memref_slice %arg6[%dma_start3A_1346, %dma_start3A_1347, %dma_start3A_1348] : memref<6x128x128xf32, #tpu.memory_space<vmem>> -> memref<1x128x128xf32, #tpu.memory_space<vmem>>
      %dma_start3A_1350 = tpu.memref_squeeze %dma_start3A_1349 : memref<1x128x128xf32, #tpu.memory_space<vmem>> -> memref<128x128xf32, #tpu.memory_space<vmem>>
      %dma_start3A_1351 = arith.constant 2176 : i32
      %dma_start3A_1352 = tpu.memref_slice %arg5[%dma_start3A, %dma_start3A_1351] : memref<1x4096xi32, #tpu.memory_space<vmem>> -> memref<1x128xi32, #tpu.memory_space<vmem>>
      %dma_start3A_1353 = tpu.memref_squeeze %dma_start3A_1352 : memref<1x128xi32, #tpu.memory_space<vmem>> -> memref<128xi32, #tpu.memory_space<vmem>>
      %dma_start3A_1354 = arith.constant 0 : i32
      %dma_start3A_1355 = arith.constant 0 : i32
      %dma_start3A_1356 = tpu.memref_slice %arg3[%dma_start3A_1354, %dma_start3A_1355] : memref<3808x128xf32, #tpu.memory_space<hbm>> -> memref<3808x128xf32, #tpu.memory_space<hbm>>
      tpu.enqueue_indirect_dma source(%dma_start3A_1356 : memref<3808x128xf32, #tpu.memory_space<hbm>>) target(%dma_start3A_1350 : memref<128x128xf32, #tpu.memory_space<vmem>>) offsets(%dma_start3A_1353 : memref<128xi32, #tpu.memory_space<vmem>>) semaphore(%arg12 : memref<!tpu.dma_semaphore, #tpu.memory_space<semaphore_mem>>)
    } else {
    }
    %mul3A_725 = arith.constant 25 : i32
    %mul3A_726 = arith.muli %mul3A_725, %add3A : i32
    %add3A_727 = arith.constant 13 : i32
    %add3A_728 = arith.addi %mul3A_726, %add3A_727 : i32
    %le3A_729 = arith.constant 781 : i32
    %le3A_730 = arith.cmpi sle, %add3A_728, %le3A_729 : i32
    %convert_element_type3A_731 = arith.extui %le3A_730 : i1 to i32
    %cond3A_732 = arith.constant 0 : i32
    %cond3A_733 = arith.cmpi ne, %convert_element_type3A_731, %cond3A_732 : i32
    scf.if %cond3A_733 {
      %dma_wait3A = arith.constant 0 : i32
      %dma_wait3A_1346 = arith.constant 1 : i32
      %dma_wait3A_1347 = arith.constant 0 : i32
      %dma_wait3A_1348 = arith.constant 0 : i32
      %dma_wait3A_1349 = tpu.memref_slice %arg6[%dma_wait3A_1346, %dma_wait3A_1347, %dma_wait3A_1348] : memref<6x128x128xf32, #tpu.memory_space<vmem>> -> memref<1x128x128xf32, #tpu.memory_space<vmem>>
      %dma_wait3A_1350 = tpu.memref_squeeze %dma_wait3A_1349 : memref<1x128x128xf32, #tpu.memory_space<vmem>> -> memref<128x128xf32, #tpu.memory_space<vmem>>
      %dma_wait3A_1351 = arith.constant 1664 : i32
      %dma_wait3A_1352 = tpu.memref_slice %arg5[%dma_wait3A, %dma_wait3A_1351] : memref<1x4096xi32, #tpu.memory_space<vmem>> -> memref<1x128xi32, #tpu.memory_space<vmem>>
      %dma_wait3A_1353 = tpu.memref_squeeze %dma_wait3A_1352 : memref<1x128xi32, #tpu.memory_space<vmem>> -> memref<128xi32, #tpu.memory_space<vmem>>
      %dma_wait3A_1354 = arith.constant 0 : i32
      %dma_wait3A_1355 = arith.constant 0 : i32
      %dma_wait3A_1356 = tpu.memref_slice %arg3[%dma_wait3A_1354, %dma_wait3A_1355] : memref<3808x128xf32, #tpu.memory_space<hbm>> -> memref<3808x128xf32, #tpu.memory_space<hbm>>
      tpu.wait_indirect_dma semaphore(%arg8 : memref<!tpu.dma_semaphore, #tpu.memory_space<semaphore_mem>>) src(%dma_wait3A_1356 : memref<3808x128xf32, #tpu.memory_space<hbm>>) dst(%dma_wait3A_1350 : memref<128x128xf32, #tpu.memory_space<vmem>>)
    } else {
    }
    %mul3A_734 = arith.constant 25 : i32
    %mul3A_735 = arith.muli %mul3A_734, %add3A : i32
    %add3A_736 = arith.constant 13 : i32
    %add3A_737 = arith.addi %mul3A_735, %add3A_736 : i32
    %lt3A_738 = arith.constant 781 : i32
    %lt3A_739 = arith.cmpi slt, %add3A_737, %lt3A_738 : i32
    %convert_element_type3A_740 = arith.extui %lt3A_739 : i1 to i32
    %cond3A_741 = arith.constant 0 : i32
    %cond3A_742 = arith.cmpi ne, %convert_element_type3A_740, %cond3A_741 : i32
    scf.if %cond3A_742 {
      %mul3A_1346 = arith.constant 25 : i32
      %mul3A_1347 = arith.muli %mul3A_1346, %add3A : i32
      %add3A_1348 = arith.constant 13 : i32
      %add3A_1349 = arith.addi %mul3A_1347, %add3A_1348 : i32
      %mul3A_1350 = arith.constant 128 : i32
      %mul3A_1351 = arith.muli %add3A_1349, %mul3A_1350 : i32
      %dma_start3A = arith.constant 1 : i32
      %dma_start3A_1352 = arith.constant 0 : i32
      %dma_start3A_1353 = arith.constant 0 : i32
      %dma_start3A_1354 = tpu.memref_slice %arg6[%dma_start3A, %dma_start3A_1352, %dma_start3A_1353] : memref<6x128x128xf32, #tpu.memory_space<vmem>> -> memref<1x128x128xf32, #tpu.memory_space<vmem>>
      %dma_start3A_1355 = tpu.memref_squeeze %dma_start3A_1354 : memref<1x128x128xf32, #tpu.memory_space<vmem>> -> memref<128x128xf32, #tpu.memory_space<vmem>>
      %dma_start3A_1356 = arith.constant 0 : i32
      %dma_start3A_1357 = tpu.memref_slice %arg4[%mul3A_1351, %dma_start3A_1356] : memref<100000x128xf32, #tpu.memory_space<hbm>> -> memref<128x128xf32, #tpu.memory_space<hbm>>
      %dma_start3A_1358 = arith.constant 0 : i32
      %dma_start3A_1359 = tpu.memref_slice %arg4[%mul3A_1351, %dma_start3A_1358] : memref<100000x128xf32, #tpu.memory_space<hbm>> -> memref<128x128xf32, #tpu.memory_space<hbm>>
      %dma_start3A_1360 = arith.constant 0 : i32
      %dma_start3A_1361 = arith.constant 0 : i32
      %dma_start3A_1362 = tpu.memref_slice %arg6[%dma_start3A, %dma_start3A_1360, %dma_start3A_1361] : memref<6x128x128xf32, #tpu.memory_space<vmem>> -> memref<1x128x128xf32, #tpu.memory_space<vmem>>
      %dma_start3A_1363 = tpu.memref_squeeze %dma_start3A_1362 : memref<1x128x128xf32, #tpu.memory_space<vmem>> -> memref<128x128xf32, #tpu.memory_space<vmem>>
      tpu.enqueue_dma source(%dma_start3A_1363 : memref<128x128xf32, #tpu.memory_space<vmem>>) target(%dma_start3A_1359 : memref<128x128xf32, #tpu.memory_space<hbm>>) target_semaphore(%arg14 : memref<!tpu.dma_semaphore, #tpu.memory_space<semaphore_mem>>)
    } else {
    }
    %mul3A_743 = arith.constant 25 : i32
    %mul3A_744 = arith.muli %mul3A_743, %add3A : i32
    %add3A_745 = arith.constant 13 : i32
    %add3A_746 = arith.addi %mul3A_744, %add3A_745 : i32
    %eq3A_747 = arith.constant 781 : i32
    %eq3A_748 = arith.cmpi eq, %add3A_746, %eq3A_747 : i32
    %convert_element_type3A_749 = arith.extui %eq3A_748 : i1 to i32
    %cond3A_750 = arith.constant 0 : i32
    %cond3A_751 = arith.cmpi ne, %convert_element_type3A_749, %cond3A_750 : i32
    scf.if %cond3A_751 {
      %dma_start3A = arith.constant 1 : i32
      %dma_start3A_1346 = arith.constant 0 : i32
      %dma_start3A_1347 = arith.constant 0 : i32
      %dma_start3A_1348 = tpu.memref_slice %arg6[%dma_start3A, %dma_start3A_1346, %dma_start3A_1347] : memref<6x128x128xf32, #tpu.memory_space<vmem>> -> memref<1x32x128xf32, #tpu.memory_space<vmem>>
      %dma_start3A_1349 = tpu.memref_squeeze %dma_start3A_1348 : memref<1x32x128xf32, #tpu.memory_space<vmem>> -> memref<32x128xf32, #tpu.memory_space<vmem>>
      %dma_start3A_1350 = arith.constant 99968 : i32
      %dma_start3A_1351 = arith.constant 0 : i32
      %dma_start3A_1352 = tpu.memref_slice %arg4[%dma_start3A_1350, %dma_start3A_1351] : memref<100000x128xf32, #tpu.memory_space<hbm>> -> memref<32x128xf32, #tpu.memory_space<hbm>>
      %dma_start3A_1353 = arith.constant 99968 : i32
      %dma_start3A_1354 = arith.constant 0 : i32
      %dma_start3A_1355 = tpu.memref_slice %arg4[%dma_start3A_1353, %dma_start3A_1354] : memref<100000x128xf32, #tpu.memory_space<hbm>> -> memref<32x128xf32, #tpu.memory_space<hbm>>
      %dma_start3A_1356 = arith.constant 0 : i32
      %dma_start3A_1357 = arith.constant 0 : i32
      %dma_start3A_1358 = tpu.memref_slice %arg6[%dma_start3A, %dma_start3A_1356, %dma_start3A_1357] : memref<6x128x128xf32, #tpu.memory_space<vmem>> -> memref<1x32x128xf32, #tpu.memory_space<vmem>>
      %dma_start3A_1359 = tpu.memref_squeeze %dma_start3A_1358 : memref<1x32x128xf32, #tpu.memory_space<vmem>> -> memref<32x128xf32, #tpu.memory_space<vmem>>
      tpu.enqueue_dma source(%dma_start3A_1359 : memref<32x128xf32, #tpu.memory_space<vmem>>) target(%dma_start3A_1355 : memref<32x128xf32, #tpu.memory_space<hbm>>) target_semaphore(%arg14 : memref<!tpu.dma_semaphore, #tpu.memory_space<semaphore_mem>>)
    } else {
    }
    %mul3A_752 = arith.constant 25 : i32
    %mul3A_753 = arith.muli %mul3A_752, %add3A : i32
    %add3A_754 = arith.constant 12 : i32
    %add3A_755 = arith.addi %mul3A_753, %add3A_754 : i32
    %lt3A_756 = arith.constant 781 : i32
    %lt3A_757 = arith.cmpi slt, %add3A_755, %lt3A_756 : i32
    %convert_element_type3A_758 = arith.extui %lt3A_757 : i1 to i32
    %cond3A_759 = arith.constant 0 : i32
    %cond3A_760 = arith.cmpi ne, %convert_element_type3A_758, %cond3A_759 : i32
    scf.if %cond3A_760 {
      %mul3A_1346 = arith.constant 25 : i32
      %mul3A_1347 = arith.muli %mul3A_1346, %add3A : i32
      %add3A_1348 = arith.constant 12 : i32
      %add3A_1349 = arith.addi %mul3A_1347, %add3A_1348 : i32
      %mul3A_1350 = arith.constant 128 : i32
      %mul3A_1351 = arith.muli %add3A_1349, %mul3A_1350 : i32
      %dma_wait3A = arith.constant 0 : i32
      %dma_wait3A_1352 = arith.constant 0 : i32
      %dma_wait3A_1353 = arith.constant 0 : i32
      %dma_wait3A_1354 = tpu.memref_slice %arg6[%dma_wait3A, %dma_wait3A_1352, %dma_wait3A_1353] : memref<6x128x128xf32, #tpu.memory_space<vmem>> -> memref<1x128x128xf32, #tpu.memory_space<vmem>>
      %dma_wait3A_1355 = tpu.memref_squeeze %dma_wait3A_1354 : memref<1x128x128xf32, #tpu.memory_space<vmem>> -> memref<128x128xf32, #tpu.memory_space<vmem>>
      %dma_wait3A_1356 = arith.constant 0 : i32
      %dma_wait3A_1357 = tpu.memref_slice %arg4[%mul3A_1351, %dma_wait3A_1356] : memref<100000x128xf32, #tpu.memory_space<hbm>> -> memref<128x128xf32, #tpu.memory_space<hbm>>
      %dma_wait3A_1358 = arith.constant 0 : i32
      %dma_wait3A_1359 = tpu.memref_slice %arg4[%mul3A_1351, %dma_wait3A_1358] : memref<100000x128xf32, #tpu.memory_space<hbm>> -> memref<128x128xf32, #tpu.memory_space<hbm>>
      %dma_wait3A_1360 = arith.constant 0 : i32
      %dma_wait3A_1361 = arith.constant 0 : i32
      %dma_wait3A_1362 = tpu.memref_slice %arg6[%dma_wait3A, %dma_wait3A_1360, %dma_wait3A_1361] : memref<6x128x128xf32, #tpu.memory_space<vmem>> -> memref<1x128x128xf32, #tpu.memory_space<vmem>>
      %dma_wait3A_1363 = tpu.memref_squeeze %dma_wait3A_1362 : memref<1x128x128xf32, #tpu.memory_space<vmem>> -> memref<128x128xf32, #tpu.memory_space<vmem>>
      tpu.wait_dma2 semaphore(%arg13 : memref<!tpu.dma_semaphore, #tpu.memory_space<semaphore_mem>>) src(%dma_wait3A_1363 : memref<128x128xf32, #tpu.memory_space<vmem>>) dst(%dma_wait3A_1359 : memref<128x128xf32, #tpu.memory_space<hbm>>)
    } else {
    }
    %mul3A_761 = arith.constant 25 : i32
    %mul3A_762 = arith.muli %mul3A_761, %add3A : i32
    %add3A_763 = arith.constant 12 : i32
    %add3A_764 = arith.addi %mul3A_762, %add3A_763 : i32
    %eq3A_765 = arith.constant 781 : i32
    %eq3A_766 = arith.cmpi eq, %add3A_764, %eq3A_765 : i32
    %convert_element_type3A_767 = arith.extui %eq3A_766 : i1 to i32
    %cond3A_768 = arith.constant 0 : i32
    %cond3A_769 = arith.cmpi ne, %convert_element_type3A_767, %cond3A_768 : i32
    scf.if %cond3A_769 {
      %dma_wait3A = arith.constant 0 : i32
      %dma_wait3A_1346 = arith.constant 0 : i32
      %dma_wait3A_1347 = arith.constant 0 : i32
      %dma_wait3A_1348 = tpu.memref_slice %arg6[%dma_wait3A, %dma_wait3A_1346, %dma_wait3A_1347] : memref<6x128x128xf32, #tpu.memory_space<vmem>> -> memref<1x32x128xf32, #tpu.memory_space<vmem>>
      %dma_wait3A_1349 = tpu.memref_squeeze %dma_wait3A_1348 : memref<1x32x128xf32, #tpu.memory_space<vmem>> -> memref<32x128xf32, #tpu.memory_space<vmem>>
      %dma_wait3A_1350 = arith.constant 99968 : i32
      %dma_wait3A_1351 = arith.constant 0 : i32
      %dma_wait3A_1352 = tpu.memref_slice %arg4[%dma_wait3A_1350, %dma_wait3A_1351] : memref<100000x128xf32, #tpu.memory_space<hbm>> -> memref<32x128xf32, #tpu.memory_space<hbm>>
      %dma_wait3A_1353 = arith.constant 99968 : i32
      %dma_wait3A_1354 = arith.constant 0 : i32
      %dma_wait3A_1355 = tpu.memref_slice %arg4[%dma_wait3A_1353, %dma_wait3A_1354] : memref<100000x128xf32, #tpu.memory_space<hbm>> -> memref<32x128xf32, #tpu.memory_space<hbm>>
      %dma_wait3A_1356 = arith.constant 0 : i32
      %dma_wait3A_1357 = arith.constant 0 : i32
      %dma_wait3A_1358 = tpu.memref_slice %arg6[%dma_wait3A, %dma_wait3A_1356, %dma_wait3A_1357] : memref<6x128x128xf32, #tpu.memory_space<vmem>> -> memref<1x32x128xf32, #tpu.memory_space<vmem>>
      %dma_wait3A_1359 = tpu.memref_squeeze %dma_wait3A_1358 : memref<1x32x128xf32, #tpu.memory_space<vmem>> -> memref<32x128xf32, #tpu.memory_space<vmem>>
      tpu.wait_dma2 semaphore(%arg13 : memref<!tpu.dma_semaphore, #tpu.memory_space<semaphore_mem>>) src(%dma_wait3A_1359 : memref<32x128xf32, #tpu.memory_space<vmem>>) dst(%dma_wait3A_1355 : memref<32x128xf32, #tpu.memory_space<hbm>>)
    } else {
    }
    %mul3A_770 = arith.constant 25 : i32
    %mul3A_771 = arith.muli %mul3A_770, %add3A : i32
    %add3A_772 = arith.constant 18 : i32
    %add3A_773 = arith.addi %mul3A_771, %add3A_772 : i32
    %le3A_774 = arith.constant 781 : i32
    %le3A_775 = arith.cmpi sle, %add3A_773, %le3A_774 : i32
    %convert_element_type3A_776 = arith.extui %le3A_775 : i1 to i32
    %cond3A_777 = arith.constant 0 : i32
    %cond3A_778 = arith.cmpi ne, %convert_element_type3A_776, %cond3A_777 : i32
    scf.if %cond3A_778 {
      %dma_start3A = arith.constant 0 : i32
      %dma_start3A_1346 = arith.constant 0 : i32
      %dma_start3A_1347 = arith.constant 0 : i32
      %dma_start3A_1348 = arith.constant 0 : i32
      %dma_start3A_1349 = tpu.memref_slice %arg6[%dma_start3A_1346, %dma_start3A_1347, %dma_start3A_1348] : memref<6x128x128xf32, #tpu.memory_space<vmem>> -> memref<1x128x128xf32, #tpu.memory_space<vmem>>
      %dma_start3A_1350 = tpu.memref_squeeze %dma_start3A_1349 : memref<1x128x128xf32, #tpu.memory_space<vmem>> -> memref<128x128xf32, #tpu.memory_space<vmem>>
      %dma_start3A_1351 = arith.constant 2304 : i32
      %dma_start3A_1352 = tpu.memref_slice %arg5[%dma_start3A, %dma_start3A_1351] : memref<1x4096xi32, #tpu.memory_space<vmem>> -> memref<1x128xi32, #tpu.memory_space<vmem>>
      %dma_start3A_1353 = tpu.memref_squeeze %dma_start3A_1352 : memref<1x128xi32, #tpu.memory_space<vmem>> -> memref<128xi32, #tpu.memory_space<vmem>>
      %dma_start3A_1354 = arith.constant 0 : i32
      %dma_start3A_1355 = arith.constant 0 : i32
      %dma_start3A_1356 = tpu.memref_slice %arg3[%dma_start3A_1354, %dma_start3A_1355] : memref<3808x128xf32, #tpu.memory_space<hbm>> -> memref<3808x128xf32, #tpu.memory_space<hbm>>
      tpu.enqueue_indirect_dma source(%dma_start3A_1356 : memref<3808x128xf32, #tpu.memory_space<hbm>>) target(%dma_start3A_1350 : memref<128x128xf32, #tpu.memory_space<vmem>>) offsets(%dma_start3A_1353 : memref<128xi32, #tpu.memory_space<vmem>>) semaphore(%arg7 : memref<!tpu.dma_semaphore, #tpu.memory_space<semaphore_mem>>)
    } else {
    }
    %mul3A_779 = arith.constant 25 : i32
    %mul3A_780 = arith.muli %mul3A_779, %add3A : i32
    %add3A_781 = arith.constant 14 : i32
    %add3A_782 = arith.addi %mul3A_780, %add3A_781 : i32
    %le3A_783 = arith.constant 781 : i32
    %le3A_784 = arith.cmpi sle, %add3A_782, %le3A_783 : i32
    %convert_element_type3A_785 = arith.extui %le3A_784 : i1 to i32
    %cond3A_786 = arith.constant 0 : i32
    %cond3A_787 = arith.cmpi ne, %convert_element_type3A_785, %cond3A_786 : i32
    scf.if %cond3A_787 {
      %dma_wait3A = arith.constant 0 : i32
      %dma_wait3A_1346 = arith.constant 2 : i32
      %dma_wait3A_1347 = arith.constant 0 : i32
      %dma_wait3A_1348 = arith.constant 0 : i32
      %dma_wait3A_1349 = tpu.memref_slice %arg6[%dma_wait3A_1346, %dma_wait3A_1347, %dma_wait3A_1348] : memref<6x128x128xf32, #tpu.memory_space<vmem>> -> memref<1x128x128xf32, #tpu.memory_space<vmem>>
      %dma_wait3A_1350 = tpu.memref_squeeze %dma_wait3A_1349 : memref<1x128x128xf32, #tpu.memory_space<vmem>> -> memref<128x128xf32, #tpu.memory_space<vmem>>
      %dma_wait3A_1351 = arith.constant 1792 : i32
      %dma_wait3A_1352 = tpu.memref_slice %arg5[%dma_wait3A, %dma_wait3A_1351] : memref<1x4096xi32, #tpu.memory_space<vmem>> -> memref<1x128xi32, #tpu.memory_space<vmem>>
      %dma_wait3A_1353 = tpu.memref_squeeze %dma_wait3A_1352 : memref<1x128xi32, #tpu.memory_space<vmem>> -> memref<128xi32, #tpu.memory_space<vmem>>
      %dma_wait3A_1354 = arith.constant 0 : i32
      %dma_wait3A_1355 = arith.constant 0 : i32
      %dma_wait3A_1356 = tpu.memref_slice %arg3[%dma_wait3A_1354, %dma_wait3A_1355] : memref<3808x128xf32, #tpu.memory_space<hbm>> -> memref<3808x128xf32, #tpu.memory_space<hbm>>
      tpu.wait_indirect_dma semaphore(%arg9 : memref<!tpu.dma_semaphore, #tpu.memory_space<semaphore_mem>>) src(%dma_wait3A_1356 : memref<3808x128xf32, #tpu.memory_space<hbm>>) dst(%dma_wait3A_1350 : memref<128x128xf32, #tpu.memory_space<vmem>>)
    } else {
    }
    %mul3A_788 = arith.constant 25 : i32
    %mul3A_789 = arith.muli %mul3A_788, %add3A : i32
    %add3A_790 = arith.constant 14 : i32
    %add3A_791 = arith.addi %mul3A_789, %add3A_790 : i32
    %lt3A_792 = arith.constant 781 : i32
    %lt3A_793 = arith.cmpi slt, %add3A_791, %lt3A_792 : i32
    %convert_element_type3A_794 = arith.extui %lt3A_793 : i1 to i32
    %cond3A_795 = arith.constant 0 : i32
    %cond3A_796 = arith.cmpi ne, %convert_element_type3A_794, %cond3A_795 : i32
    scf.if %cond3A_796 {
      %mul3A_1346 = arith.constant 25 : i32
      %mul3A_1347 = arith.muli %mul3A_1346, %add3A : i32
      %add3A_1348 = arith.constant 14 : i32
      %add3A_1349 = arith.addi %mul3A_1347, %add3A_1348 : i32
      %mul3A_1350 = arith.constant 128 : i32
      %mul3A_1351 = arith.muli %add3A_1349, %mul3A_1350 : i32
      %dma_start3A = arith.constant 2 : i32
      %dma_start3A_1352 = arith.constant 0 : i32
      %dma_start3A_1353 = arith.constant 0 : i32
      %dma_start3A_1354 = tpu.memref_slice %arg6[%dma_start3A, %dma_start3A_1352, %dma_start3A_1353] : memref<6x128x128xf32, #tpu.memory_space<vmem>> -> memref<1x128x128xf32, #tpu.memory_space<vmem>>
      %dma_start3A_1355 = tpu.memref_squeeze %dma_start3A_1354 : memref<1x128x128xf32, #tpu.memory_space<vmem>> -> memref<128x128xf32, #tpu.memory_space<vmem>>
      %dma_start3A_1356 = arith.constant 0 : i32
      %dma_start3A_1357 = tpu.memref_slice %arg4[%mul3A_1351, %dma_start3A_1356] : memref<100000x128xf32, #tpu.memory_space<hbm>> -> memref<128x128xf32, #tpu.memory_space<hbm>>
      %dma_start3A_1358 = arith.constant 0 : i32
      %dma_start3A_1359 = tpu.memref_slice %arg4[%mul3A_1351, %dma_start3A_1358] : memref<100000x128xf32, #tpu.memory_space<hbm>> -> memref<128x128xf32, #tpu.memory_space<hbm>>
      %dma_start3A_1360 = arith.constant 0 : i32
      %dma_start3A_1361 = arith.constant 0 : i32
      %dma_start3A_1362 = tpu.memref_slice %arg6[%dma_start3A, %dma_start3A_1360, %dma_start3A_1361] : memref<6x128x128xf32, #tpu.memory_space<vmem>> -> memref<1x128x128xf32, #tpu.memory_space<vmem>>
      %dma_start3A_1363 = tpu.memref_squeeze %dma_start3A_1362 : memref<1x128x128xf32, #tpu.memory_space<vmem>> -> memref<128x128xf32, #tpu.memory_space<vmem>>
      tpu.enqueue_dma source(%dma_start3A_1363 : memref<128x128xf32, #tpu.memory_space<vmem>>) target(%dma_start3A_1359 : memref<128x128xf32, #tpu.memory_space<hbm>>) target_semaphore(%arg15 : memref<!tpu.dma_semaphore, #tpu.memory_space<semaphore_mem>>)
    } else {
    }
    %mul3A_797 = arith.constant 25 : i32
    %mul3A_798 = arith.muli %mul3A_797, %add3A : i32
    %add3A_799 = arith.constant 14 : i32
    %add3A_800 = arith.addi %mul3A_798, %add3A_799 : i32
    %eq3A_801 = arith.constant 781 : i32
    %eq3A_802 = arith.cmpi eq, %add3A_800, %eq3A_801 : i32
    %convert_element_type3A_803 = arith.extui %eq3A_802 : i1 to i32
    %cond3A_804 = arith.constant 0 : i32
    %cond3A_805 = arith.cmpi ne, %convert_element_type3A_803, %cond3A_804 : i32
    scf.if %cond3A_805 {
      %dma_start3A = arith.constant 2 : i32
      %dma_start3A_1346 = arith.constant 0 : i32
      %dma_start3A_1347 = arith.constant 0 : i32
      %dma_start3A_1348 = tpu.memref_slice %arg6[%dma_start3A, %dma_start3A_1346, %dma_start3A_1347] : memref<6x128x128xf32, #tpu.memory_space<vmem>> -> memref<1x32x128xf32, #tpu.memory_space<vmem>>
      %dma_start3A_1349 = tpu.memref_squeeze %dma_start3A_1348 : memref<1x32x128xf32, #tpu.memory_space<vmem>> -> memref<32x128xf32, #tpu.memory_space<vmem>>
      %dma_start3A_1350 = arith.constant 99968 : i32
      %dma_start3A_1351 = arith.constant 0 : i32
      %dma_start3A_1352 = tpu.memref_slice %arg4[%dma_start3A_1350, %dma_start3A_1351] : memref<100000x128xf32, #tpu.memory_space<hbm>> -> memref<32x128xf32, #tpu.memory_space<hbm>>
      %dma_start3A_1353 = arith.constant 99968 : i32
      %dma_start3A_1354 = arith.constant 0 : i32
      %dma_start3A_1355 = tpu.memref_slice %arg4[%dma_start3A_1353, %dma_start3A_1354] : memref<100000x128xf32, #tpu.memory_space<hbm>> -> memref<32x128xf32, #tpu.memory_space<hbm>>
      %dma_start3A_1356 = arith.constant 0 : i32
      %dma_start3A_1357 = arith.constant 0 : i32
      %dma_start3A_1358 = tpu.memref_slice %arg6[%dma_start3A, %dma_start3A_1356, %dma_start3A_1357] : memref<6x128x128xf32, #tpu.memory_space<vmem>> -> memref<1x32x128xf32, #tpu.memory_space<vmem>>
      %dma_start3A_1359 = tpu.memref_squeeze %dma_start3A_1358 : memref<1x32x128xf32, #tpu.memory_space<vmem>> -> memref<32x128xf32, #tpu.memory_space<vmem>>
      tpu.enqueue_dma source(%dma_start3A_1359 : memref<32x128xf32, #tpu.memory_space<vmem>>) target(%dma_start3A_1355 : memref<32x128xf32, #tpu.memory_space<hbm>>) target_semaphore(%arg15 : memref<!tpu.dma_semaphore, #tpu.memory_space<semaphore_mem>>)
    } else {
    }
    %mul3A_806 = arith.constant 25 : i32
    %mul3A_807 = arith.muli %mul3A_806, %add3A : i32
    %add3A_808 = arith.constant 13 : i32
    %add3A_809 = arith.addi %mul3A_807, %add3A_808 : i32
    %lt3A_810 = arith.constant 781 : i32
    %lt3A_811 = arith.cmpi slt, %add3A_809, %lt3A_810 : i32
    %convert_element_type3A_812 = arith.extui %lt3A_811 : i1 to i32
    %cond3A_813 = arith.constant 0 : i32
    %cond3A_814 = arith.cmpi ne, %convert_element_type3A_812, %cond3A_813 : i32
    scf.if %cond3A_814 {
      %mul3A_1346 = arith.constant 25 : i32
      %mul3A_1347 = arith.muli %mul3A_1346, %add3A : i32
      %add3A_1348 = arith.constant 13 : i32
      %add3A_1349 = arith.addi %mul3A_1347, %add3A_1348 : i32
      %mul3A_1350 = arith.constant 128 : i32
      %mul3A_1351 = arith.muli %add3A_1349, %mul3A_1350 : i32
      %dma_wait3A = arith.constant 1 : i32
      %dma_wait3A_1352 = arith.constant 0 : i32
      %dma_wait3A_1353 = arith.constant 0 : i32
      %dma_wait3A_1354 = tpu.memref_slice %arg6[%dma_wait3A, %dma_wait3A_1352, %dma_wait3A_1353] : memref<6x128x128xf32, #tpu.memory_space<vmem>> -> memref<1x128x128xf32, #tpu.memory_space<vmem>>
      %dma_wait3A_1355 = tpu.memref_squeeze %dma_wait3A_1354 : memref<1x128x128xf32, #tpu.memory_space<vmem>> -> memref<128x128xf32, #tpu.memory_space<vmem>>
      %dma_wait3A_1356 = arith.constant 0 : i32
      %dma_wait3A_1357 = tpu.memref_slice %arg4[%mul3A_1351, %dma_wait3A_1356] : memref<100000x128xf32, #tpu.memory_space<hbm>> -> memref<128x128xf32, #tpu.memory_space<hbm>>
      %dma_wait3A_1358 = arith.constant 0 : i32
      %dma_wait3A_1359 = tpu.memref_slice %arg4[%mul3A_1351, %dma_wait3A_1358] : memref<100000x128xf32, #tpu.memory_space<hbm>> -> memref<128x128xf32, #tpu.memory_space<hbm>>
      %dma_wait3A_1360 = arith.constant 0 : i32
      %dma_wait3A_1361 = arith.constant 0 : i32
      %dma_wait3A_1362 = tpu.memref_slice %arg6[%dma_wait3A, %dma_wait3A_1360, %dma_wait3A_1361] : memref<6x128x128xf32, #tpu.memory_space<vmem>> -> memref<1x128x128xf32, #tpu.memory_space<vmem>>
      %dma_wait3A_1363 = tpu.memref_squeeze %dma_wait3A_1362 : memref<1x128x128xf32, #tpu.memory_space<vmem>> -> memref<128x128xf32, #tpu.memory_space<vmem>>
      tpu.wait_dma2 semaphore(%arg14 : memref<!tpu.dma_semaphore, #tpu.memory_space<semaphore_mem>>) src(%dma_wait3A_1363 : memref<128x128xf32, #tpu.memory_space<vmem>>) dst(%dma_wait3A_1359 : memref<128x128xf32, #tpu.memory_space<hbm>>)
    } else {
    }
    %mul3A_815 = arith.constant 25 : i32
    %mul3A_816 = arith.muli %mul3A_815, %add3A : i32
    %add3A_817 = arith.constant 13 : i32
    %add3A_818 = arith.addi %mul3A_816, %add3A_817 : i32
    %eq3A_819 = arith.constant 781 : i32
    %eq3A_820 = arith.cmpi eq, %add3A_818, %eq3A_819 : i32
    %convert_element_type3A_821 = arith.extui %eq3A_820 : i1 to i32
    %cond3A_822 = arith.constant 0 : i32
    %cond3A_823 = arith.cmpi ne, %convert_element_type3A_821, %cond3A_822 : i32
    scf.if %cond3A_823 {
      %dma_wait3A = arith.constant 1 : i32
      %dma_wait3A_1346 = arith.constant 0 : i32
      %dma_wait3A_1347 = arith.constant 0 : i32
      %dma_wait3A_1348 = tpu.memref_slice %arg6[%dma_wait3A, %dma_wait3A_1346, %dma_wait3A_1347] : memref<6x128x128xf32, #tpu.memory_space<vmem>> -> memref<1x32x128xf32, #tpu.memory_space<vmem>>
      %dma_wait3A_1349 = tpu.memref_squeeze %dma_wait3A_1348 : memref<1x32x128xf32, #tpu.memory_space<vmem>> -> memref<32x128xf32, #tpu.memory_space<vmem>>
      %dma_wait3A_1350 = arith.constant 99968 : i32
      %dma_wait3A_1351 = arith.constant 0 : i32
      %dma_wait3A_1352 = tpu.memref_slice %arg4[%dma_wait3A_1350, %dma_wait3A_1351] : memref<100000x128xf32, #tpu.memory_space<hbm>> -> memref<32x128xf32, #tpu.memory_space<hbm>>
      %dma_wait3A_1353 = arith.constant 99968 : i32
      %dma_wait3A_1354 = arith.constant 0 : i32
      %dma_wait3A_1355 = tpu.memref_slice %arg4[%dma_wait3A_1353, %dma_wait3A_1354] : memref<100000x128xf32, #tpu.memory_space<hbm>> -> memref<32x128xf32, #tpu.memory_space<hbm>>
      %dma_wait3A_1356 = arith.constant 0 : i32
      %dma_wait3A_1357 = arith.constant 0 : i32
      %dma_wait3A_1358 = tpu.memref_slice %arg6[%dma_wait3A, %dma_wait3A_1356, %dma_wait3A_1357] : memref<6x128x128xf32, #tpu.memory_space<vmem>> -> memref<1x32x128xf32, #tpu.memory_space<vmem>>
      %dma_wait3A_1359 = tpu.memref_squeeze %dma_wait3A_1358 : memref<1x32x128xf32, #tpu.memory_space<vmem>> -> memref<32x128xf32, #tpu.memory_space<vmem>>
      tpu.wait_dma2 semaphore(%arg14 : memref<!tpu.dma_semaphore, #tpu.memory_space<semaphore_mem>>) src(%dma_wait3A_1359 : memref<32x128xf32, #tpu.memory_space<vmem>>) dst(%dma_wait3A_1355 : memref<32x128xf32, #tpu.memory_space<hbm>>)
    } else {
    }
    %mul3A_824 = arith.constant 25 : i32
    %mul3A_825 = arith.muli %mul3A_824, %add3A : i32
    %add3A_826 = arith.constant 19 : i32
    %add3A_827 = arith.addi %mul3A_825, %add3A_826 : i32
    %le3A_828 = arith.constant 781 : i32
    %le3A_829 = arith.cmpi sle, %add3A_827, %le3A_828 : i32
    %convert_element_type3A_830 = arith.extui %le3A_829 : i1 to i32
    %cond3A_831 = arith.constant 0 : i32
    %cond3A_832 = arith.cmpi ne, %convert_element_type3A_830, %cond3A_831 : i32
    scf.if %cond3A_832 {
      %dma_start3A = arith.constant 0 : i32
      %dma_start3A_1346 = arith.constant 1 : i32
      %dma_start3A_1347 = arith.constant 0 : i32
      %dma_start3A_1348 = arith.constant 0 : i32
      %dma_start3A_1349 = tpu.memref_slice %arg6[%dma_start3A_1346, %dma_start3A_1347, %dma_start3A_1348] : memref<6x128x128xf32, #tpu.memory_space<vmem>> -> memref<1x128x128xf32, #tpu.memory_space<vmem>>
      %dma_start3A_1350 = tpu.memref_squeeze %dma_start3A_1349 : memref<1x128x128xf32, #tpu.memory_space<vmem>> -> memref<128x128xf32, #tpu.memory_space<vmem>>
      %dma_start3A_1351 = arith.constant 2432 : i32
      %dma_start3A_1352 = tpu.memref_slice %arg5[%dma_start3A, %dma_start3A_1351] : memref<1x4096xi32, #tpu.memory_space<vmem>> -> memref<1x128xi32, #tpu.memory_space<vmem>>
      %dma_start3A_1353 = tpu.memref_squeeze %dma_start3A_1352 : memref<1x128xi32, #tpu.memory_space<vmem>> -> memref<128xi32, #tpu.memory_space<vmem>>
      %dma_start3A_1354 = arith.constant 0 : i32
      %dma_start3A_1355 = arith.constant 0 : i32
      %dma_start3A_1356 = tpu.memref_slice %arg3[%dma_start3A_1354, %dma_start3A_1355] : memref<3808x128xf32, #tpu.memory_space<hbm>> -> memref<3808x128xf32, #tpu.memory_space<hbm>>
      tpu.enqueue_indirect_dma source(%dma_start3A_1356 : memref<3808x128xf32, #tpu.memory_space<hbm>>) target(%dma_start3A_1350 : memref<128x128xf32, #tpu.memory_space<vmem>>) offsets(%dma_start3A_1353 : memref<128xi32, #tpu.memory_space<vmem>>) semaphore(%arg8 : memref<!tpu.dma_semaphore, #tpu.memory_space<semaphore_mem>>)
    } else {
    }
    %mul3A_833 = arith.constant 25 : i32
    %mul3A_834 = arith.muli %mul3A_833, %add3A : i32
    %add3A_835 = arith.constant 15 : i32
    %add3A_836 = arith.addi %mul3A_834, %add3A_835 : i32
    %le3A_837 = arith.constant 781 : i32
    %le3A_838 = arith.cmpi sle, %add3A_836, %le3A_837 : i32
    %convert_element_type3A_839 = arith.extui %le3A_838 : i1 to i32
    %cond3A_840 = arith.constant 0 : i32
    %cond3A_841 = arith.cmpi ne, %convert_element_type3A_839, %cond3A_840 : i32
    scf.if %cond3A_841 {
      %dma_wait3A = arith.constant 0 : i32
      %dma_wait3A_1346 = arith.constant 3 : i32
      %dma_wait3A_1347 = arith.constant 0 : i32
      %dma_wait3A_1348 = arith.constant 0 : i32
      %dma_wait3A_1349 = tpu.memref_slice %arg6[%dma_wait3A_1346, %dma_wait3A_1347, %dma_wait3A_1348] : memref<6x128x128xf32, #tpu.memory_space<vmem>> -> memref<1x128x128xf32, #tpu.memory_space<vmem>>
      %dma_wait3A_1350 = tpu.memref_squeeze %dma_wait3A_1349 : memref<1x128x128xf32, #tpu.memory_space<vmem>> -> memref<128x128xf32, #tpu.memory_space<vmem>>
      %dma_wait3A_1351 = arith.constant 1920 : i32
      %dma_wait3A_1352 = tpu.memref_slice %arg5[%dma_wait3A, %dma_wait3A_1351] : memref<1x4096xi32, #tpu.memory_space<vmem>> -> memref<1x128xi32, #tpu.memory_space<vmem>>
      %dma_wait3A_1353 = tpu.memref_squeeze %dma_wait3A_1352 : memref<1x128xi32, #tpu.memory_space<vmem>> -> memref<128xi32, #tpu.memory_space<vmem>>
      %dma_wait3A_1354 = arith.constant 0 : i32
      %dma_wait3A_1355 = arith.constant 0 : i32
      %dma_wait3A_1356 = tpu.memref_slice %arg3[%dma_wait3A_1354, %dma_wait3A_1355] : memref<3808x128xf32, #tpu.memory_space<hbm>> -> memref<3808x128xf32, #tpu.memory_space<hbm>>
      tpu.wait_indirect_dma semaphore(%arg10 : memref<!tpu.dma_semaphore, #tpu.memory_space<semaphore_mem>>) src(%dma_wait3A_1356 : memref<3808x128xf32, #tpu.memory_space<hbm>>) dst(%dma_wait3A_1350 : memref<128x128xf32, #tpu.memory_space<vmem>>)
    } else {
    }
    %mul3A_842 = arith.constant 25 : i32
    %mul3A_843 = arith.muli %mul3A_842, %add3A : i32
    %add3A_844 = arith.constant 15 : i32
    %add3A_845 = arith.addi %mul3A_843, %add3A_844 : i32
    %lt3A_846 = arith.constant 781 : i32
    %lt3A_847 = arith.cmpi slt, %add3A_845, %lt3A_846 : i32
    %convert_element_type3A_848 = arith.extui %lt3A_847 : i1 to i32
    %cond3A_849 = arith.constant 0 : i32
    %cond3A_850 = arith.cmpi ne, %convert_element_type3A_848, %cond3A_849 : i32
    scf.if %cond3A_850 {
      %mul3A_1346 = arith.constant 25 : i32
      %mul3A_1347 = arith.muli %mul3A_1346, %add3A : i32
      %add3A_1348 = arith.constant 15 : i32
      %add3A_1349 = arith.addi %mul3A_1347, %add3A_1348 : i32
      %mul3A_1350 = arith.constant 128 : i32
      %mul3A_1351 = arith.muli %add3A_1349, %mul3A_1350 : i32
      %dma_start3A = arith.constant 3 : i32
      %dma_start3A_1352 = arith.constant 0 : i32
      %dma_start3A_1353 = arith.constant 0 : i32
      %dma_start3A_1354 = tpu.memref_slice %arg6[%dma_start3A, %dma_start3A_1352, %dma_start3A_1353] : memref<6x128x128xf32, #tpu.memory_space<vmem>> -> memref<1x128x128xf32, #tpu.memory_space<vmem>>
      %dma_start3A_1355 = tpu.memref_squeeze %dma_start3A_1354 : memref<1x128x128xf32, #tpu.memory_space<vmem>> -> memref<128x128xf32, #tpu.memory_space<vmem>>
      %dma_start3A_1356 = arith.constant 0 : i32
      %dma_start3A_1357 = tpu.memref_slice %arg4[%mul3A_1351, %dma_start3A_1356] : memref<100000x128xf32, #tpu.memory_space<hbm>> -> memref<128x128xf32, #tpu.memory_space<hbm>>
      %dma_start3A_1358 = arith.constant 0 : i32
      %dma_start3A_1359 = tpu.memref_slice %arg4[%mul3A_1351, %dma_start3A_1358] : memref<100000x128xf32, #tpu.memory_space<hbm>> -> memref<128x128xf32, #tpu.memory_space<hbm>>
      %dma_start3A_1360 = arith.constant 0 : i32
      %dma_start3A_1361 = arith.constant 0 : i32
      %dma_start3A_1362 = tpu.memref_slice %arg6[%dma_start3A, %dma_start3A_1360, %dma_start3A_1361] : memref<6x128x128xf32, #tpu.memory_space<vmem>> -> memref<1x128x128xf32, #tpu.memory_space<vmem>>
      %dma_start3A_1363 = tpu.memref_squeeze %dma_start3A_1362 : memref<1x128x128xf32, #tpu.memory_space<vmem>> -> memref<128x128xf32, #tpu.memory_space<vmem>>
      tpu.enqueue_dma source(%dma_start3A_1363 : memref<128x128xf32, #tpu.memory_space<vmem>>) target(%dma_start3A_1359 : memref<128x128xf32, #tpu.memory_space<hbm>>) target_semaphore(%arg16 : memref<!tpu.dma_semaphore, #tpu.memory_space<semaphore_mem>>)
    } else {
    }
    %mul3A_851 = arith.constant 25 : i32
    %mul3A_852 = arith.muli %mul3A_851, %add3A : i32
    %add3A_853 = arith.constant 15 : i32
    %add3A_854 = arith.addi %mul3A_852, %add3A_853 : i32
    %eq3A_855 = arith.constant 781 : i32
    %eq3A_856 = arith.cmpi eq, %add3A_854, %eq3A_855 : i32
    %convert_element_type3A_857 = arith.extui %eq3A_856 : i1 to i32
    %cond3A_858 = arith.constant 0 : i32
    %cond3A_859 = arith.cmpi ne, %convert_element_type3A_857, %cond3A_858 : i32
    scf.if %cond3A_859 {
      %dma_start3A = arith.constant 3 : i32
      %dma_start3A_1346 = arith.constant 0 : i32
      %dma_start3A_1347 = arith.constant 0 : i32
      %dma_start3A_1348 = tpu.memref_slice %arg6[%dma_start3A, %dma_start3A_1346, %dma_start3A_1347] : memref<6x128x128xf32, #tpu.memory_space<vmem>> -> memref<1x32x128xf32, #tpu.memory_space<vmem>>
      %dma_start3A_1349 = tpu.memref_squeeze %dma_start3A_1348 : memref<1x32x128xf32, #tpu.memory_space<vmem>> -> memref<32x128xf32, #tpu.memory_space<vmem>>
      %dma_start3A_1350 = arith.constant 99968 : i32
      %dma_start3A_1351 = arith.constant 0 : i32
      %dma_start3A_1352 = tpu.memref_slice %arg4[%dma_start3A_1350, %dma_start3A_1351] : memref<100000x128xf32, #tpu.memory_space<hbm>> -> memref<32x128xf32, #tpu.memory_space<hbm>>
      %dma_start3A_1353 = arith.constant 99968 : i32
      %dma_start3A_1354 = arith.constant 0 : i32
      %dma_start3A_1355 = tpu.memref_slice %arg4[%dma_start3A_1353, %dma_start3A_1354] : memref<100000x128xf32, #tpu.memory_space<hbm>> -> memref<32x128xf32, #tpu.memory_space<hbm>>
      %dma_start3A_1356 = arith.constant 0 : i32
      %dma_start3A_1357 = arith.constant 0 : i32
      %dma_start3A_1358 = tpu.memref_slice %arg6[%dma_start3A, %dma_start3A_1356, %dma_start3A_1357] : memref<6x128x128xf32, #tpu.memory_space<vmem>> -> memref<1x32x128xf32, #tpu.memory_space<vmem>>
      %dma_start3A_1359 = tpu.memref_squeeze %dma_start3A_1358 : memref<1x32x128xf32, #tpu.memory_space<vmem>> -> memref<32x128xf32, #tpu.memory_space<vmem>>
      tpu.enqueue_dma source(%dma_start3A_1359 : memref<32x128xf32, #tpu.memory_space<vmem>>) target(%dma_start3A_1355 : memref<32x128xf32, #tpu.memory_space<hbm>>) target_semaphore(%arg16 : memref<!tpu.dma_semaphore, #tpu.memory_space<semaphore_mem>>)
    } else {
    }
    %mul3A_860 = arith.constant 25 : i32
    %mul3A_861 = arith.muli %mul3A_860, %add3A : i32
    %add3A_862 = arith.constant 14 : i32
    %add3A_863 = arith.addi %mul3A_861, %add3A_862 : i32
    %lt3A_864 = arith.constant 781 : i32
    %lt3A_865 = arith.cmpi slt, %add3A_863, %lt3A_864 : i32
    %convert_element_type3A_866 = arith.extui %lt3A_865 : i1 to i32
    %cond3A_867 = arith.constant 0 : i32
    %cond3A_868 = arith.cmpi ne, %convert_element_type3A_866, %cond3A_867 : i32
    scf.if %cond3A_868 {
      %mul3A_1346 = arith.constant 25 : i32
      %mul3A_1347 = arith.muli %mul3A_1346, %add3A : i32
      %add3A_1348 = arith.constant 14 : i32
      %add3A_1349 = arith.addi %mul3A_1347, %add3A_1348 : i32
      %mul3A_1350 = arith.constant 128 : i32
      %mul3A_1351 = arith.muli %add3A_1349, %mul3A_1350 : i32
      %dma_wait3A = arith.constant 2 : i32
      %dma_wait3A_1352 = arith.constant 0 : i32
      %dma_wait3A_1353 = arith.constant 0 : i32
      %dma_wait3A_1354 = tpu.memref_slice %arg6[%dma_wait3A, %dma_wait3A_1352, %dma_wait3A_1353] : memref<6x128x128xf32, #tpu.memory_space<vmem>> -> memref<1x128x128xf32, #tpu.memory_space<vmem>>
      %dma_wait3A_1355 = tpu.memref_squeeze %dma_wait3A_1354 : memref<1x128x128xf32, #tpu.memory_space<vmem>> -> memref<128x128xf32, #tpu.memory_space<vmem>>
      %dma_wait3A_1356 = arith.constant 0 : i32
      %dma_wait3A_1357 = tpu.memref_slice %arg4[%mul3A_1351, %dma_wait3A_1356] : memref<100000x128xf32, #tpu.memory_space<hbm>> -> memref<128x128xf32, #tpu.memory_space<hbm>>
      %dma_wait3A_1358 = arith.constant 0 : i32
      %dma_wait3A_1359 = tpu.memref_slice %arg4[%mul3A_1351, %dma_wait3A_1358] : memref<100000x128xf32, #tpu.memory_space<hbm>> -> memref<128x128xf32, #tpu.memory_space<hbm>>
      %dma_wait3A_1360 = arith.constant 0 : i32
      %dma_wait3A_1361 = arith.constant 0 : i32
      %dma_wait3A_1362 = tpu.memref_slice %arg6[%dma_wait3A, %dma_wait3A_1360, %dma_wait3A_1361] : memref<6x128x128xf32, #tpu.memory_space<vmem>> -> memref<1x128x128xf32, #tpu.memory_space<vmem>>
      %dma_wait3A_1363 = tpu.memref_squeeze %dma_wait3A_1362 : memref<1x128x128xf32, #tpu.memory_space<vmem>> -> memref<128x128xf32, #tpu.memory_space<vmem>>
      tpu.wait_dma2 semaphore(%arg15 : memref<!tpu.dma_semaphore, #tpu.memory_space<semaphore_mem>>) src(%dma_wait3A_1363 : memref<128x128xf32, #tpu.memory_space<vmem>>) dst(%dma_wait3A_1359 : memref<128x128xf32, #tpu.memory_space<hbm>>)
    } else {
    }
    %mul3A_869 = arith.constant 25 : i32
    %mul3A_870 = arith.muli %mul3A_869, %add3A : i32
    %add3A_871 = arith.constant 14 : i32
    %add3A_872 = arith.addi %mul3A_870, %add3A_871 : i32
    %eq3A_873 = arith.constant 781 : i32
    %eq3A_874 = arith.cmpi eq, %add3A_872, %eq3A_873 : i32
    %convert_element_type3A_875 = arith.extui %eq3A_874 : i1 to i32
    %cond3A_876 = arith.constant 0 : i32
    %cond3A_877 = arith.cmpi ne, %convert_element_type3A_875, %cond3A_876 : i32
    scf.if %cond3A_877 {
      %dma_wait3A = arith.constant 2 : i32
      %dma_wait3A_1346 = arith.constant 0 : i32
      %dma_wait3A_1347 = arith.constant 0 : i32
      %dma_wait3A_1348 = tpu.memref_slice %arg6[%dma_wait3A, %dma_wait3A_1346, %dma_wait3A_1347] : memref<6x128x128xf32, #tpu.memory_space<vmem>> -> memref<1x32x128xf32, #tpu.memory_space<vmem>>
      %dma_wait3A_1349 = tpu.memref_squeeze %dma_wait3A_1348 : memref<1x32x128xf32, #tpu.memory_space<vmem>> -> memref<32x128xf32, #tpu.memory_space<vmem>>
      %dma_wait3A_1350 = arith.constant 99968 : i32
      %dma_wait3A_1351 = arith.constant 0 : i32
      %dma_wait3A_1352 = tpu.memref_slice %arg4[%dma_wait3A_1350, %dma_wait3A_1351] : memref<100000x128xf32, #tpu.memory_space<hbm>> -> memref<32x128xf32, #tpu.memory_space<hbm>>
      %dma_wait3A_1353 = arith.constant 99968 : i32
      %dma_wait3A_1354 = arith.constant 0 : i32
      %dma_wait3A_1355 = tpu.memref_slice %arg4[%dma_wait3A_1353, %dma_wait3A_1354] : memref<100000x128xf32, #tpu.memory_space<hbm>> -> memref<32x128xf32, #tpu.memory_space<hbm>>
      %dma_wait3A_1356 = arith.constant 0 : i32
      %dma_wait3A_1357 = arith.constant 0 : i32
      %dma_wait3A_1358 = tpu.memref_slice %arg6[%dma_wait3A, %dma_wait3A_1356, %dma_wait3A_1357] : memref<6x128x128xf32, #tpu.memory_space<vmem>> -> memref<1x32x128xf32, #tpu.memory_space<vmem>>
      %dma_wait3A_1359 = tpu.memref_squeeze %dma_wait3A_1358 : memref<1x32x128xf32, #tpu.memory_space<vmem>> -> memref<32x128xf32, #tpu.memory_space<vmem>>
      tpu.wait_dma2 semaphore(%arg15 : memref<!tpu.dma_semaphore, #tpu.memory_space<semaphore_mem>>) src(%dma_wait3A_1359 : memref<32x128xf32, #tpu.memory_space<vmem>>) dst(%dma_wait3A_1355 : memref<32x128xf32, #tpu.memory_space<hbm>>)
    } else {
    }
    %mul3A_878 = arith.constant 25 : i32
    %mul3A_879 = arith.muli %mul3A_878, %add3A : i32
    %add3A_880 = arith.constant 20 : i32
    %add3A_881 = arith.addi %mul3A_879, %add3A_880 : i32
    %le3A_882 = arith.constant 781 : i32
    %le3A_883 = arith.cmpi sle, %add3A_881, %le3A_882 : i32
    %convert_element_type3A_884 = arith.extui %le3A_883 : i1 to i32
    %cond3A_885 = arith.constant 0 : i32
    %cond3A_886 = arith.cmpi ne, %convert_element_type3A_884, %cond3A_885 : i32
    scf.if %cond3A_886 {
      %dma_start3A = arith.constant 0 : i32
      %dma_start3A_1346 = arith.constant 2 : i32
      %dma_start3A_1347 = arith.constant 0 : i32
      %dma_start3A_1348 = arith.constant 0 : i32
      %dma_start3A_1349 = tpu.memref_slice %arg6[%dma_start3A_1346, %dma_start3A_1347, %dma_start3A_1348] : memref<6x128x128xf32, #tpu.memory_space<vmem>> -> memref<1x128x128xf32, #tpu.memory_space<vmem>>
      %dma_start3A_1350 = tpu.memref_squeeze %dma_start3A_1349 : memref<1x128x128xf32, #tpu.memory_space<vmem>> -> memref<128x128xf32, #tpu.memory_space<vmem>>
      %dma_start3A_1351 = arith.constant 2560 : i32
      %dma_start3A_1352 = tpu.memref_slice %arg5[%dma_start3A, %dma_start3A_1351] : memref<1x4096xi32, #tpu.memory_space<vmem>> -> memref<1x128xi32, #tpu.memory_space<vmem>>
      %dma_start3A_1353 = tpu.memref_squeeze %dma_start3A_1352 : memref<1x128xi32, #tpu.memory_space<vmem>> -> memref<128xi32, #tpu.memory_space<vmem>>
      %dma_start3A_1354 = arith.constant 0 : i32
      %dma_start3A_1355 = arith.constant 0 : i32
      %dma_start3A_1356 = tpu.memref_slice %arg3[%dma_start3A_1354, %dma_start3A_1355] : memref<3808x128xf32, #tpu.memory_space<hbm>> -> memref<3808x128xf32, #tpu.memory_space<hbm>>
      tpu.enqueue_indirect_dma source(%dma_start3A_1356 : memref<3808x128xf32, #tpu.memory_space<hbm>>) target(%dma_start3A_1350 : memref<128x128xf32, #tpu.memory_space<vmem>>) offsets(%dma_start3A_1353 : memref<128xi32, #tpu.memory_space<vmem>>) semaphore(%arg9 : memref<!tpu.dma_semaphore, #tpu.memory_space<semaphore_mem>>)
    } else {
    }
    %mul3A_887 = arith.constant 25 : i32
    %mul3A_888 = arith.muli %mul3A_887, %add3A : i32
    %add3A_889 = arith.constant 16 : i32
    %add3A_890 = arith.addi %mul3A_888, %add3A_889 : i32
    %le3A_891 = arith.constant 781 : i32
    %le3A_892 = arith.cmpi sle, %add3A_890, %le3A_891 : i32
    %convert_element_type3A_893 = arith.extui %le3A_892 : i1 to i32
    %cond3A_894 = arith.constant 0 : i32
    %cond3A_895 = arith.cmpi ne, %convert_element_type3A_893, %cond3A_894 : i32
    scf.if %cond3A_895 {
      %dma_wait3A = arith.constant 0 : i32
      %dma_wait3A_1346 = arith.constant 4 : i32
      %dma_wait3A_1347 = arith.constant 0 : i32
      %dma_wait3A_1348 = arith.constant 0 : i32
      %dma_wait3A_1349 = tpu.memref_slice %arg6[%dma_wait3A_1346, %dma_wait3A_1347, %dma_wait3A_1348] : memref<6x128x128xf32, #tpu.memory_space<vmem>> -> memref<1x128x128xf32, #tpu.memory_space<vmem>>
      %dma_wait3A_1350 = tpu.memref_squeeze %dma_wait3A_1349 : memref<1x128x128xf32, #tpu.memory_space<vmem>> -> memref<128x128xf32, #tpu.memory_space<vmem>>
      %dma_wait3A_1351 = arith.constant 2048 : i32
      %dma_wait3A_1352 = tpu.memref_slice %arg5[%dma_wait3A, %dma_wait3A_1351] : memref<1x4096xi32, #tpu.memory_space<vmem>> -> memref<1x128xi32, #tpu.memory_space<vmem>>
      %dma_wait3A_1353 = tpu.memref_squeeze %dma_wait3A_1352 : memref<1x128xi32, #tpu.memory_space<vmem>> -> memref<128xi32, #tpu.memory_space<vmem>>
      %dma_wait3A_1354 = arith.constant 0 : i32
      %dma_wait3A_1355 = arith.constant 0 : i32
      %dma_wait3A_1356 = tpu.memref_slice %arg3[%dma_wait3A_1354, %dma_wait3A_1355] : memref<3808x128xf32, #tpu.memory_space<hbm>> -> memref<3808x128xf32, #tpu.memory_space<hbm>>
      tpu.wait_indirect_dma semaphore(%arg11 : memref<!tpu.dma_semaphore, #tpu.memory_space<semaphore_mem>>) src(%dma_wait3A_1356 : memref<3808x128xf32, #tpu.memory_space<hbm>>) dst(%dma_wait3A_1350 : memref<128x128xf32, #tpu.memory_space<vmem>>)
    } else {
    }
    %mul3A_896 = arith.constant 25 : i32
    %mul3A_897 = arith.muli %mul3A_896, %add3A : i32
    %add3A_898 = arith.constant 16 : i32
    %add3A_899 = arith.addi %mul3A_897, %add3A_898 : i32
    %lt3A_900 = arith.constant 781 : i32
    %lt3A_901 = arith.cmpi slt, %add3A_899, %lt3A_900 : i32
    %convert_element_type3A_902 = arith.extui %lt3A_901 : i1 to i32
    %cond3A_903 = arith.constant 0 : i32
    %cond3A_904 = arith.cmpi ne, %convert_element_type3A_902, %cond3A_903 : i32
    scf.if %cond3A_904 {
      %mul3A_1346 = arith.constant 25 : i32
      %mul3A_1347 = arith.muli %mul3A_1346, %add3A : i32
      %add3A_1348 = arith.constant 16 : i32
      %add3A_1349 = arith.addi %mul3A_1347, %add3A_1348 : i32
      %mul3A_1350 = arith.constant 128 : i32
      %mul3A_1351 = arith.muli %add3A_1349, %mul3A_1350 : i32
      %dma_start3A = arith.constant 4 : i32
      %dma_start3A_1352 = arith.constant 0 : i32
      %dma_start3A_1353 = arith.constant 0 : i32
      %dma_start3A_1354 = tpu.memref_slice %arg6[%dma_start3A, %dma_start3A_1352, %dma_start3A_1353] : memref<6x128x128xf32, #tpu.memory_space<vmem>> -> memref<1x128x128xf32, #tpu.memory_space<vmem>>
      %dma_start3A_1355 = tpu.memref_squeeze %dma_start3A_1354 : memref<1x128x128xf32, #tpu.memory_space<vmem>> -> memref<128x128xf32, #tpu.memory_space<vmem>>
      %dma_start3A_1356 = arith.constant 0 : i32
      %dma_start3A_1357 = tpu.memref_slice %arg4[%mul3A_1351, %dma_start3A_1356] : memref<100000x128xf32, #tpu.memory_space<hbm>> -> memref<128x128xf32, #tpu.memory_space<hbm>>
      %dma_start3A_1358 = arith.constant 0 : i32
      %dma_start3A_1359 = tpu.memref_slice %arg4[%mul3A_1351, %dma_start3A_1358] : memref<100000x128xf32, #tpu.memory_space<hbm>> -> memref<128x128xf32, #tpu.memory_space<hbm>>
      %dma_start3A_1360 = arith.constant 0 : i32
      %dma_start3A_1361 = arith.constant 0 : i32
      %dma_start3A_1362 = tpu.memref_slice %arg6[%dma_start3A, %dma_start3A_1360, %dma_start3A_1361] : memref<6x128x128xf32, #tpu.memory_space<vmem>> -> memref<1x128x128xf32, #tpu.memory_space<vmem>>
      %dma_start3A_1363 = tpu.memref_squeeze %dma_start3A_1362 : memref<1x128x128xf32, #tpu.memory_space<vmem>> -> memref<128x128xf32, #tpu.memory_space<vmem>>
      tpu.enqueue_dma source(%dma_start3A_1363 : memref<128x128xf32, #tpu.memory_space<vmem>>) target(%dma_start3A_1359 : memref<128x128xf32, #tpu.memory_space<hbm>>) target_semaphore(%arg17 : memref<!tpu.dma_semaphore, #tpu.memory_space<semaphore_mem>>)
    } else {
    }
    %mul3A_905 = arith.constant 25 : i32
    %mul3A_906 = arith.muli %mul3A_905, %add3A : i32
    %add3A_907 = arith.constant 16 : i32
    %add3A_908 = arith.addi %mul3A_906, %add3A_907 : i32
    %eq3A_909 = arith.constant 781 : i32
    %eq3A_910 = arith.cmpi eq, %add3A_908, %eq3A_909 : i32
    %convert_element_type3A_911 = arith.extui %eq3A_910 : i1 to i32
    %cond3A_912 = arith.constant 0 : i32
    %cond3A_913 = arith.cmpi ne, %convert_element_type3A_911, %cond3A_912 : i32
    scf.if %cond3A_913 {
      %dma_start3A = arith.constant 4 : i32
      %dma_start3A_1346 = arith.constant 0 : i32
      %dma_start3A_1347 = arith.constant 0 : i32
      %dma_start3A_1348 = tpu.memref_slice %arg6[%dma_start3A, %dma_start3A_1346, %dma_start3A_1347] : memref<6x128x128xf32, #tpu.memory_space<vmem>> -> memref<1x32x128xf32, #tpu.memory_space<vmem>>
      %dma_start3A_1349 = tpu.memref_squeeze %dma_start3A_1348 : memref<1x32x128xf32, #tpu.memory_space<vmem>> -> memref<32x128xf32, #tpu.memory_space<vmem>>
      %dma_start3A_1350 = arith.constant 99968 : i32
      %dma_start3A_1351 = arith.constant 0 : i32
      %dma_start3A_1352 = tpu.memref_slice %arg4[%dma_start3A_1350, %dma_start3A_1351] : memref<100000x128xf32, #tpu.memory_space<hbm>> -> memref<32x128xf32, #tpu.memory_space<hbm>>
      %dma_start3A_1353 = arith.constant 99968 : i32
      %dma_start3A_1354 = arith.constant 0 : i32
      %dma_start3A_1355 = tpu.memref_slice %arg4[%dma_start3A_1353, %dma_start3A_1354] : memref<100000x128xf32, #tpu.memory_space<hbm>> -> memref<32x128xf32, #tpu.memory_space<hbm>>
      %dma_start3A_1356 = arith.constant 0 : i32
      %dma_start3A_1357 = arith.constant 0 : i32
      %dma_start3A_1358 = tpu.memref_slice %arg6[%dma_start3A, %dma_start3A_1356, %dma_start3A_1357] : memref<6x128x128xf32, #tpu.memory_space<vmem>> -> memref<1x32x128xf32, #tpu.memory_space<vmem>>
      %dma_start3A_1359 = tpu.memref_squeeze %dma_start3A_1358 : memref<1x32x128xf32, #tpu.memory_space<vmem>> -> memref<32x128xf32, #tpu.memory_space<vmem>>
      tpu.enqueue_dma source(%dma_start3A_1359 : memref<32x128xf32, #tpu.memory_space<vmem>>) target(%dma_start3A_1355 : memref<32x128xf32, #tpu.memory_space<hbm>>) target_semaphore(%arg17 : memref<!tpu.dma_semaphore, #tpu.memory_space<semaphore_mem>>)
    } else {
    }
    %mul3A_914 = arith.constant 25 : i32
    %mul3A_915 = arith.muli %mul3A_914, %add3A : i32
    %add3A_916 = arith.constant 15 : i32
    %add3A_917 = arith.addi %mul3A_915, %add3A_916 : i32
    %lt3A_918 = arith.constant 781 : i32
    %lt3A_919 = arith.cmpi slt, %add3A_917, %lt3A_918 : i32
    %convert_element_type3A_920 = arith.extui %lt3A_919 : i1 to i32
    %cond3A_921 = arith.constant 0 : i32
    %cond3A_922 = arith.cmpi ne, %convert_element_type3A_920, %cond3A_921 : i32
    scf.if %cond3A_922 {
      %mul3A_1346 = arith.constant 25 : i32
      %mul3A_1347 = arith.muli %mul3A_1346, %add3A : i32
      %add3A_1348 = arith.constant 15 : i32
      %add3A_1349 = arith.addi %mul3A_1347, %add3A_1348 : i32
      %mul3A_1350 = arith.constant 128 : i32
      %mul3A_1351 = arith.muli %add3A_1349, %mul3A_1350 : i32
      %dma_wait3A = arith.constant 3 : i32
      %dma_wait3A_1352 = arith.constant 0 : i32
      %dma_wait3A_1353 = arith.constant 0 : i32
      %dma_wait3A_1354 = tpu.memref_slice %arg6[%dma_wait3A, %dma_wait3A_1352, %dma_wait3A_1353] : memref<6x128x128xf32, #tpu.memory_space<vmem>> -> memref<1x128x128xf32, #tpu.memory_space<vmem>>
      %dma_wait3A_1355 = tpu.memref_squeeze %dma_wait3A_1354 : memref<1x128x128xf32, #tpu.memory_space<vmem>> -> memref<128x128xf32, #tpu.memory_space<vmem>>
      %dma_wait3A_1356 = arith.constant 0 : i32
      %dma_wait3A_1357 = tpu.memref_slice %arg4[%mul3A_1351, %dma_wait3A_1356] : memref<100000x128xf32, #tpu.memory_space<hbm>> -> memref<128x128xf32, #tpu.memory_space<hbm>>
      %dma_wait3A_1358 = arith.constant 0 : i32
      %dma_wait3A_1359 = tpu.memref_slice %arg4[%mul3A_1351, %dma_wait3A_1358] : memref<100000x128xf32, #tpu.memory_space<hbm>> -> memref<128x128xf32, #tpu.memory_space<hbm>>
      %dma_wait3A_1360 = arith.constant 0 : i32
      %dma_wait3A_1361 = arith.constant 0 : i32
      %dma_wait3A_1362 = tpu.memref_slice %arg6[%dma_wait3A, %dma_wait3A_1360, %dma_wait3A_1361] : memref<6x128x128xf32, #tpu.memory_space<vmem>> -> memref<1x128x128xf32, #tpu.memory_space<vmem>>
      %dma_wait3A_1363 = tpu.memref_squeeze %dma_wait3A_1362 : memref<1x128x128xf32, #tpu.memory_space<vmem>> -> memref<128x128xf32, #tpu.memory_space<vmem>>
      tpu.wait_dma2 semaphore(%arg16 : memref<!tpu.dma_semaphore, #tpu.memory_space<semaphore_mem>>) src(%dma_wait3A_1363 : memref<128x128xf32, #tpu.memory_space<vmem>>) dst(%dma_wait3A_1359 : memref<128x128xf32, #tpu.memory_space<hbm>>)
    } else {
    }
    %mul3A_923 = arith.constant 25 : i32
    %mul3A_924 = arith.muli %mul3A_923, %add3A : i32
    %add3A_925 = arith.constant 15 : i32
    %add3A_926 = arith.addi %mul3A_924, %add3A_925 : i32
    %eq3A_927 = arith.constant 781 : i32
    %eq3A_928 = arith.cmpi eq, %add3A_926, %eq3A_927 : i32
    %convert_element_type3A_929 = arith.extui %eq3A_928 : i1 to i32
    %cond3A_930 = arith.constant 0 : i32
    %cond3A_931 = arith.cmpi ne, %convert_element_type3A_929, %cond3A_930 : i32
    scf.if %cond3A_931 {
      %dma_wait3A = arith.constant 3 : i32
      %dma_wait3A_1346 = arith.constant 0 : i32
      %dma_wait3A_1347 = arith.constant 0 : i32
      %dma_wait3A_1348 = tpu.memref_slice %arg6[%dma_wait3A, %dma_wait3A_1346, %dma_wait3A_1347] : memref<6x128x128xf32, #tpu.memory_space<vmem>> -> memref<1x32x128xf32, #tpu.memory_space<vmem>>
      %dma_wait3A_1349 = tpu.memref_squeeze %dma_wait3A_1348 : memref<1x32x128xf32, #tpu.memory_space<vmem>> -> memref<32x128xf32, #tpu.memory_space<vmem>>
      %dma_wait3A_1350 = arith.constant 99968 : i32
      %dma_wait3A_1351 = arith.constant 0 : i32
      %dma_wait3A_1352 = tpu.memref_slice %arg4[%dma_wait3A_1350, %dma_wait3A_1351] : memref<100000x128xf32, #tpu.memory_space<hbm>> -> memref<32x128xf32, #tpu.memory_space<hbm>>
      %dma_wait3A_1353 = arith.constant 99968 : i32
      %dma_wait3A_1354 = arith.constant 0 : i32
      %dma_wait3A_1355 = tpu.memref_slice %arg4[%dma_wait3A_1353, %dma_wait3A_1354] : memref<100000x128xf32, #tpu.memory_space<hbm>> -> memref<32x128xf32, #tpu.memory_space<hbm>>
      %dma_wait3A_1356 = arith.constant 0 : i32
      %dma_wait3A_1357 = arith.constant 0 : i32
      %dma_wait3A_1358 = tpu.memref_slice %arg6[%dma_wait3A, %dma_wait3A_1356, %dma_wait3A_1357] : memref<6x128x128xf32, #tpu.memory_space<vmem>> -> memref<1x32x128xf32, #tpu.memory_space<vmem>>
      %dma_wait3A_1359 = tpu.memref_squeeze %dma_wait3A_1358 : memref<1x32x128xf32, #tpu.memory_space<vmem>> -> memref<32x128xf32, #tpu.memory_space<vmem>>
      tpu.wait_dma2 semaphore(%arg16 : memref<!tpu.dma_semaphore, #tpu.memory_space<semaphore_mem>>) src(%dma_wait3A_1359 : memref<32x128xf32, #tpu.memory_space<vmem>>) dst(%dma_wait3A_1355 : memref<32x128xf32, #tpu.memory_space<hbm>>)
    } else {
    }
    %mul3A_932 = arith.constant 25 : i32
    %mul3A_933 = arith.muli %mul3A_932, %add3A : i32
    %add3A_934 = arith.constant 21 : i32
    %add3A_935 = arith.addi %mul3A_933, %add3A_934 : i32
    %le3A_936 = arith.constant 781 : i32
    %le3A_937 = arith.cmpi sle, %add3A_935, %le3A_936 : i32
    %convert_element_type3A_938 = arith.extui %le3A_937 : i1 to i32
    %cond3A_939 = arith.constant 0 : i32
    %cond3A_940 = arith.cmpi ne, %convert_element_type3A_938, %cond3A_939 : i32
    scf.if %cond3A_940 {
      %dma_start3A = arith.constant 0 : i32
      %dma_start3A_1346 = arith.constant 3 : i32
      %dma_start3A_1347 = arith.constant 0 : i32
      %dma_start3A_1348 = arith.constant 0 : i32
      %dma_start3A_1349 = tpu.memref_slice %arg6[%dma_start3A_1346, %dma_start3A_1347, %dma_start3A_1348] : memref<6x128x128xf32, #tpu.memory_space<vmem>> -> memref<1x128x128xf32, #tpu.memory_space<vmem>>
      %dma_start3A_1350 = tpu.memref_squeeze %dma_start3A_1349 : memref<1x128x128xf32, #tpu.memory_space<vmem>> -> memref<128x128xf32, #tpu.memory_space<vmem>>
      %dma_start3A_1351 = arith.constant 2688 : i32
      %dma_start3A_1352 = tpu.memref_slice %arg5[%dma_start3A, %dma_start3A_1351] : memref<1x4096xi32, #tpu.memory_space<vmem>> -> memref<1x128xi32, #tpu.memory_space<vmem>>
      %dma_start3A_1353 = tpu.memref_squeeze %dma_start3A_1352 : memref<1x128xi32, #tpu.memory_space<vmem>> -> memref<128xi32, #tpu.memory_space<vmem>>
      %dma_start3A_1354 = arith.constant 0 : i32
      %dma_start3A_1355 = arith.constant 0 : i32
      %dma_start3A_1356 = tpu.memref_slice %arg3[%dma_start3A_1354, %dma_start3A_1355] : memref<3808x128xf32, #tpu.memory_space<hbm>> -> memref<3808x128xf32, #tpu.memory_space<hbm>>
      tpu.enqueue_indirect_dma source(%dma_start3A_1356 : memref<3808x128xf32, #tpu.memory_space<hbm>>) target(%dma_start3A_1350 : memref<128x128xf32, #tpu.memory_space<vmem>>) offsets(%dma_start3A_1353 : memref<128xi32, #tpu.memory_space<vmem>>) semaphore(%arg10 : memref<!tpu.dma_semaphore, #tpu.memory_space<semaphore_mem>>)
    } else {
    }
    %mul3A_941 = arith.constant 25 : i32
    %mul3A_942 = arith.muli %mul3A_941, %add3A : i32
    %add3A_943 = arith.constant 17 : i32
    %add3A_944 = arith.addi %mul3A_942, %add3A_943 : i32
    %le3A_945 = arith.constant 781 : i32
    %le3A_946 = arith.cmpi sle, %add3A_944, %le3A_945 : i32
    %convert_element_type3A_947 = arith.extui %le3A_946 : i1 to i32
    %cond3A_948 = arith.constant 0 : i32
    %cond3A_949 = arith.cmpi ne, %convert_element_type3A_947, %cond3A_948 : i32
    scf.if %cond3A_949 {
      %dma_wait3A = arith.constant 0 : i32
      %dma_wait3A_1346 = arith.constant 5 : i32
      %dma_wait3A_1347 = arith.constant 0 : i32
      %dma_wait3A_1348 = arith.constant 0 : i32
      %dma_wait3A_1349 = tpu.memref_slice %arg6[%dma_wait3A_1346, %dma_wait3A_1347, %dma_wait3A_1348] : memref<6x128x128xf32, #tpu.memory_space<vmem>> -> memref<1x128x128xf32, #tpu.memory_space<vmem>>
      %dma_wait3A_1350 = tpu.memref_squeeze %dma_wait3A_1349 : memref<1x128x128xf32, #tpu.memory_space<vmem>> -> memref<128x128xf32, #tpu.memory_space<vmem>>
      %dma_wait3A_1351 = arith.constant 2176 : i32
      %dma_wait3A_1352 = tpu.memref_slice %arg5[%dma_wait3A, %dma_wait3A_1351] : memref<1x4096xi32, #tpu.memory_space<vmem>> -> memref<1x128xi32, #tpu.memory_space<vmem>>
      %dma_wait3A_1353 = tpu.memref_squeeze %dma_wait3A_1352 : memref<1x128xi32, #tpu.memory_space<vmem>> -> memref<128xi32, #tpu.memory_space<vmem>>
      %dma_wait3A_1354 = arith.constant 0 : i32
      %dma_wait3A_1355 = arith.constant 0 : i32
      %dma_wait3A_1356 = tpu.memref_slice %arg3[%dma_wait3A_1354, %dma_wait3A_1355] : memref<3808x128xf32, #tpu.memory_space<hbm>> -> memref<3808x128xf32, #tpu.memory_space<hbm>>
      tpu.wait_indirect_dma semaphore(%arg12 : memref<!tpu.dma_semaphore, #tpu.memory_space<semaphore_mem>>) src(%dma_wait3A_1356 : memref<3808x128xf32, #tpu.memory_space<hbm>>) dst(%dma_wait3A_1350 : memref<128x128xf32, #tpu.memory_space<vmem>>)
    } else {
    }
    %mul3A_950 = arith.constant 25 : i32
    %mul3A_951 = arith.muli %mul3A_950, %add3A : i32
    %add3A_952 = arith.constant 17 : i32
    %add3A_953 = arith.addi %mul3A_951, %add3A_952 : i32
    %lt3A_954 = arith.constant 781 : i32
    %lt3A_955 = arith.cmpi slt, %add3A_953, %lt3A_954 : i32
    %convert_element_type3A_956 = arith.extui %lt3A_955 : i1 to i32
    %cond3A_957 = arith.constant 0 : i32
    %cond3A_958 = arith.cmpi ne, %convert_element_type3A_956, %cond3A_957 : i32
    scf.if %cond3A_958 {
      %mul3A_1346 = arith.constant 25 : i32
      %mul3A_1347 = arith.muli %mul3A_1346, %add3A : i32
      %add3A_1348 = arith.constant 17 : i32
      %add3A_1349 = arith.addi %mul3A_1347, %add3A_1348 : i32
      %mul3A_1350 = arith.constant 128 : i32
      %mul3A_1351 = arith.muli %add3A_1349, %mul3A_1350 : i32
      %dma_start3A = arith.constant 5 : i32
      %dma_start3A_1352 = arith.constant 0 : i32
      %dma_start3A_1353 = arith.constant 0 : i32
      %dma_start3A_1354 = tpu.memref_slice %arg6[%dma_start3A, %dma_start3A_1352, %dma_start3A_1353] : memref<6x128x128xf32, #tpu.memory_space<vmem>> -> memref<1x128x128xf32, #tpu.memory_space<vmem>>
      %dma_start3A_1355 = tpu.memref_squeeze %dma_start3A_1354 : memref<1x128x128xf32, #tpu.memory_space<vmem>> -> memref<128x128xf32, #tpu.memory_space<vmem>>
      %dma_start3A_1356 = arith.constant 0 : i32
      %dma_start3A_1357 = tpu.memref_slice %arg4[%mul3A_1351, %dma_start3A_1356] : memref<100000x128xf32, #tpu.memory_space<hbm>> -> memref<128x128xf32, #tpu.memory_space<hbm>>
      %dma_start3A_1358 = arith.constant 0 : i32
      %dma_start3A_1359 = tpu.memref_slice %arg4[%mul3A_1351, %dma_start3A_1358] : memref<100000x128xf32, #tpu.memory_space<hbm>> -> memref<128x128xf32, #tpu.memory_space<hbm>>
      %dma_start3A_1360 = arith.constant 0 : i32
      %dma_start3A_1361 = arith.constant 0 : i32
      %dma_start3A_1362 = tpu.memref_slice %arg6[%dma_start3A, %dma_start3A_1360, %dma_start3A_1361] : memref<6x128x128xf32, #tpu.memory_space<vmem>> -> memref<1x128x128xf32, #tpu.memory_space<vmem>>
      %dma_start3A_1363 = tpu.memref_squeeze %dma_start3A_1362 : memref<1x128x128xf32, #tpu.memory_space<vmem>> -> memref<128x128xf32, #tpu.memory_space<vmem>>
      tpu.enqueue_dma source(%dma_start3A_1363 : memref<128x128xf32, #tpu.memory_space<vmem>>) target(%dma_start3A_1359 : memref<128x128xf32, #tpu.memory_space<hbm>>) target_semaphore(%arg18 : memref<!tpu.dma_semaphore, #tpu.memory_space<semaphore_mem>>)
    } else {
    }
    %mul3A_959 = arith.constant 25 : i32
    %mul3A_960 = arith.muli %mul3A_959, %add3A : i32
    %add3A_961 = arith.constant 17 : i32
    %add3A_962 = arith.addi %mul3A_960, %add3A_961 : i32
    %eq3A_963 = arith.constant 781 : i32
    %eq3A_964 = arith.cmpi eq, %add3A_962, %eq3A_963 : i32
    %convert_element_type3A_965 = arith.extui %eq3A_964 : i1 to i32
    %cond3A_966 = arith.constant 0 : i32
    %cond3A_967 = arith.cmpi ne, %convert_element_type3A_965, %cond3A_966 : i32
    scf.if %cond3A_967 {
      %dma_start3A = arith.constant 5 : i32
      %dma_start3A_1346 = arith.constant 0 : i32
      %dma_start3A_1347 = arith.constant 0 : i32
      %dma_start3A_1348 = tpu.memref_slice %arg6[%dma_start3A, %dma_start3A_1346, %dma_start3A_1347] : memref<6x128x128xf32, #tpu.memory_space<vmem>> -> memref<1x32x128xf32, #tpu.memory_space<vmem>>
      %dma_start3A_1349 = tpu.memref_squeeze %dma_start3A_1348 : memref<1x32x128xf32, #tpu.memory_space<vmem>> -> memref<32x128xf32, #tpu.memory_space<vmem>>
      %dma_start3A_1350 = arith.constant 99968 : i32
      %dma_start3A_1351 = arith.constant 0 : i32
      %dma_start3A_1352 = tpu.memref_slice %arg4[%dma_start3A_1350, %dma_start3A_1351] : memref<100000x128xf32, #tpu.memory_space<hbm>> -> memref<32x128xf32, #tpu.memory_space<hbm>>
      %dma_start3A_1353 = arith.constant 99968 : i32
      %dma_start3A_1354 = arith.constant 0 : i32
      %dma_start3A_1355 = tpu.memref_slice %arg4[%dma_start3A_1353, %dma_start3A_1354] : memref<100000x128xf32, #tpu.memory_space<hbm>> -> memref<32x128xf32, #tpu.memory_space<hbm>>
      %dma_start3A_1356 = arith.constant 0 : i32
      %dma_start3A_1357 = arith.constant 0 : i32
      %dma_start3A_1358 = tpu.memref_slice %arg6[%dma_start3A, %dma_start3A_1356, %dma_start3A_1357] : memref<6x128x128xf32, #tpu.memory_space<vmem>> -> memref<1x32x128xf32, #tpu.memory_space<vmem>>
      %dma_start3A_1359 = tpu.memref_squeeze %dma_start3A_1358 : memref<1x32x128xf32, #tpu.memory_space<vmem>> -> memref<32x128xf32, #tpu.memory_space<vmem>>
      tpu.enqueue_dma source(%dma_start3A_1359 : memref<32x128xf32, #tpu.memory_space<vmem>>) target(%dma_start3A_1355 : memref<32x128xf32, #tpu.memory_space<hbm>>) target_semaphore(%arg18 : memref<!tpu.dma_semaphore, #tpu.memory_space<semaphore_mem>>)
    } else {
    }
    %mul3A_968 = arith.constant 25 : i32
    %mul3A_969 = arith.muli %mul3A_968, %add3A : i32
    %add3A_970 = arith.constant 16 : i32
    %add3A_971 = arith.addi %mul3A_969, %add3A_970 : i32
    %lt3A_972 = arith.constant 781 : i32
    %lt3A_973 = arith.cmpi slt, %add3A_971, %lt3A_972 : i32
    %convert_element_type3A_974 = arith.extui %lt3A_973 : i1 to i32
    %cond3A_975 = arith.constant 0 : i32
    %cond3A_976 = arith.cmpi ne, %convert_element_type3A_974, %cond3A_975 : i32
    scf.if %cond3A_976 {
      %mul3A_1346 = arith.constant 25 : i32
      %mul3A_1347 = arith.muli %mul3A_1346, %add3A : i32
      %add3A_1348 = arith.constant 16 : i32
      %add3A_1349 = arith.addi %mul3A_1347, %add3A_1348 : i32
      %mul3A_1350 = arith.constant 128 : i32
      %mul3A_1351 = arith.muli %add3A_1349, %mul3A_1350 : i32
      %dma_wait3A = arith.constant 4 : i32
      %dma_wait3A_1352 = arith.constant 0 : i32
      %dma_wait3A_1353 = arith.constant 0 : i32
      %dma_wait3A_1354 = tpu.memref_slice %arg6[%dma_wait3A, %dma_wait3A_1352, %dma_wait3A_1353] : memref<6x128x128xf32, #tpu.memory_space<vmem>> -> memref<1x128x128xf32, #tpu.memory_space<vmem>>
      %dma_wait3A_1355 = tpu.memref_squeeze %dma_wait3A_1354 : memref<1x128x128xf32, #tpu.memory_space<vmem>> -> memref<128x128xf32, #tpu.memory_space<vmem>>
      %dma_wait3A_1356 = arith.constant 0 : i32
      %dma_wait3A_1357 = tpu.memref_slice %arg4[%mul3A_1351, %dma_wait3A_1356] : memref<100000x128xf32, #tpu.memory_space<hbm>> -> memref<128x128xf32, #tpu.memory_space<hbm>>
      %dma_wait3A_1358 = arith.constant 0 : i32
      %dma_wait3A_1359 = tpu.memref_slice %arg4[%mul3A_1351, %dma_wait3A_1358] : memref<100000x128xf32, #tpu.memory_space<hbm>> -> memref<128x128xf32, #tpu.memory_space<hbm>>
      %dma_wait3A_1360 = arith.constant 0 : i32
      %dma_wait3A_1361 = arith.constant 0 : i32
      %dma_wait3A_1362 = tpu.memref_slice %arg6[%dma_wait3A, %dma_wait3A_1360, %dma_wait3A_1361] : memref<6x128x128xf32, #tpu.memory_space<vmem>> -> memref<1x128x128xf32, #tpu.memory_space<vmem>>
      %dma_wait3A_1363 = tpu.memref_squeeze %dma_wait3A_1362 : memref<1x128x128xf32, #tpu.memory_space<vmem>> -> memref<128x128xf32, #tpu.memory_space<vmem>>
      tpu.wait_dma2 semaphore(%arg17 : memref<!tpu.dma_semaphore, #tpu.memory_space<semaphore_mem>>) src(%dma_wait3A_1363 : memref<128x128xf32, #tpu.memory_space<vmem>>) dst(%dma_wait3A_1359 : memref<128x128xf32, #tpu.memory_space<hbm>>)
    } else {
    }
    %mul3A_977 = arith.constant 25 : i32
    %mul3A_978 = arith.muli %mul3A_977, %add3A : i32
    %add3A_979 = arith.constant 16 : i32
    %add3A_980 = arith.addi %mul3A_978, %add3A_979 : i32
    %eq3A_981 = arith.constant 781 : i32
    %eq3A_982 = arith.cmpi eq, %add3A_980, %eq3A_981 : i32
    %convert_element_type3A_983 = arith.extui %eq3A_982 : i1 to i32
    %cond3A_984 = arith.constant 0 : i32
    %cond3A_985 = arith.cmpi ne, %convert_element_type3A_983, %cond3A_984 : i32
    scf.if %cond3A_985 {
      %dma_wait3A = arith.constant 4 : i32
      %dma_wait3A_1346 = arith.constant 0 : i32
      %dma_wait3A_1347 = arith.constant 0 : i32
      %dma_wait3A_1348 = tpu.memref_slice %arg6[%dma_wait3A, %dma_wait3A_1346, %dma_wait3A_1347] : memref<6x128x128xf32, #tpu.memory_space<vmem>> -> memref<1x32x128xf32, #tpu.memory_space<vmem>>
      %dma_wait3A_1349 = tpu.memref_squeeze %dma_wait3A_1348 : memref<1x32x128xf32, #tpu.memory_space<vmem>> -> memref<32x128xf32, #tpu.memory_space<vmem>>
      %dma_wait3A_1350 = arith.constant 99968 : i32
      %dma_wait3A_1351 = arith.constant 0 : i32
      %dma_wait3A_1352 = tpu.memref_slice %arg4[%dma_wait3A_1350, %dma_wait3A_1351] : memref<100000x128xf32, #tpu.memory_space<hbm>> -> memref<32x128xf32, #tpu.memory_space<hbm>>
      %dma_wait3A_1353 = arith.constant 99968 : i32
      %dma_wait3A_1354 = arith.constant 0 : i32
      %dma_wait3A_1355 = tpu.memref_slice %arg4[%dma_wait3A_1353, %dma_wait3A_1354] : memref<100000x128xf32, #tpu.memory_space<hbm>> -> memref<32x128xf32, #tpu.memory_space<hbm>>
      %dma_wait3A_1356 = arith.constant 0 : i32
      %dma_wait3A_1357 = arith.constant 0 : i32
      %dma_wait3A_1358 = tpu.memref_slice %arg6[%dma_wait3A, %dma_wait3A_1356, %dma_wait3A_1357] : memref<6x128x128xf32, #tpu.memory_space<vmem>> -> memref<1x32x128xf32, #tpu.memory_space<vmem>>
      %dma_wait3A_1359 = tpu.memref_squeeze %dma_wait3A_1358 : memref<1x32x128xf32, #tpu.memory_space<vmem>> -> memref<32x128xf32, #tpu.memory_space<vmem>>
      tpu.wait_dma2 semaphore(%arg17 : memref<!tpu.dma_semaphore, #tpu.memory_space<semaphore_mem>>) src(%dma_wait3A_1359 : memref<32x128xf32, #tpu.memory_space<vmem>>) dst(%dma_wait3A_1355 : memref<32x128xf32, #tpu.memory_space<hbm>>)
    } else {
    }
    %mul3A_986 = arith.constant 25 : i32
    %mul3A_987 = arith.muli %mul3A_986, %add3A : i32
    %add3A_988 = arith.constant 22 : i32
    %add3A_989 = arith.addi %mul3A_987, %add3A_988 : i32
    %le3A_990 = arith.constant 781 : i32
    %le3A_991 = arith.cmpi sle, %add3A_989, %le3A_990 : i32
    %convert_element_type3A_992 = arith.extui %le3A_991 : i1 to i32
    %cond3A_993 = arith.constant 0 : i32
    %cond3A_994 = arith.cmpi ne, %convert_element_type3A_992, %cond3A_993 : i32
    scf.if %cond3A_994 {
      %dma_start3A = arith.constant 0 : i32
      %dma_start3A_1346 = arith.constant 4 : i32
      %dma_start3A_1347 = arith.constant 0 : i32
      %dma_start3A_1348 = arith.constant 0 : i32
      %dma_start3A_1349 = tpu.memref_slice %arg6[%dma_start3A_1346, %dma_start3A_1347, %dma_start3A_1348] : memref<6x128x128xf32, #tpu.memory_space<vmem>> -> memref<1x128x128xf32, #tpu.memory_space<vmem>>
      %dma_start3A_1350 = tpu.memref_squeeze %dma_start3A_1349 : memref<1x128x128xf32, #tpu.memory_space<vmem>> -> memref<128x128xf32, #tpu.memory_space<vmem>>
      %dma_start3A_1351 = arith.constant 2816 : i32
      %dma_start3A_1352 = tpu.memref_slice %arg5[%dma_start3A, %dma_start3A_1351] : memref<1x4096xi32, #tpu.memory_space<vmem>> -> memref<1x128xi32, #tpu.memory_space<vmem>>
      %dma_start3A_1353 = tpu.memref_squeeze %dma_start3A_1352 : memref<1x128xi32, #tpu.memory_space<vmem>> -> memref<128xi32, #tpu.memory_space<vmem>>
      %dma_start3A_1354 = arith.constant 0 : i32
      %dma_start3A_1355 = arith.constant 0 : i32
      %dma_start3A_1356 = tpu.memref_slice %arg3[%dma_start3A_1354, %dma_start3A_1355] : memref<3808x128xf32, #tpu.memory_space<hbm>> -> memref<3808x128xf32, #tpu.memory_space<hbm>>
      tpu.enqueue_indirect_dma source(%dma_start3A_1356 : memref<3808x128xf32, #tpu.memory_space<hbm>>) target(%dma_start3A_1350 : memref<128x128xf32, #tpu.memory_space<vmem>>) offsets(%dma_start3A_1353 : memref<128xi32, #tpu.memory_space<vmem>>) semaphore(%arg11 : memref<!tpu.dma_semaphore, #tpu.memory_space<semaphore_mem>>)
    } else {
    }
    %mul3A_995 = arith.constant 25 : i32
    %mul3A_996 = arith.muli %mul3A_995, %add3A : i32
    %add3A_997 = arith.constant 18 : i32
    %add3A_998 = arith.addi %mul3A_996, %add3A_997 : i32
    %le3A_999 = arith.constant 781 : i32
    %le3A_1000 = arith.cmpi sle, %add3A_998, %le3A_999 : i32
    %convert_element_type3A_1001 = arith.extui %le3A_1000 : i1 to i32
    %cond3A_1002 = arith.constant 0 : i32
    %cond3A_1003 = arith.cmpi ne, %convert_element_type3A_1001, %cond3A_1002 : i32
    scf.if %cond3A_1003 {
      %dma_wait3A = arith.constant 0 : i32
      %dma_wait3A_1346 = arith.constant 0 : i32
      %dma_wait3A_1347 = arith.constant 0 : i32
      %dma_wait3A_1348 = arith.constant 0 : i32
      %dma_wait3A_1349 = tpu.memref_slice %arg6[%dma_wait3A_1346, %dma_wait3A_1347, %dma_wait3A_1348] : memref<6x128x128xf32, #tpu.memory_space<vmem>> -> memref<1x128x128xf32, #tpu.memory_space<vmem>>
      %dma_wait3A_1350 = tpu.memref_squeeze %dma_wait3A_1349 : memref<1x128x128xf32, #tpu.memory_space<vmem>> -> memref<128x128xf32, #tpu.memory_space<vmem>>
      %dma_wait3A_1351 = arith.constant 2304 : i32
      %dma_wait3A_1352 = tpu.memref_slice %arg5[%dma_wait3A, %dma_wait3A_1351] : memref<1x4096xi32, #tpu.memory_space<vmem>> -> memref<1x128xi32, #tpu.memory_space<vmem>>
      %dma_wait3A_1353 = tpu.memref_squeeze %dma_wait3A_1352 : memref<1x128xi32, #tpu.memory_space<vmem>> -> memref<128xi32, #tpu.memory_space<vmem>>
      %dma_wait3A_1354 = arith.constant 0 : i32
      %dma_wait3A_1355 = arith.constant 0 : i32
      %dma_wait3A_1356 = tpu.memref_slice %arg3[%dma_wait3A_1354, %dma_wait3A_1355] : memref<3808x128xf32, #tpu.memory_space<hbm>> -> memref<3808x128xf32, #tpu.memory_space<hbm>>
      tpu.wait_indirect_dma semaphore(%arg7 : memref<!tpu.dma_semaphore, #tpu.memory_space<semaphore_mem>>) src(%dma_wait3A_1356 : memref<3808x128xf32, #tpu.memory_space<hbm>>) dst(%dma_wait3A_1350 : memref<128x128xf32, #tpu.memory_space<vmem>>)
    } else {
    }
    %mul3A_1004 = arith.constant 25 : i32
    %mul3A_1005 = arith.muli %mul3A_1004, %add3A : i32
    %add3A_1006 = arith.constant 18 : i32
    %add3A_1007 = arith.addi %mul3A_1005, %add3A_1006 : i32
    %lt3A_1008 = arith.constant 781 : i32
    %lt3A_1009 = arith.cmpi slt, %add3A_1007, %lt3A_1008 : i32
    %convert_element_type3A_1010 = arith.extui %lt3A_1009 : i1 to i32
    %cond3A_1011 = arith.constant 0 : i32
    %cond3A_1012 = arith.cmpi ne, %convert_element_type3A_1010, %cond3A_1011 : i32
    scf.if %cond3A_1012 {
      %mul3A_1346 = arith.constant 25 : i32
      %mul3A_1347 = arith.muli %mul3A_1346, %add3A : i32
      %add3A_1348 = arith.constant 18 : i32
      %add3A_1349 = arith.addi %mul3A_1347, %add3A_1348 : i32
      %mul3A_1350 = arith.constant 128 : i32
      %mul3A_1351 = arith.muli %add3A_1349, %mul3A_1350 : i32
      %dma_start3A = arith.constant 0 : i32
      %dma_start3A_1352 = arith.constant 0 : i32
      %dma_start3A_1353 = arith.constant 0 : i32
      %dma_start3A_1354 = tpu.memref_slice %arg6[%dma_start3A, %dma_start3A_1352, %dma_start3A_1353] : memref<6x128x128xf32, #tpu.memory_space<vmem>> -> memref<1x128x128xf32, #tpu.memory_space<vmem>>
      %dma_start3A_1355 = tpu.memref_squeeze %dma_start3A_1354 : memref<1x128x128xf32, #tpu.memory_space<vmem>> -> memref<128x128xf32, #tpu.memory_space<vmem>>
      %dma_start3A_1356 = arith.constant 0 : i32
      %dma_start3A_1357 = tpu.memref_slice %arg4[%mul3A_1351, %dma_start3A_1356] : memref<100000x128xf32, #tpu.memory_space<hbm>> -> memref<128x128xf32, #tpu.memory_space<hbm>>
      %dma_start3A_1358 = arith.constant 0 : i32
      %dma_start3A_1359 = tpu.memref_slice %arg4[%mul3A_1351, %dma_start3A_1358] : memref<100000x128xf32, #tpu.memory_space<hbm>> -> memref<128x128xf32, #tpu.memory_space<hbm>>
      %dma_start3A_1360 = arith.constant 0 : i32
      %dma_start3A_1361 = arith.constant 0 : i32
      %dma_start3A_1362 = tpu.memref_slice %arg6[%dma_start3A, %dma_start3A_1360, %dma_start3A_1361] : memref<6x128x128xf32, #tpu.memory_space<vmem>> -> memref<1x128x128xf32, #tpu.memory_space<vmem>>
      %dma_start3A_1363 = tpu.memref_squeeze %dma_start3A_1362 : memref<1x128x128xf32, #tpu.memory_space<vmem>> -> memref<128x128xf32, #tpu.memory_space<vmem>>
      tpu.enqueue_dma source(%dma_start3A_1363 : memref<128x128xf32, #tpu.memory_space<vmem>>) target(%dma_start3A_1359 : memref<128x128xf32, #tpu.memory_space<hbm>>) target_semaphore(%arg13 : memref<!tpu.dma_semaphore, #tpu.memory_space<semaphore_mem>>)
    } else {
    }
    %mul3A_1013 = arith.constant 25 : i32
    %mul3A_1014 = arith.muli %mul3A_1013, %add3A : i32
    %add3A_1015 = arith.constant 18 : i32
    %add3A_1016 = arith.addi %mul3A_1014, %add3A_1015 : i32
    %eq3A_1017 = arith.constant 781 : i32
    %eq3A_1018 = arith.cmpi eq, %add3A_1016, %eq3A_1017 : i32
    %convert_element_type3A_1019 = arith.extui %eq3A_1018 : i1 to i32
    %cond3A_1020 = arith.constant 0 : i32
    %cond3A_1021 = arith.cmpi ne, %convert_element_type3A_1019, %cond3A_1020 : i32
    scf.if %cond3A_1021 {
      %dma_start3A = arith.constant 0 : i32
      %dma_start3A_1346 = arith.constant 0 : i32
      %dma_start3A_1347 = arith.constant 0 : i32
      %dma_start3A_1348 = tpu.memref_slice %arg6[%dma_start3A, %dma_start3A_1346, %dma_start3A_1347] : memref<6x128x128xf32, #tpu.memory_space<vmem>> -> memref<1x32x128xf32, #tpu.memory_space<vmem>>
      %dma_start3A_1349 = tpu.memref_squeeze %dma_start3A_1348 : memref<1x32x128xf32, #tpu.memory_space<vmem>> -> memref<32x128xf32, #tpu.memory_space<vmem>>
      %dma_start3A_1350 = arith.constant 99968 : i32
      %dma_start3A_1351 = arith.constant 0 : i32
      %dma_start3A_1352 = tpu.memref_slice %arg4[%dma_start3A_1350, %dma_start3A_1351] : memref<100000x128xf32, #tpu.memory_space<hbm>> -> memref<32x128xf32, #tpu.memory_space<hbm>>
      %dma_start3A_1353 = arith.constant 99968 : i32
      %dma_start3A_1354 = arith.constant 0 : i32
      %dma_start3A_1355 = tpu.memref_slice %arg4[%dma_start3A_1353, %dma_start3A_1354] : memref<100000x128xf32, #tpu.memory_space<hbm>> -> memref<32x128xf32, #tpu.memory_space<hbm>>
      %dma_start3A_1356 = arith.constant 0 : i32
      %dma_start3A_1357 = arith.constant 0 : i32
      %dma_start3A_1358 = tpu.memref_slice %arg6[%dma_start3A, %dma_start3A_1356, %dma_start3A_1357] : memref<6x128x128xf32, #tpu.memory_space<vmem>> -> memref<1x32x128xf32, #tpu.memory_space<vmem>>
      %dma_start3A_1359 = tpu.memref_squeeze %dma_start3A_1358 : memref<1x32x128xf32, #tpu.memory_space<vmem>> -> memref<32x128xf32, #tpu.memory_space<vmem>>
      tpu.enqueue_dma source(%dma_start3A_1359 : memref<32x128xf32, #tpu.memory_space<vmem>>) target(%dma_start3A_1355 : memref<32x128xf32, #tpu.memory_space<hbm>>) target_semaphore(%arg13 : memref<!tpu.dma_semaphore, #tpu.memory_space<semaphore_mem>>)
    } else {
    }
    %mul3A_1022 = arith.constant 25 : i32
    %mul3A_1023 = arith.muli %mul3A_1022, %add3A : i32
    %add3A_1024 = arith.constant 17 : i32
    %add3A_1025 = arith.addi %mul3A_1023, %add3A_1024 : i32
    %lt3A_1026 = arith.constant 781 : i32
    %lt3A_1027 = arith.cmpi slt, %add3A_1025, %lt3A_1026 : i32
    %convert_element_type3A_1028 = arith.extui %lt3A_1027 : i1 to i32
    %cond3A_1029 = arith.constant 0 : i32
    %cond3A_1030 = arith.cmpi ne, %convert_element_type3A_1028, %cond3A_1029 : i32
    scf.if %cond3A_1030 {
      %mul3A_1346 = arith.constant 25 : i32
      %mul3A_1347 = arith.muli %mul3A_1346, %add3A : i32
      %add3A_1348 = arith.constant 17 : i32
      %add3A_1349 = arith.addi %mul3A_1347, %add3A_1348 : i32
      %mul3A_1350 = arith.constant 128 : i32
      %mul3A_1351 = arith.muli %add3A_1349, %mul3A_1350 : i32
      %dma_wait3A = arith.constant 5 : i32
      %dma_wait3A_1352 = arith.constant 0 : i32
      %dma_wait3A_1353 = arith.constant 0 : i32
      %dma_wait3A_1354 = tpu.memref_slice %arg6[%dma_wait3A, %dma_wait3A_1352, %dma_wait3A_1353] : memref<6x128x128xf32, #tpu.memory_space<vmem>> -> memref<1x128x128xf32, #tpu.memory_space<vmem>>
      %dma_wait3A_1355 = tpu.memref_squeeze %dma_wait3A_1354 : memref<1x128x128xf32, #tpu.memory_space<vmem>> -> memref<128x128xf32, #tpu.memory_space<vmem>>
      %dma_wait3A_1356 = arith.constant 0 : i32
      %dma_wait3A_1357 = tpu.memref_slice %arg4[%mul3A_1351, %dma_wait3A_1356] : memref<100000x128xf32, #tpu.memory_space<hbm>> -> memref<128x128xf32, #tpu.memory_space<hbm>>
      %dma_wait3A_1358 = arith.constant 0 : i32
      %dma_wait3A_1359 = tpu.memref_slice %arg4[%mul3A_1351, %dma_wait3A_1358] : memref<100000x128xf32, #tpu.memory_space<hbm>> -> memref<128x128xf32, #tpu.memory_space<hbm>>
      %dma_wait3A_1360 = arith.constant 0 : i32
      %dma_wait3A_1361 = arith.constant 0 : i32
      %dma_wait3A_1362 = tpu.memref_slice %arg6[%dma_wait3A, %dma_wait3A_1360, %dma_wait3A_1361] : memref<6x128x128xf32, #tpu.memory_space<vmem>> -> memref<1x128x128xf32, #tpu.memory_space<vmem>>
      %dma_wait3A_1363 = tpu.memref_squeeze %dma_wait3A_1362 : memref<1x128x128xf32, #tpu.memory_space<vmem>> -> memref<128x128xf32, #tpu.memory_space<vmem>>
      tpu.wait_dma2 semaphore(%arg18 : memref<!tpu.dma_semaphore, #tpu.memory_space<semaphore_mem>>) src(%dma_wait3A_1363 : memref<128x128xf32, #tpu.memory_space<vmem>>) dst(%dma_wait3A_1359 : memref<128x128xf32, #tpu.memory_space<hbm>>)
    } else {
    }
    %mul3A_1031 = arith.constant 25 : i32
    %mul3A_1032 = arith.muli %mul3A_1031, %add3A : i32
    %add3A_1033 = arith.constant 17 : i32
    %add3A_1034 = arith.addi %mul3A_1032, %add3A_1033 : i32
    %eq3A_1035 = arith.constant 781 : i32
    %eq3A_1036 = arith.cmpi eq, %add3A_1034, %eq3A_1035 : i32
    %convert_element_type3A_1037 = arith.extui %eq3A_1036 : i1 to i32
    %cond3A_1038 = arith.constant 0 : i32
    %cond3A_1039 = arith.cmpi ne, %convert_element_type3A_1037, %cond3A_1038 : i32
    scf.if %cond3A_1039 {
      %dma_wait3A = arith.constant 5 : i32
      %dma_wait3A_1346 = arith.constant 0 : i32
      %dma_wait3A_1347 = arith.constant 0 : i32
      %dma_wait3A_1348 = tpu.memref_slice %arg6[%dma_wait3A, %dma_wait3A_1346, %dma_wait3A_1347] : memref<6x128x128xf32, #tpu.memory_space<vmem>> -> memref<1x32x128xf32, #tpu.memory_space<vmem>>
      %dma_wait3A_1349 = tpu.memref_squeeze %dma_wait3A_1348 : memref<1x32x128xf32, #tpu.memory_space<vmem>> -> memref<32x128xf32, #tpu.memory_space<vmem>>
      %dma_wait3A_1350 = arith.constant 99968 : i32
      %dma_wait3A_1351 = arith.constant 0 : i32
      %dma_wait3A_1352 = tpu.memref_slice %arg4[%dma_wait3A_1350, %dma_wait3A_1351] : memref<100000x128xf32, #tpu.memory_space<hbm>> -> memref<32x128xf32, #tpu.memory_space<hbm>>
      %dma_wait3A_1353 = arith.constant 99968 : i32
      %dma_wait3A_1354 = arith.constant 0 : i32
      %dma_wait3A_1355 = tpu.memref_slice %arg4[%dma_wait3A_1353, %dma_wait3A_1354] : memref<100000x128xf32, #tpu.memory_space<hbm>> -> memref<32x128xf32, #tpu.memory_space<hbm>>
      %dma_wait3A_1356 = arith.constant 0 : i32
      %dma_wait3A_1357 = arith.constant 0 : i32
      %dma_wait3A_1358 = tpu.memref_slice %arg6[%dma_wait3A, %dma_wait3A_1356, %dma_wait3A_1357] : memref<6x128x128xf32, #tpu.memory_space<vmem>> -> memref<1x32x128xf32, #tpu.memory_space<vmem>>
      %dma_wait3A_1359 = tpu.memref_squeeze %dma_wait3A_1358 : memref<1x32x128xf32, #tpu.memory_space<vmem>> -> memref<32x128xf32, #tpu.memory_space<vmem>>
      tpu.wait_dma2 semaphore(%arg18 : memref<!tpu.dma_semaphore, #tpu.memory_space<semaphore_mem>>) src(%dma_wait3A_1359 : memref<32x128xf32, #tpu.memory_space<vmem>>) dst(%dma_wait3A_1355 : memref<32x128xf32, #tpu.memory_space<hbm>>)
    } else {
    }
    %mul3A_1040 = arith.constant 25 : i32
    %mul3A_1041 = arith.muli %mul3A_1040, %add3A : i32
    %add3A_1042 = arith.constant 23 : i32
    %add3A_1043 = arith.addi %mul3A_1041, %add3A_1042 : i32
    %le3A_1044 = arith.constant 781 : i32
    %le3A_1045 = arith.cmpi sle, %add3A_1043, %le3A_1044 : i32
    %convert_element_type3A_1046 = arith.extui %le3A_1045 : i1 to i32
    %cond3A_1047 = arith.constant 0 : i32
    %cond3A_1048 = arith.cmpi ne, %convert_element_type3A_1046, %cond3A_1047 : i32
    scf.if %cond3A_1048 {
      %dma_start3A = arith.constant 0 : i32
      %dma_start3A_1346 = arith.constant 5 : i32
      %dma_start3A_1347 = arith.constant 0 : i32
      %dma_start3A_1348 = arith.constant 0 : i32
      %dma_start3A_1349 = tpu.memref_slice %arg6[%dma_start3A_1346, %dma_start3A_1347, %dma_start3A_1348] : memref<6x128x128xf32, #tpu.memory_space<vmem>> -> memref<1x128x128xf32, #tpu.memory_space<vmem>>
      %dma_start3A_1350 = tpu.memref_squeeze %dma_start3A_1349 : memref<1x128x128xf32, #tpu.memory_space<vmem>> -> memref<128x128xf32, #tpu.memory_space<vmem>>
      %dma_start3A_1351 = arith.constant 2944 : i32
      %dma_start3A_1352 = tpu.memref_slice %arg5[%dma_start3A, %dma_start3A_1351] : memref<1x4096xi32, #tpu.memory_space<vmem>> -> memref<1x128xi32, #tpu.memory_space<vmem>>
      %dma_start3A_1353 = tpu.memref_squeeze %dma_start3A_1352 : memref<1x128xi32, #tpu.memory_space<vmem>> -> memref<128xi32, #tpu.memory_space<vmem>>
      %dma_start3A_1354 = arith.constant 0 : i32
      %dma_start3A_1355 = arith.constant 0 : i32
      %dma_start3A_1356 = tpu.memref_slice %arg3[%dma_start3A_1354, %dma_start3A_1355] : memref<3808x128xf32, #tpu.memory_space<hbm>> -> memref<3808x128xf32, #tpu.memory_space<hbm>>
      tpu.enqueue_indirect_dma source(%dma_start3A_1356 : memref<3808x128xf32, #tpu.memory_space<hbm>>) target(%dma_start3A_1350 : memref<128x128xf32, #tpu.memory_space<vmem>>) offsets(%dma_start3A_1353 : memref<128xi32, #tpu.memory_space<vmem>>) semaphore(%arg12 : memref<!tpu.dma_semaphore, #tpu.memory_space<semaphore_mem>>)
    } else {
    }
    %mul3A_1049 = arith.constant 25 : i32
    %mul3A_1050 = arith.muli %mul3A_1049, %add3A : i32
    %add3A_1051 = arith.constant 19 : i32
    %add3A_1052 = arith.addi %mul3A_1050, %add3A_1051 : i32
    %le3A_1053 = arith.constant 781 : i32
    %le3A_1054 = arith.cmpi sle, %add3A_1052, %le3A_1053 : i32
    %convert_element_type3A_1055 = arith.extui %le3A_1054 : i1 to i32
    %cond3A_1056 = arith.constant 0 : i32
    %cond3A_1057 = arith.cmpi ne, %convert_element_type3A_1055, %cond3A_1056 : i32
    scf.if %cond3A_1057 {
      %dma_wait3A = arith.constant 0 : i32
      %dma_wait3A_1346 = arith.constant 1 : i32
      %dma_wait3A_1347 = arith.constant 0 : i32
      %dma_wait3A_1348 = arith.constant 0 : i32
      %dma_wait3A_1349 = tpu.memref_slice %arg6[%dma_wait3A_1346, %dma_wait3A_1347, %dma_wait3A_1348] : memref<6x128x128xf32, #tpu.memory_space<vmem>> -> memref<1x128x128xf32, #tpu.memory_space<vmem>>
      %dma_wait3A_1350 = tpu.memref_squeeze %dma_wait3A_1349 : memref<1x128x128xf32, #tpu.memory_space<vmem>> -> memref<128x128xf32, #tpu.memory_space<vmem>>
      %dma_wait3A_1351 = arith.constant 2432 : i32
      %dma_wait3A_1352 = tpu.memref_slice %arg5[%dma_wait3A, %dma_wait3A_1351] : memref<1x4096xi32, #tpu.memory_space<vmem>> -> memref<1x128xi32, #tpu.memory_space<vmem>>
      %dma_wait3A_1353 = tpu.memref_squeeze %dma_wait3A_1352 : memref<1x128xi32, #tpu.memory_space<vmem>> -> memref<128xi32, #tpu.memory_space<vmem>>
      %dma_wait3A_1354 = arith.constant 0 : i32
      %dma_wait3A_1355 = arith.constant 0 : i32
      %dma_wait3A_1356 = tpu.memref_slice %arg3[%dma_wait3A_1354, %dma_wait3A_1355] : memref<3808x128xf32, #tpu.memory_space<hbm>> -> memref<3808x128xf32, #tpu.memory_space<hbm>>
      tpu.wait_indirect_dma semaphore(%arg8 : memref<!tpu.dma_semaphore, #tpu.memory_space<semaphore_mem>>) src(%dma_wait3A_1356 : memref<3808x128xf32, #tpu.memory_space<hbm>>) dst(%dma_wait3A_1350 : memref<128x128xf32, #tpu.memory_space<vmem>>)
    } else {
    }
    %mul3A_1058 = arith.constant 25 : i32
    %mul3A_1059 = arith.muli %mul3A_1058, %add3A : i32
    %add3A_1060 = arith.constant 19 : i32
    %add3A_1061 = arith.addi %mul3A_1059, %add3A_1060 : i32
    %lt3A_1062 = arith.constant 781 : i32
    %lt3A_1063 = arith.cmpi slt, %add3A_1061, %lt3A_1062 : i32
    %convert_element_type3A_1064 = arith.extui %lt3A_1063 : i1 to i32
    %cond3A_1065 = arith.constant 0 : i32
    %cond3A_1066 = arith.cmpi ne, %convert_element_type3A_1064, %cond3A_1065 : i32
    scf.if %cond3A_1066 {
      %mul3A_1346 = arith.constant 25 : i32
      %mul3A_1347 = arith.muli %mul3A_1346, %add3A : i32
      %add3A_1348 = arith.constant 19 : i32
      %add3A_1349 = arith.addi %mul3A_1347, %add3A_1348 : i32
      %mul3A_1350 = arith.constant 128 : i32
      %mul3A_1351 = arith.muli %add3A_1349, %mul3A_1350 : i32
      %dma_start3A = arith.constant 1 : i32
      %dma_start3A_1352 = arith.constant 0 : i32
      %dma_start3A_1353 = arith.constant 0 : i32
      %dma_start3A_1354 = tpu.memref_slice %arg6[%dma_start3A, %dma_start3A_1352, %dma_start3A_1353] : memref<6x128x128xf32, #tpu.memory_space<vmem>> -> memref<1x128x128xf32, #tpu.memory_space<vmem>>
      %dma_start3A_1355 = tpu.memref_squeeze %dma_start3A_1354 : memref<1x128x128xf32, #tpu.memory_space<vmem>> -> memref<128x128xf32, #tpu.memory_space<vmem>>
      %dma_start3A_1356 = arith.constant 0 : i32
      %dma_start3A_1357 = tpu.memref_slice %arg4[%mul3A_1351, %dma_start3A_1356] : memref<100000x128xf32, #tpu.memory_space<hbm>> -> memref<128x128xf32, #tpu.memory_space<hbm>>
      %dma_start3A_1358 = arith.constant 0 : i32
      %dma_start3A_1359 = tpu.memref_slice %arg4[%mul3A_1351, %dma_start3A_1358] : memref<100000x128xf32, #tpu.memory_space<hbm>> -> memref<128x128xf32, #tpu.memory_space<hbm>>
      %dma_start3A_1360 = arith.constant 0 : i32
      %dma_start3A_1361 = arith.constant 0 : i32
      %dma_start3A_1362 = tpu.memref_slice %arg6[%dma_start3A, %dma_start3A_1360, %dma_start3A_1361] : memref<6x128x128xf32, #tpu.memory_space<vmem>> -> memref<1x128x128xf32, #tpu.memory_space<vmem>>
      %dma_start3A_1363 = tpu.memref_squeeze %dma_start3A_1362 : memref<1x128x128xf32, #tpu.memory_space<vmem>> -> memref<128x128xf32, #tpu.memory_space<vmem>>
      tpu.enqueue_dma source(%dma_start3A_1363 : memref<128x128xf32, #tpu.memory_space<vmem>>) target(%dma_start3A_1359 : memref<128x128xf32, #tpu.memory_space<hbm>>) target_semaphore(%arg14 : memref<!tpu.dma_semaphore, #tpu.memory_space<semaphore_mem>>)
    } else {
    }
    %mul3A_1067 = arith.constant 25 : i32
    %mul3A_1068 = arith.muli %mul3A_1067, %add3A : i32
    %add3A_1069 = arith.constant 19 : i32
    %add3A_1070 = arith.addi %mul3A_1068, %add3A_1069 : i32
    %eq3A_1071 = arith.constant 781 : i32
    %eq3A_1072 = arith.cmpi eq, %add3A_1070, %eq3A_1071 : i32
    %convert_element_type3A_1073 = arith.extui %eq3A_1072 : i1 to i32
    %cond3A_1074 = arith.constant 0 : i32
    %cond3A_1075 = arith.cmpi ne, %convert_element_type3A_1073, %cond3A_1074 : i32
    scf.if %cond3A_1075 {
      %dma_start3A = arith.constant 1 : i32
      %dma_start3A_1346 = arith.constant 0 : i32
      %dma_start3A_1347 = arith.constant 0 : i32
      %dma_start3A_1348 = tpu.memref_slice %arg6[%dma_start3A, %dma_start3A_1346, %dma_start3A_1347] : memref<6x128x128xf32, #tpu.memory_space<vmem>> -> memref<1x32x128xf32, #tpu.memory_space<vmem>>
      %dma_start3A_1349 = tpu.memref_squeeze %dma_start3A_1348 : memref<1x32x128xf32, #tpu.memory_space<vmem>> -> memref<32x128xf32, #tpu.memory_space<vmem>>
      %dma_start3A_1350 = arith.constant 99968 : i32
      %dma_start3A_1351 = arith.constant 0 : i32
      %dma_start3A_1352 = tpu.memref_slice %arg4[%dma_start3A_1350, %dma_start3A_1351] : memref<100000x128xf32, #tpu.memory_space<hbm>> -> memref<32x128xf32, #tpu.memory_space<hbm>>
      %dma_start3A_1353 = arith.constant 99968 : i32
      %dma_start3A_1354 = arith.constant 0 : i32
      %dma_start3A_1355 = tpu.memref_slice %arg4[%dma_start3A_1353, %dma_start3A_1354] : memref<100000x128xf32, #tpu.memory_space<hbm>> -> memref<32x128xf32, #tpu.memory_space<hbm>>
      %dma_start3A_1356 = arith.constant 0 : i32
      %dma_start3A_1357 = arith.constant 0 : i32
      %dma_start3A_1358 = tpu.memref_slice %arg6[%dma_start3A, %dma_start3A_1356, %dma_start3A_1357] : memref<6x128x128xf32, #tpu.memory_space<vmem>> -> memref<1x32x128xf32, #tpu.memory_space<vmem>>
      %dma_start3A_1359 = tpu.memref_squeeze %dma_start3A_1358 : memref<1x32x128xf32, #tpu.memory_space<vmem>> -> memref<32x128xf32, #tpu.memory_space<vmem>>
      tpu.enqueue_dma source(%dma_start3A_1359 : memref<32x128xf32, #tpu.memory_space<vmem>>) target(%dma_start3A_1355 : memref<32x128xf32, #tpu.memory_space<hbm>>) target_semaphore(%arg14 : memref<!tpu.dma_semaphore, #tpu.memory_space<semaphore_mem>>)
    } else {
    }
    %mul3A_1076 = arith.constant 25 : i32
    %mul3A_1077 = arith.muli %mul3A_1076, %add3A : i32
    %add3A_1078 = arith.constant 18 : i32
    %add3A_1079 = arith.addi %mul3A_1077, %add3A_1078 : i32
    %lt3A_1080 = arith.constant 781 : i32
    %lt3A_1081 = arith.cmpi slt, %add3A_1079, %lt3A_1080 : i32
    %convert_element_type3A_1082 = arith.extui %lt3A_1081 : i1 to i32
    %cond3A_1083 = arith.constant 0 : i32
    %cond3A_1084 = arith.cmpi ne, %convert_element_type3A_1082, %cond3A_1083 : i32
    scf.if %cond3A_1084 {
      %mul3A_1346 = arith.constant 25 : i32
      %mul3A_1347 = arith.muli %mul3A_1346, %add3A : i32
      %add3A_1348 = arith.constant 18 : i32
      %add3A_1349 = arith.addi %mul3A_1347, %add3A_1348 : i32
      %mul3A_1350 = arith.constant 128 : i32
      %mul3A_1351 = arith.muli %add3A_1349, %mul3A_1350 : i32
      %dma_wait3A = arith.constant 0 : i32
      %dma_wait3A_1352 = arith.constant 0 : i32
      %dma_wait3A_1353 = arith.constant 0 : i32
      %dma_wait3A_1354 = tpu.memref_slice %arg6[%dma_wait3A, %dma_wait3A_1352, %dma_wait3A_1353] : memref<6x128x128xf32, #tpu.memory_space<vmem>> -> memref<1x128x128xf32, #tpu.memory_space<vmem>>
      %dma_wait3A_1355 = tpu.memref_squeeze %dma_wait3A_1354 : memref<1x128x128xf32, #tpu.memory_space<vmem>> -> memref<128x128xf32, #tpu.memory_space<vmem>>
      %dma_wait3A_1356 = arith.constant 0 : i32
      %dma_wait3A_1357 = tpu.memref_slice %arg4[%mul3A_1351, %dma_wait3A_1356] : memref<100000x128xf32, #tpu.memory_space<hbm>> -> memref<128x128xf32, #tpu.memory_space<hbm>>
      %dma_wait3A_1358 = arith.constant 0 : i32
      %dma_wait3A_1359 = tpu.memref_slice %arg4[%mul3A_1351, %dma_wait3A_1358] : memref<100000x128xf32, #tpu.memory_space<hbm>> -> memref<128x128xf32, #tpu.memory_space<hbm>>
      %dma_wait3A_1360 = arith.constant 0 : i32
      %dma_wait3A_1361 = arith.constant 0 : i32
      %dma_wait3A_1362 = tpu.memref_slice %arg6[%dma_wait3A, %dma_wait3A_1360, %dma_wait3A_1361] : memref<6x128x128xf32, #tpu.memory_space<vmem>> -> memref<1x128x128xf32, #tpu.memory_space<vmem>>
      %dma_wait3A_1363 = tpu.memref_squeeze %dma_wait3A_1362 : memref<1x128x128xf32, #tpu.memory_space<vmem>> -> memref<128x128xf32, #tpu.memory_space<vmem>>
      tpu.wait_dma2 semaphore(%arg13 : memref<!tpu.dma_semaphore, #tpu.memory_space<semaphore_mem>>) src(%dma_wait3A_1363 : memref<128x128xf32, #tpu.memory_space<vmem>>) dst(%dma_wait3A_1359 : memref<128x128xf32, #tpu.memory_space<hbm>>)
    } else {
    }
    %mul3A_1085 = arith.constant 25 : i32
    %mul3A_1086 = arith.muli %mul3A_1085, %add3A : i32
    %add3A_1087 = arith.constant 18 : i32
    %add3A_1088 = arith.addi %mul3A_1086, %add3A_1087 : i32
    %eq3A_1089 = arith.constant 781 : i32
    %eq3A_1090 = arith.cmpi eq, %add3A_1088, %eq3A_1089 : i32
    %convert_element_type3A_1091 = arith.extui %eq3A_1090 : i1 to i32
    %cond3A_1092 = arith.constant 0 : i32
    %cond3A_1093 = arith.cmpi ne, %convert_element_type3A_1091, %cond3A_1092 : i32
    scf.if %cond3A_1093 {
      %dma_wait3A = arith.constant 0 : i32
      %dma_wait3A_1346 = arith.constant 0 : i32
      %dma_wait3A_1347 = arith.constant 0 : i32
      %dma_wait3A_1348 = tpu.memref_slice %arg6[%dma_wait3A, %dma_wait3A_1346, %dma_wait3A_1347] : memref<6x128x128xf32, #tpu.memory_space<vmem>> -> memref<1x32x128xf32, #tpu.memory_space<vmem>>
      %dma_wait3A_1349 = tpu.memref_squeeze %dma_wait3A_1348 : memref<1x32x128xf32, #tpu.memory_space<vmem>> -> memref<32x128xf32, #tpu.memory_space<vmem>>
      %dma_wait3A_1350 = arith.constant 99968 : i32
      %dma_wait3A_1351 = arith.constant 0 : i32
      %dma_wait3A_1352 = tpu.memref_slice %arg4[%dma_wait3A_1350, %dma_wait3A_1351] : memref<100000x128xf32, #tpu.memory_space<hbm>> -> memref<32x128xf32, #tpu.memory_space<hbm>>
      %dma_wait3A_1353 = arith.constant 99968 : i32
      %dma_wait3A_1354 = arith.constant 0 : i32
      %dma_wait3A_1355 = tpu.memref_slice %arg4[%dma_wait3A_1353, %dma_wait3A_1354] : memref<100000x128xf32, #tpu.memory_space<hbm>> -> memref<32x128xf32, #tpu.memory_space<hbm>>
      %dma_wait3A_1356 = arith.constant 0 : i32
      %dma_wait3A_1357 = arith.constant 0 : i32
      %dma_wait3A_1358 = tpu.memref_slice %arg6[%dma_wait3A, %dma_wait3A_1356, %dma_wait3A_1357] : memref<6x128x128xf32, #tpu.memory_space<vmem>> -> memref<1x32x128xf32, #tpu.memory_space<vmem>>
      %dma_wait3A_1359 = tpu.memref_squeeze %dma_wait3A_1358 : memref<1x32x128xf32, #tpu.memory_space<vmem>> -> memref<32x128xf32, #tpu.memory_space<vmem>>
      tpu.wait_dma2 semaphore(%arg13 : memref<!tpu.dma_semaphore, #tpu.memory_space<semaphore_mem>>) src(%dma_wait3A_1359 : memref<32x128xf32, #tpu.memory_space<vmem>>) dst(%dma_wait3A_1355 : memref<32x128xf32, #tpu.memory_space<hbm>>)
    } else {
    }
    %mul3A_1094 = arith.constant 25 : i32
    %mul3A_1095 = arith.muli %mul3A_1094, %add3A : i32
    %add3A_1096 = arith.constant 24 : i32
    %add3A_1097 = arith.addi %mul3A_1095, %add3A_1096 : i32
    %le3A_1098 = arith.constant 781 : i32
    %le3A_1099 = arith.cmpi sle, %add3A_1097, %le3A_1098 : i32
    %convert_element_type3A_1100 = arith.extui %le3A_1099 : i1 to i32
    %cond3A_1101 = arith.constant 0 : i32
    %cond3A_1102 = arith.cmpi ne, %convert_element_type3A_1100, %cond3A_1101 : i32
    scf.if %cond3A_1102 {
      %dma_start3A = arith.constant 0 : i32
      %dma_start3A_1346 = arith.constant 0 : i32
      %dma_start3A_1347 = arith.constant 0 : i32
      %dma_start3A_1348 = arith.constant 0 : i32
      %dma_start3A_1349 = tpu.memref_slice %arg6[%dma_start3A_1346, %dma_start3A_1347, %dma_start3A_1348] : memref<6x128x128xf32, #tpu.memory_space<vmem>> -> memref<1x128x128xf32, #tpu.memory_space<vmem>>
      %dma_start3A_1350 = tpu.memref_squeeze %dma_start3A_1349 : memref<1x128x128xf32, #tpu.memory_space<vmem>> -> memref<128x128xf32, #tpu.memory_space<vmem>>
      %dma_start3A_1351 = arith.constant 3072 : i32
      %dma_start3A_1352 = tpu.memref_slice %arg5[%dma_start3A, %dma_start3A_1351] : memref<1x4096xi32, #tpu.memory_space<vmem>> -> memref<1x128xi32, #tpu.memory_space<vmem>>
      %dma_start3A_1353 = tpu.memref_squeeze %dma_start3A_1352 : memref<1x128xi32, #tpu.memory_space<vmem>> -> memref<128xi32, #tpu.memory_space<vmem>>
      %dma_start3A_1354 = arith.constant 0 : i32
      %dma_start3A_1355 = arith.constant 0 : i32
      %dma_start3A_1356 = tpu.memref_slice %arg3[%dma_start3A_1354, %dma_start3A_1355] : memref<3808x128xf32, #tpu.memory_space<hbm>> -> memref<3808x128xf32, #tpu.memory_space<hbm>>
      tpu.enqueue_indirect_dma source(%dma_start3A_1356 : memref<3808x128xf32, #tpu.memory_space<hbm>>) target(%dma_start3A_1350 : memref<128x128xf32, #tpu.memory_space<vmem>>) offsets(%dma_start3A_1353 : memref<128xi32, #tpu.memory_space<vmem>>) semaphore(%arg7 : memref<!tpu.dma_semaphore, #tpu.memory_space<semaphore_mem>>)
    } else {
    }
    %mul3A_1103 = arith.constant 25 : i32
    %mul3A_1104 = arith.muli %mul3A_1103, %add3A : i32
    %add3A_1105 = arith.constant 20 : i32
    %add3A_1106 = arith.addi %mul3A_1104, %add3A_1105 : i32
    %le3A_1107 = arith.constant 781 : i32
    %le3A_1108 = arith.cmpi sle, %add3A_1106, %le3A_1107 : i32
    %convert_element_type3A_1109 = arith.extui %le3A_1108 : i1 to i32
    %cond3A_1110 = arith.constant 0 : i32
    %cond3A_1111 = arith.cmpi ne, %convert_element_type3A_1109, %cond3A_1110 : i32
    scf.if %cond3A_1111 {
      %dma_wait3A = arith.constant 0 : i32
      %dma_wait3A_1346 = arith.constant 2 : i32
      %dma_wait3A_1347 = arith.constant 0 : i32
      %dma_wait3A_1348 = arith.constant 0 : i32
      %dma_wait3A_1349 = tpu.memref_slice %arg6[%dma_wait3A_1346, %dma_wait3A_1347, %dma_wait3A_1348] : memref<6x128x128xf32, #tpu.memory_space<vmem>> -> memref<1x128x128xf32, #tpu.memory_space<vmem>>
      %dma_wait3A_1350 = tpu.memref_squeeze %dma_wait3A_1349 : memref<1x128x128xf32, #tpu.memory_space<vmem>> -> memref<128x128xf32, #tpu.memory_space<vmem>>
      %dma_wait3A_1351 = arith.constant 2560 : i32
      %dma_wait3A_1352 = tpu.memref_slice %arg5[%dma_wait3A, %dma_wait3A_1351] : memref<1x4096xi32, #tpu.memory_space<vmem>> -> memref<1x128xi32, #tpu.memory_space<vmem>>
      %dma_wait3A_1353 = tpu.memref_squeeze %dma_wait3A_1352 : memref<1x128xi32, #tpu.memory_space<vmem>> -> memref<128xi32, #tpu.memory_space<vmem>>
      %dma_wait3A_1354 = arith.constant 0 : i32
      %dma_wait3A_1355 = arith.constant 0 : i32
      %dma_wait3A_1356 = tpu.memref_slice %arg3[%dma_wait3A_1354, %dma_wait3A_1355] : memref<3808x128xf32, #tpu.memory_space<hbm>> -> memref<3808x128xf32, #tpu.memory_space<hbm>>
      tpu.wait_indirect_dma semaphore(%arg9 : memref<!tpu.dma_semaphore, #tpu.memory_space<semaphore_mem>>) src(%dma_wait3A_1356 : memref<3808x128xf32, #tpu.memory_space<hbm>>) dst(%dma_wait3A_1350 : memref<128x128xf32, #tpu.memory_space<vmem>>)
    } else {
    }
    %mul3A_1112 = arith.constant 25 : i32
    %mul3A_1113 = arith.muli %mul3A_1112, %add3A : i32
    %add3A_1114 = arith.constant 20 : i32
    %add3A_1115 = arith.addi %mul3A_1113, %add3A_1114 : i32
    %lt3A_1116 = arith.constant 781 : i32
    %lt3A_1117 = arith.cmpi slt, %add3A_1115, %lt3A_1116 : i32
    %convert_element_type3A_1118 = arith.extui %lt3A_1117 : i1 to i32
    %cond3A_1119 = arith.constant 0 : i32
    %cond3A_1120 = arith.cmpi ne, %convert_element_type3A_1118, %cond3A_1119 : i32
    scf.if %cond3A_1120 {
      %mul3A_1346 = arith.constant 25 : i32
      %mul3A_1347 = arith.muli %mul3A_1346, %add3A : i32
      %add3A_1348 = arith.constant 20 : i32
      %add3A_1349 = arith.addi %mul3A_1347, %add3A_1348 : i32
      %mul3A_1350 = arith.constant 128 : i32
      %mul3A_1351 = arith.muli %add3A_1349, %mul3A_1350 : i32
      %dma_start3A = arith.constant 2 : i32
      %dma_start3A_1352 = arith.constant 0 : i32
      %dma_start3A_1353 = arith.constant 0 : i32
      %dma_start3A_1354 = tpu.memref_slice %arg6[%dma_start3A, %dma_start3A_1352, %dma_start3A_1353] : memref<6x128x128xf32, #tpu.memory_space<vmem>> -> memref<1x128x128xf32, #tpu.memory_space<vmem>>
      %dma_start3A_1355 = tpu.memref_squeeze %dma_start3A_1354 : memref<1x128x128xf32, #tpu.memory_space<vmem>> -> memref<128x128xf32, #tpu.memory_space<vmem>>
      %dma_start3A_1356 = arith.constant 0 : i32
      %dma_start3A_1357 = tpu.memref_slice %arg4[%mul3A_1351, %dma_start3A_1356] : memref<100000x128xf32, #tpu.memory_space<hbm>> -> memref<128x128xf32, #tpu.memory_space<hbm>>
      %dma_start3A_1358 = arith.constant 0 : i32
      %dma_start3A_1359 = tpu.memref_slice %arg4[%mul3A_1351, %dma_start3A_1358] : memref<100000x128xf32, #tpu.memory_space<hbm>> -> memref<128x128xf32, #tpu.memory_space<hbm>>
      %dma_start3A_1360 = arith.constant 0 : i32
      %dma_start3A_1361 = arith.constant 0 : i32
      %dma_start3A_1362 = tpu.memref_slice %arg6[%dma_start3A, %dma_start3A_1360, %dma_start3A_1361] : memref<6x128x128xf32, #tpu.memory_space<vmem>> -> memref<1x128x128xf32, #tpu.memory_space<vmem>>
      %dma_start3A_1363 = tpu.memref_squeeze %dma_start3A_1362 : memref<1x128x128xf32, #tpu.memory_space<vmem>> -> memref<128x128xf32, #tpu.memory_space<vmem>>
      tpu.enqueue_dma source(%dma_start3A_1363 : memref<128x128xf32, #tpu.memory_space<vmem>>) target(%dma_start3A_1359 : memref<128x128xf32, #tpu.memory_space<hbm>>) target_semaphore(%arg15 : memref<!tpu.dma_semaphore, #tpu.memory_space<semaphore_mem>>)
    } else {
    }
    %mul3A_1121 = arith.constant 25 : i32
    %mul3A_1122 = arith.muli %mul3A_1121, %add3A : i32
    %add3A_1123 = arith.constant 20 : i32
    %add3A_1124 = arith.addi %mul3A_1122, %add3A_1123 : i32
    %eq3A_1125 = arith.constant 781 : i32
    %eq3A_1126 = arith.cmpi eq, %add3A_1124, %eq3A_1125 : i32
    %convert_element_type3A_1127 = arith.extui %eq3A_1126 : i1 to i32
    %cond3A_1128 = arith.constant 0 : i32
    %cond3A_1129 = arith.cmpi ne, %convert_element_type3A_1127, %cond3A_1128 : i32
    scf.if %cond3A_1129 {
      %dma_start3A = arith.constant 2 : i32
      %dma_start3A_1346 = arith.constant 0 : i32
      %dma_start3A_1347 = arith.constant 0 : i32
      %dma_start3A_1348 = tpu.memref_slice %arg6[%dma_start3A, %dma_start3A_1346, %dma_start3A_1347] : memref<6x128x128xf32, #tpu.memory_space<vmem>> -> memref<1x32x128xf32, #tpu.memory_space<vmem>>
      %dma_start3A_1349 = tpu.memref_squeeze %dma_start3A_1348 : memref<1x32x128xf32, #tpu.memory_space<vmem>> -> memref<32x128xf32, #tpu.memory_space<vmem>>
      %dma_start3A_1350 = arith.constant 99968 : i32
      %dma_start3A_1351 = arith.constant 0 : i32
      %dma_start3A_1352 = tpu.memref_slice %arg4[%dma_start3A_1350, %dma_start3A_1351] : memref<100000x128xf32, #tpu.memory_space<hbm>> -> memref<32x128xf32, #tpu.memory_space<hbm>>
      %dma_start3A_1353 = arith.constant 99968 : i32
      %dma_start3A_1354 = arith.constant 0 : i32
      %dma_start3A_1355 = tpu.memref_slice %arg4[%dma_start3A_1353, %dma_start3A_1354] : memref<100000x128xf32, #tpu.memory_space<hbm>> -> memref<32x128xf32, #tpu.memory_space<hbm>>
      %dma_start3A_1356 = arith.constant 0 : i32
      %dma_start3A_1357 = arith.constant 0 : i32
      %dma_start3A_1358 = tpu.memref_slice %arg6[%dma_start3A, %dma_start3A_1356, %dma_start3A_1357] : memref<6x128x128xf32, #tpu.memory_space<vmem>> -> memref<1x32x128xf32, #tpu.memory_space<vmem>>
      %dma_start3A_1359 = tpu.memref_squeeze %dma_start3A_1358 : memref<1x32x128xf32, #tpu.memory_space<vmem>> -> memref<32x128xf32, #tpu.memory_space<vmem>>
      tpu.enqueue_dma source(%dma_start3A_1359 : memref<32x128xf32, #tpu.memory_space<vmem>>) target(%dma_start3A_1355 : memref<32x128xf32, #tpu.memory_space<hbm>>) target_semaphore(%arg15 : memref<!tpu.dma_semaphore, #tpu.memory_space<semaphore_mem>>)
    } else {
    }
    %mul3A_1130 = arith.constant 25 : i32
    %mul3A_1131 = arith.muli %mul3A_1130, %add3A : i32
    %add3A_1132 = arith.constant 21 : i32
    %add3A_1133 = arith.addi %mul3A_1131, %add3A_1132 : i32
    %le3A_1134 = arith.constant 781 : i32
    %le3A_1135 = arith.cmpi sle, %add3A_1133, %le3A_1134 : i32
    %convert_element_type3A_1136 = arith.extui %le3A_1135 : i1 to i32
    %cond3A_1137 = arith.constant 0 : i32
    %cond3A_1138 = arith.cmpi ne, %convert_element_type3A_1136, %cond3A_1137 : i32
    scf.if %cond3A_1138 {
      %dma_wait3A = arith.constant 0 : i32
      %dma_wait3A_1346 = arith.constant 3 : i32
      %dma_wait3A_1347 = arith.constant 0 : i32
      %dma_wait3A_1348 = arith.constant 0 : i32
      %dma_wait3A_1349 = tpu.memref_slice %arg6[%dma_wait3A_1346, %dma_wait3A_1347, %dma_wait3A_1348] : memref<6x128x128xf32, #tpu.memory_space<vmem>> -> memref<1x128x128xf32, #tpu.memory_space<vmem>>
      %dma_wait3A_1350 = tpu.memref_squeeze %dma_wait3A_1349 : memref<1x128x128xf32, #tpu.memory_space<vmem>> -> memref<128x128xf32, #tpu.memory_space<vmem>>
      %dma_wait3A_1351 = arith.constant 2688 : i32
      %dma_wait3A_1352 = tpu.memref_slice %arg5[%dma_wait3A, %dma_wait3A_1351] : memref<1x4096xi32, #tpu.memory_space<vmem>> -> memref<1x128xi32, #tpu.memory_space<vmem>>
      %dma_wait3A_1353 = tpu.memref_squeeze %dma_wait3A_1352 : memref<1x128xi32, #tpu.memory_space<vmem>> -> memref<128xi32, #tpu.memory_space<vmem>>
      %dma_wait3A_1354 = arith.constant 0 : i32
      %dma_wait3A_1355 = arith.constant 0 : i32
      %dma_wait3A_1356 = tpu.memref_slice %arg3[%dma_wait3A_1354, %dma_wait3A_1355] : memref<3808x128xf32, #tpu.memory_space<hbm>> -> memref<3808x128xf32, #tpu.memory_space<hbm>>
      tpu.wait_indirect_dma semaphore(%arg10 : memref<!tpu.dma_semaphore, #tpu.memory_space<semaphore_mem>>) src(%dma_wait3A_1356 : memref<3808x128xf32, #tpu.memory_space<hbm>>) dst(%dma_wait3A_1350 : memref<128x128xf32, #tpu.memory_space<vmem>>)
    } else {
    }
    %mul3A_1139 = arith.constant 25 : i32
    %mul3A_1140 = arith.muli %mul3A_1139, %add3A : i32
    %add3A_1141 = arith.constant 21 : i32
    %add3A_1142 = arith.addi %mul3A_1140, %add3A_1141 : i32
    %lt3A_1143 = arith.constant 781 : i32
    %lt3A_1144 = arith.cmpi slt, %add3A_1142, %lt3A_1143 : i32
    %convert_element_type3A_1145 = arith.extui %lt3A_1144 : i1 to i32
    %cond3A_1146 = arith.constant 0 : i32
    %cond3A_1147 = arith.cmpi ne, %convert_element_type3A_1145, %cond3A_1146 : i32
    scf.if %cond3A_1147 {
      %mul3A_1346 = arith.constant 25 : i32
      %mul3A_1347 = arith.muli %mul3A_1346, %add3A : i32
      %add3A_1348 = arith.constant 21 : i32
      %add3A_1349 = arith.addi %mul3A_1347, %add3A_1348 : i32
      %mul3A_1350 = arith.constant 128 : i32
      %mul3A_1351 = arith.muli %add3A_1349, %mul3A_1350 : i32
      %dma_start3A = arith.constant 3 : i32
      %dma_start3A_1352 = arith.constant 0 : i32
      %dma_start3A_1353 = arith.constant 0 : i32
      %dma_start3A_1354 = tpu.memref_slice %arg6[%dma_start3A, %dma_start3A_1352, %dma_start3A_1353] : memref<6x128x128xf32, #tpu.memory_space<vmem>> -> memref<1x128x128xf32, #tpu.memory_space<vmem>>
      %dma_start3A_1355 = tpu.memref_squeeze %dma_start3A_1354 : memref<1x128x128xf32, #tpu.memory_space<vmem>> -> memref<128x128xf32, #tpu.memory_space<vmem>>
      %dma_start3A_1356 = arith.constant 0 : i32
      %dma_start3A_1357 = tpu.memref_slice %arg4[%mul3A_1351, %dma_start3A_1356] : memref<100000x128xf32, #tpu.memory_space<hbm>> -> memref<128x128xf32, #tpu.memory_space<hbm>>
      %dma_start3A_1358 = arith.constant 0 : i32
      %dma_start3A_1359 = tpu.memref_slice %arg4[%mul3A_1351, %dma_start3A_1358] : memref<100000x128xf32, #tpu.memory_space<hbm>> -> memref<128x128xf32, #tpu.memory_space<hbm>>
      %dma_start3A_1360 = arith.constant 0 : i32
      %dma_start3A_1361 = arith.constant 0 : i32
      %dma_start3A_1362 = tpu.memref_slice %arg6[%dma_start3A, %dma_start3A_1360, %dma_start3A_1361] : memref<6x128x128xf32, #tpu.memory_space<vmem>> -> memref<1x128x128xf32, #tpu.memory_space<vmem>>
      %dma_start3A_1363 = tpu.memref_squeeze %dma_start3A_1362 : memref<1x128x128xf32, #tpu.memory_space<vmem>> -> memref<128x128xf32, #tpu.memory_space<vmem>>
      tpu.enqueue_dma source(%dma_start3A_1363 : memref<128x128xf32, #tpu.memory_space<vmem>>) target(%dma_start3A_1359 : memref<128x128xf32, #tpu.memory_space<hbm>>) target_semaphore(%arg16 : memref<!tpu.dma_semaphore, #tpu.memory_space<semaphore_mem>>)
    } else {
    }
    %mul3A_1148 = arith.constant 25 : i32
    %mul3A_1149 = arith.muli %mul3A_1148, %add3A : i32
    %add3A_1150 = arith.constant 21 : i32
    %add3A_1151 = arith.addi %mul3A_1149, %add3A_1150 : i32
    %eq3A_1152 = arith.constant 781 : i32
    %eq3A_1153 = arith.cmpi eq, %add3A_1151, %eq3A_1152 : i32
    %convert_element_type3A_1154 = arith.extui %eq3A_1153 : i1 to i32
    %cond3A_1155 = arith.constant 0 : i32
    %cond3A_1156 = arith.cmpi ne, %convert_element_type3A_1154, %cond3A_1155 : i32
    scf.if %cond3A_1156 {
      %dma_start3A = arith.constant 3 : i32
      %dma_start3A_1346 = arith.constant 0 : i32
      %dma_start3A_1347 = arith.constant 0 : i32
      %dma_start3A_1348 = tpu.memref_slice %arg6[%dma_start3A, %dma_start3A_1346, %dma_start3A_1347] : memref<6x128x128xf32, #tpu.memory_space<vmem>> -> memref<1x32x128xf32, #tpu.memory_space<vmem>>
      %dma_start3A_1349 = tpu.memref_squeeze %dma_start3A_1348 : memref<1x32x128xf32, #tpu.memory_space<vmem>> -> memref<32x128xf32, #tpu.memory_space<vmem>>
      %dma_start3A_1350 = arith.constant 99968 : i32
      %dma_start3A_1351 = arith.constant 0 : i32
      %dma_start3A_1352 = tpu.memref_slice %arg4[%dma_start3A_1350, %dma_start3A_1351] : memref<100000x128xf32, #tpu.memory_space<hbm>> -> memref<32x128xf32, #tpu.memory_space<hbm>>
      %dma_start3A_1353 = arith.constant 99968 : i32
      %dma_start3A_1354 = arith.constant 0 : i32
      %dma_start3A_1355 = tpu.memref_slice %arg4[%dma_start3A_1353, %dma_start3A_1354] : memref<100000x128xf32, #tpu.memory_space<hbm>> -> memref<32x128xf32, #tpu.memory_space<hbm>>
      %dma_start3A_1356 = arith.constant 0 : i32
      %dma_start3A_1357 = arith.constant 0 : i32
      %dma_start3A_1358 = tpu.memref_slice %arg6[%dma_start3A, %dma_start3A_1356, %dma_start3A_1357] : memref<6x128x128xf32, #tpu.memory_space<vmem>> -> memref<1x32x128xf32, #tpu.memory_space<vmem>>
      %dma_start3A_1359 = tpu.memref_squeeze %dma_start3A_1358 : memref<1x32x128xf32, #tpu.memory_space<vmem>> -> memref<32x128xf32, #tpu.memory_space<vmem>>
      tpu.enqueue_dma source(%dma_start3A_1359 : memref<32x128xf32, #tpu.memory_space<vmem>>) target(%dma_start3A_1355 : memref<32x128xf32, #tpu.memory_space<hbm>>) target_semaphore(%arg16 : memref<!tpu.dma_semaphore, #tpu.memory_space<semaphore_mem>>)
    } else {
    }
    %mul3A_1157 = arith.constant 25 : i32
    %mul3A_1158 = arith.muli %mul3A_1157, %add3A : i32
    %add3A_1159 = arith.constant 22 : i32
    %add3A_1160 = arith.addi %mul3A_1158, %add3A_1159 : i32
    %le3A_1161 = arith.constant 781 : i32
    %le3A_1162 = arith.cmpi sle, %add3A_1160, %le3A_1161 : i32
    %convert_element_type3A_1163 = arith.extui %le3A_1162 : i1 to i32
    %cond3A_1164 = arith.constant 0 : i32
    %cond3A_1165 = arith.cmpi ne, %convert_element_type3A_1163, %cond3A_1164 : i32
    scf.if %cond3A_1165 {
      %dma_wait3A = arith.constant 0 : i32
      %dma_wait3A_1346 = arith.constant 4 : i32
      %dma_wait3A_1347 = arith.constant 0 : i32
      %dma_wait3A_1348 = arith.constant 0 : i32
      %dma_wait3A_1349 = tpu.memref_slice %arg6[%dma_wait3A_1346, %dma_wait3A_1347, %dma_wait3A_1348] : memref<6x128x128xf32, #tpu.memory_space<vmem>> -> memref<1x128x128xf32, #tpu.memory_space<vmem>>
      %dma_wait3A_1350 = tpu.memref_squeeze %dma_wait3A_1349 : memref<1x128x128xf32, #tpu.memory_space<vmem>> -> memref<128x128xf32, #tpu.memory_space<vmem>>
      %dma_wait3A_1351 = arith.constant 2816 : i32
      %dma_wait3A_1352 = tpu.memref_slice %arg5[%dma_wait3A, %dma_wait3A_1351] : memref<1x4096xi32, #tpu.memory_space<vmem>> -> memref<1x128xi32, #tpu.memory_space<vmem>>
      %dma_wait3A_1353 = tpu.memref_squeeze %dma_wait3A_1352 : memref<1x128xi32, #tpu.memory_space<vmem>> -> memref<128xi32, #tpu.memory_space<vmem>>
      %dma_wait3A_1354 = arith.constant 0 : i32
      %dma_wait3A_1355 = arith.constant 0 : i32
      %dma_wait3A_1356 = tpu.memref_slice %arg3[%dma_wait3A_1354, %dma_wait3A_1355] : memref<3808x128xf32, #tpu.memory_space<hbm>> -> memref<3808x128xf32, #tpu.memory_space<hbm>>
      tpu.wait_indirect_dma semaphore(%arg11 : memref<!tpu.dma_semaphore, #tpu.memory_space<semaphore_mem>>) src(%dma_wait3A_1356 : memref<3808x128xf32, #tpu.memory_space<hbm>>) dst(%dma_wait3A_1350 : memref<128x128xf32, #tpu.memory_space<vmem>>)
    } else {
    }
    %mul3A_1166 = arith.constant 25 : i32
    %mul3A_1167 = arith.muli %mul3A_1166, %add3A : i32
    %add3A_1168 = arith.constant 22 : i32
    %add3A_1169 = arith.addi %mul3A_1167, %add3A_1168 : i32
    %lt3A_1170 = arith.constant 781 : i32
    %lt3A_1171 = arith.cmpi slt, %add3A_1169, %lt3A_1170 : i32
    %convert_element_type3A_1172 = arith.extui %lt3A_1171 : i1 to i32
    %cond3A_1173 = arith.constant 0 : i32
    %cond3A_1174 = arith.cmpi ne, %convert_element_type3A_1172, %cond3A_1173 : i32
    scf.if %cond3A_1174 {
      %mul3A_1346 = arith.constant 25 : i32
      %mul3A_1347 = arith.muli %mul3A_1346, %add3A : i32
      %add3A_1348 = arith.constant 22 : i32
      %add3A_1349 = arith.addi %mul3A_1347, %add3A_1348 : i32
      %mul3A_1350 = arith.constant 128 : i32
      %mul3A_1351 = arith.muli %add3A_1349, %mul3A_1350 : i32
      %dma_start3A = arith.constant 4 : i32
      %dma_start3A_1352 = arith.constant 0 : i32
      %dma_start3A_1353 = arith.constant 0 : i32
      %dma_start3A_1354 = tpu.memref_slice %arg6[%dma_start3A, %dma_start3A_1352, %dma_start3A_1353] : memref<6x128x128xf32, #tpu.memory_space<vmem>> -> memref<1x128x128xf32, #tpu.memory_space<vmem>>
      %dma_start3A_1355 = tpu.memref_squeeze %dma_start3A_1354 : memref<1x128x128xf32, #tpu.memory_space<vmem>> -> memref<128x128xf32, #tpu.memory_space<vmem>>
      %dma_start3A_1356 = arith.constant 0 : i32
      %dma_start3A_1357 = tpu.memref_slice %arg4[%mul3A_1351, %dma_start3A_1356] : memref<100000x128xf32, #tpu.memory_space<hbm>> -> memref<128x128xf32, #tpu.memory_space<hbm>>
      %dma_start3A_1358 = arith.constant 0 : i32
      %dma_start3A_1359 = tpu.memref_slice %arg4[%mul3A_1351, %dma_start3A_1358] : memref<100000x128xf32, #tpu.memory_space<hbm>> -> memref<128x128xf32, #tpu.memory_space<hbm>>
      %dma_start3A_1360 = arith.constant 0 : i32
      %dma_start3A_1361 = arith.constant 0 : i32
      %dma_start3A_1362 = tpu.memref_slice %arg6[%dma_start3A, %dma_start3A_1360, %dma_start3A_1361] : memref<6x128x128xf32, #tpu.memory_space<vmem>> -> memref<1x128x128xf32, #tpu.memory_space<vmem>>
      %dma_start3A_1363 = tpu.memref_squeeze %dma_start3A_1362 : memref<1x128x128xf32, #tpu.memory_space<vmem>> -> memref<128x128xf32, #tpu.memory_space<vmem>>
      tpu.enqueue_dma source(%dma_start3A_1363 : memref<128x128xf32, #tpu.memory_space<vmem>>) target(%dma_start3A_1359 : memref<128x128xf32, #tpu.memory_space<hbm>>) target_semaphore(%arg17 : memref<!tpu.dma_semaphore, #tpu.memory_space<semaphore_mem>>)
    } else {
    }
    %mul3A_1175 = arith.constant 25 : i32
    %mul3A_1176 = arith.muli %mul3A_1175, %add3A : i32
    %add3A_1177 = arith.constant 22 : i32
    %add3A_1178 = arith.addi %mul3A_1176, %add3A_1177 : i32
    %eq3A_1179 = arith.constant 781 : i32
    %eq3A_1180 = arith.cmpi eq, %add3A_1178, %eq3A_1179 : i32
    %convert_element_type3A_1181 = arith.extui %eq3A_1180 : i1 to i32
    %cond3A_1182 = arith.constant 0 : i32
    %cond3A_1183 = arith.cmpi ne, %convert_element_type3A_1181, %cond3A_1182 : i32
    scf.if %cond3A_1183 {
      %dma_start3A = arith.constant 4 : i32
      %dma_start3A_1346 = arith.constant 0 : i32
      %dma_start3A_1347 = arith.constant 0 : i32
      %dma_start3A_1348 = tpu.memref_slice %arg6[%dma_start3A, %dma_start3A_1346, %dma_start3A_1347] : memref<6x128x128xf32, #tpu.memory_space<vmem>> -> memref<1x32x128xf32, #tpu.memory_space<vmem>>
      %dma_start3A_1349 = tpu.memref_squeeze %dma_start3A_1348 : memref<1x32x128xf32, #tpu.memory_space<vmem>> -> memref<32x128xf32, #tpu.memory_space<vmem>>
      %dma_start3A_1350 = arith.constant 99968 : i32
      %dma_start3A_1351 = arith.constant 0 : i32
      %dma_start3A_1352 = tpu.memref_slice %arg4[%dma_start3A_1350, %dma_start3A_1351] : memref<100000x128xf32, #tpu.memory_space<hbm>> -> memref<32x128xf32, #tpu.memory_space<hbm>>
      %dma_start3A_1353 = arith.constant 99968 : i32
      %dma_start3A_1354 = arith.constant 0 : i32
      %dma_start3A_1355 = tpu.memref_slice %arg4[%dma_start3A_1353, %dma_start3A_1354] : memref<100000x128xf32, #tpu.memory_space<hbm>> -> memref<32x128xf32, #tpu.memory_space<hbm>>
      %dma_start3A_1356 = arith.constant 0 : i32
      %dma_start3A_1357 = arith.constant 0 : i32
      %dma_start3A_1358 = tpu.memref_slice %arg6[%dma_start3A, %dma_start3A_1356, %dma_start3A_1357] : memref<6x128x128xf32, #tpu.memory_space<vmem>> -> memref<1x32x128xf32, #tpu.memory_space<vmem>>
      %dma_start3A_1359 = tpu.memref_squeeze %dma_start3A_1358 : memref<1x32x128xf32, #tpu.memory_space<vmem>> -> memref<32x128xf32, #tpu.memory_space<vmem>>
      tpu.enqueue_dma source(%dma_start3A_1359 : memref<32x128xf32, #tpu.memory_space<vmem>>) target(%dma_start3A_1355 : memref<32x128xf32, #tpu.memory_space<hbm>>) target_semaphore(%arg17 : memref<!tpu.dma_semaphore, #tpu.memory_space<semaphore_mem>>)
    } else {
    }
    %mul3A_1184 = arith.constant 25 : i32
    %mul3A_1185 = arith.muli %mul3A_1184, %add3A : i32
    %add3A_1186 = arith.constant 23 : i32
    %add3A_1187 = arith.addi %mul3A_1185, %add3A_1186 : i32
    %le3A_1188 = arith.constant 781 : i32
    %le3A_1189 = arith.cmpi sle, %add3A_1187, %le3A_1188 : i32
    %convert_element_type3A_1190 = arith.extui %le3A_1189 : i1 to i32
    %cond3A_1191 = arith.constant 0 : i32
    %cond3A_1192 = arith.cmpi ne, %convert_element_type3A_1190, %cond3A_1191 : i32
    scf.if %cond3A_1192 {
      %dma_wait3A = arith.constant 0 : i32
      %dma_wait3A_1346 = arith.constant 5 : i32
      %dma_wait3A_1347 = arith.constant 0 : i32
      %dma_wait3A_1348 = arith.constant 0 : i32
      %dma_wait3A_1349 = tpu.memref_slice %arg6[%dma_wait3A_1346, %dma_wait3A_1347, %dma_wait3A_1348] : memref<6x128x128xf32, #tpu.memory_space<vmem>> -> memref<1x128x128xf32, #tpu.memory_space<vmem>>
      %dma_wait3A_1350 = tpu.memref_squeeze %dma_wait3A_1349 : memref<1x128x128xf32, #tpu.memory_space<vmem>> -> memref<128x128xf32, #tpu.memory_space<vmem>>
      %dma_wait3A_1351 = arith.constant 2944 : i32
      %dma_wait3A_1352 = tpu.memref_slice %arg5[%dma_wait3A, %dma_wait3A_1351] : memref<1x4096xi32, #tpu.memory_space<vmem>> -> memref<1x128xi32, #tpu.memory_space<vmem>>
      %dma_wait3A_1353 = tpu.memref_squeeze %dma_wait3A_1352 : memref<1x128xi32, #tpu.memory_space<vmem>> -> memref<128xi32, #tpu.memory_space<vmem>>
      %dma_wait3A_1354 = arith.constant 0 : i32
      %dma_wait3A_1355 = arith.constant 0 : i32
      %dma_wait3A_1356 = tpu.memref_slice %arg3[%dma_wait3A_1354, %dma_wait3A_1355] : memref<3808x128xf32, #tpu.memory_space<hbm>> -> memref<3808x128xf32, #tpu.memory_space<hbm>>
      tpu.wait_indirect_dma semaphore(%arg12 : memref<!tpu.dma_semaphore, #tpu.memory_space<semaphore_mem>>) src(%dma_wait3A_1356 : memref<3808x128xf32, #tpu.memory_space<hbm>>) dst(%dma_wait3A_1350 : memref<128x128xf32, #tpu.memory_space<vmem>>)
    } else {
    }
    %mul3A_1193 = arith.constant 25 : i32
    %mul3A_1194 = arith.muli %mul3A_1193, %add3A : i32
    %add3A_1195 = arith.constant 23 : i32
    %add3A_1196 = arith.addi %mul3A_1194, %add3A_1195 : i32
    %lt3A_1197 = arith.constant 781 : i32
    %lt3A_1198 = arith.cmpi slt, %add3A_1196, %lt3A_1197 : i32
    %convert_element_type3A_1199 = arith.extui %lt3A_1198 : i1 to i32
    %cond3A_1200 = arith.constant 0 : i32
    %cond3A_1201 = arith.cmpi ne, %convert_element_type3A_1199, %cond3A_1200 : i32
    scf.if %cond3A_1201 {
      %mul3A_1346 = arith.constant 25 : i32
      %mul3A_1347 = arith.muli %mul3A_1346, %add3A : i32
      %add3A_1348 = arith.constant 23 : i32
      %add3A_1349 = arith.addi %mul3A_1347, %add3A_1348 : i32
      %mul3A_1350 = arith.constant 128 : i32
      %mul3A_1351 = arith.muli %add3A_1349, %mul3A_1350 : i32
      %dma_start3A = arith.constant 5 : i32
      %dma_start3A_1352 = arith.constant 0 : i32
      %dma_start3A_1353 = arith.constant 0 : i32
      %dma_start3A_1354 = tpu.memref_slice %arg6[%dma_start3A, %dma_start3A_1352, %dma_start3A_1353] : memref<6x128x128xf32, #tpu.memory_space<vmem>> -> memref<1x128x128xf32, #tpu.memory_space<vmem>>
      %dma_start3A_1355 = tpu.memref_squeeze %dma_start3A_1354 : memref<1x128x128xf32, #tpu.memory_space<vmem>> -> memref<128x128xf32, #tpu.memory_space<vmem>>
      %dma_start3A_1356 = arith.constant 0 : i32
      %dma_start3A_1357 = tpu.memref_slice %arg4[%mul3A_1351, %dma_start3A_1356] : memref<100000x128xf32, #tpu.memory_space<hbm>> -> memref<128x128xf32, #tpu.memory_space<hbm>>
      %dma_start3A_1358 = arith.constant 0 : i32
      %dma_start3A_1359 = tpu.memref_slice %arg4[%mul3A_1351, %dma_start3A_1358] : memref<100000x128xf32, #tpu.memory_space<hbm>> -> memref<128x128xf32, #tpu.memory_space<hbm>>
      %dma_start3A_1360 = arith.constant 0 : i32
      %dma_start3A_1361 = arith.constant 0 : i32
      %dma_start3A_1362 = tpu.memref_slice %arg6[%dma_start3A, %dma_start3A_1360, %dma_start3A_1361] : memref<6x128x128xf32, #tpu.memory_space<vmem>> -> memref<1x128x128xf32, #tpu.memory_space<vmem>>
      %dma_start3A_1363 = tpu.memref_squeeze %dma_start3A_1362 : memref<1x128x128xf32, #tpu.memory_space<vmem>> -> memref<128x128xf32, #tpu.memory_space<vmem>>
      tpu.enqueue_dma source(%dma_start3A_1363 : memref<128x128xf32, #tpu.memory_space<vmem>>) target(%dma_start3A_1359 : memref<128x128xf32, #tpu.memory_space<hbm>>) target_semaphore(%arg18 : memref<!tpu.dma_semaphore, #tpu.memory_space<semaphore_mem>>)
    } else {
    }
    %mul3A_1202 = arith.constant 25 : i32
    %mul3A_1203 = arith.muli %mul3A_1202, %add3A : i32
    %add3A_1204 = arith.constant 23 : i32
    %add3A_1205 = arith.addi %mul3A_1203, %add3A_1204 : i32
    %eq3A_1206 = arith.constant 781 : i32
    %eq3A_1207 = arith.cmpi eq, %add3A_1205, %eq3A_1206 : i32
    %convert_element_type3A_1208 = arith.extui %eq3A_1207 : i1 to i32
    %cond3A_1209 = arith.constant 0 : i32
    %cond3A_1210 = arith.cmpi ne, %convert_element_type3A_1208, %cond3A_1209 : i32
    scf.if %cond3A_1210 {
      %dma_start3A = arith.constant 5 : i32
      %dma_start3A_1346 = arith.constant 0 : i32
      %dma_start3A_1347 = arith.constant 0 : i32
      %dma_start3A_1348 = tpu.memref_slice %arg6[%dma_start3A, %dma_start3A_1346, %dma_start3A_1347] : memref<6x128x128xf32, #tpu.memory_space<vmem>> -> memref<1x32x128xf32, #tpu.memory_space<vmem>>
      %dma_start3A_1349 = tpu.memref_squeeze %dma_start3A_1348 : memref<1x32x128xf32, #tpu.memory_space<vmem>> -> memref<32x128xf32, #tpu.memory_space<vmem>>
      %dma_start3A_1350 = arith.constant 99968 : i32
      %dma_start3A_1351 = arith.constant 0 : i32
      %dma_start3A_1352 = tpu.memref_slice %arg4[%dma_start3A_1350, %dma_start3A_1351] : memref<100000x128xf32, #tpu.memory_space<hbm>> -> memref<32x128xf32, #tpu.memory_space<hbm>>
      %dma_start3A_1353 = arith.constant 99968 : i32
      %dma_start3A_1354 = arith.constant 0 : i32
      %dma_start3A_1355 = tpu.memref_slice %arg4[%dma_start3A_1353, %dma_start3A_1354] : memref<100000x128xf32, #tpu.memory_space<hbm>> -> memref<32x128xf32, #tpu.memory_space<hbm>>
      %dma_start3A_1356 = arith.constant 0 : i32
      %dma_start3A_1357 = arith.constant 0 : i32
      %dma_start3A_1358 = tpu.memref_slice %arg6[%dma_start3A, %dma_start3A_1356, %dma_start3A_1357] : memref<6x128x128xf32, #tpu.memory_space<vmem>> -> memref<1x32x128xf32, #tpu.memory_space<vmem>>
      %dma_start3A_1359 = tpu.memref_squeeze %dma_start3A_1358 : memref<1x32x128xf32, #tpu.memory_space<vmem>> -> memref<32x128xf32, #tpu.memory_space<vmem>>
      tpu.enqueue_dma source(%dma_start3A_1359 : memref<32x128xf32, #tpu.memory_space<vmem>>) target(%dma_start3A_1355 : memref<32x128xf32, #tpu.memory_space<hbm>>) target_semaphore(%arg18 : memref<!tpu.dma_semaphore, #tpu.memory_space<semaphore_mem>>)
    } else {
    }
    %mul3A_1211 = arith.constant 25 : i32
    %mul3A_1212 = arith.muli %mul3A_1211, %add3A : i32
    %add3A_1213 = arith.constant 24 : i32
    %add3A_1214 = arith.addi %mul3A_1212, %add3A_1213 : i32
    %le3A_1215 = arith.constant 781 : i32
    %le3A_1216 = arith.cmpi sle, %add3A_1214, %le3A_1215 : i32
    %convert_element_type3A_1217 = arith.extui %le3A_1216 : i1 to i32
    %cond3A_1218 = arith.constant 0 : i32
    %cond3A_1219 = arith.cmpi ne, %convert_element_type3A_1217, %cond3A_1218 : i32
    scf.if %cond3A_1219 {
      %dma_wait3A = arith.constant 0 : i32
      %dma_wait3A_1346 = arith.constant 0 : i32
      %dma_wait3A_1347 = arith.constant 0 : i32
      %dma_wait3A_1348 = arith.constant 0 : i32
      %dma_wait3A_1349 = tpu.memref_slice %arg6[%dma_wait3A_1346, %dma_wait3A_1347, %dma_wait3A_1348] : memref<6x128x128xf32, #tpu.memory_space<vmem>> -> memref<1x128x128xf32, #tpu.memory_space<vmem>>
      %dma_wait3A_1350 = tpu.memref_squeeze %dma_wait3A_1349 : memref<1x128x128xf32, #tpu.memory_space<vmem>> -> memref<128x128xf32, #tpu.memory_space<vmem>>
      %dma_wait3A_1351 = arith.constant 3072 : i32
      %dma_wait3A_1352 = tpu.memref_slice %arg5[%dma_wait3A, %dma_wait3A_1351] : memref<1x4096xi32, #tpu.memory_space<vmem>> -> memref<1x128xi32, #tpu.memory_space<vmem>>
      %dma_wait3A_1353 = tpu.memref_squeeze %dma_wait3A_1352 : memref<1x128xi32, #tpu.memory_space<vmem>> -> memref<128xi32, #tpu.memory_space<vmem>>
      %dma_wait3A_1354 = arith.constant 0 : i32
      %dma_wait3A_1355 = arith.constant 0 : i32
      %dma_wait3A_1356 = tpu.memref_slice %arg3[%dma_wait3A_1354, %dma_wait3A_1355] : memref<3808x128xf32, #tpu.memory_space<hbm>> -> memref<3808x128xf32, #tpu.memory_space<hbm>>
      tpu.wait_indirect_dma semaphore(%arg7 : memref<!tpu.dma_semaphore, #tpu.memory_space<semaphore_mem>>) src(%dma_wait3A_1356 : memref<3808x128xf32, #tpu.memory_space<hbm>>) dst(%dma_wait3A_1350 : memref<128x128xf32, #tpu.memory_space<vmem>>)
    } else {
    }
    %mul3A_1220 = arith.constant 25 : i32
    %mul3A_1221 = arith.muli %mul3A_1220, %add3A : i32
    %add3A_1222 = arith.constant 24 : i32
    %add3A_1223 = arith.addi %mul3A_1221, %add3A_1222 : i32
    %lt3A_1224 = arith.constant 781 : i32
    %lt3A_1225 = arith.cmpi slt, %add3A_1223, %lt3A_1224 : i32
    %convert_element_type3A_1226 = arith.extui %lt3A_1225 : i1 to i32
    %cond3A_1227 = arith.constant 0 : i32
    %cond3A_1228 = arith.cmpi ne, %convert_element_type3A_1226, %cond3A_1227 : i32
    scf.if %cond3A_1228 {
      %mul3A_1346 = arith.constant 25 : i32
      %mul3A_1347 = arith.muli %mul3A_1346, %add3A : i32
      %add3A_1348 = arith.constant 24 : i32
      %add3A_1349 = arith.addi %mul3A_1347, %add3A_1348 : i32
      %mul3A_1350 = arith.constant 128 : i32
      %mul3A_1351 = arith.muli %add3A_1349, %mul3A_1350 : i32
      %dma_start3A = arith.constant 0 : i32
      %dma_start3A_1352 = arith.constant 0 : i32
      %dma_start3A_1353 = arith.constant 0 : i32
      %dma_start3A_1354 = tpu.memref_slice %arg6[%dma_start3A, %dma_start3A_1352, %dma_start3A_1353] : memref<6x128x128xf32, #tpu.memory_space<vmem>> -> memref<1x128x128xf32, #tpu.memory_space<vmem>>
      %dma_start3A_1355 = tpu.memref_squeeze %dma_start3A_1354 : memref<1x128x128xf32, #tpu.memory_space<vmem>> -> memref<128x128xf32, #tpu.memory_space<vmem>>
      %dma_start3A_1356 = arith.constant 0 : i32
      %dma_start3A_1357 = tpu.memref_slice %arg4[%mul3A_1351, %dma_start3A_1356] : memref<100000x128xf32, #tpu.memory_space<hbm>> -> memref<128x128xf32, #tpu.memory_space<hbm>>
      %dma_start3A_1358 = arith.constant 0 : i32
      %dma_start3A_1359 = tpu.memref_slice %arg4[%mul3A_1351, %dma_start3A_1358] : memref<100000x128xf32, #tpu.memory_space<hbm>> -> memref<128x128xf32, #tpu.memory_space<hbm>>
      %dma_start3A_1360 = arith.constant 0 : i32
      %dma_start3A_1361 = arith.constant 0 : i32
      %dma_start3A_1362 = tpu.memref_slice %arg6[%dma_start3A, %dma_start3A_1360, %dma_start3A_1361] : memref<6x128x128xf32, #tpu.memory_space<vmem>> -> memref<1x128x128xf32, #tpu.memory_space<vmem>>
      %dma_start3A_1363 = tpu.memref_squeeze %dma_start3A_1362 : memref<1x128x128xf32, #tpu.memory_space<vmem>> -> memref<128x128xf32, #tpu.memory_space<vmem>>
      tpu.enqueue_dma source(%dma_start3A_1363 : memref<128x128xf32, #tpu.memory_space<vmem>>) target(%dma_start3A_1359 : memref<128x128xf32, #tpu.memory_space<hbm>>) target_semaphore(%arg13 : memref<!tpu.dma_semaphore, #tpu.memory_space<semaphore_mem>>)
    } else {
    }
    %mul3A_1229 = arith.constant 25 : i32
    %mul3A_1230 = arith.muli %mul3A_1229, %add3A : i32
    %add3A_1231 = arith.constant 24 : i32
    %add3A_1232 = arith.addi %mul3A_1230, %add3A_1231 : i32
    %eq3A_1233 = arith.constant 781 : i32
    %eq3A_1234 = arith.cmpi eq, %add3A_1232, %eq3A_1233 : i32
    %convert_element_type3A_1235 = arith.extui %eq3A_1234 : i1 to i32
    %cond3A_1236 = arith.constant 0 : i32
    %cond3A_1237 = arith.cmpi ne, %convert_element_type3A_1235, %cond3A_1236 : i32
    scf.if %cond3A_1237 {
      %dma_start3A = arith.constant 0 : i32
      %dma_start3A_1346 = arith.constant 0 : i32
      %dma_start3A_1347 = arith.constant 0 : i32
      %dma_start3A_1348 = tpu.memref_slice %arg6[%dma_start3A, %dma_start3A_1346, %dma_start3A_1347] : memref<6x128x128xf32, #tpu.memory_space<vmem>> -> memref<1x32x128xf32, #tpu.memory_space<vmem>>
      %dma_start3A_1349 = tpu.memref_squeeze %dma_start3A_1348 : memref<1x32x128xf32, #tpu.memory_space<vmem>> -> memref<32x128xf32, #tpu.memory_space<vmem>>
      %dma_start3A_1350 = arith.constant 99968 : i32
      %dma_start3A_1351 = arith.constant 0 : i32
      %dma_start3A_1352 = tpu.memref_slice %arg4[%dma_start3A_1350, %dma_start3A_1351] : memref<100000x128xf32, #tpu.memory_space<hbm>> -> memref<32x128xf32, #tpu.memory_space<hbm>>
      %dma_start3A_1353 = arith.constant 99968 : i32
      %dma_start3A_1354 = arith.constant 0 : i32
      %dma_start3A_1355 = tpu.memref_slice %arg4[%dma_start3A_1353, %dma_start3A_1354] : memref<100000x128xf32, #tpu.memory_space<hbm>> -> memref<32x128xf32, #tpu.memory_space<hbm>>
      %dma_start3A_1356 = arith.constant 0 : i32
      %dma_start3A_1357 = arith.constant 0 : i32
      %dma_start3A_1358 = tpu.memref_slice %arg6[%dma_start3A, %dma_start3A_1356, %dma_start3A_1357] : memref<6x128x128xf32, #tpu.memory_space<vmem>> -> memref<1x32x128xf32, #tpu.memory_space<vmem>>
      %dma_start3A_1359 = tpu.memref_squeeze %dma_start3A_1358 : memref<1x32x128xf32, #tpu.memory_space<vmem>> -> memref<32x128xf32, #tpu.memory_space<vmem>>
      tpu.enqueue_dma source(%dma_start3A_1359 : memref<32x128xf32, #tpu.memory_space<vmem>>) target(%dma_start3A_1355 : memref<32x128xf32, #tpu.memory_space<hbm>>) target_semaphore(%arg13 : memref<!tpu.dma_semaphore, #tpu.memory_space<semaphore_mem>>)
    } else {
    }
    %mul3A_1238 = arith.constant 25 : i32
    %mul3A_1239 = arith.muli %mul3A_1238, %add3A : i32
    %add3A_1240 = arith.constant 19 : i32
    %add3A_1241 = arith.addi %mul3A_1239, %add3A_1240 : i32
    %lt3A_1242 = arith.constant 781 : i32
    %lt3A_1243 = arith.cmpi slt, %add3A_1241, %lt3A_1242 : i32
    %convert_element_type3A_1244 = arith.extui %lt3A_1243 : i1 to i32
    %cond3A_1245 = arith.constant 0 : i32
    %cond3A_1246 = arith.cmpi ne, %convert_element_type3A_1244, %cond3A_1245 : i32
    scf.if %cond3A_1246 {
      %mul3A_1346 = arith.constant 25 : i32
      %mul3A_1347 = arith.muli %mul3A_1346, %add3A : i32
      %add3A_1348 = arith.constant 19 : i32
      %add3A_1349 = arith.addi %mul3A_1347, %add3A_1348 : i32
      %mul3A_1350 = arith.constant 128 : i32
      %mul3A_1351 = arith.muli %add3A_1349, %mul3A_1350 : i32
      %dma_wait3A = arith.constant 1 : i32
      %dma_wait3A_1352 = arith.constant 0 : i32
      %dma_wait3A_1353 = arith.constant 0 : i32
      %dma_wait3A_1354 = tpu.memref_slice %arg6[%dma_wait3A, %dma_wait3A_1352, %dma_wait3A_1353] : memref<6x128x128xf32, #tpu.memory_space<vmem>> -> memref<1x128x128xf32, #tpu.memory_space<vmem>>
      %dma_wait3A_1355 = tpu.memref_squeeze %dma_wait3A_1354 : memref<1x128x128xf32, #tpu.memory_space<vmem>> -> memref<128x128xf32, #tpu.memory_space<vmem>>
      %dma_wait3A_1356 = arith.constant 0 : i32
      %dma_wait3A_1357 = tpu.memref_slice %arg4[%mul3A_1351, %dma_wait3A_1356] : memref<100000x128xf32, #tpu.memory_space<hbm>> -> memref<128x128xf32, #tpu.memory_space<hbm>>
      %dma_wait3A_1358 = arith.constant 0 : i32
      %dma_wait3A_1359 = tpu.memref_slice %arg4[%mul3A_1351, %dma_wait3A_1358] : memref<100000x128xf32, #tpu.memory_space<hbm>> -> memref<128x128xf32, #tpu.memory_space<hbm>>
      %dma_wait3A_1360 = arith.constant 0 : i32
      %dma_wait3A_1361 = arith.constant 0 : i32
      %dma_wait3A_1362 = tpu.memref_slice %arg6[%dma_wait3A, %dma_wait3A_1360, %dma_wait3A_1361] : memref<6x128x128xf32, #tpu.memory_space<vmem>> -> memref<1x128x128xf32, #tpu.memory_space<vmem>>
      %dma_wait3A_1363 = tpu.memref_squeeze %dma_wait3A_1362 : memref<1x128x128xf32, #tpu.memory_space<vmem>> -> memref<128x128xf32, #tpu.memory_space<vmem>>
      tpu.wait_dma2 semaphore(%arg14 : memref<!tpu.dma_semaphore, #tpu.memory_space<semaphore_mem>>) src(%dma_wait3A_1363 : memref<128x128xf32, #tpu.memory_space<vmem>>) dst(%dma_wait3A_1359 : memref<128x128xf32, #tpu.memory_space<hbm>>)
    } else {
    }
    %mul3A_1247 = arith.constant 25 : i32
    %mul3A_1248 = arith.muli %mul3A_1247, %add3A : i32
    %add3A_1249 = arith.constant 19 : i32
    %add3A_1250 = arith.addi %mul3A_1248, %add3A_1249 : i32
    %eq3A_1251 = arith.constant 781 : i32
    %eq3A_1252 = arith.cmpi eq, %add3A_1250, %eq3A_1251 : i32
    %convert_element_type3A_1253 = arith.extui %eq3A_1252 : i1 to i32
    %cond3A_1254 = arith.constant 0 : i32
    %cond3A_1255 = arith.cmpi ne, %convert_element_type3A_1253, %cond3A_1254 : i32
    scf.if %cond3A_1255 {
      %dma_wait3A = arith.constant 1 : i32
      %dma_wait3A_1346 = arith.constant 0 : i32
      %dma_wait3A_1347 = arith.constant 0 : i32
      %dma_wait3A_1348 = tpu.memref_slice %arg6[%dma_wait3A, %dma_wait3A_1346, %dma_wait3A_1347] : memref<6x128x128xf32, #tpu.memory_space<vmem>> -> memref<1x32x128xf32, #tpu.memory_space<vmem>>
      %dma_wait3A_1349 = tpu.memref_squeeze %dma_wait3A_1348 : memref<1x32x128xf32, #tpu.memory_space<vmem>> -> memref<32x128xf32, #tpu.memory_space<vmem>>
      %dma_wait3A_1350 = arith.constant 99968 : i32
      %dma_wait3A_1351 = arith.constant 0 : i32
      %dma_wait3A_1352 = tpu.memref_slice %arg4[%dma_wait3A_1350, %dma_wait3A_1351] : memref<100000x128xf32, #tpu.memory_space<hbm>> -> memref<32x128xf32, #tpu.memory_space<hbm>>
      %dma_wait3A_1353 = arith.constant 99968 : i32
      %dma_wait3A_1354 = arith.constant 0 : i32
      %dma_wait3A_1355 = tpu.memref_slice %arg4[%dma_wait3A_1353, %dma_wait3A_1354] : memref<100000x128xf32, #tpu.memory_space<hbm>> -> memref<32x128xf32, #tpu.memory_space<hbm>>
      %dma_wait3A_1356 = arith.constant 0 : i32
      %dma_wait3A_1357 = arith.constant 0 : i32
      %dma_wait3A_1358 = tpu.memref_slice %arg6[%dma_wait3A, %dma_wait3A_1356, %dma_wait3A_1357] : memref<6x128x128xf32, #tpu.memory_space<vmem>> -> memref<1x32x128xf32, #tpu.memory_space<vmem>>
      %dma_wait3A_1359 = tpu.memref_squeeze %dma_wait3A_1358 : memref<1x32x128xf32, #tpu.memory_space<vmem>> -> memref<32x128xf32, #tpu.memory_space<vmem>>
      tpu.wait_dma2 semaphore(%arg14 : memref<!tpu.dma_semaphore, #tpu.memory_space<semaphore_mem>>) src(%dma_wait3A_1359 : memref<32x128xf32, #tpu.memory_space<vmem>>) dst(%dma_wait3A_1355 : memref<32x128xf32, #tpu.memory_space<hbm>>)
    } else {
    }
    %mul3A_1256 = arith.constant 25 : i32
    %mul3A_1257 = arith.muli %mul3A_1256, %add3A : i32
    %add3A_1258 = arith.constant 20 : i32
    %add3A_1259 = arith.addi %mul3A_1257, %add3A_1258 : i32
    %lt3A_1260 = arith.constant 781 : i32
    %lt3A_1261 = arith.cmpi slt, %add3A_1259, %lt3A_1260 : i32
    %convert_element_type3A_1262 = arith.extui %lt3A_1261 : i1 to i32
    %cond3A_1263 = arith.constant 0 : i32
    %cond3A_1264 = arith.cmpi ne, %convert_element_type3A_1262, %cond3A_1263 : i32
    scf.if %cond3A_1264 {
      %mul3A_1346 = arith.constant 25 : i32
      %mul3A_1347 = arith.muli %mul3A_1346, %add3A : i32
      %add3A_1348 = arith.constant 20 : i32
      %add3A_1349 = arith.addi %mul3A_1347, %add3A_1348 : i32
      %mul3A_1350 = arith.constant 128 : i32
      %mul3A_1351 = arith.muli %add3A_1349, %mul3A_1350 : i32
      %dma_wait3A = arith.constant 2 : i32
      %dma_wait3A_1352 = arith.constant 0 : i32
      %dma_wait3A_1353 = arith.constant 0 : i32
      %dma_wait3A_1354 = tpu.memref_slice %arg6[%dma_wait3A, %dma_wait3A_1352, %dma_wait3A_1353] : memref<6x128x128xf32, #tpu.memory_space<vmem>> -> memref<1x128x128xf32, #tpu.memory_space<vmem>>
      %dma_wait3A_1355 = tpu.memref_squeeze %dma_wait3A_1354 : memref<1x128x128xf32, #tpu.memory_space<vmem>> -> memref<128x128xf32, #tpu.memory_space<vmem>>
      %dma_wait3A_1356 = arith.constant 0 : i32
      %dma_wait3A_1357 = tpu.memref_slice %arg4[%mul3A_1351, %dma_wait3A_1356] : memref<100000x128xf32, #tpu.memory_space<hbm>> -> memref<128x128xf32, #tpu.memory_space<hbm>>
      %dma_wait3A_1358 = arith.constant 0 : i32
      %dma_wait3A_1359 = tpu.memref_slice %arg4[%mul3A_1351, %dma_wait3A_1358] : memref<100000x128xf32, #tpu.memory_space<hbm>> -> memref<128x128xf32, #tpu.memory_space<hbm>>
      %dma_wait3A_1360 = arith.constant 0 : i32
      %dma_wait3A_1361 = arith.constant 0 : i32
      %dma_wait3A_1362 = tpu.memref_slice %arg6[%dma_wait3A, %dma_wait3A_1360, %dma_wait3A_1361] : memref<6x128x128xf32, #tpu.memory_space<vmem>> -> memref<1x128x128xf32, #tpu.memory_space<vmem>>
      %dma_wait3A_1363 = tpu.memref_squeeze %dma_wait3A_1362 : memref<1x128x128xf32, #tpu.memory_space<vmem>> -> memref<128x128xf32, #tpu.memory_space<vmem>>
      tpu.wait_dma2 semaphore(%arg15 : memref<!tpu.dma_semaphore, #tpu.memory_space<semaphore_mem>>) src(%dma_wait3A_1363 : memref<128x128xf32, #tpu.memory_space<vmem>>) dst(%dma_wait3A_1359 : memref<128x128xf32, #tpu.memory_space<hbm>>)
    } else {
    }
    %mul3A_1265 = arith.constant 25 : i32
    %mul3A_1266 = arith.muli %mul3A_1265, %add3A : i32
    %add3A_1267 = arith.constant 20 : i32
    %add3A_1268 = arith.addi %mul3A_1266, %add3A_1267 : i32
    %eq3A_1269 = arith.constant 781 : i32
    %eq3A_1270 = arith.cmpi eq, %add3A_1268, %eq3A_1269 : i32
    %convert_element_type3A_1271 = arith.extui %eq3A_1270 : i1 to i32
    %cond3A_1272 = arith.constant 0 : i32
    %cond3A_1273 = arith.cmpi ne, %convert_element_type3A_1271, %cond3A_1272 : i32
    scf.if %cond3A_1273 {
      %dma_wait3A = arith.constant 2 : i32
      %dma_wait3A_1346 = arith.constant 0 : i32
      %dma_wait3A_1347 = arith.constant 0 : i32
      %dma_wait3A_1348 = tpu.memref_slice %arg6[%dma_wait3A, %dma_wait3A_1346, %dma_wait3A_1347] : memref<6x128x128xf32, #tpu.memory_space<vmem>> -> memref<1x32x128xf32, #tpu.memory_space<vmem>>
      %dma_wait3A_1349 = tpu.memref_squeeze %dma_wait3A_1348 : memref<1x32x128xf32, #tpu.memory_space<vmem>> -> memref<32x128xf32, #tpu.memory_space<vmem>>
      %dma_wait3A_1350 = arith.constant 99968 : i32
      %dma_wait3A_1351 = arith.constant 0 : i32
      %dma_wait3A_1352 = tpu.memref_slice %arg4[%dma_wait3A_1350, %dma_wait3A_1351] : memref<100000x128xf32, #tpu.memory_space<hbm>> -> memref<32x128xf32, #tpu.memory_space<hbm>>
      %dma_wait3A_1353 = arith.constant 99968 : i32
      %dma_wait3A_1354 = arith.constant 0 : i32
      %dma_wait3A_1355 = tpu.memref_slice %arg4[%dma_wait3A_1353, %dma_wait3A_1354] : memref<100000x128xf32, #tpu.memory_space<hbm>> -> memref<32x128xf32, #tpu.memory_space<hbm>>
      %dma_wait3A_1356 = arith.constant 0 : i32
      %dma_wait3A_1357 = arith.constant 0 : i32
      %dma_wait3A_1358 = tpu.memref_slice %arg6[%dma_wait3A, %dma_wait3A_1356, %dma_wait3A_1357] : memref<6x128x128xf32, #tpu.memory_space<vmem>> -> memref<1x32x128xf32, #tpu.memory_space<vmem>>
      %dma_wait3A_1359 = tpu.memref_squeeze %dma_wait3A_1358 : memref<1x32x128xf32, #tpu.memory_space<vmem>> -> memref<32x128xf32, #tpu.memory_space<vmem>>
      tpu.wait_dma2 semaphore(%arg15 : memref<!tpu.dma_semaphore, #tpu.memory_space<semaphore_mem>>) src(%dma_wait3A_1359 : memref<32x128xf32, #tpu.memory_space<vmem>>) dst(%dma_wait3A_1355 : memref<32x128xf32, #tpu.memory_space<hbm>>)
    } else {
    }
    %mul3A_1274 = arith.constant 25 : i32
    %mul3A_1275 = arith.muli %mul3A_1274, %add3A : i32
    %add3A_1276 = arith.constant 21 : i32
    %add3A_1277 = arith.addi %mul3A_1275, %add3A_1276 : i32
    %lt3A_1278 = arith.constant 781 : i32
    %lt3A_1279 = arith.cmpi slt, %add3A_1277, %lt3A_1278 : i32
    %convert_element_type3A_1280 = arith.extui %lt3A_1279 : i1 to i32
    %cond3A_1281 = arith.constant 0 : i32
    %cond3A_1282 = arith.cmpi ne, %convert_element_type3A_1280, %cond3A_1281 : i32
    scf.if %cond3A_1282 {
      %mul3A_1346 = arith.constant 25 : i32
      %mul3A_1347 = arith.muli %mul3A_1346, %add3A : i32
      %add3A_1348 = arith.constant 21 : i32
      %add3A_1349 = arith.addi %mul3A_1347, %add3A_1348 : i32
      %mul3A_1350 = arith.constant 128 : i32
      %mul3A_1351 = arith.muli %add3A_1349, %mul3A_1350 : i32
      %dma_wait3A = arith.constant 3 : i32
      %dma_wait3A_1352 = arith.constant 0 : i32
      %dma_wait3A_1353 = arith.constant 0 : i32
      %dma_wait3A_1354 = tpu.memref_slice %arg6[%dma_wait3A, %dma_wait3A_1352, %dma_wait3A_1353] : memref<6x128x128xf32, #tpu.memory_space<vmem>> -> memref<1x128x128xf32, #tpu.memory_space<vmem>>
      %dma_wait3A_1355 = tpu.memref_squeeze %dma_wait3A_1354 : memref<1x128x128xf32, #tpu.memory_space<vmem>> -> memref<128x128xf32, #tpu.memory_space<vmem>>
      %dma_wait3A_1356 = arith.constant 0 : i32
      %dma_wait3A_1357 = tpu.memref_slice %arg4[%mul3A_1351, %dma_wait3A_1356] : memref<100000x128xf32, #tpu.memory_space<hbm>> -> memref<128x128xf32, #tpu.memory_space<hbm>>
      %dma_wait3A_1358 = arith.constant 0 : i32
      %dma_wait3A_1359 = tpu.memref_slice %arg4[%mul3A_1351, %dma_wait3A_1358] : memref<100000x128xf32, #tpu.memory_space<hbm>> -> memref<128x128xf32, #tpu.memory_space<hbm>>
      %dma_wait3A_1360 = arith.constant 0 : i32
      %dma_wait3A_1361 = arith.constant 0 : i32
      %dma_wait3A_1362 = tpu.memref_slice %arg6[%dma_wait3A, %dma_wait3A_1360, %dma_wait3A_1361] : memref<6x128x128xf32, #tpu.memory_space<vmem>> -> memref<1x128x128xf32, #tpu.memory_space<vmem>>
      %dma_wait3A_1363 = tpu.memref_squeeze %dma_wait3A_1362 : memref<1x128x128xf32, #tpu.memory_space<vmem>> -> memref<128x128xf32, #tpu.memory_space<vmem>>
      tpu.wait_dma2 semaphore(%arg16 : memref<!tpu.dma_semaphore, #tpu.memory_space<semaphore_mem>>) src(%dma_wait3A_1363 : memref<128x128xf32, #tpu.memory_space<vmem>>) dst(%dma_wait3A_1359 : memref<128x128xf32, #tpu.memory_space<hbm>>)
    } else {
    }
    %mul3A_1283 = arith.constant 25 : i32
    %mul3A_1284 = arith.muli %mul3A_1283, %add3A : i32
    %add3A_1285 = arith.constant 21 : i32
    %add3A_1286 = arith.addi %mul3A_1284, %add3A_1285 : i32
    %eq3A_1287 = arith.constant 781 : i32
    %eq3A_1288 = arith.cmpi eq, %add3A_1286, %eq3A_1287 : i32
    %convert_element_type3A_1289 = arith.extui %eq3A_1288 : i1 to i32
    %cond3A_1290 = arith.constant 0 : i32
    %cond3A_1291 = arith.cmpi ne, %convert_element_type3A_1289, %cond3A_1290 : i32
    scf.if %cond3A_1291 {
      %dma_wait3A = arith.constant 3 : i32
      %dma_wait3A_1346 = arith.constant 0 : i32
      %dma_wait3A_1347 = arith.constant 0 : i32
      %dma_wait3A_1348 = tpu.memref_slice %arg6[%dma_wait3A, %dma_wait3A_1346, %dma_wait3A_1347] : memref<6x128x128xf32, #tpu.memory_space<vmem>> -> memref<1x32x128xf32, #tpu.memory_space<vmem>>
      %dma_wait3A_1349 = tpu.memref_squeeze %dma_wait3A_1348 : memref<1x32x128xf32, #tpu.memory_space<vmem>> -> memref<32x128xf32, #tpu.memory_space<vmem>>
      %dma_wait3A_1350 = arith.constant 99968 : i32
      %dma_wait3A_1351 = arith.constant 0 : i32
      %dma_wait3A_1352 = tpu.memref_slice %arg4[%dma_wait3A_1350, %dma_wait3A_1351] : memref<100000x128xf32, #tpu.memory_space<hbm>> -> memref<32x128xf32, #tpu.memory_space<hbm>>
      %dma_wait3A_1353 = arith.constant 99968 : i32
      %dma_wait3A_1354 = arith.constant 0 : i32
      %dma_wait3A_1355 = tpu.memref_slice %arg4[%dma_wait3A_1353, %dma_wait3A_1354] : memref<100000x128xf32, #tpu.memory_space<hbm>> -> memref<32x128xf32, #tpu.memory_space<hbm>>
      %dma_wait3A_1356 = arith.constant 0 : i32
      %dma_wait3A_1357 = arith.constant 0 : i32
      %dma_wait3A_1358 = tpu.memref_slice %arg6[%dma_wait3A, %dma_wait3A_1356, %dma_wait3A_1357] : memref<6x128x128xf32, #tpu.memory_space<vmem>> -> memref<1x32x128xf32, #tpu.memory_space<vmem>>
      %dma_wait3A_1359 = tpu.memref_squeeze %dma_wait3A_1358 : memref<1x32x128xf32, #tpu.memory_space<vmem>> -> memref<32x128xf32, #tpu.memory_space<vmem>>
      tpu.wait_dma2 semaphore(%arg16 : memref<!tpu.dma_semaphore, #tpu.memory_space<semaphore_mem>>) src(%dma_wait3A_1359 : memref<32x128xf32, #tpu.memory_space<vmem>>) dst(%dma_wait3A_1355 : memref<32x128xf32, #tpu.memory_space<hbm>>)
    } else {
    }
    %mul3A_1292 = arith.constant 25 : i32
    %mul3A_1293 = arith.muli %mul3A_1292, %add3A : i32
    %add3A_1294 = arith.constant 22 : i32
    %add3A_1295 = arith.addi %mul3A_1293, %add3A_1294 : i32
    %lt3A_1296 = arith.constant 781 : i32
    %lt3A_1297 = arith.cmpi slt, %add3A_1295, %lt3A_1296 : i32
    %convert_element_type3A_1298 = arith.extui %lt3A_1297 : i1 to i32
    %cond3A_1299 = arith.constant 0 : i32
    %cond3A_1300 = arith.cmpi ne, %convert_element_type3A_1298, %cond3A_1299 : i32
    scf.if %cond3A_1300 {
      %mul3A_1346 = arith.constant 25 : i32
      %mul3A_1347 = arith.muli %mul3A_1346, %add3A : i32
      %add3A_1348 = arith.constant 22 : i32
      %add3A_1349 = arith.addi %mul3A_1347, %add3A_1348 : i32
      %mul3A_1350 = arith.constant 128 : i32
      %mul3A_1351 = arith.muli %add3A_1349, %mul3A_1350 : i32
      %dma_wait3A = arith.constant 4 : i32
      %dma_wait3A_1352 = arith.constant 0 : i32
      %dma_wait3A_1353 = arith.constant 0 : i32
      %dma_wait3A_1354 = tpu.memref_slice %arg6[%dma_wait3A, %dma_wait3A_1352, %dma_wait3A_1353] : memref<6x128x128xf32, #tpu.memory_space<vmem>> -> memref<1x128x128xf32, #tpu.memory_space<vmem>>
      %dma_wait3A_1355 = tpu.memref_squeeze %dma_wait3A_1354 : memref<1x128x128xf32, #tpu.memory_space<vmem>> -> memref<128x128xf32, #tpu.memory_space<vmem>>
      %dma_wait3A_1356 = arith.constant 0 : i32
      %dma_wait3A_1357 = tpu.memref_slice %arg4[%mul3A_1351, %dma_wait3A_1356] : memref<100000x128xf32, #tpu.memory_space<hbm>> -> memref<128x128xf32, #tpu.memory_space<hbm>>
      %dma_wait3A_1358 = arith.constant 0 : i32
      %dma_wait3A_1359 = tpu.memref_slice %arg4[%mul3A_1351, %dma_wait3A_1358] : memref<100000x128xf32, #tpu.memory_space<hbm>> -> memref<128x128xf32, #tpu.memory_space<hbm>>
      %dma_wait3A_1360 = arith.constant 0 : i32
      %dma_wait3A_1361 = arith.constant 0 : i32
      %dma_wait3A_1362 = tpu.memref_slice %arg6[%dma_wait3A, %dma_wait3A_1360, %dma_wait3A_1361] : memref<6x128x128xf32, #tpu.memory_space<vmem>> -> memref<1x128x128xf32, #tpu.memory_space<vmem>>
      %dma_wait3A_1363 = tpu.memref_squeeze %dma_wait3A_1362 : memref<1x128x128xf32, #tpu.memory_space<vmem>> -> memref<128x128xf32, #tpu.memory_space<vmem>>
      tpu.wait_dma2 semaphore(%arg17 : memref<!tpu.dma_semaphore, #tpu.memory_space<semaphore_mem>>) src(%dma_wait3A_1363 : memref<128x128xf32, #tpu.memory_space<vmem>>) dst(%dma_wait3A_1359 : memref<128x128xf32, #tpu.memory_space<hbm>>)
    } else {
    }
    %mul3A_1301 = arith.constant 25 : i32
    %mul3A_1302 = arith.muli %mul3A_1301, %add3A : i32
    %add3A_1303 = arith.constant 22 : i32
    %add3A_1304 = arith.addi %mul3A_1302, %add3A_1303 : i32
    %eq3A_1305 = arith.constant 781 : i32
    %eq3A_1306 = arith.cmpi eq, %add3A_1304, %eq3A_1305 : i32
    %convert_element_type3A_1307 = arith.extui %eq3A_1306 : i1 to i32
    %cond3A_1308 = arith.constant 0 : i32
    %cond3A_1309 = arith.cmpi ne, %convert_element_type3A_1307, %cond3A_1308 : i32
    scf.if %cond3A_1309 {
      %dma_wait3A = arith.constant 4 : i32
      %dma_wait3A_1346 = arith.constant 0 : i32
      %dma_wait3A_1347 = arith.constant 0 : i32
      %dma_wait3A_1348 = tpu.memref_slice %arg6[%dma_wait3A, %dma_wait3A_1346, %dma_wait3A_1347] : memref<6x128x128xf32, #tpu.memory_space<vmem>> -> memref<1x32x128xf32, #tpu.memory_space<vmem>>
      %dma_wait3A_1349 = tpu.memref_squeeze %dma_wait3A_1348 : memref<1x32x128xf32, #tpu.memory_space<vmem>> -> memref<32x128xf32, #tpu.memory_space<vmem>>
      %dma_wait3A_1350 = arith.constant 99968 : i32
      %dma_wait3A_1351 = arith.constant 0 : i32
      %dma_wait3A_1352 = tpu.memref_slice %arg4[%dma_wait3A_1350, %dma_wait3A_1351] : memref<100000x128xf32, #tpu.memory_space<hbm>> -> memref<32x128xf32, #tpu.memory_space<hbm>>
      %dma_wait3A_1353 = arith.constant 99968 : i32
      %dma_wait3A_1354 = arith.constant 0 : i32
      %dma_wait3A_1355 = tpu.memref_slice %arg4[%dma_wait3A_1353, %dma_wait3A_1354] : memref<100000x128xf32, #tpu.memory_space<hbm>> -> memref<32x128xf32, #tpu.memory_space<hbm>>
      %dma_wait3A_1356 = arith.constant 0 : i32
      %dma_wait3A_1357 = arith.constant 0 : i32
      %dma_wait3A_1358 = tpu.memref_slice %arg6[%dma_wait3A, %dma_wait3A_1356, %dma_wait3A_1357] : memref<6x128x128xf32, #tpu.memory_space<vmem>> -> memref<1x32x128xf32, #tpu.memory_space<vmem>>
      %dma_wait3A_1359 = tpu.memref_squeeze %dma_wait3A_1358 : memref<1x32x128xf32, #tpu.memory_space<vmem>> -> memref<32x128xf32, #tpu.memory_space<vmem>>
      tpu.wait_dma2 semaphore(%arg17 : memref<!tpu.dma_semaphore, #tpu.memory_space<semaphore_mem>>) src(%dma_wait3A_1359 : memref<32x128xf32, #tpu.memory_space<vmem>>) dst(%dma_wait3A_1355 : memref<32x128xf32, #tpu.memory_space<hbm>>)
    } else {
    }
    %mul3A_1310 = arith.constant 25 : i32
    %mul3A_1311 = arith.muli %mul3A_1310, %add3A : i32
    %add3A_1312 = arith.constant 23 : i32
    %add3A_1313 = arith.addi %mul3A_1311, %add3A_1312 : i32
    %lt3A_1314 = arith.constant 781 : i32
    %lt3A_1315 = arith.cmpi slt, %add3A_1313, %lt3A_1314 : i32
    %convert_element_type3A_1316 = arith.extui %lt3A_1315 : i1 to i32
    %cond3A_1317 = arith.constant 0 : i32
    %cond3A_1318 = arith.cmpi ne, %convert_element_type3A_1316, %cond3A_1317 : i32
    scf.if %cond3A_1318 {
      %mul3A_1346 = arith.constant 25 : i32
      %mul3A_1347 = arith.muli %mul3A_1346, %add3A : i32
      %add3A_1348 = arith.constant 23 : i32
      %add3A_1349 = arith.addi %mul3A_1347, %add3A_1348 : i32
      %mul3A_1350 = arith.constant 128 : i32
      %mul3A_1351 = arith.muli %add3A_1349, %mul3A_1350 : i32
      %dma_wait3A = arith.constant 5 : i32
      %dma_wait3A_1352 = arith.constant 0 : i32
      %dma_wait3A_1353 = arith.constant 0 : i32
      %dma_wait3A_1354 = tpu.memref_slice %arg6[%dma_wait3A, %dma_wait3A_1352, %dma_wait3A_1353] : memref<6x128x128xf32, #tpu.memory_space<vmem>> -> memref<1x128x128xf32, #tpu.memory_space<vmem>>
      %dma_wait3A_1355 = tpu.memref_squeeze %dma_wait3A_1354 : memref<1x128x128xf32, #tpu.memory_space<vmem>> -> memref<128x128xf32, #tpu.memory_space<vmem>>
      %dma_wait3A_1356 = arith.constant 0 : i32
      %dma_wait3A_1357 = tpu.memref_slice %arg4[%mul3A_1351, %dma_wait3A_1356] : memref<100000x128xf32, #tpu.memory_space<hbm>> -> memref<128x128xf32, #tpu.memory_space<hbm>>
      %dma_wait3A_1358 = arith.constant 0 : i32
      %dma_wait3A_1359 = tpu.memref_slice %arg4[%mul3A_1351, %dma_wait3A_1358] : memref<100000x128xf32, #tpu.memory_space<hbm>> -> memref<128x128xf32, #tpu.memory_space<hbm>>
      %dma_wait3A_1360 = arith.constant 0 : i32
      %dma_wait3A_1361 = arith.constant 0 : i32
      %dma_wait3A_1362 = tpu.memref_slice %arg6[%dma_wait3A, %dma_wait3A_1360, %dma_wait3A_1361] : memref<6x128x128xf32, #tpu.memory_space<vmem>> -> memref<1x128x128xf32, #tpu.memory_space<vmem>>
      %dma_wait3A_1363 = tpu.memref_squeeze %dma_wait3A_1362 : memref<1x128x128xf32, #tpu.memory_space<vmem>> -> memref<128x128xf32, #tpu.memory_space<vmem>>
      tpu.wait_dma2 semaphore(%arg18 : memref<!tpu.dma_semaphore, #tpu.memory_space<semaphore_mem>>) src(%dma_wait3A_1363 : memref<128x128xf32, #tpu.memory_space<vmem>>) dst(%dma_wait3A_1359 : memref<128x128xf32, #tpu.memory_space<hbm>>)
    } else {
    }
    %mul3A_1319 = arith.constant 25 : i32
    %mul3A_1320 = arith.muli %mul3A_1319, %add3A : i32
    %add3A_1321 = arith.constant 23 : i32
    %add3A_1322 = arith.addi %mul3A_1320, %add3A_1321 : i32
    %eq3A_1323 = arith.constant 781 : i32
    %eq3A_1324 = arith.cmpi eq, %add3A_1322, %eq3A_1323 : i32
    %convert_element_type3A_1325 = arith.extui %eq3A_1324 : i1 to i32
    %cond3A_1326 = arith.constant 0 : i32
    %cond3A_1327 = arith.cmpi ne, %convert_element_type3A_1325, %cond3A_1326 : i32
    scf.if %cond3A_1327 {
      %dma_wait3A = arith.constant 5 : i32
      %dma_wait3A_1346 = arith.constant 0 : i32
      %dma_wait3A_1347 = arith.constant 0 : i32
      %dma_wait3A_1348 = tpu.memref_slice %arg6[%dma_wait3A, %dma_wait3A_1346, %dma_wait3A_1347] : memref<6x128x128xf32, #tpu.memory_space<vmem>> -> memref<1x32x128xf32, #tpu.memory_space<vmem>>
      %dma_wait3A_1349 = tpu.memref_squeeze %dma_wait3A_1348 : memref<1x32x128xf32, #tpu.memory_space<vmem>> -> memref<32x128xf32, #tpu.memory_space<vmem>>
      %dma_wait3A_1350 = arith.constant 99968 : i32
      %dma_wait3A_1351 = arith.constant 0 : i32
      %dma_wait3A_1352 = tpu.memref_slice %arg4[%dma_wait3A_1350, %dma_wait3A_1351] : memref<100000x128xf32, #tpu.memory_space<hbm>> -> memref<32x128xf32, #tpu.memory_space<hbm>>
      %dma_wait3A_1353 = arith.constant 99968 : i32
      %dma_wait3A_1354 = arith.constant 0 : i32
      %dma_wait3A_1355 = tpu.memref_slice %arg4[%dma_wait3A_1353, %dma_wait3A_1354] : memref<100000x128xf32, #tpu.memory_space<hbm>> -> memref<32x128xf32, #tpu.memory_space<hbm>>
      %dma_wait3A_1356 = arith.constant 0 : i32
      %dma_wait3A_1357 = arith.constant 0 : i32
      %dma_wait3A_1358 = tpu.memref_slice %arg6[%dma_wait3A, %dma_wait3A_1356, %dma_wait3A_1357] : memref<6x128x128xf32, #tpu.memory_space<vmem>> -> memref<1x32x128xf32, #tpu.memory_space<vmem>>
      %dma_wait3A_1359 = tpu.memref_squeeze %dma_wait3A_1358 : memref<1x32x128xf32, #tpu.memory_space<vmem>> -> memref<32x128xf32, #tpu.memory_space<vmem>>
      tpu.wait_dma2 semaphore(%arg18 : memref<!tpu.dma_semaphore, #tpu.memory_space<semaphore_mem>>) src(%dma_wait3A_1359 : memref<32x128xf32, #tpu.memory_space<vmem>>) dst(%dma_wait3A_1355 : memref<32x128xf32, #tpu.memory_space<hbm>>)
    } else {
    }
    %mul3A_1328 = arith.constant 25 : i32
    %mul3A_1329 = arith.muli %mul3A_1328, %add3A : i32
    %add3A_1330 = arith.constant 24 : i32
    %add3A_1331 = arith.addi %mul3A_1329, %add3A_1330 : i32
    %lt3A_1332 = arith.constant 781 : i32
    %lt3A_1333 = arith.cmpi slt, %add3A_1331, %lt3A_1332 : i32
    %convert_element_type3A_1334 = arith.extui %lt3A_1333 : i1 to i32
    %cond3A_1335 = arith.constant 0 : i32
    %cond3A_1336 = arith.cmpi ne, %convert_element_type3A_1334, %cond3A_1335 : i32
    scf.if %cond3A_1336 {
      %mul3A_1346 = arith.constant 25 : i32
      %mul3A_1347 = arith.muli %mul3A_1346, %add3A : i32
      %add3A_1348 = arith.constant 24 : i32
      %add3A_1349 = arith.addi %mul3A_1347, %add3A_1348 : i32
      %mul3A_1350 = arith.constant 128 : i32
      %mul3A_1351 = arith.muli %add3A_1349, %mul3A_1350 : i32
      %dma_wait3A = arith.constant 0 : i32
      %dma_wait3A_1352 = arith.constant 0 : i32
      %dma_wait3A_1353 = arith.constant 0 : i32
      %dma_wait3A_1354 = tpu.memref_slice %arg6[%dma_wait3A, %dma_wait3A_1352, %dma_wait3A_1353] : memref<6x128x128xf32, #tpu.memory_space<vmem>> -> memref<1x128x128xf32, #tpu.memory_space<vmem>>
      %dma_wait3A_1355 = tpu.memref_squeeze %dma_wait3A_1354 : memref<1x128x128xf32, #tpu.memory_space<vmem>> -> memref<128x128xf32, #tpu.memory_space<vmem>>
      %dma_wait3A_1356 = arith.constant 0 : i32
      %dma_wait3A_1357 = tpu.memref_slice %arg4[%mul3A_1351, %dma_wait3A_1356] : memref<100000x128xf32, #tpu.memory_space<hbm>> -> memref<128x128xf32, #tpu.memory_space<hbm>>
      %dma_wait3A_1358 = arith.constant 0 : i32
      %dma_wait3A_1359 = tpu.memref_slice %arg4[%mul3A_1351, %dma_wait3A_1358] : memref<100000x128xf32, #tpu.memory_space<hbm>> -> memref<128x128xf32, #tpu.memory_space<hbm>>
      %dma_wait3A_1360 = arith.constant 0 : i32
      %dma_wait3A_1361 = arith.constant 0 : i32
      %dma_wait3A_1362 = tpu.memref_slice %arg6[%dma_wait3A, %dma_wait3A_1360, %dma_wait3A_1361] : memref<6x128x128xf32, #tpu.memory_space<vmem>> -> memref<1x128x128xf32, #tpu.memory_space<vmem>>
      %dma_wait3A_1363 = tpu.memref_squeeze %dma_wait3A_1362 : memref<1x128x128xf32, #tpu.memory_space<vmem>> -> memref<128x128xf32, #tpu.memory_space<vmem>>
      tpu.wait_dma2 semaphore(%arg13 : memref<!tpu.dma_semaphore, #tpu.memory_space<semaphore_mem>>) src(%dma_wait3A_1363 : memref<128x128xf32, #tpu.memory_space<vmem>>) dst(%dma_wait3A_1359 : memref<128x128xf32, #tpu.memory_space<hbm>>)
    } else {
    }
    %mul3A_1337 = arith.constant 25 : i32
    %mul3A_1338 = arith.muli %mul3A_1337, %add3A : i32
    %add3A_1339 = arith.constant 24 : i32
    %add3A_1340 = arith.addi %mul3A_1338, %add3A_1339 : i32
    %eq3A_1341 = arith.constant 781 : i32
    %eq3A_1342 = arith.cmpi eq, %add3A_1340, %eq3A_1341 : i32
    %convert_element_type3A_1343 = arith.extui %eq3A_1342 : i1 to i32
    %cond3A_1344 = arith.constant 0 : i32
    %cond3A_1345 = arith.cmpi ne, %convert_element_type3A_1343, %cond3A_1344 : i32
    scf.if %cond3A_1345 {
      %dma_wait3A = arith.constant 0 : i32
      %dma_wait3A_1346 = arith.constant 0 : i32
      %dma_wait3A_1347 = arith.constant 0 : i32
      %dma_wait3A_1348 = tpu.memref_slice %arg6[%dma_wait3A, %dma_wait3A_1346, %dma_wait3A_1347] : memref<6x128x128xf32, #tpu.memory_space<vmem>> -> memref<1x32x128xf32, #tpu.memory_space<vmem>>
      %dma_wait3A_1349 = tpu.memref_squeeze %dma_wait3A_1348 : memref<1x32x128xf32, #tpu.memory_space<vmem>> -> memref<32x128xf32, #tpu.memory_space<vmem>>
      %dma_wait3A_1350 = arith.constant 99968 : i32
      %dma_wait3A_1351 = arith.constant 0 : i32
      %dma_wait3A_1352 = tpu.memref_slice %arg4[%dma_wait3A_1350, %dma_wait3A_1351] : memref<100000x128xf32, #tpu.memory_space<hbm>> -> memref<32x128xf32, #tpu.memory_space<hbm>>
      %dma_wait3A_1353 = arith.constant 99968 : i32
      %dma_wait3A_1354 = arith.constant 0 : i32
      %dma_wait3A_1355 = tpu.memref_slice %arg4[%dma_wait3A_1353, %dma_wait3A_1354] : memref<100000x128xf32, #tpu.memory_space<hbm>> -> memref<32x128xf32, #tpu.memory_space<hbm>>
      %dma_wait3A_1356 = arith.constant 0 : i32
      %dma_wait3A_1357 = arith.constant 0 : i32
      %dma_wait3A_1358 = tpu.memref_slice %arg6[%dma_wait3A, %dma_wait3A_1356, %dma_wait3A_1357] : memref<6x128x128xf32, #tpu.memory_space<vmem>> -> memref<1x32x128xf32, #tpu.memory_space<vmem>>
      %dma_wait3A_1359 = tpu.memref_squeeze %dma_wait3A_1358 : memref<1x32x128xf32, #tpu.memory_space<vmem>> -> memref<32x128xf32, #tpu.memory_space<vmem>>
      tpu.wait_dma2 semaphore(%arg13 : memref<!tpu.dma_semaphore, #tpu.memory_space<semaphore_mem>>) src(%dma_wait3A_1359 : memref<32x128xf32, #tpu.memory_space<vmem>>) dst(%dma_wait3A_1355 : memref<32x128xf32, #tpu.memory_space<hbm>>)
    } else {
    }
    return
  }
}

</mosaic_0001>

<sc_bundles>
// kernel: kernel.3.cloned.1.call-start
scs
__scs_entry_jumppad:
0x0: {  	(pc) =	sbr.rel $0x88, $3  }
0x1: {  	(tag) =	ssettag $0x0;
	lr =	simm.s32 $0x1  }
0x2: {  	[smem:$0x3F9F] =	sst lr;
	_ =	strace $0xD0000000  }
0x3: {  	_ = 	snop  }
0x4: {  	_ = 	snop  }
0x5: {  	_ = 	snop  }
0x6: {  	_ = 	snop  }
0x7: {  	_ = 	snop  }
__scs_overlays_trampoline_lowered:
0x8: {  	[smem:$0x3FAE] =	sst s0  }
0x9: {  	[smem:$0x3FAF] =	sst s1  }
0xa: {  	[smem:$0x3FB0] =	sst s2  }
0xb: {  	[smem:$0x3FB1] =	sst s3  }
0xc: {  	[smem:$0x3FB2] =	sst s4  }
0xd: {  	[smem:$0x3FB3] =	sst s5  }
0xe: {  	[smem:$0x3FB4] =	sst s6  }
0xf: {  	[smem:$0x3FB5] =	sst s7  }
0x10: {  	[smem:$0x3FB6] =	sst s8  }
0x11: {  	[smem:$0x3FB7] =	sst s9;
	s0 =	simm.s32 @!p0 $0x0  }
0x12: {  	s1 =	sld [smem:$0x3F9D];
	s0 =	simm.s32 @p0 $0x1  }
0x13: {  	[smem:$0x3FB8] =	sst s0;
	s0 =	simm.s32 @!p1 $0x0  }
0x14: {  	s2 =	sld [smem:$0x3F9C];
	s0 =	simm.s32 @p1 $0x1  }
0x15: {  	[smem:$0x3FB9] =	sst s0;
	s0 =	simm.s32 @!p2 $0x0  }
0x16: {  	s3 =	sld [smem:$0x3FDB];
	s0 =	simm.s32 @p2 $0x1  }
0x17: {  	s4 =	simm.s32 $0x1BF5;
	[smem:$0x3FBB] =	sst s0  }
0x18: {  	s0 =	sld [smem:$0x3F9E];
	_ =	swait.ge [sflag:s4], $0x0  }
0x19: {  	s7 =	sld [smem:$0x3F9F]  }
0x1a: {  	s8 =	sadd.s32 $0xFFFFE003, lr  }
0x1b: {  	s9 =	sadd.s32 $0xFFFFFEF7, lr;
	s5 =	simm.s32 $0xFFFFFFFF;
	p2 =	slt.u32 s8, $0xFFFFF086  }
0x1c: {  	p1 =	slt.u32 s9, $0xF7A;
	s5 =	simm.s32 @!p2 $0x0  }
0x1d: {  	s5 =	simm.s32 @p1 $0x1;
	p0 =	seq.s32 s7, s2  }
0x1e: {  	s7 =	smul.u32 @!p0 $0xF7A, s2;
	p2 =	seq.s32 @!p0 s5, $0x0  }
0x1f: {  	s9 =	smul.u32 $0xF7A, s1;
	s8 =	simm.s32 @!p0 $0x1BF5;
	p2 =	por !p2, p0  }
0x20: {  	[sflag:s8] =	ssyncset.s32 @!p0 $0xFFFFF086;
	s6 =	sadd.s32 @!p0 s3, s7;
	s7 =	simm.s32 @!p0 $0x108  }
0x21: {  	s3 =	sadd.s32 s3, s9;
	s6 =	sadd.s32 @!p0 $0x88, s6;
	s7 =	simm.s32 @p2 $0x1082  }
0x22: {  	[simem:s7], [sflag:s8] =	dma.local @!p0 [hbm:s6], $0xF7A  }
0x23: {  	s9 =	sor.u32 $0xD0000000, s2;
	s6 =	simm.s32 $0x108;
	_ =	swait.ge @!p0 [sflag:s8], $0x0  }
0x24: {  	s3 =	sadd.s32 $0x88, s3;
	s6 =	simm.s32 @!p1 $0x1082;
	[sflag:s4] =	ssyncset.s32 $0xFFFFF086  }
0x25: {  	[simem:s6], [sflag:s4] =	dma.local [hbm:s3], $0xF7A  }
0x26: {  	[smem:$0x3F9F] =	sst s1;
	(tag) =	ssettag s2;
	_ =	strace s9  }
0x27: {  	s1 =	sld [smem:$0x3FAF]  }
0x28: {  	s2 =	sld [smem:$0x3FB0]  }
0x29: {  	s4 =	sld [smem:$0x3FB2]  }
0x2a: {  	p0 =	seq.s32 s5, $0x0;
	s5 =	sld [smem:$0x3FB3]  }
0x2b: {  	s6 =	sld [smem:$0x3FB4]  }
0x2c: {  	s7 =	sld [smem:$0x3FB5]  }
0x2d: {  	s3 =	simm.s32 $0x108;
	s8 =	sld [smem:$0x3FB6]  }
0x2e: {  	s3 =	simm.s32 @!p0 $0x1082;
	s9 =	sld [smem:$0x3FB7]  }
0x2f: {  	lr =	sadd.s32 s0, s3;
	s0 =	sld [smem:$0x3FAE]  }
0x30: {  	s3 =	sld [smem:$0x3FB1]  }
0x31: {  	[smem:$0x3FBA] =	sst s10  }
0x32: {  	s10 =	sld [smem:$0x3FB8];
	_ =	sdelay $0x3  }
0x33: {  	p0 =	seq.s32 s10, $0x1;
	s10 =	sld [smem:$0x3FBA];
	_ =	sdelay $0x3  }
0x34: {  	[smem:$0x3FBA] =	sst s10  }
0x35: {  	s10 =	sld [smem:$0x3FB9];
	_ =	sdelay $0x3  }
0x36: {  	p1 =	seq.s32 s10, $0x1;
	s10 =	sld [smem:$0x3FBA];
	_ =	sdelay $0x3  }
0x37: {  	[smem:$0x3FBA] =	sst s10  }
0x38: {  	s10 =	sld [smem:$0x3FBB]  }
0x39: {  	_ = 	snop;
	(pc) =	sbr.ind lr, $3  }
0x3a: {  	_ = 	snop  }
0x3b: {  	_ = 	snop  }
0x3c: {  	p2 =	seq.s32 s10, $0x1;
	s10 =	sld [smem:$0x3FBA]  }
0x3d: {  	_ =	shalt  }
0x3e: {  	_ =	shalt  }
0x3f: {  	_ =	shalt  }
0x40: {  	_ =	shalt  }
0x41: {  	_ =	shalt  }
0x42: {  	_ =	shalt  }
0x43: {  	_ =	shalt  }
0x44: {  	_ =	shalt  }
0x45: {  	_ =	shalt  }
0x46: {  	_ =	shalt  }
0x47: {  	_ =	shalt  }
0x48: {  	_ =	shalt  }
0x49: {  	_ =	shalt  }
0x4a: {  	_ =	shalt  }
0x4b: {  	_ =	shalt  }
0x4c: {  	_ =	shalt  }
0x4d: {  	_ =	shalt  }
0x4e: {  	_ =	shalt  }
0x4f: {  	_ =	shalt  }
0x50: {  	_ =	shalt  }
0x51: {  	_ =	shalt  }
0x52: {  	_ =	shalt  }
0x53: {  	_ =	shalt  }
0x54: {  	_ =	shalt  }
0x55: {  	_ =	shalt  }
0x56: {  	_ =	shalt  }
0x57: {  	_ =	shalt  }
0x58: {  	_ =	shalt  }
0x59: {  	_ =	shalt  }
0x5a: {  	_ =	shalt  }
0x5b: {  	_ =	shalt  }
0x5c: {  	_ =	shalt  }
0x5d: {  	_ =	shalt  }
0x5e: {  	_ =	shalt  }
0x5f: {  	_ =	shalt  }
0x60: {  	_ =	shalt  }
0x61: {  	_ =	shalt  }
0x62: {  	_ =	shalt  }
0x63: {  	_ =	shalt  }
0x64: {  	_ =	shalt  }
0x65: {  	_ =	shalt  }
0x66: {  	_ =	shalt  }
0x67: {  	_ =	shalt  }
0x68: {  	_ =	shalt  }
0x69: {  	_ =	shalt  }
0x6a: {  	_ =	shalt  }
0x6b: {  	_ =	shalt  }
0x6c: {  	_ =	shalt  }
0x6d: {  	_ =	shalt  }
0x6e: {  	_ =	shalt  }
0x6f: {  	_ =	shalt  }
0x70: {  	_ =	shalt  }
0x71: {  	_ =	shalt  }
0x72: {  	_ =	shalt  }
0x73: {  	_ =	shalt  }
0x74: {  	_ =	shalt  }
0x75: {  	_ =	shalt  }
0x76: {  	_ =	shalt  }
0x77: {  	_ =	shalt  }
0x78: {  	_ =	shalt  }
0x79: {  	_ =	shalt  }
0x7a: {  	_ =	shalt  }
0x7b: {  	_ =	shalt  }
0x7c: {  	_ =	shalt  }
0x7d: {  	_ =	shalt  }
0x7e: {  	_ =	shalt  }
0x7f: {  	_ =	shalt  }
0x80: {  	_ =	shalt  }
0x81: {  	_ =	shalt  }
0x82: {  	_ =	shalt  }
0x83: {  	_ =	shalt  }
0x84: {  	_ =	shalt  }
0x85: {  	_ =	shalt  }
0x86: {  	_ =	shalt  }
0x87: {  	_ =	shalt  }
.Lfunc_end0:
.L_simem_size_0:
called_computation_lowered:
.L_overlay_start_0:
0x88: {  	s2 =	sld [smem:$0x3FD9]  }
0x89: {  	s3 =	sld [smem:$0x3FFE];
	_ =	sdelay $0x1  }
0x8a: {  	s1 =	srdreg.scid  }
0x8b: {  	s0 =	sand.u32 $0x1, s1  }
0x8c: {  	s17 =	sshll.u32 s0, $0xA;
	s2 =	sadd.s32 s3, s2  }
0x8d: {  	s2 =	sadd.s32 s2, s17  }
0x8e: {  	[smem:$0x3FC6] =	sst s2  }
0x8f: {  	_ = 	snop  }
0x90: {  	s2 =	sld [smem:$0x3FD0];
	(tm) =	ssettm $0x1  }
0x91: {  	s18 =	sld [smem:$0x3FFB];
	_ =	sdelay $0x3  }
0x92: {  	_ =	strace s18  }
0x93: {  	s3 =	sld [smem:$0x3FFC];
	_ =	sdelay $0x3  }
0x94: {  	_ =	strace s3  }
0x95: {  	s3 =	sld [smem:$0x3FFD];
	_ =	sdelay $0x3  }
0x96: {  	_ =	strace s3  }
0x97: {  	_ =	strace $0x8FFFFFFF  }
0x98: {  	s19 =	sld [smem:$0x3FDB];
	_ =	sdelay $0x1  }
0x99: {  	s4 =	simm.s32 $_scs_section_size  }
0x9a: {  	s5 =	simm.s32 $_size__tile_overlayer_lowered;
	s6 =	simm.s32 $_tile_overlayer_lowered  }
0x9b: {  	s22 =	simm.s32 $0x1BFF;
	s21 =	sshll.u32 s6, $0x1;
	s3 =	sadd.s32 s4, s19  }
0x9c: {  	s7 =	simm.s32 $0x0;
	s20 =	sshll.u32 s5, $0x1;
	s5 =	sadd.s32 s21, s3  }
0x9d: {  	[timem:s7], [sflag:s22] =	dma.local [hbm:s5], s20  }
0x9e: {  	_ =	swait.ge [sflag:s22], s20  }
0x9f: {  	s4 =	ssub.s32 $0x0, s20;
	[sflag:s22] =	ssyncset.done $0x0  }
0xa0: {  	[sflag:s22] =	ssyncadd.s32 s4;
	_ =	sdelay $0x1  }
0xa1: {  	s23 =	simm.s32 $0x1B8B  }
0xa2: {  	_ =	swait.ge [sflag:s23], $0x1  }
0xa3: {  	[sflag:s23] =	ssyncset.done $0x0  }
0xa4: {  	s25 =	simm.s32 $0x1B8E;
	s24 =	sld [smem:$0x3FFE];
	[sflag:s23] =	ssyncadd.s32 $0xFFFFFFFF  }
0xa5: {  	s26 =	simm.s32 $execute0_lowered;
	[smem:$0x3FD2] =	sst s25  }
0xa6: {  	s5 =	sshll.u32 s26, $0x1;
	_ =	strace $0x80000046;
	[dreg:$0x1] =	wrdreg $0xFFFFFFFF  }
0xa7: {  	s28 =	simm.s32 $_size_execute0_lowered;
	s3 =	sadd.s32 s3, s5;
	[dreg:$0x0] =	wrdreg $0x0  }
0xa8: {  	s5 =	sshll.u32 s28, $0x1;
	[dreg:$0x2] =	wrdreg s3  }
0xa9: {  	[dreg:$0x3] =	wrdreg s5  }
0xaa: {  	[dreg:$0x4] =	wrdreg $0xC0  }
0xab: {  	_ =	task [dreg:s7], $0x5FFFF  }
0xac: {  	[dreg:$0x1] =	wrdreg $0xFFFFFFFF  }
0xad: {  	[dreg:$0x0] =	wrdreg $0x60  }
0xae: {  	[dreg:$0x2] =	wrdreg s24  }
0xaf: {  	[dreg:$0x3] =	wrdreg s2  }
0xb0: {  	[dreg:$0x4] =	wrdreg $0x9  }
0xb1: {  	_ =	task.clear_ibuf [dreg:s7], $0x5FFFF;
	_ =	strace $0x90000046  }
0xb2: {  	s29 =	simm.s32 $0x9;
	_ =	strace $0x80000048  }
0xb3: {  	_ =	swait.ge [sflag:s29], $0x1  }
0xb4: {  	[sflag:s29] =	ssyncadd.s32 $0xFFFFFFFF  }
0xb5: {  	_ =	strace $0x90000048  }
0xb6: {  	_ =	sfence  }
0xb7: {  	s30 =	sld [smem:$0x0];
	_ =	sdelay $0x2  }
0xb8: {  	s31 =	sshll.u32 s1, $0xD;
	s1 =	sshrl.u32 s1, $0x2  }
0xb9: {  	s3 =	sand.u32 $0x4000, s31;
	s1 =	sadd.s32 s1, s30  }
0xba: {  	s0 =	sor.u32 s3, s0;
	s1 =	sshll.u32 s1, $0x11  }
0xbb: {  	s0 =	sor.u32 s1, s0  }
0xbc: {  	s0 =	sadd.s32 $0x8F2B, s0  }
0xbd: {  	[sflag:s0] =	ssyncadd.remote.s32 $0x1  }
0xbe: {  	_ =	sfence.sel $0xFFFF  }
0xbf: {  	[dreg:$0x0] =	wrdreg $0xFFFFFFFF;
	(pc) =	sbr.abs _section_cstart, $3  }
0xc0: {  	[dreg:$0x1] =	wrdreg $0xFFFFFFFF  }
0xc1: {  	_ =	task.clear_ibuf [dreg:s7], $0x2FFFF;
	_ =	strace $0x9FFFFFFF  }
0xc2: {  	(tm) =	ssettm $0x7FFFFFFF  }
0xc3: {  	_ =	shalt  }
tec
execute0_lowered:
.L_overlay_start_1:
0x0: {  	(tag) =	ssettag $0x1  }
0x1: {  	s1 =	rddreg [dreg:$0x0]  }
0x2: {  	s2 =	srdreg.scid;
	s4 =	stileid.u32  }
0x3: {  	s0 =	rddreg [dreg:$0x1];
	s3 =	sand.u32 $0x1, s2;
	s19 =	sshll.u32 s4, $0x1  }
0x4: {  	s28 =	rddreg [dreg:$0x2];
	s2 =	sor.u32 s3, s19  }
0x5: {  	s4 =	simm.s32 $0x0;
	s5 =	smul.u32 $0xC800, s2;
	s6 =	sshll.u32 s2, $0x9  }
0x6: {  	[smem:$0x7FF] =	sst s4;
	s12 =	smul.u32 $0x19, s2;
	s6 =	sadd.s32 s1, s6  }
0x7: {  	_ =	strace $0x80000047;
	s29 =	sadd.s32 s0, s5;
	[dreg:$0x3] =	wrdreg s6  }
0x8: {  	s6 =	sadd.s32 $0x6, s12;
	s8 =	sadd.s32 $0x7, s12;
	s5 =	sadd.s32 $0x800, s29  }
0x9: {  	s20 =	sadd.s32 $0x1000, s29;
	s7 =	sadd.s32 $0x2000, s29;
	[dreg:$0x4] =	wrdreg s5  }
0xa: {  	s9 =	sshll.u32 s6, $0xB;
	s11 =	sshll.u32 s8, $0xB;
	[dreg:$0x5] =	wrdreg s20  }
0xb: {  	s5 =	sadd.s32 $0x8, s12;
	[dreg:$0x6] =	wrdreg s7;
	s10 =	sadd.s32 s0, s9  }
0xc: {  	s7 =	sadd.s32 $0x9, s12;
	s11 =	sadd.s32 s0, s11;
	[dreg:$0x7] =	wrdreg s10  }
0xd: {  	s9 =	sadd.s32 $0xA, s12;
	s10 =	sadd.s32 $0xB, s12;
	[dreg:$0x8] =	wrdreg s11  }
0xe: {  	s13 =	sshll.u32 s5, $0xB;
	s11 =	sadd.s32 $0xC, s12;
	s14 =	sshll.u32 s7, $0xB  }
0xf: {  	s15 =	sshll.u32 s9, $0xB;
	s13 =	sadd.s32 s0, s13;
	s14 =	sadd.s32 s0, s14  }
0x10: {  	s15 =	sadd.s32 s0, s15;
	s16 =	sshll.u32 s10, $0xB;
	[dreg:$0x9] =	wrdreg s13  }
0x11: {  	s17 =	sshll.u32 s11, $0xB;
	s13 =	sadd.s32 $0xD, s12;
	[dreg:$0xa] =	wrdreg s14  }
0x12: {  	s14 =	sadd.s32 $0xE, s12;
	[dreg:$0xb] =	wrdreg s15;
	s16 =	sadd.s32 s0, s16  }
0x13: {  	s15 =	sadd.s32 $0xF, s12;
	s17 =	sadd.s32 s0, s17;
	[dreg:$0xc] =	wrdreg s16  }
0x14: {  	s18 =	sshll.u32 s13, $0xB;
	s16 =	sadd.s32 $0x10, s12;
	[dreg:$0xd] =	wrdreg s17  }
0x15: {  	s17 =	sadd.s32 $0x11, s12;
	s19 =	sshll.u32 s14, $0xB;
	s18 =	sadd.s32 s0, s18  }
0x16: {  	s20 =	sshll.u32 s15, $0xB;
	s19 =	sadd.s32 s0, s19;
	[dreg:$0xe] =	wrdreg s18  }
0x17: {  	s21 =	sadd.s32 s0, s20;
	s22 =	sshll.u32 s16, $0xB;
	[dreg:$0xf] =	wrdreg s19  }
0x18: {  	s24 =	sshll.u32 s17, $0xB;
	[dreg:$0x10] =	wrdreg s21;
	s23 =	sadd.s32 s0, s22  }
0x19: {  	s18 =	sadd.s32 $0x12, s12;
	s20 =	sadd.s32 s0, s24;
	[dreg:$0x11] =	wrdreg s23  }
0x1a: {  	s19 =	sadd.s32 $0x13, s12;
	s21 =	sshll.u32 s18, $0xB;
	[dreg:$0x12] =	wrdreg s20  }
0x1b: {  	s20 =	sadd.s32 $0x14, s12;
	s22 =	sshll.u32 s19, $0xB;
	s21 =	sadd.s32 s0, s21  }
0x1c: {  	s22 =	sadd.s32 s0, s22;
	s23 =	sshll.u32 s20, $0xB;
	[dreg:$0x13] =	wrdreg s21  }
0x1d: {  	s21 =	sadd.s32 $0x15, s12;
	[dreg:$0x14] =	wrdreg s22;
	s25 =	sadd.s32 s0, s23  }
0x1e: {  	s23 =	sadd.s32 $0x16, s12;
	s22 =	sadd.s32 $0x17, s12;
	s26 =	sshll.u32 s21, $0xB  }
0x1f: {  	[dreg:$0x15] =	wrdreg s25;
	s25 =	sshll.u32 s23, $0xB;
	s24 =	sadd.s32 s0, s26  }
0x20: {  	s25 =	sadd.s32 s0, s25;
	s26 =	sshll.u32 s22, $0xB;
	[dreg:$0x16] =	wrdreg s24  }
0x21: {  	[dreg:$0x17] =	wrdreg s25;
	s25 =	sadd.s32 s0, s26  }
0x22: {  	[dreg:$0x18] =	wrdreg s25;
	s25 =	simm.s32 $0x100  }
0x23: {  	s3 =	ssub.s32 $0x2, s3;
	[dreg:$0x1a] =	wrdreg s25;
	s25 =	simm.s32 $0xD000  }
0x24: {  	p1 =	sne.s32 s6, $0x30D;
	[dreg:$0x1c] =	wrdreg s25;
	s25 =	simm.s32 $0x280  }
0x25: {  	s24 =	sadd.s32 $0x18, s12;
	[dreg:$0x1e] =	wrdreg s25;
	s25 =	sshrl.u32 s3, $0x1  }
0x26: {  	s12 =	ssub.s32 s3, s25;
	s3 =	sadd.s32 $0x4000, s1;
	s1 =	simm.s32 @!p1 $0x0  }
0x27: {  	s1 =	simm.s32 @p1 $0x1;
	p1 =	sne.s32 s8, $0x30D  }
0x28: {  	[smem:$0x7EE] =	sst s1;
	s1 =	simm.s32 @!p1 $0x0  }
0x29: {  	s1 =	simm.s32 @p1 $0x1;
	p1 =	sne.s32 s5, $0x30D  }
0x2a: {  	[smem:$0x7EF] =	sst s1;
	s1 =	simm.s32 @!p1 $0x0  }
0x2b: {  	s1 =	simm.s32 @p1 $0x1;
	p1 =	sne.s32 s7, $0x30D  }
0x2c: {  	s5 =	simm.s32 @!p1 $0x0  }
0x2d: {  	s5 =	simm.s32 @p1 $0x1;
	p1 =	sne.s32 s9, $0x30D  }
0x2e: {  	[smem:$0x7F1] =	sst s5;
	s5 =	simm.s32 @!p1 $0x0  }
0x2f: {  	s31 =	simm.s32 $0x2;
	s5 =	simm.s32 @p1 $0x1;
	p1 =	sne.s32 s10, $0x30D  }
0x30: {  	p0 =	seq.s32 s2, $0x1F;
	[smem:$0x7F2] =	sst s5;
	s5 =	simm.s32 @!p1 $0x0  }
0x31: {  	s2 =	sadd.s32 $0x186800, s0;
	s5 =	simm.s32 @p1 $0x1;
	p1 =	sne.s32 s11, $0x30D  }
0x32: {  	s30 =	sadd.s32 $0x1800, s29;
	[smem:$0x7F3] =	sst s5;
	s5 =	simm.s32 @!p1 $0x0  }
0x33: {  	s6 =	simm.s32 $0x1;
	s5 =	simm.s32 @p1 $0x1;
	p1 =	sne.s32 s13, $0x30D  }
0x34: {  	p5 =	sne.s32 s21, $0x30D;
	[smem:$0x7F4] =	sst s5;
	s5 =	simm.s32 @!p1 $0x0  }
0x35: {  	s21 =	simm.s32 $0xC;
	s5 =	simm.s32 @p1 $0x1;
	p1 =	sne.s32 s14, $0x30D  }
0x36: {  	p4 =	sne.s32 s23, $0x30D;
	[smem:$0x7F5] =	sst s5;
	s5 =	simm.s32 @!p1 $0x0  }
0x37: {  	p2 =	sne.s32 s22, $0x30D;
	s5 =	simm.s32 @p1 $0x1;
	p1 =	sne.s32 s15, $0x30D  }
0x38: {  	s26 =	sshll.u32 s24, $0xB;
	[smem:$0x7F6] =	sst s5;
	s5 =	simm.s32 @!p1 $0x0  }
0x39: {  	s26 =	sadd.s32 s0, s26;
	s5 =	simm.s32 @p1 $0x1;
	p1 =	sne.s32 s16, $0x30D  }
0x3a: {  	s0 =	simm.s32 @!p2 $0x0;
	[smem:$0x7F7] =	sst s5;
	s5 =	simm.s32 @!p1 $0x0  }
0x3b: {  	[dreg:$0x19] =	wrdreg s26;
	s5 =	simm.s32 @p1 $0x1;
	p1 =	sne.s32 s17, $0x30D  }
0x3c: {  	s26 =	simm.s32 $0x180;
	[smem:$0x7F8] =	sst s5;
	s5 =	simm.s32 @!p1 $0x0  }
0x3d: {  	[dreg:$0x1b] =	wrdreg s26;
	s5 =	simm.s32 @p1 $0x1;
	p1 =	sne.s32 s18, $0x30D  }
0x3e: {  	s0 =	simm.s32 @p2 $0x1;
	[smem:$0x7F9] =	sst s5;
	s5 =	simm.s32 @!p1 $0x0  }
0x3f: {  	[smem:$0x7FD] =	sst s0;
	s5 =	simm.s32 @p1 $0x1;
	p1 =	sne.s32 s19, $0x30D  }
0x40: {  	s26 =	simm.s32 $0x200;
	[smem:$0x7FA] =	sst s5;
	s5 =	simm.s32 @!p1 $0x0  }
0x41: {  	[dreg:$0x1d] =	wrdreg s26;
	s5 =	simm.s32 @p1 $0x1;
	p1 =	sne.s32 s20, $0x30D  }
0x42: {  	s26 =	simm.s32 $0x15000;
	[smem:$0x7FB] =	sst s5;
	s5 =	simm.s32 @!p1 $0x0  }
0x43: {  	[dreg:$0x1f] =	wrdreg s26;
	s25 =	smax.u32 s12, $0x1;
	s5 =	simm.s32 @p1 $0x1  }
0x44: {  	p6 =	sne.s32 s24, $0x30D;
	[smem:$0x7FC] =	sst s5;
	s5 =	sadd.s32 $0xFFFFFFFF, s25  }
0x45: {  	s26 =	simm.s32 $0x300;
	s12 =	simm.s32 $0x80;
	p1 =	sne.s32 s5, $0x0  }
.Ltmp0:
0x46: {  	s8 =	simm.s32 $0x1000;
	[smem:$0x7ED] =	sst s26;
	(pc) =	sbr.rel @!p1 .LBB2_1-.Ltmp0, $4  }
0x47: {  	s26 =	sadd.s32 $0x2800, s29;
	s7 =	simm.s32 $0x9000;
	[smem:$0x7F0] =	sst s1  }
0x48: {  	s1 =	simm.s32 $0xD;
	s9 =	simm.s32 $0x5000;
	s10 =	simm.s32 $0x8  }
0x49: {  	s11 =	simm.s32 $0x3;
	s13 =	simm.s32 $0x11000;
	s14 =	simm.s32 $0xA  }
0x4a: {  	s15 =	simm.s32 $0x5;
	s16 =	simm.s32 $0x7;
	s20 =	rddreg [dreg:$0x3]  }
0x4b: {  	[tilespmem:s4], [sflag:$0xD] =	stream.linear.gather [hbm4b:s20+s4], $0x1000, $0x38;
	[tilespmem:$0x19000] =	vst v63  }
0x4c: {  	_ =	swait.ge [sflag:s1], $0x1000  }
0x4d: {  	[sflag:s1] =	ssyncset.done $0x0  }
0x4e: {  	[sflag:s1] =	ssyncadd.s32 $0xFFFFF000  }
0x4f: {  	[tilespmem:s8], [sflag:$0x1] =	stream.indirect.gather [hbm4b:s3+s12], $0x80, s4, s12, $0xb8;
	[tilespmem:$0x19000] =	vst v63  }
0x50: {  	s0 =	rddreg [dreg:$0x1c]  }
0x51: {  	[tilespmem:s9], [sflag:$0x2] =	stream.indirect.gather [hbm4b:s3+s12], $0x80, s12, s12, $0xb8;
	[tilespmem:$0x19000] =	vst v63  }
0x52: {  	s22 =	rddreg [dreg:$0x1a]  }
0x53: {  	[tilespmem:s7], [sflag:$0x3] =	stream.indirect.gather [hbm4b:s3+s12], $0x80, s22, s12, $0xb8;
	[tilespmem:$0x19000] =	vst v63  }
0x54: {  	s6 =	rddreg [dreg:$0x1b]  }
0x55: {  	[tilespmem:s0], [sflag:$0x4] =	stream.indirect.gather [hbm4b:s3+s12], $0x80, s6, s12, $0xb8;
	[tilespmem:$0x19000] =	vst v63  }
0x56: {  	s17 =	simm.s32 $0x1;
	s23 =	rddreg [dreg:$0x1d]  }
0x57: {  	[tilespmem:s13], [sflag:$0x5] =	stream.indirect.gather [hbm4b:s3+s12], $0x80, s23, s12, $0xb8;
	[tilespmem:$0x19000] =	vst v63  }
0x58: {  	_ =	swait.ge [sflag:s17], $0x4000  }
0x59: {  	[sflag:s17] =	ssyncset.done $0x0  }
0x5a: {  	s24 =	rddreg [dreg:$0x1f];
	[sflag:s17] =	ssyncadd.s32 $0xFFFFC000  }
0x5b: {  	[hbm4b:s29+s4] =	stream.linear.scatter [tilespmem:s8], [sflag:$0x7], $0x4000, $0x38;
	[tilespmem:$0x19000] =	vst v63  }
0x5c: {  	s25 =	rddreg [dreg:$0x1e]  }
0x5d: {  	[tilespmem:s24], [sflag:$0x6] =	stream.indirect.gather [hbm4b:s3+s12], $0x80, s25, s12, $0xb8;
	[tilespmem:$0x19000] =	vst v63  }
0x5e: {  	_ =	swait.ge [sflag:s31], $0x4000  }
0x5f: {  	[sflag:s31] =	ssyncset.done $0x0  }
0x60: {  	s6 =	rddreg [dreg:$0x4];
	[sflag:s31] =	ssyncadd.s32 $0xFFFFC000  }
0x61: {  	[hbm4b:s6+s4] =	stream.linear.scatter [tilespmem:s9], [sflag:$0x8], $0x4000, $0x38;
	[tilespmem:$0x19000] =	vst v63  }
0x62: {  	_ =	swait.ge [sflag:s16], $0x4000  }
0x63: {  	s9 =	sld [smem:$0x7ED]  }
0x64: {  	[sflag:s16] =	ssyncset.done $0x0  }
0x65: {  	[sflag:s16] =	ssyncadd.s32 $0xFFFFC000  }
0x66: {  	[tilespmem:s8], [sflag:$0x1] =	stream.indirect.gather [hbm4b:s3+s12], $0x80, s9, s12, $0xb8;
	[tilespmem:$0x19000] =	vst v63  }
0x67: {  	_ =	swait.ge [sflag:s11], $0x4000  }
0x68: {  	[sflag:s11] =	ssyncset.done $0x0  }
0x69: {  	s17 =	rddreg [dreg:$0x5];
	[sflag:s11] =	ssyncadd.s32 $0xFFFFC000  }
0x6a: {  	[hbm4b:s17+s4] =	stream.linear.scatter [tilespmem:s7], [sflag:$0x9], $0x4000, $0x38;
	[tilespmem:$0x19000] =	vst v63  }
0x6b: {  	_ =	swait.ge [sflag:s10], $0x4000  }
0x6c: {  	[sflag:s10] =	ssyncset.done $0x0  }
0x6d: {  	s0 =	simm.s32 @p0 $0x4;
	[sflag:s10] =	ssyncadd.s32 $0xFFFFC000  }
0x6e: {  	_ =	swait.ge @p0 [sflag:s0], $0x4000  }
0x6f: {  	s1 =	simm.s32 @p0 $0x9;
	[sflag:s0] =	ssyncset.done @p0 $0x0  }
0x70: {  	s7 =	simm.s32 @p0 $0x0;
	[sflag:s0] =	ssyncadd.s32 @p0 $0xFFFFC000;
	s0 =	simm.s32 @p0 $0xD000  }
0x71: {  	[hbm4b:s30+s7] =	stream.linear.scatter @p0 [tilespmem:s0], [sflag:$0xA], $0x4000, $0x38;
	[tilespmem:$0x19000] =	vst v63  }
0x72: {  	s28 =	simm.s32 @!p0 $0x4;
	_ =	swait.ge @p0 [sflag:s1], $0x4000  }
0x73: {  	s17 =	simm.s32 @!p0 $0x5000;
	s0 =	simm.s32 @!p0 $0x380;
	[sflag:s1] =	ssyncset.done @p0 $0x0  }
0x74: {  	[smem:$0x7BC] =	sst s29;
	s29 =	simm.s32 @!p0 $0x80;
	[sflag:s1] =	ssyncadd.s32 @p0 $0xFFFFC000  }
0x75: {  	[tilespmem:s17], [sflag:$0x2] =	stream.indirect.gather @!p0 [hbm4b:s3+s29], $0x80, s0, s29, $0xb8;
	[tilespmem:$0x19000] =	vst v63  }
0x76: {  	_ =	swait.ge @!p0 [sflag:s28], $0x4000  }
0x77: {  	s31 =	simm.s32 @!p0 $0x9;
	[sflag:s28] =	ssyncset.done @!p0 $0x0  }
0x78: {  	s1 =	simm.s32 @!p0 $0x0;
	s0 =	simm.s32 @!p0 $0xD000;
	[sflag:s28] =	ssyncadd.s32 @!p0 $0xFFFFC000  }
0x79: {  	[hbm4b:s30+s1] =	stream.linear.scatter @!p0 [tilespmem:s0], [sflag:$0xA], $0x4000, $0x38;
	[tilespmem:$0x19000] =	vst v63  }
0x7a: {  	_ =	swait.ge @!p0 [sflag:s31], $0x4000  }
0x7b: {  	s20 =	simm.s32 @!p0 $0x9000;
	[sflag:s31] =	ssyncset.done @!p0 $0x0  }
0x7c: {  	s6 =	simm.s32 @!p0 $0x400;
	[smem:$0x7BD] =	sst s30;
	[sflag:s31] =	ssyncadd.s32 @!p0 $0xFFFFC000  }
0x7d: {  	[tilespmem:s20], [sflag:$0x3] =	stream.indirect.gather @!p0 [hbm4b:s3+s29], $0x80, s6, s29, $0xb8;
	[tilespmem:$0x19000] =	vst v63  }
0x7e: {  	_ =	swait.ge [sflag:s15], $0x4000  }
0x7f: {  	[sflag:s15] =	ssyncset.done $0x0  }
0x80: {  	s18 =	rddreg [dreg:$0x6];
	[sflag:s15] =	ssyncadd.s32 $0xFFFFC000  }
0x81: {  	[hbm4b:s18+s4] =	stream.linear.scatter [tilespmem:s13], [sflag:$0xB], $0x4000, $0x38;
	[tilespmem:$0x19000] =	vst v63  }
0x82: {  	_ =	swait.ge [sflag:s14], $0x4000  }
0x83: {  	[sflag:s14] =	ssyncset.done $0x0  }
0x84: {  	s6 =	simm.s32 @p0 $0x6;
	[sflag:s14] =	ssyncadd.s32 $0xFFFFC000  }
0x85: {  	_ =	swait.ge @p0 [sflag:s6], $0x4000  }
0x86: {  	[sflag:s6] =	ssyncset.done @p0 $0x0  }
0x87: {  	s8 =	simm.s32 @p0 $0xB;
	[sflag:s6] =	ssyncadd.s32 @p0 $0xFFFFC000;
	s6 =	simm.s32 @p0 $0x15000  }
0x88: {  	[hbm4b:s26+s7] =	stream.linear.scatter @p0 [tilespmem:s6], [sflag:$0xC], $0x4000, $0x38;
	[tilespmem:$0x19000] =	vst v63  }
0x89: {  	_ =	swait.ge @p0 [sflag:s8], $0x4000  }
0x8a: {  	[sflag:s8] =	ssyncset.done @p0 $0x0  }
0x8b: {  	s6 =	simm.s32 @p0 $0x1;
	[sflag:s8] =	ssyncadd.s32 @p0 $0xFFFFC000  }
0x8c: {  	_ =	swait.ge @p0 [sflag:s6], $0x4000  }
0x8d: {  	[sflag:s6] =	ssyncset.done @p0 $0x0  }
0x8e: {  	s13 =	simm.s32 @!p0 $0x6;
	[sflag:s6] =	ssyncadd.s32 @p0 $0xFFFFC000;
	s6 =	simm.s32 @!p0 $0x480  }
0x8f: {  	[tilespmem:s0], [sflag:$0x4] =	stream.indirect.gather @!p0 [hbm4b:s3+s29], $0x80, s6, s29, $0xb8;
	[tilespmem:$0x19000] =	vst v63  }
0x90: {  	_ =	swait.ge @!p0 [sflag:s13], $0x4000  }
0x91: {  	[sflag:s13] =	ssyncset.done @!p0 $0x0  }
0x92: {  	s24 =	simm.s32 @!p0 $0xB;
	s15 =	simm.s32 @!p0 $0x15000;
	[sflag:s13] =	ssyncadd.s32 @!p0 $0xFFFFC000  }
0x93: {  	[hbm4b:s26+s1] =	stream.linear.scatter @!p0 [tilespmem:s15], [sflag:$0xC], $0x4000, $0x38;
	[tilespmem:$0x19000] =	vst v63  }
0x94: {  	_ =	swait.ge @!p0 [sflag:s24], $0x4000  }
0x95: {  	s10 =	simm.s32 @!p0 $0x11000;
	[sflag:s24] =	ssyncset.done @!p0 $0x0  }
0x96: {  	s7 =	simm.s32 @!p0 $0x1;
	s6 =	simm.s32 @!p0 $0x500;
	[sflag:s24] =	ssyncadd.s32 @!p0 $0xFFFFC000  }
0x97: {  	[tilespmem:s10], [sflag:$0x5] =	stream.indirect.gather @!p0 [hbm4b:s3+s29], $0x80, s6, s29, $0xb8;
	[tilespmem:$0x19000] =	vst v63  }
0x98: {  	_ =	swait.ge @!p0 [sflag:s7], $0x4000  }
0x99: {  	[sflag:s7] =	ssyncset.done @!p0 $0x0;
	s19 =	sld [smem:$0x7EE]  }
0x9a: {  	s11 =	simm.s32 @!p0 $0x1000;
	s6 =	rddreg [dreg:$0x7];
	[sflag:s7] =	ssyncadd.s32 @!p0 $0xFFFFC000  }
0x9b: {  	[hbm4b:s6+s1] =	stream.linear.scatter @!p0 [tilespmem:s11], [sflag:$0x7], $0x4000, $0x38;
	[tilespmem:$0x19000] =	vst v63  }
0x9c: {  	p3 =	seq.s32 s19, $0x1  }
0x9d: {  	s8 =	simm.s32 @!p3 $0x0;
	s6 =	simm.s32 @!p3 $0x0  }
0x9e: {  	s9 =	simm.s32 @!p3 $0x1000;
	[smem:$0x7BE] =	sst s6;
	s6 =	simm.s32 @!p3 $0x1000  }
0x9f: {  	[hbm4b:s2+s8] =	stream.linear.scatter @!p3 [tilespmem:s9], [sflag:$0x7], $0x1000, $0x38;
	[tilespmem:$0x19000] =	vst v63  }
0xa0: {  	[smem:$0x7BF] =	sst s6  }
0xa1: {  	_ =	swait.ge [sflag:s21], $0x4000  }
0xa2: {  	[sflag:s21] =	ssyncset.done $0x0  }
0xa3: {  	s14 =	simm.s32 @!p0 $0x2;
	s6 =	simm.s32 @!p0 $0x580;
	[sflag:s21] =	ssyncadd.s32 $0xFFFFC000  }
0xa4: {  	[tilespmem:s15], [sflag:$0x6] =	stream.indirect.gather @!p0 [hbm4b:s3+s29], $0x80, s6, s29, $0xb8;
	[tilespmem:$0x19000] =	vst v63  }
0xa5: {  	_ =	swait.ge @!p0 [sflag:s14], $0x4000  }
0xa6: {  	[sflag:s14] =	ssyncset.done @!p0 $0x0;
	s22 =	sld [smem:$0x7EF]  }
0xa7: {  	s6 =	rddreg [dreg:$0x8];
	[sflag:s14] =	ssyncadd.s32 @!p0 $0xFFFFC000  }
0xa8: {  	[hbm4b:s6+s1] =	stream.linear.scatter @!p0 [tilespmem:s17], [sflag:$0x8], $0x4000, $0x38;
	[tilespmem:$0x19000] =	vst v63  }
0xa9: {  	p1 =	seq.s32 s22, $0x1  }
0xaa: {  	s8 =	simm.s32 @!p1 $0x0;
	s6 =	simm.s32 @!p1 $0x0  }
0xab: {  	s9 =	simm.s32 @!p1 $0x5000;
	[smem:$0x7C0] =	sst s6;
	s6 =	simm.s32 @!p1 $0x5000  }
0xac: {  	[hbm4b:s2+s8] =	stream.linear.scatter @!p1 [tilespmem:s9], [sflag:$0x8], $0x1000, $0x38;
	[tilespmem:$0x19000] =	vst v63  }
0xad: {  	s16 =	simm.s32 @!p0 $0x7;
	[smem:$0x7C1] =	sst s6  }
0xae: {  	_ =	swait.ge @!p0 [sflag:s16], $0x4000  }
0xaf: {  	[sflag:s16] =	ssyncset.done @!p0 $0x0  }
0xb0: {  	s6 =	simm.s32 @!p3 $0x7;
	[sflag:s16] =	ssyncadd.s32 @!p0 $0xFFFFC000  }
0xb1: {  	_ =	swait.ge @!p3 [sflag:s6], $0x1000  }
0xb2: {  	s18 =	simm.s32 @!p0 $0x3;
	[sflag:s6] =	ssyncset.done @!p3 $0x0  }
0xb3: {  	[smem:$0x7C2] =	sst s6;
	[sflag:s6] =	ssyncadd.s32 @!p3 $0xFFFFF000;
	s6 =	simm.s32 @!p0 $0x600  }
0xb4: {  	[tilespmem:s11], [sflag:$0x1] =	stream.indirect.gather @!p0 [hbm4b:s3+s29], $0x80, s6, s29, $0xb8;
	[tilespmem:$0x19000] =	vst v63  }
0xb5: {  	_ =	swait.ge @!p0 [sflag:s18], $0x4000  }
0xb6: {  	[sflag:s18] =	ssyncset.done @!p0 $0x0;
	s23 =	sld [smem:$0x7F0]  }
0xb7: {  	s6 =	rddreg [dreg:$0x9];
	[sflag:s18] =	ssyncadd.s32 @!p0 $0xFFFFC000  }
0xb8: {  	[hbm4b:s6+s1] =	stream.linear.scatter @!p0 [tilespmem:s20], [sflag:$0x9], $0x4000, $0x38;
	[tilespmem:$0x19000] =	vst v63  }
0xb9: {  	p3 =	seq.s32 s23, $0x1  }
0xba: {  	s8 =	simm.s32 @!p3 $0x0;
	s6 =	simm.s32 @!p3 $0x0  }
0xbb: {  	s9 =	simm.s32 @!p3 $0x9000;
	[smem:$0x7C3] =	sst s6;
	s6 =	simm.s32 @!p3 $0x9000  }
0xbc: {  	[hbm4b:s2+s8] =	stream.linear.scatter @!p3 [tilespmem:s9], [sflag:$0x9], $0x1000, $0x38;
	[tilespmem:$0x19000] =	vst v63  }
0xbd: {  	s19 =	simm.s32 @!p0 $0x8;
	[smem:$0x7C4] =	sst s6  }
0xbe: {  	_ =	swait.ge @!p0 [sflag:s19], $0x4000  }
0xbf: {  	[sflag:s19] =	ssyncset.done @!p0 $0x0  }
0xc0: {  	s6 =	simm.s32 @!p1 $0x8;
	[sflag:s19] =	ssyncadd.s32 @!p0 $0xFFFFC000  }
0xc1: {  	_ =	swait.ge @!p1 [sflag:s6], $0x1000  }
0xc2: {  	[sflag:s6] =	ssyncset.done @!p1 $0x0  }
0xc3: {  	[smem:$0x7C5] =	sst s6;
	[sflag:s6] =	ssyncadd.s32 @!p1 $0xFFFFF000;
	s6 =	simm.s32 @!p0 $0x680  }
0xc4: {  	[tilespmem:s17], [sflag:$0x2] =	stream.indirect.gather @!p0 [hbm4b:s3+s29], $0x80, s6, s29, $0xb8;
	[tilespmem:$0x19000] =	vst v63  }
0xc5: {  	_ =	swait.ge @!p0 [sflag:s28], $0x4000  }
0xc6: {  	[sflag:s28] =	ssyncset.done @!p0 $0x0;
	s25 =	sld [smem:$0x7F1]  }
0xc7: {  	s6 =	rddreg [dreg:$0xa];
	[sflag:s28] =	ssyncadd.s32 @!p0 $0xFFFFC000  }
0xc8: {  	[hbm4b:s6+s1] =	stream.linear.scatter @!p0 [tilespmem:s0], [sflag:$0xA], $0x4000, $0x38;
	[tilespmem:$0x19000] =	vst v63  }
0xc9: {  	p1 =	seq.s32 s25, $0x1  }
0xca: {  	s8 =	simm.s32 @!p1 $0x0;
	s6 =	simm.s32 @!p1 $0x0  }
0xcb: {  	s9 =	simm.s32 @!p1 $0xD000;
	[smem:$0x7C6] =	sst s6;
	s6 =	simm.s32 @!p1 $0xD000  }
0xcc: {  	[hbm4b:s2+s8] =	stream.linear.scatter @!p1 [tilespmem:s9], [sflag:$0xA], $0x1000, $0x38;
	[tilespmem:$0x19000] =	vst v63  }
0xcd: {  	[smem:$0x7C7] =	sst s6  }
0xce: {  	_ =	swait.ge @!p0 [sflag:s31], $0x4000  }
0xcf: {  	[sflag:s31] =	ssyncset.done @!p0 $0x0  }
0xd0: {  	s6 =	simm.s32 @!p3 $0x9;
	[sflag:s31] =	ssyncadd.s32 @!p0 $0xFFFFC000  }
0xd1: {  	_ =	swait.ge @!p3 [sflag:s6], $0x1000  }
0xd2: {  	s22 =	simm.s32 @!p0 $0x5;
	[sflag:s6] =	ssyncset.done @!p3 $0x0  }
0xd3: {  	[smem:$0x7C8] =	sst s6;
	[sflag:s6] =	ssyncadd.s32 @!p3 $0xFFFFF000;
	s6 =	simm.s32 @!p0 $0x700  }
0xd4: {  	[tilespmem:s20], [sflag:$0x3] =	stream.indirect.gather @!p0 [hbm4b:s3+s29], $0x80, s6, s29, $0xb8;
	[tilespmem:$0x19000] =	vst v63  }
0xd5: {  	_ =	swait.ge @!p0 [sflag:s22], $0x4000  }
0xd6: {  	[sflag:s22] =	ssyncset.done @!p0 $0x0;
	s30 =	sld [smem:$0x7F2]  }
0xd7: {  	s6 =	rddreg [dreg:$0xb];
	[sflag:s22] =	ssyncadd.s32 @!p0 $0xFFFFC000  }
0xd8: {  	[hbm4b:s6+s1] =	stream.linear.scatter @!p0 [tilespmem:s10], [sflag:$0xB], $0x4000, $0x38;
	[tilespmem:$0x19000] =	vst v63  }
0xd9: {  	p3 =	seq.s32 s30, $0x1  }
0xda: {  	s8 =	simm.s32 @!p3 $0x0;
	s6 =	simm.s32 @!p3 $0x0  }
0xdb: {  	s9 =	simm.s32 @!p3 $0x11000;
	[smem:$0x7C9] =	sst s6;
	s6 =	simm.s32 @!p3 $0x11000  }
0xdc: {  	[hbm4b:s2+s8] =	stream.linear.scatter @!p3 [tilespmem:s9], [sflag:$0xB], $0x1000, $0x38;
	[tilespmem:$0x19000] =	vst v63  }
0xdd: {  	s23 =	simm.s32 @!p0 $0xA;
	[smem:$0x7CA] =	sst s6  }
0xde: {  	_ =	swait.ge @!p0 [sflag:s23], $0x4000  }
0xdf: {  	[sflag:s23] =	ssyncset.done @!p0 $0x0  }
0xe0: {  	s6 =	simm.s32 @!p1 $0xA;
	[sflag:s23] =	ssyncadd.s32 @!p0 $0xFFFFC000  }
0xe1: {  	_ =	swait.ge @!p1 [sflag:s6], $0x1000  }
0xe2: {  	[sflag:s6] =	ssyncset.done @!p1 $0x0  }
0xe3: {  	[smem:$0x7CB] =	sst s6;
	[sflag:s6] =	ssyncadd.s32 @!p1 $0xFFFFF000;
	s6 =	simm.s32 @!p0 $0x780  }
0xe4: {  	[tilespmem:s0], [sflag:$0x4] =	stream.indirect.gather @!p0 [hbm4b:s3+s29], $0x80, s6, s29, $0xb8;
	[tilespmem:$0x19000] =	vst v63  }
0xe5: {  	_ =	swait.ge @!p0 [sflag:s13], $0x4000  }
0xe6: {  	[sflag:s13] =	ssyncset.done @!p0 $0x0;
	s8 =	sld [smem:$0x7F3]  }
0xe7: {  	s6 =	rddreg [dreg:$0xc];
	[sflag:s13] =	ssyncadd.s32 @!p0 $0xFFFFC000  }
0xe8: {  	[hbm4b:s6+s1] =	stream.linear.scatter @!p0 [tilespmem:s15], [sflag:$0xC], $0x4000, $0x38;
	[tilespmem:$0x19000] =	vst v63  }
0xe9: {  	p1 =	seq.s32 s8, $0x1  }
0xea: {  	s8 =	simm.s32 @!p1 $0x0;
	s6 =	simm.s32 @!p1 $0x0  }
0xeb: {  	s9 =	simm.s32 @!p1 $0x15000;
	[smem:$0x7CC] =	sst s6;
	s6 =	simm.s32 @!p1 $0x15000  }
0xec: {  	[hbm4b:s2+s8] =	stream.linear.scatter @!p1 [tilespmem:s9], [sflag:$0xC], $0x1000, $0x38;
	[tilespmem:$0x19000] =	vst v63  }
0xed: {  	[smem:$0x7CD] =	sst s6  }
0xee: {  	_ =	swait.ge @!p0 [sflag:s24], $0x4000  }
0xef: {  	[sflag:s24] =	ssyncset.done @!p0 $0x0  }
0xf0: {  	s6 =	simm.s32 @!p3 $0xB;
	[sflag:s24] =	ssyncadd.s32 @!p0 $0xFFFFC000  }
0xf1: {  	_ =	swait.ge @!p3 [sflag:s6], $0x1000  }
0xf2: {  	[sflag:s6] =	ssyncset.done @!p3 $0x0  }
0xf3: {  	[smem:$0x7CE] =	sst s6;
	[sflag:s6] =	ssyncadd.s32 @!p3 $0xFFFFF000;
	s6 =	simm.s32 @!p0 $0x800  }
0xf4: {  	[tilespmem:s10], [sflag:$0x5] =	stream.indirect.gather @!p0 [hbm4b:s3+s29], $0x80, s6, s29, $0xb8;
	[tilespmem:$0x19000] =	vst v63  }
0xf5: {  	_ =	swait.ge @!p0 [sflag:s7], $0x4000  }
0xf6: {  	[sflag:s7] =	ssyncset.done @!p0 $0x0;
	s9 =	sld [smem:$0x7F4]  }
0xf7: {  	s6 =	rddreg [dreg:$0xd];
	[sflag:s7] =	ssyncadd.s32 @!p0 $0xFFFFC000  }
0xf8: {  	[hbm4b:s6+s1] =	stream.linear.scatter @!p0 [tilespmem:s11], [sflag:$0x7], $0x4000, $0x38;
	[tilespmem:$0x19000] =	vst v63  }
0xf9: {  	p3 =	seq.s32 s9, $0x1  }
0xfa: {  	s8 =	simm.s32 @!p3 $0x0;
	s6 =	simm.s32 @!p3 $0x0  }
0xfb: {  	s9 =	simm.s32 @!p3 $0x1000;
	[smem:$0x7CF] =	sst s6;
	s6 =	simm.s32 @!p3 $0x1000  }
0xfc: {  	[hbm4b:s2+s8] =	stream.linear.scatter @!p3 [tilespmem:s9], [sflag:$0x7], $0x1000, $0x38;
	[tilespmem:$0x19000] =	vst v63  }
0xfd: {  	s9 =	simm.s32 @!p0 $0xC;
	[smem:$0x7D0] =	sst s6  }
0xfe: {  	_ =	swait.ge @!p0 [sflag:s9], $0x4000  }
0xff: {  	[sflag:s9] =	ssyncset.done @!p0 $0x0  }
0x100: {  	s6 =	simm.s32 @!p1 $0xC;
	[sflag:s9] =	ssyncadd.s32 @!p0 $0xFFFFC000  }
0x101: {  	_ =	swait.ge @!p1 [sflag:s6], $0x1000  }
0x102: {  	[sflag:s6] =	ssyncset.done @!p1 $0x0  }
0x103: {  	[smem:$0x7D1] =	sst s6;
	[sflag:s6] =	ssyncadd.s32 @!p1 $0xFFFFF000;
	s6 =	simm.s32 @!p0 $0x880  }
0x104: {  	[tilespmem:s15], [sflag:$0x6] =	stream.indirect.gather @!p0 [hbm4b:s3+s29], $0x80, s6, s29, $0xb8;
	[tilespmem:$0x19000] =	vst v63  }
0x105: {  	_ =	swait.ge @!p0 [sflag:s14], $0x4000  }
0x106: {  	[sflag:s14] =	ssyncset.done @!p0 $0x0;
	s25 =	sld [smem:$0x7F5]  }
0x107: {  	s6 =	rddreg [dreg:$0xe];
	[sflag:s14] =	ssyncadd.s32 @!p0 $0xFFFFC000  }
0x108: {  	[hbm4b:s6+s1] =	stream.linear.scatter @!p0 [tilespmem:s17], [sflag:$0x8], $0x4000, $0x38;
	[tilespmem:$0x19000] =	vst v63  }
0x109: {  	p1 =	seq.s32 s25, $0x1  }
0x10a: {  	s8 =	simm.s32 @!p1 $0x0;
	s6 =	simm.s32 @!p1 $0x0  }
0x10b: {  	s25 =	simm.s32 @!p1 $0x5000;
	[smem:$0x7D2] =	sst s6;
	s6 =	simm.s32 @!p1 $0x5000  }
0x10c: {  	[hbm4b:s2+s8] =	stream.linear.scatter @!p1 [tilespmem:s25], [sflag:$0x8], $0x1000, $0x38;
	[tilespmem:$0x19000] =	vst v63  }
0x10d: {  	[smem:$0x7D3] =	sst s6  }
0x10e: {  	_ =	swait.ge @!p0 [sflag:s16], $0x4000  }
0x10f: {  	[sflag:s16] =	ssyncset.done @!p0 $0x0  }
0x110: {  	s6 =	simm.s32 @!p3 $0x7;
	[sflag:s16] =	ssyncadd.s32 @!p0 $0xFFFFC000  }
0x111: {  	_ =	swait.ge @!p3 [sflag:s6], $0x1000  }
0x112: {  	[sflag:s6] =	ssyncset.done @!p3 $0x0  }
0x113: {  	[smem:$0x7D4] =	sst s6;
	[sflag:s6] =	ssyncadd.s32 @!p3 $0xFFFFF000;
	s6 =	simm.s32 @!p0 $0x900  }
0x114: {  	[tilespmem:s11], [sflag:$0x1] =	stream.indirect.gather @!p0 [hbm4b:s3+s29], $0x80, s6, s29, $0xb8;
	[tilespmem:$0x19000] =	vst v63  }
0x115: {  	_ =	swait.ge @!p0 [sflag:s18], $0x4000  }
0x116: {  	[sflag:s18] =	ssyncset.done @!p0 $0x0;
	s30 =	sld [smem:$0x7F6]  }
0x117: {  	s6 =	rddreg [dreg:$0xf];
	[sflag:s18] =	ssyncadd.s32 @!p0 $0xFFFFC000  }
0x118: {  	[hbm4b:s6+s1] =	stream.linear.scatter @!p0 [tilespmem:s20], [sflag:$0x9], $0x4000, $0x38;
	[tilespmem:$0x19000] =	vst v63  }
0x119: {  	p3 =	seq.s32 s30, $0x1  }
0x11a: {  	s8 =	simm.s32 @!p3 $0x0;
	s6 =	simm.s32 @!p3 $0x0  }
0x11b: {  	s25 =	simm.s32 @!p3 $0x9000;
	[smem:$0x7D5] =	sst s6;
	s6 =	simm.s32 @!p3 $0x9000  }
0x11c: {  	[hbm4b:s2+s8] =	stream.linear.scatter @!p3 [tilespmem:s25], [sflag:$0x9], $0x1000, $0x38;
	[tilespmem:$0x19000] =	vst v63  }
0x11d: {  	[smem:$0x7D6] =	sst s6  }
0x11e: {  	_ =	swait.ge @!p0 [sflag:s19], $0x4000  }
0x11f: {  	[sflag:s19] =	ssyncset.done @!p0 $0x0  }
0x120: {  	s6 =	simm.s32 @!p1 $0x8;
	[sflag:s19] =	ssyncadd.s32 @!p0 $0xFFFFC000  }
0x121: {  	_ =	swait.ge @!p1 [sflag:s6], $0x1000  }
0x122: {  	[sflag:s6] =	ssyncset.done @!p1 $0x0  }
0x123: {  	[smem:$0x7D7] =	sst s6;
	[sflag:s6] =	ssyncadd.s32 @!p1 $0xFFFFF000;
	s6 =	simm.s32 @!p0 $0x980  }
0x124: {  	[tilespmem:s17], [sflag:$0x2] =	stream.indirect.gather @!p0 [hbm4b:s3+s29], $0x80, s6, s29, $0xb8;
	[tilespmem:$0x19000] =	vst v63  }
0x125: {  	_ =	swait.ge @!p0 [sflag:s28], $0x4000  }
0x126: {  	[sflag:s28] =	ssyncset.done @!p0 $0x0;
	s8 =	sld [smem:$0x7F7]  }
0x127: {  	s6 =	rddreg [dreg:$0x10];
	[sflag:s28] =	ssyncadd.s32 @!p0 $0xFFFFC000  }
0x128: {  	[hbm4b:s6+s1] =	stream.linear.scatter @!p0 [tilespmem:s0], [sflag:$0xA], $0x4000, $0x38;
	[tilespmem:$0x19000] =	vst v63  }
0x129: {  	p1 =	seq.s32 s8, $0x1  }
0x12a: {  	s8 =	simm.s32 @!p1 $0x0;
	s6 =	simm.s32 @!p1 $0x0  }
0x12b: {  	s25 =	simm.s32 @!p1 $0xD000;
	[smem:$0x7D8] =	sst s6;
	s6 =	simm.s32 @!p1 $0xD000  }
0x12c: {  	[hbm4b:s2+s8] =	stream.linear.scatter @!p1 [tilespmem:s25], [sflag:$0xA], $0x1000, $0x38;
	[tilespmem:$0x19000] =	vst v63  }
0x12d: {  	[smem:$0x7D9] =	sst s6  }
0x12e: {  	_ =	swait.ge @!p0 [sflag:s31], $0x4000  }
0x12f: {  	[sflag:s31] =	ssyncset.done @!p0 $0x0  }
0x130: {  	s6 =	simm.s32 @!p3 $0x9;
	[sflag:s31] =	ssyncadd.s32 @!p0 $0xFFFFC000  }
0x131: {  	_ =	swait.ge @!p3 [sflag:s6], $0x1000  }
0x132: {  	[sflag:s6] =	ssyncset.done @!p3 $0x0  }
0x133: {  	[smem:$0x7DA] =	sst s6;
	[sflag:s6] =	ssyncadd.s32 @!p3 $0xFFFFF000;
	s6 =	simm.s32 @!p0 $0xA00  }
0x134: {  	[tilespmem:s20], [sflag:$0x3] =	stream.indirect.gather @!p0 [hbm4b:s3+s29], $0x80, s6, s29, $0xb8;
	[tilespmem:$0x19000] =	vst v63  }
0x135: {  	_ =	swait.ge @!p0 [sflag:s22], $0x4000  }
0x136: {  	[sflag:s22] =	ssyncset.done @!p0 $0x0;
	s25 =	sld [smem:$0x7F8]  }
0x137: {  	s6 =	rddreg [dreg:$0x11];
	[sflag:s22] =	ssyncadd.s32 @!p0 $0xFFFFC000  }
0x138: {  	[hbm4b:s6+s1] =	stream.linear.scatter @!p0 [tilespmem:s10], [sflag:$0xB], $0x4000, $0x38;
	[tilespmem:$0x19000] =	vst v63  }
0x139: {  	p3 =	seq.s32 s25, $0x1  }
0x13a: {  	s8 =	simm.s32 @!p3 $0x0;
	s6 =	simm.s32 @!p3 $0x0  }
0x13b: {  	s25 =	simm.s32 @!p3 $0x11000;
	[smem:$0x7DB] =	sst s6;
	s6 =	simm.s32 @!p3 $0x11000  }
0x13c: {  	[hbm4b:s2+s8] =	stream.linear.scatter @!p3 [tilespmem:s25], [sflag:$0xB], $0x1000, $0x38;
	[tilespmem:$0x19000] =	vst v63  }
0x13d: {  	[smem:$0x7DC] =	sst s6  }
0x13e: {  	_ =	swait.ge @!p0 [sflag:s23], $0x4000  }
0x13f: {  	[sflag:s23] =	ssyncset.done @!p0 $0x0  }
0x140: {  	s6 =	simm.s32 @!p1 $0xA;
	[sflag:s23] =	ssyncadd.s32 @!p0 $0xFFFFC000  }
0x141: {  	_ =	swait.ge @!p1 [sflag:s6], $0x1000  }
0x142: {  	[sflag:s6] =	ssyncset.done @!p1 $0x0  }
0x143: {  	[smem:$0x7DD] =	sst s6;
	[sflag:s6] =	ssyncadd.s32 @!p1 $0xFFFFF000;
	s6 =	simm.s32 @!p0 $0xA80  }
0x144: {  	[tilespmem:s0], [sflag:$0x4] =	stream.indirect.gather @!p0 [hbm4b:s3+s29], $0x80, s6, s29, $0xb8;
	[tilespmem:$0x19000] =	vst v63  }
0x145: {  	_ =	swait.ge @!p0 [sflag:s13], $0x4000  }
0x146: {  	[sflag:s13] =	ssyncset.done @!p0 $0x0;
	s30 =	sld [smem:$0x7F9]  }
0x147: {  	s6 =	rddreg [dreg:$0x12];
	[sflag:s13] =	ssyncadd.s32 @!p0 $0xFFFFC000  }
0x148: {  	[hbm4b:s6+s1] =	stream.linear.scatter @!p0 [tilespmem:s15], [sflag:$0xC], $0x4000, $0x38;
	[tilespmem:$0x19000] =	vst v63  }
0x149: {  	p1 =	seq.s32 s30, $0x1  }
0x14a: {  	s8 =	simm.s32 @!p1 $0x0;
	s6 =	simm.s32 @!p1 $0x0  }
0x14b: {  	s25 =	simm.s32 @!p1 $0x15000;
	[smem:$0x7DE] =	sst s6;
	s6 =	simm.s32 @!p1 $0x15000  }
0x14c: {  	[hbm4b:s2+s8] =	stream.linear.scatter @!p1 [tilespmem:s25], [sflag:$0xC], $0x1000, $0x38;
	[tilespmem:$0x19000] =	vst v63  }
0x14d: {  	[smem:$0x7DF] =	sst s6  }
0x14e: {  	_ =	swait.ge @!p0 [sflag:s24], $0x4000  }
0x14f: {  	[sflag:s24] =	ssyncset.done @!p0 $0x0  }
0x150: {  	s6 =	simm.s32 @!p3 $0xB;
	[sflag:s24] =	ssyncadd.s32 @!p0 $0xFFFFC000  }
0x151: {  	_ =	swait.ge @!p3 [sflag:s6], $0x1000  }
0x152: {  	[sflag:s6] =	ssyncset.done @!p3 $0x0  }
0x153: {  	[smem:$0x7E0] =	sst s6;
	[sflag:s6] =	ssyncadd.s32 @!p3 $0xFFFFF000;
	s6 =	simm.s32 @!p0 $0xB00  }
0x154: {  	[tilespmem:s10], [sflag:$0x5] =	stream.indirect.gather @!p0 [hbm4b:s3+s29], $0x80, s6, s29, $0xb8;
	[tilespmem:$0x19000] =	vst v63  }
0x155: {  	_ =	swait.ge @!p0 [sflag:s7], $0x4000  }
0x156: {  	[sflag:s7] =	ssyncset.done @!p0 $0x0;
	s8 =	sld [smem:$0x7FA]  }
0x157: {  	s6 =	rddreg [dreg:$0x13];
	[sflag:s7] =	ssyncadd.s32 @!p0 $0xFFFFC000  }
0x158: {  	[hbm4b:s6+s1] =	stream.linear.scatter @!p0 [tilespmem:s11], [sflag:$0x7], $0x4000, $0x38;
	[tilespmem:$0x19000] =	vst v63  }
0x159: {  	p3 =	seq.s32 s8, $0x1  }
0x15a: {  	s8 =	simm.s32 @!p3 $0x0;
	s6 =	simm.s32 @!p3 $0x0  }
0x15b: {  	s25 =	simm.s32 @!p3 $0x1000;
	[smem:$0x7E1] =	sst s6;
	s6 =	simm.s32 @!p3 $0x1000  }
0x15c: {  	[hbm4b:s2+s8] =	stream.linear.scatter @!p3 [tilespmem:s25], [sflag:$0x7], $0x1000, $0x38;
	[tilespmem:$0x19000] =	vst v63  }
0x15d: {  	[smem:$0x7E2] =	sst s6  }
0x15e: {  	_ =	swait.ge @!p0 [sflag:s9], $0x4000  }
0x15f: {  	[sflag:s9] =	ssyncset.done @!p0 $0x0  }
0x160: {  	s6 =	simm.s32 @!p1 $0xC;
	[sflag:s9] =	ssyncadd.s32 @!p0 $0xFFFFC000  }
0x161: {  	_ =	swait.ge @!p1 [sflag:s6], $0x1000  }
0x162: {  	[sflag:s6] =	ssyncset.done @!p1 $0x0  }
0x163: {  	[smem:$0x7E3] =	sst s6;
	[sflag:s6] =	ssyncadd.s32 @!p1 $0xFFFFF000;
	s6 =	simm.s32 @!p0 $0xB80  }
0x164: {  	[tilespmem:s15], [sflag:$0x6] =	stream.indirect.gather @!p0 [hbm4b:s3+s29], $0x80, s6, s29, $0xb8;
	[tilespmem:$0x19000] =	vst v63  }
0x165: {  	_ =	swait.ge @!p0 [sflag:s14], $0x4000  }
0x166: {  	[sflag:s14] =	ssyncset.done @!p0 $0x0;
	s25 =	sld [smem:$0x7FB]  }
0x167: {  	s6 =	rddreg [dreg:$0x14];
	[sflag:s14] =	ssyncadd.s32 @!p0 $0xFFFFC000  }
0x168: {  	[hbm4b:s6+s1] =	stream.linear.scatter @!p0 [tilespmem:s17], [sflag:$0x8], $0x4000, $0x38;
	[tilespmem:$0x19000] =	vst v63  }
0x169: {  	p1 =	seq.s32 s25, $0x1  }
0x16a: {  	s8 =	simm.s32 @!p1 $0x0;
	s6 =	simm.s32 @!p1 $0x0  }
0x16b: {  	s17 =	simm.s32 @!p1 $0x5000;
	[smem:$0x7E4] =	sst s6;
	s6 =	simm.s32 @!p1 $0x5000  }
0x16c: {  	[hbm4b:s2+s8] =	stream.linear.scatter @!p1 [tilespmem:s17], [sflag:$0x8], $0x1000, $0x38;
	[tilespmem:$0x19000] =	vst v63  }
0x16d: {  	[smem:$0x7E5] =	sst s6  }
0x16e: {  	_ =	swait.ge @!p0 [sflag:s16], $0x4000  }
0x16f: {  	[sflag:s16] =	ssyncset.done @!p0 $0x0  }
0x170: {  	s6 =	simm.s32 @!p3 $0x7;
	[sflag:s16] =	ssyncadd.s32 @!p0 $0xFFFFC000  }
0x171: {  	_ =	swait.ge @!p3 [sflag:s6], $0x1000  }
0x172: {  	[sflag:s6] =	ssyncset.done @!p3 $0x0  }
0x173: {  	[smem:$0x7E6] =	sst s6;
	[sflag:s6] =	ssyncadd.s32 @!p3 $0xFFFFF000;
	s6 =	simm.s32 @!p0 $0xC00  }
0x174: {  	[tilespmem:s11], [sflag:$0x1] =	stream.indirect.gather @!p0 [hbm4b:s3+s29], $0x80, s6, s29, $0xb8;
	[tilespmem:$0x19000] =	vst v63  }
0x175: {  	_ =	swait.ge @!p0 [sflag:s18], $0x4000  }
0x176: {  	[sflag:s18] =	ssyncset.done @!p0 $0x0;
	s30 =	sld [smem:$0x7FC]  }
0x177: {  	s6 =	rddreg [dreg:$0x15];
	[sflag:s18] =	ssyncadd.s32 @!p0 $0xFFFFC000  }
0x178: {  	[hbm4b:s6+s1] =	stream.linear.scatter @!p0 [tilespmem:s20], [sflag:$0x9], $0x4000, $0x38;
	[tilespmem:$0x19000] =	vst v63  }
0x179: {  	p3 =	seq.s32 s30, $0x1  }
0x17a: {  	s8 =	simm.s32 @!p3 $0x0;
	s6 =	simm.s32 @!p3 $0x0  }
0x17b: {  	s17 =	simm.s32 @!p3 $0x9000;
	[smem:$0x7E7] =	sst s6;
	s6 =	simm.s32 @!p3 $0x9000  }
0x17c: {  	[hbm4b:s2+s8] =	stream.linear.scatter @!p3 [tilespmem:s17], [sflag:$0x9], $0x1000, $0x38;
	[tilespmem:$0x19000] =	vst v63  }
0x17d: {  	[smem:$0x7E8] =	sst s6  }
0x17e: {  	_ =	swait.ge @!p0 [sflag:s28], $0x4000  }
0x17f: {  	[sflag:s28] =	ssyncset.done @!p0 $0x0  }
0x180: {  	s6 =	rddreg [dreg:$0x16];
	[sflag:s28] =	ssyncadd.s32 @!p0 $0xFFFFC000  }
0x181: {  	[hbm4b:s6+s1] =	stream.linear.scatter @!p0 [tilespmem:s0], [sflag:$0xA], $0x4000, $0x38;
	[tilespmem:$0x19000] =	vst v63  }
0x182: {  	s8 =	simm.s32 @!p5 $0xD000;
	s6 =	simm.s32 @!p5 $0x0  }
0x183: {  	[hbm4b:s2+s6] =	stream.linear.scatter @!p5 [tilespmem:s8], [sflag:$0xA], $0x1000, $0x38;
	[tilespmem:$0x19000] =	vst v63  }
0x184: {  	_ =	swait.ge @!p0 [sflag:s22], $0x4000  }
0x185: {  	[sflag:s22] =	ssyncset.done @!p0 $0x0  }
0x186: {  	s6 =	rddreg [dreg:$0x17];
	[sflag:s22] =	ssyncadd.s32 @!p0 $0xFFFFC000  }
0x187: {  	[hbm4b:s6+s1] =	stream.linear.scatter @!p0 [tilespmem:s10], [sflag:$0xB], $0x4000, $0x38;
	[tilespmem:$0x19000] =	vst v63  }
0x188: {  	s8 =	simm.s32 @!p4 $0x11000;
	s6 =	simm.s32 @!p4 $0x0  }
0x189: {  	[hbm4b:s2+s6] =	stream.linear.scatter @!p4 [tilespmem:s8], [sflag:$0xB], $0x1000, $0x38;
	[tilespmem:$0x19000] =	vst v63  }
0x18a: {  	_ =	swait.ge @!p0 [sflag:s13], $0x4000  }
0x18b: {  	[sflag:s13] =	ssyncset.done @!p0 $0x0  }
0x18c: {  	s6 =	rddreg [dreg:$0x18];
	[sflag:s13] =	ssyncadd.s32 @!p0 $0xFFFFC000  }
0x18d: {  	[hbm4b:s6+s1] =	stream.linear.scatter @!p0 [tilespmem:s15], [sflag:$0xC], $0x4000, $0x38;
	[tilespmem:$0x19000] =	vst v63  }
0x18e: {  	s8 =	simm.s32 @!p2 $0x15000;
	s6 =	simm.s32 @!p2 $0x0  }
0x18f: {  	[hbm4b:s2+s6] =	stream.linear.scatter @!p2 [tilespmem:s8], [sflag:$0xC], $0x1000, $0x38;
	[tilespmem:$0x19000] =	vst v63  }
0x190: {  	_ =	swait.ge @!p0 [sflag:s7], $0x4000  }
0x191: {  	[sflag:s7] =	ssyncset.done @!p0 $0x0  }
0x192: {  	s6 =	rddreg [dreg:$0x19];
	[sflag:s7] =	ssyncadd.s32 @!p0 $0xFFFFC000  }
0x193: {  	[hbm4b:s6+s1] =	stream.linear.scatter @!p0 [tilespmem:s11], [sflag:$0x7], $0x4000, $0x38;
	[tilespmem:$0x19000] =	vst v63  }
0x194: {  	s8 =	simm.s32 @!p6 $0x1000;
	s6 =	simm.s32 @!p6 $0x0  }
0x195: {  	[hbm4b:s2+s6] =	stream.linear.scatter @!p6 [tilespmem:s8], [sflag:$0x7], $0x1000, $0x38;
	[tilespmem:$0x19000] =	vst v63  }
0x196: {  	_ =	swait.ge @!p0 [sflag:s19], $0x4000  }
0x197: {  	[sflag:s19] =	ssyncset.done @!p0 $0x0  }
0x198: {  	s6 =	simm.s32 @!p1 $0x8;
	[sflag:s19] =	ssyncadd.s32 @!p0 $0xFFFFC000  }
0x199: {  	_ =	swait.ge @!p1 [sflag:s6], $0x1000  }
0x19a: {  	[sflag:s6] =	ssyncset.done @!p1 $0x0  }
0x19b: {  	[smem:$0x7E9] =	sst s6;
	[sflag:s6] =	ssyncadd.s32 @!p1 $0xFFFFF000  }
0x19c: {  	_ =	swait.ge @!p0 [sflag:s31], $0x4000  }
0x19d: {  	[sflag:s31] =	ssyncset.done @!p0 $0x0  }
0x19e: {  	s6 =	simm.s32 @!p3 $0x9;
	[sflag:s31] =	ssyncadd.s32 @!p0 $0xFFFFC000  }
0x19f: {  	_ =	swait.ge @!p3 [sflag:s6], $0x1000  }
0x1a0: {  	[sflag:s6] =	ssyncset.done @!p3 $0x0  }
0x1a1: {  	[smem:$0x7EA] =	sst s6;
	[sflag:s6] =	ssyncadd.s32 @!p3 $0xFFFFF000  }
0x1a2: {  	_ =	swait.ge @!p0 [sflag:s23], $0x4000  }
0x1a3: {  	[sflag:s23] =	ssyncset.done @!p0 $0x0  }
0x1a4: {  	s6 =	simm.s32 @!p5 $0xA;
	[sflag:s23] =	ssyncadd.s32 @!p0 $0xFFFFC000  }
0x1a5: {  	_ =	swait.ge @!p5 [sflag:s6], $0x1000  }
0x1a6: {  	[sflag:s6] =	ssyncset.done @!p5 $0x0  }
0x1a7: {  	[sflag:s6] =	ssyncadd.s32 @!p5 $0xFFFFF000  }
0x1a8: {  	_ =	swait.ge @!p0 [sflag:s24], $0x4000  }
0x1a9: {  	[sflag:s24] =	ssyncset.done @!p0 $0x0  }
0x1aa: {  	s6 =	simm.s32 @!p4 $0xB;
	[smem:$0x7EB] =	sst s26;
	[sflag:s24] =	ssyncadd.s32 @!p0 $0xFFFFC000  }
0x1ab: {  	_ =	swait.ge @!p4 [sflag:s6], $0x1000  }
0x1ac: {  	[sflag:s6] =	ssyncset.done @!p4 $0x0  }
0x1ad: {  	[sflag:s6] =	ssyncadd.s32 @!p4 $0xFFFFF000  }
0x1ae: {  	_ =	swait.ge @!p0 [sflag:s9], $0x4000  }
0x1af: {  	[sflag:s9] =	ssyncset.done @!p0 $0x0  }
0x1b0: {  	s6 =	simm.s32 @!p2 $0xC;
	[sflag:s9] =	ssyncadd.s32 @!p0 $0xFFFFC000  }
0x1b1: {  	_ =	swait.ge @!p2 [sflag:s6], $0x1000  }
0x1b2: {  	[sflag:s6] =	ssyncset.done @!p2 $0x0  }
0x1b3: {  	s17 =	sadd.s32 $0xFFFFFFFF, s5;
	[sflag:s6] =	ssyncadd.s32 @!p2 $0xFFFFF000  }
0x1b4: {  	p3 =	sne.s32 s17, $0x0;
	_ =	swait.ge @!p0 [sflag:s16], $0x4000  }
.Ltmp1:
0x1b5: {  	p1 =	por $0x1, $0x1;
	[sflag:s16] =	ssyncset.done @!p0 $0x0;
	(pc) =	sbr.rel @!p3 .LBB2_7-.Ltmp1, $4  }
0x1b6: {  	s5 =	simm.s32 @!p6 $0x7;
	s6 =	simm.s32 @!p1 $0x0;
	[sflag:s16] =	ssyncadd.s32 @!p0 $0xFFFFC000  }
0x1b7: {  	s6 =	simm.s32 @p1 $0x1;
	_ =	swait.ge @!p6 [sflag:s5], $0x1000  }
0x1b8: {  	[smem:$0x7EC] =	sst s6  }
0x1b9: {  	[sflag:s5] =	ssyncset.done @!p6 $0x0;
	s20 =	rddreg [dreg:$0x3]  }
0x1ba: {  	s26 =	simm.s32 $0x0  }
.LBB2_4:
0x1bb: {  	s17 =	sadd.s32 $0xFFFFFFFF, s17  }
0x1bc: {  	[sflag:s5] =	ssyncadd.s32 @!p6 $0xFFFFF000;
	p1 =	sne.s32 s17, $0x0  }
0x1bd: {  	[tilespmem:s4], [sflag:$0xD] =	stream.linear.gather [hbm4b:s20+s4], $0x1000, $0x38;
	[tilespmem:$0x19000] =	vst v63  }
0x1be: {  	s6 =	simm.s32 @!p1 $0x0  }
0x1bf: {  	s6 =	simm.s32 @p1 $0x1  }
0x1c0: {  	s30 =	simm.s32 $0xD;
	[smem:$0x7BB] =	sst s6  }
0x1c1: {  	_ =	swait.ge [sflag:s30], $0x1000  }
0x1c2: {  	[sflag:s30] =	ssyncset.done $0x0  }
0x1c3: {  	s10 =	simm.s32 $0x80;
	s12 =	simm.s32 $0x1000;
	[sflag:s30] =	ssyncadd.s32 $0xFFFFF000  }
0x1c4: {  	[tilespmem:s12], [sflag:$0x1] =	stream.indirect.gather [hbm4b:s3+s10], $0x80, s4, s10, $0xb8;
	[tilespmem:$0x19000] =	vst v63  }
0x1c5: {  	s6 =	rddreg [dreg:$0x1c];
	s30 =	simm.s32 $0x5000  }
0x1c6: {  	[tilespmem:s30], [sflag:$0x2] =	stream.indirect.gather [hbm4b:s3+s10], $0x80, s10, s10, $0xb8;
	[tilespmem:$0x19000] =	vst v63  }
0x1c7: {  	s25 =	simm.s32 $0x9000;
	s21 =	rddreg [dreg:$0x1a]  }
0x1c8: {  	[tilespmem:s25], [sflag:$0x3] =	stream.indirect.gather [hbm4b:s3+s10], $0x80, s21, s10, $0xb8;
	[tilespmem:$0x19000] =	vst v63  }
0x1c9: {  	s4 =	rddreg [dreg:$0x1b]  }
0x1ca: {  	[tilespmem:s6], [sflag:$0x4] =	stream.indirect.gather [hbm4b:s3+s10], $0x80, s4, s10, $0xb8;
	[tilespmem:$0x19000] =	vst v63  }
0x1cb: {  	s8 =	rddreg [dreg:$0x1d];
	s4 =	simm.s32 $0x11000  }
0x1cc: {  	[tilespmem:s4], [sflag:$0x5] =	stream.indirect.gather [hbm4b:s3+s10], $0x80, s8, s10, $0xb8;
	[tilespmem:$0x19000] =	vst v63  }
0x1cd: {  	s8 =	simm.s32 $0x1  }
0x1ce: {  	_ =	swait.ge [sflag:s8], $0x4000  }
0x1cf: {  	[sflag:s8] =	ssyncset.done $0x0  }
0x1d0: {  	[sflag:s8] =	ssyncadd.s32 $0xFFFFC000;
	s8 =	sld [smem:$0x7BC];
	_ =	sdelay $0x1  }
0x1d1: {  	s6 =	rddreg [dreg:$0x1f]  }
0x1d2: {  	[hbm4b:s8+s26] =	stream.linear.scatter [tilespmem:s12], [sflag:$0x7], $0x4000, $0x38;
	[tilespmem:$0x19000] =	vst v63  }
0x1d3: {  	s20 =	rddreg [dreg:$0x1e]  }
0x1d4: {  	[tilespmem:s6], [sflag:$0x6] =	stream.indirect.gather [hbm4b:s3+s10], $0x80, s20, s10, $0xb8;
	[tilespmem:$0x19000] =	vst v63  }
0x1d5: {  	s6 =	simm.s32 $0x2  }
0x1d6: {  	_ =	swait.ge [sflag:s6], $0x4000  }
0x1d7: {  	[sflag:s6] =	ssyncset.done $0x0  }
0x1d8: {  	s20 =	rddreg [dreg:$0x4];
	[sflag:s6] =	ssyncadd.s32 $0xFFFFC000  }
0x1d9: {  	[hbm4b:s20+s26] =	stream.linear.scatter [tilespmem:s30], [sflag:$0x8], $0x4000, $0x38;
	[tilespmem:$0x19000] =	vst v63  }
0x1da: {  	s20 =	simm.s32 $0x7  }
0x1db: {  	_ =	swait.ge [sflag:s20], $0x4000  }
0x1dc: {  	s30 =	sld [smem:$0x7ED]  }
0x1dd: {  	[sflag:s20] =	ssyncset.done $0x0  }
0x1de: {  	[sflag:s20] =	ssyncadd.s32 $0xFFFFC000  }
0x1df: {  	[tilespmem:s12], [sflag:$0x1] =	stream.indirect.gather [hbm4b:s3+s10], $0x80, s30, s10, $0xb8;
	[tilespmem:$0x19000] =	vst v63  }
0x1e0: {  	s10 =	simm.s32 $0x3  }
0x1e1: {  	_ =	swait.ge [sflag:s10], $0x4000  }
0x1e2: {  	[sflag:s10] =	ssyncset.done $0x0  }
0x1e3: {  	s30 =	simm.s32 $0x8;
	s20 =	rddreg [dreg:$0x5];
	[sflag:s10] =	ssyncadd.s32 $0xFFFFC000  }
0x1e4: {  	[hbm4b:s20+s26] =	stream.linear.scatter [tilespmem:s25], [sflag:$0x9], $0x4000, $0x38;
	[tilespmem:$0x19000] =	vst v63  }
0x1e5: {  	_ =	swait.ge [sflag:s30], $0x4000  }
0x1e6: {  	[sflag:s30] =	ssyncset.done $0x0  }
0x1e7: {  	s6 =	simm.s32 @p0 $0x4;
	[sflag:s30] =	ssyncadd.s32 $0xFFFFC000  }
0x1e8: {  	_ =	swait.ge @p0 [sflag:s6], $0x4000  }
0x1e9: {  	s20 =	sld [smem:$0x7BD]  }
0x1ea: {  	[sflag:s6] =	ssyncset.done @p0 $0x0  }
0x1eb: {  	s8 =	simm.s32 @p0 $0x0;
	[sflag:s6] =	ssyncadd.s32 @p0 $0xFFFFC000;
	s6 =	simm.s32 @p0 $0xD000  }
0x1ec: {  	[hbm4b:s20+s8] =	stream.linear.scatter @p0 [tilespmem:s6], [sflag:$0xA], $0x4000, $0x38;
	[tilespmem:$0x19000] =	vst v63  }
0x1ed: {  	s6 =	simm.s32 @p0 $0x9  }
0x1ee: {  	_ =	swait.ge @p0 [sflag:s6], $0x4000  }
0x1ef: {  	[sflag:s6] =	ssyncset.done @p0 $0x0  }
0x1f0: {  	s25 =	simm.s32 @!p0 $0x5000;
	[sflag:s6] =	ssyncadd.s32 @p0 $0xFFFFC000;
	s6 =	simm.s32 @!p0 $0x380  }
0x1f1: {  	[tilespmem:s25], [sflag:$0x2] =	stream.indirect.gather @!p0 [hbm4b:s3+s29], $0x80, s6, s29, $0xb8;
	[tilespmem:$0x19000] =	vst v63  }
0x1f2: {  	_ =	swait.ge @!p0 [sflag:s28], $0x4000  }
0x1f3: {  	[sflag:s28] =	ssyncset.done @!p0 $0x0  }
0x1f4: {  	[sflag:s28] =	ssyncadd.s32 @!p0 $0xFFFFC000  }
0x1f5: {  	[hbm4b:s20+s1] =	stream.linear.scatter @!p0 [tilespmem:s0], [sflag:$0xA], $0x4000, $0x38;
	[tilespmem:$0x19000] =	vst v63  }
0x1f6: {  	_ =	swait.ge @!p0 [sflag:s31], $0x4000  }
0x1f7: {  	[sflag:s31] =	ssyncset.done @!p0 $0x0  }
0x1f8: {  	s30 =	simm.s32 @!p0 $0x9000;
	s6 =	simm.s32 @!p0 $0x400;
	[sflag:s31] =	ssyncadd.s32 @!p0 $0xFFFFC000  }
0x1f9: {  	[tilespmem:s30], [sflag:$0x3] =	stream.indirect.gather @!p0 [hbm4b:s3+s29], $0x80, s6, s29, $0xb8;
	[tilespmem:$0x19000] =	vst v63  }
0x1fa: {  	s6 =	simm.s32 $0x5  }
0x1fb: {  	_ =	swait.ge [sflag:s6], $0x4000  }
0x1fc: {  	[sflag:s6] =	ssyncset.done $0x0  }
0x1fd: {  	s20 =	simm.s32 $0xA;
	s10 =	rddreg [dreg:$0x6];
	[sflag:s6] =	ssyncadd.s32 $0xFFFFC000  }
0x1fe: {  	[hbm4b:s10+s26] =	stream.linear.scatter [tilespmem:s4], [sflag:$0xB], $0x4000, $0x38;
	[tilespmem:$0x19000] =	vst v63  }
0x1ff: {  	_ =	swait.ge [sflag:s20], $0x4000  }
0x200: {  	[sflag:s20] =	ssyncset.done $0x0  }
0x201: {  	s6 =	simm.s32 @p0 $0x6;
	[sflag:s20] =	ssyncadd.s32 $0xFFFFC000  }
0x202: {  	_ =	swait.ge @p0 [sflag:s6], $0x4000  }
0x203: {  	s20 =	sld [smem:$0x7EB]  }
0x204: {  	[sflag:s6] =	ssyncset.done @p0 $0x0  }
0x205: {  	[sflag:s6] =	ssyncadd.s32 @p0 $0xFFFFC000;
	s6 =	simm.s32 @p0 $0x15000  }
0x206: {  	[hbm4b:s20+s8] =	stream.linear.scatter @p0 [tilespmem:s6], [sflag:$0xC], $0x4000, $0x38;
	[tilespmem:$0x19000] =	vst v63  }
0x207: {  	s6 =	simm.s32 @p0 $0xB  }
0x208: {  	_ =	swait.ge @p0 [sflag:s6], $0x4000  }
0x209: {  	[sflag:s6] =	ssyncset.done @p0 $0x0  }
0x20a: {  	[sflag:s6] =	ssyncadd.s32 @p0 $0xFFFFC000;
	s6 =	simm.s32 @p0 $0x1  }
0x20b: {  	_ =	swait.ge @p0 [sflag:s6], $0x4000  }
0x20c: {  	[sflag:s6] =	ssyncset.done @p0 $0x0  }
0x20d: {  	[sflag:s6] =	ssyncadd.s32 @p0 $0xFFFFC000;
	s6 =	simm.s32 @!p0 $0x480  }
0x20e: {  	[tilespmem:s0], [sflag:$0x4] =	stream.indirect.gather @!p0 [hbm4b:s3+s29], $0x80, s6, s29, $0xb8;
	[tilespmem:$0x19000] =	vst v63  }
0x20f: {  	_ =	swait.ge @!p0 [sflag:s13], $0x4000  }
0x210: {  	[sflag:s13] =	ssyncset.done @!p0 $0x0  }
0x211: {  	[sflag:s13] =	ssyncadd.s32 @!p0 $0xFFFFC000  }
0x212: {  	[hbm4b:s20+s1] =	stream.linear.scatter @!p0 [tilespmem:s15], [sflag:$0xC], $0x4000, $0x38;
	[tilespmem:$0x19000] =	vst v63  }
0x213: {  	_ =	swait.ge @!p0 [sflag:s24], $0x4000  }
0x214: {  	[sflag:s24] =	ssyncset.done @!p0 $0x0  }
0x215: {  	s10 =	simm.s32 @!p0 $0x11000;
	s6 =	simm.s32 @!p0 $0x500;
	[sflag:s24] =	ssyncadd.s32 @!p0 $0xFFFFC000  }
0x216: {  	[tilespmem:s10], [sflag:$0x5] =	stream.indirect.gather @!p0 [hbm4b:s3+s29], $0x80, s6, s29, $0xb8;
	[tilespmem:$0x19000] =	vst v63  }
0x217: {  	_ =	swait.ge @!p0 [sflag:s7], $0x4000  }
0x218: {  	s6 =	rddreg [dreg:$0x7];
	[sflag:s7] =	ssyncset.done @!p0 $0x0  }
0x219: {  	s8 =	sld [smem:$0x7EE];
	[sflag:s7] =	ssyncadd.s32 @!p0 $0xFFFFC000  }
0x21a: {  	[hbm4b:s6+s1] =	stream.linear.scatter @!p0 [tilespmem:s11], [sflag:$0x7], $0x4000, $0x38;
	[tilespmem:$0x19000] =	vst v63  }
0x21b: {  	s6 =	sld [smem:$0x7BE]  }
0x21c: {  	p3 =	seq.s32 s8, $0x1;
	s8 =	sld [smem:$0x7BF];
	_ =	sdelay $0x1  }
0x21d: {  	s21 =	simm.s32 $0xC  }
0x21e: {  	[hbm4b:s2+s6] =	stream.linear.scatter @!p3 [tilespmem:s8], [sflag:$0x7], $0x1000, $0x38;
	[tilespmem:$0x19000] =	vst v63  }
0x21f: {  	_ =	swait.ge [sflag:s21], $0x4000  }
0x220: {  	[sflag:s21] =	ssyncset.done $0x0  }
0x221: {  	s6 =	simm.s32 @!p0 $0x580;
	[sflag:s21] =	ssyncadd.s32 $0xFFFFC000  }
0x222: {  	[tilespmem:s15], [sflag:$0x6] =	stream.indirect.gather @!p0 [hbm4b:s3+s29], $0x80, s6, s29, $0xb8;
	[tilespmem:$0x19000] =	vst v63  }
0x223: {  	_ =	swait.ge @!p0 [sflag:s14], $0x4000  }
0x224: {  	s6 =	rddreg [dreg:$0x8]  }
0x225: {  	[sflag:s14] =	ssyncset.done @!p0 $0x0;
	s20 =	sld [smem:$0x7EF]  }
0x226: {  	s8 =	sld [smem:$0x7C1];
	[sflag:s14] =	ssyncadd.s32 @!p0 $0xFFFFC000  }
0x227: {  	[hbm4b:s6+s1] =	stream.linear.scatter @!p0 [tilespmem:s25], [sflag:$0x8], $0x4000, $0x38;
	[tilespmem:$0x19000] =	vst v63  }
0x228: {  	s6 =	sld [smem:$0x7C0];
	_ =	sdelay $0x1  }
0x229: {  	p1 =	seq.s32 s20, $0x1  }
0x22a: {  	[hbm4b:s2+s6] =	stream.linear.scatter @!p1 [tilespmem:s8], [sflag:$0x8], $0x1000, $0x38;
	[tilespmem:$0x19000] =	vst v63  }
0x22b: {  	_ =	swait.ge @!p0 [sflag:s16], $0x4000  }
0x22c: {  	s6 =	sld [smem:$0x7C2]  }
0x22d: {  	[sflag:s16] =	ssyncset.done @!p0 $0x0  }
0x22e: {  	[sflag:s16] =	ssyncadd.s32 @!p0 $0xFFFFC000  }
0x22f: {  	_ =	swait.ge @!p3 [sflag:s6], $0x1000  }
0x230: {  	[sflag:s6] =	ssyncset.done @!p3 $0x0  }
0x231: {  	[sflag:s6] =	ssyncadd.s32 @!p3 $0xFFFFF000;
	s6 =	simm.s32 @!p0 $0x600  }
0x232: {  	[tilespmem:s11], [sflag:$0x1] =	stream.indirect.gather @!p0 [hbm4b:s3+s29], $0x80, s6, s29, $0xb8;
	[tilespmem:$0x19000] =	vst v63  }
0x233: {  	_ =	swait.ge @!p0 [sflag:s18], $0x4000  }
0x234: {  	s6 =	rddreg [dreg:$0x9];
	[sflag:s18] =	ssyncset.done @!p0 $0x0  }
0x235: {  	s8 =	sld [smem:$0x7F0];
	[sflag:s18] =	ssyncadd.s32 @!p0 $0xFFFFC000  }
0x236: {  	[hbm4b:s6+s1] =	stream.linear.scatter @!p0 [tilespmem:s30], [sflag:$0x9], $0x4000, $0x38;
	[tilespmem:$0x19000] =	vst v63  }
0x237: {  	s6 =	sld [smem:$0x7C3]  }
0x238: {  	p3 =	seq.s32 s8, $0x1;
	s8 =	sld [smem:$0x7C4];
	_ =	sdelay $0x2  }
0x239: {  	[hbm4b:s2+s6] =	stream.linear.scatter @!p3 [tilespmem:s8], [sflag:$0x9], $0x1000, $0x38;
	[tilespmem:$0x19000] =	vst v63  }
0x23a: {  	_ =	swait.ge @!p0 [sflag:s19], $0x4000  }
0x23b: {  	s6 =	sld [smem:$0x7C5]  }
0x23c: {  	[sflag:s19] =	ssyncset.done @!p0 $0x0  }
0x23d: {  	[sflag:s19] =	ssyncadd.s32 @!p0 $0xFFFFC000  }
0x23e: {  	_ =	swait.ge @!p1 [sflag:s6], $0x1000  }
0x23f: {  	[sflag:s6] =	ssyncset.done @!p1 $0x0  }
0x240: {  	[sflag:s6] =	ssyncadd.s32 @!p1 $0xFFFFF000;
	s6 =	simm.s32 @!p0 $0x680  }
0x241: {  	[tilespmem:s25], [sflag:$0x2] =	stream.indirect.gather @!p0 [hbm4b:s3+s29], $0x80, s6, s29, $0xb8;
	[tilespmem:$0x19000] =	vst v63  }
0x242: {  	_ =	swait.ge @!p0 [sflag:s28], $0x4000  }
0x243: {  	s6 =	rddreg [dreg:$0xa]  }
0x244: {  	[sflag:s28] =	ssyncset.done @!p0 $0x0;
	s20 =	sld [smem:$0x7F1]  }
0x245: {  	s8 =	sld [smem:$0x7C7];
	[sflag:s28] =	ssyncadd.s32 @!p0 $0xFFFFC000  }
0x246: {  	[hbm4b:s6+s1] =	stream.linear.scatter @!p0 [tilespmem:s0], [sflag:$0xA], $0x4000, $0x38;
	[tilespmem:$0x19000] =	vst v63  }
0x247: {  	s6 =	sld [smem:$0x7C6];
	_ =	sdelay $0x1  }
0x248: {  	p1 =	seq.s32 s20, $0x1  }
0x249: {  	[hbm4b:s2+s6] =	stream.linear.scatter @!p1 [tilespmem:s8], [sflag:$0xA], $0x1000, $0x38;
	[tilespmem:$0x19000] =	vst v63  }
0x24a: {  	_ =	swait.ge @!p0 [sflag:s31], $0x4000  }
0x24b: {  	s6 =	sld [smem:$0x7C8]  }
0x24c: {  	[sflag:s31] =	ssyncset.done @!p0 $0x0  }
0x24d: {  	[sflag:s31] =	ssyncadd.s32 @!p0 $0xFFFFC000  }
0x24e: {  	_ =	swait.ge @!p3 [sflag:s6], $0x1000  }
0x24f: {  	[sflag:s6] =	ssyncset.done @!p3 $0x0  }
0x250: {  	[sflag:s6] =	ssyncadd.s32 @!p3 $0xFFFFF000;
	s6 =	simm.s32 @!p0 $0x700  }
0x251: {  	[tilespmem:s30], [sflag:$0x3] =	stream.indirect.gather @!p0 [hbm4b:s3+s29], $0x80, s6, s29, $0xb8;
	[tilespmem:$0x19000] =	vst v63  }
0x252: {  	_ =	swait.ge @!p0 [sflag:s22], $0x4000  }
0x253: {  	s6 =	rddreg [dreg:$0xb];
	[sflag:s22] =	ssyncset.done @!p0 $0x0  }
0x254: {  	s8 =	sld [smem:$0x7F2];
	[sflag:s22] =	ssyncadd.s32 @!p0 $0xFFFFC000  }
0x255: {  	[hbm4b:s6+s1] =	stream.linear.scatter @!p0 [tilespmem:s10], [sflag:$0xB], $0x4000, $0x38;
	[tilespmem:$0x19000] =	vst v63  }
0x256: {  	s6 =	sld [smem:$0x7C9]  }
0x257: {  	p3 =	seq.s32 s8, $0x1;
	s8 =	sld [smem:$0x7CA];
	_ =	sdelay $0x2  }
0x258: {  	[hbm4b:s2+s6] =	stream.linear.scatter @!p3 [tilespmem:s8], [sflag:$0xB], $0x1000, $0x38;
	[tilespmem:$0x19000] =	vst v63  }
0x259: {  	_ =	swait.ge @!p0 [sflag:s23], $0x4000  }
0x25a: {  	s6 =	sld [smem:$0x7CB]  }
0x25b: {  	[sflag:s23] =	ssyncset.done @!p0 $0x0  }
0x25c: {  	[sflag:s23] =	ssyncadd.s32 @!p0 $0xFFFFC000  }
0x25d: {  	_ =	swait.ge @!p1 [sflag:s6], $0x1000  }
0x25e: {  	[sflag:s6] =	ssyncset.done @!p1 $0x0  }
0x25f: {  	[sflag:s6] =	ssyncadd.s32 @!p1 $0xFFFFF000;
	s6 =	simm.s32 @!p0 $0x780  }
0x260: {  	[tilespmem:s0], [sflag:$0x4] =	stream.indirect.gather @!p0 [hbm4b:s3+s29], $0x80, s6, s29, $0xb8;
	[tilespmem:$0x19000] =	vst v63  }
0x261: {  	_ =	swait.ge @!p0 [sflag:s13], $0x4000  }
0x262: {  	s6 =	rddreg [dreg:$0xc]  }
0x263: {  	[sflag:s13] =	ssyncset.done @!p0 $0x0;
	s20 =	sld [smem:$0x7F3]  }
0x264: {  	s8 =	sld [smem:$0x7CD];
	[sflag:s13] =	ssyncadd.s32 @!p0 $0xFFFFC000  }
0x265: {  	[hbm4b:s6+s1] =	stream.linear.scatter @!p0 [tilespmem:s15], [sflag:$0xC], $0x4000, $0x38;
	[tilespmem:$0x19000] =	vst v63  }
0x266: {  	s6 =	sld [smem:$0x7CC];
	_ =	sdelay $0x1  }
0x267: {  	p1 =	seq.s32 s20, $0x1  }
0x268: {  	[hbm4b:s2+s6] =	stream.linear.scatter @!p1 [tilespmem:s8], [sflag:$0xC], $0x1000, $0x38;
	[tilespmem:$0x19000] =	vst v63  }
0x269: {  	_ =	swait.ge @!p0 [sflag:s24], $0x4000  }
0x26a: {  	s6 =	sld [smem:$0x7CE]  }
0x26b: {  	[sflag:s24] =	ssyncset.done @!p0 $0x0  }
0x26c: {  	[sflag:s24] =	ssyncadd.s32 @!p0 $0xFFFFC000  }
0x26d: {  	_ =	swait.ge @!p3 [sflag:s6], $0x1000  }
0x26e: {  	[sflag:s6] =	ssyncset.done @!p3 $0x0  }
0x26f: {  	[sflag:s6] =	ssyncadd.s32 @!p3 $0xFFFFF000;
	s6 =	simm.s32 @!p0 $0x800  }
0x270: {  	[tilespmem:s10], [sflag:$0x5] =	stream.indirect.gather @!p0 [hbm4b:s3+s29], $0x80, s6, s29, $0xb8;
	[tilespmem:$0x19000] =	vst v63  }
0x271: {  	_ =	swait.ge @!p0 [sflag:s7], $0x4000  }
0x272: {  	s6 =	rddreg [dreg:$0xd];
	[sflag:s7] =	ssyncset.done @!p0 $0x0  }
0x273: {  	s8 =	sld [smem:$0x7F4];
	[sflag:s7] =	ssyncadd.s32 @!p0 $0xFFFFC000  }
0x274: {  	[hbm4b:s6+s1] =	stream.linear.scatter @!p0 [tilespmem:s11], [sflag:$0x7], $0x4000, $0x38;
	[tilespmem:$0x19000] =	vst v63  }
0x275: {  	s6 =	sld [smem:$0x7CF]  }
0x276: {  	p3 =	seq.s32 s8, $0x1;
	s8 =	sld [smem:$0x7D0];
	_ =	sdelay $0x2  }
0x277: {  	[hbm4b:s2+s6] =	stream.linear.scatter @!p3 [tilespmem:s8], [sflag:$0x7], $0x1000, $0x38;
	[tilespmem:$0x19000] =	vst v63  }
0x278: {  	_ =	swait.ge @!p0 [sflag:s9], $0x4000  }
0x279: {  	s6 =	sld [smem:$0x7D1]  }
0x27a: {  	[sflag:s9] =	ssyncset.done @!p0 $0x0  }
0x27b: {  	[sflag:s9] =	ssyncadd.s32 @!p0 $0xFFFFC000  }
0x27c: {  	_ =	swait.ge @!p1 [sflag:s6], $0x1000  }
0x27d: {  	[sflag:s6] =	ssyncset.done @!p1 $0x0  }
0x27e: {  	[sflag:s6] =	ssyncadd.s32 @!p1 $0xFFFFF000;
	s6 =	simm.s32 @!p0 $0x880  }
0x27f: {  	[tilespmem:s15], [sflag:$0x6] =	stream.indirect.gather @!p0 [hbm4b:s3+s29], $0x80, s6, s29, $0xb8;
	[tilespmem:$0x19000] =	vst v63  }
0x280: {  	_ =	swait.ge @!p0 [sflag:s14], $0x4000  }
0x281: {  	s6 =	rddreg [dreg:$0xe]  }
0x282: {  	[sflag:s14] =	ssyncset.done @!p0 $0x0;
	s20 =	sld [smem:$0x7F5]  }
0x283: {  	s8 =	sld [smem:$0x7D3];
	[sflag:s14] =	ssyncadd.s32 @!p0 $0xFFFFC000  }
0x284: {  	[hbm4b:s6+s1] =	stream.linear.scatter @!p0 [tilespmem:s25], [sflag:$0x8], $0x4000, $0x38;
	[tilespmem:$0x19000] =	vst v63  }
0x285: {  	s6 =	sld [smem:$0x7D2];
	_ =	sdelay $0x1  }
0x286: {  	p1 =	seq.s32 s20, $0x1  }
0x287: {  	[hbm4b:s2+s6] =	stream.linear.scatter @!p1 [tilespmem:s8], [sflag:$0x8], $0x1000, $0x38;
	[tilespmem:$0x19000] =	vst v63  }
0x288: {  	_ =	swait.ge @!p0 [sflag:s16], $0x4000  }
0x289: {  	s6 =	sld [smem:$0x7D4]  }
0x28a: {  	[sflag:s16] =	ssyncset.done @!p0 $0x0  }
0x28b: {  	[sflag:s16] =	ssyncadd.s32 @!p0 $0xFFFFC000  }
0x28c: {  	_ =	swait.ge @!p3 [sflag:s6], $0x1000  }
0x28d: {  	[sflag:s6] =	ssyncset.done @!p3 $0x0  }
0x28e: {  	[sflag:s6] =	ssyncadd.s32 @!p3 $0xFFFFF000;
	s6 =	simm.s32 @!p0 $0x900  }
0x28f: {  	[tilespmem:s11], [sflag:$0x1] =	stream.indirect.gather @!p0 [hbm4b:s3+s29], $0x80, s6, s29, $0xb8;
	[tilespmem:$0x19000] =	vst v63  }
0x290: {  	_ =	swait.ge @!p0 [sflag:s18], $0x4000  }
0x291: {  	s6 =	rddreg [dreg:$0xf];
	[sflag:s18] =	ssyncset.done @!p0 $0x0  }
0x292: {  	s8 =	sld [smem:$0x7F6];
	[sflag:s18] =	ssyncadd.s32 @!p0 $0xFFFFC000  }
0x293: {  	[hbm4b:s6+s1] =	stream.linear.scatter @!p0 [tilespmem:s30], [sflag:$0x9], $0x4000, $0x38;
	[tilespmem:$0x19000] =	vst v63  }
0x294: {  	s6 =	sld [smem:$0x7D5]  }
0x295: {  	p3 =	seq.s32 s8, $0x1;
	s8 =	sld [smem:$0x7D6];
	_ =	sdelay $0x2  }
0x296: {  	[hbm4b:s2+s6] =	stream.linear.scatter @!p3 [tilespmem:s8], [sflag:$0x9], $0x1000, $0x38;
	[tilespmem:$0x19000] =	vst v63  }
0x297: {  	_ =	swait.ge @!p0 [sflag:s19], $0x4000  }
0x298: {  	s6 =	sld [smem:$0x7D7]  }
0x299: {  	[sflag:s19] =	ssyncset.done @!p0 $0x0  }
0x29a: {  	[sflag:s19] =	ssyncadd.s32 @!p0 $0xFFFFC000  }
0x29b: {  	_ =	swait.ge @!p1 [sflag:s6], $0x1000  }
0x29c: {  	[sflag:s6] =	ssyncset.done @!p1 $0x0  }
0x29d: {  	[sflag:s6] =	ssyncadd.s32 @!p1 $0xFFFFF000;
	s6 =	simm.s32 @!p0 $0x980  }
0x29e: {  	[tilespmem:s25], [sflag:$0x2] =	stream.indirect.gather @!p0 [hbm4b:s3+s29], $0x80, s6, s29, $0xb8;
	[tilespmem:$0x19000] =	vst v63  }
0x29f: {  	_ =	swait.ge @!p0 [sflag:s28], $0x4000  }
0x2a0: {  	s6 =	rddreg [dreg:$0x10]  }
0x2a1: {  	[sflag:s28] =	ssyncset.done @!p0 $0x0;
	s20 =	sld [smem:$0x7F7]  }
0x2a2: {  	s8 =	sld [smem:$0x7D9];
	[sflag:s28] =	ssyncadd.s32 @!p0 $0xFFFFC000  }
0x2a3: {  	[hbm4b:s6+s1] =	stream.linear.scatter @!p0 [tilespmem:s0], [sflag:$0xA], $0x4000, $0x38;
	[tilespmem:$0x19000] =	vst v63  }
0x2a4: {  	s6 =	sld [smem:$0x7D8];
	_ =	sdelay $0x1  }
0x2a5: {  	p1 =	seq.s32 s20, $0x1  }
0x2a6: {  	[hbm4b:s2+s6] =	stream.linear.scatter @!p1 [tilespmem:s8], [sflag:$0xA], $0x1000, $0x38;
	[tilespmem:$0x19000] =	vst v63  }
0x2a7: {  	_ =	swait.ge @!p0 [sflag:s31], $0x4000  }
0x2a8: {  	s6 =	sld [smem:$0x7DA]  }
0x2a9: {  	[sflag:s31] =	ssyncset.done @!p0 $0x0  }
0x2aa: {  	[sflag:s31] =	ssyncadd.s32 @!p0 $0xFFFFC000  }
0x2ab: {  	_ =	swait.ge @!p3 [sflag:s6], $0x1000  }
0x2ac: {  	[sflag:s6] =	ssyncset.done @!p3 $0x0  }
0x2ad: {  	[sflag:s6] =	ssyncadd.s32 @!p3 $0xFFFFF000;
	s6 =	simm.s32 @!p0 $0xA00  }
0x2ae: {  	[tilespmem:s30], [sflag:$0x3] =	stream.indirect.gather @!p0 [hbm4b:s3+s29], $0x80, s6, s29, $0xb8;
	[tilespmem:$0x19000] =	vst v63  }
0x2af: {  	_ =	swait.ge @!p0 [sflag:s22], $0x4000  }
0x2b0: {  	s6 =	rddreg [dreg:$0x11];
	[sflag:s22] =	ssyncset.done @!p0 $0x0  }
0x2b1: {  	s8 =	sld [smem:$0x7F8];
	[sflag:s22] =	ssyncadd.s32 @!p0 $0xFFFFC000  }
0x2b2: {  	[hbm4b:s6+s1] =	stream.linear.scatter @!p0 [tilespmem:s10], [sflag:$0xB], $0x4000, $0x38;
	[tilespmem:$0x19000] =	vst v63  }
0x2b3: {  	s6 =	sld [smem:$0x7DB]  }
0x2b4: {  	p3 =	seq.s32 s8, $0x1;
	s8 =	sld [smem:$0x7DC];
	_ =	sdelay $0x2  }
0x2b5: {  	[hbm4b:s2+s6] =	stream.linear.scatter @!p3 [tilespmem:s8], [sflag:$0xB], $0x1000, $0x38;
	[tilespmem:$0x19000] =	vst v63  }
0x2b6: {  	_ =	swait.ge @!p0 [sflag:s23], $0x4000  }
0x2b7: {  	s6 =	sld [smem:$0x7DD]  }
0x2b8: {  	[sflag:s23] =	ssyncset.done @!p0 $0x0  }
0x2b9: {  	[sflag:s23] =	ssyncadd.s32 @!p0 $0xFFFFC000  }
0x2ba: {  	_ =	swait.ge @!p1 [sflag:s6], $0x1000  }
0x2bb: {  	[sflag:s6] =	ssyncset.done @!p1 $0x0  }
0x2bc: {  	[sflag:s6] =	ssyncadd.s32 @!p1 $0xFFFFF000;
	s6 =	simm.s32 @!p0 $0xA80  }
0x2bd: {  	[tilespmem:s0], [sflag:$0x4] =	stream.indirect.gather @!p0 [hbm4b:s3+s29], $0x80, s6, s29, $0xb8;
	[tilespmem:$0x19000] =	vst v63  }
0x2be: {  	_ =	swait.ge @!p0 [sflag:s13], $0x4000  }
0x2bf: {  	s6 =	rddreg [dreg:$0x12]  }
0x2c0: {  	[sflag:s13] =	ssyncset.done @!p0 $0x0;
	s20 =	sld [smem:$0x7F9]  }
0x2c1: {  	s8 =	sld [smem:$0x7DF];
	[sflag:s13] =	ssyncadd.s32 @!p0 $0xFFFFC000  }
0x2c2: {  	[hbm4b:s6+s1] =	stream.linear.scatter @!p0 [tilespmem:s15], [sflag:$0xC], $0x4000, $0x38;
	[tilespmem:$0x19000] =	vst v63  }
0x2c3: {  	s6 =	sld [smem:$0x7DE];
	_ =	sdelay $0x1  }
0x2c4: {  	p1 =	seq.s32 s20, $0x1  }
0x2c5: {  	[hbm4b:s2+s6] =	stream.linear.scatter @!p1 [tilespmem:s8], [sflag:$0xC], $0x1000, $0x38;
	[tilespmem:$0x19000] =	vst v63  }
0x2c6: {  	_ =	swait.ge @!p0 [sflag:s24], $0x4000  }
0x2c7: {  	s6 =	sld [smem:$0x7E0]  }
0x2c8: {  	[sflag:s24] =	ssyncset.done @!p0 $0x0  }
0x2c9: {  	[sflag:s24] =	ssyncadd.s32 @!p0 $0xFFFFC000  }
0x2ca: {  	_ =	swait.ge @!p3 [sflag:s6], $0x1000  }
0x2cb: {  	[sflag:s6] =	ssyncset.done @!p3 $0x0  }
0x2cc: {  	[sflag:s6] =	ssyncadd.s32 @!p3 $0xFFFFF000;
	s6 =	simm.s32 @!p0 $0xB00  }
0x2cd: {  	[tilespmem:s10], [sflag:$0x5] =	stream.indirect.gather @!p0 [hbm4b:s3+s29], $0x80, s6, s29, $0xb8;
	[tilespmem:$0x19000] =	vst v63  }
0x2ce: {  	_ =	swait.ge @!p0 [sflag:s7], $0x4000  }
0x2cf: {  	s6 =	rddreg [dreg:$0x13];
	[sflag:s7] =	ssyncset.done @!p0 $0x0  }
0x2d0: {  	s8 =	sld [smem:$0x7FA];
	[sflag:s7] =	ssyncadd.s32 @!p0 $0xFFFFC000  }
0x2d1: {  	[hbm4b:s6+s1] =	stream.linear.scatter @!p0 [tilespmem:s11], [sflag:$0x7], $0x4000, $0x38;
	[tilespmem:$0x19000] =	vst v63  }
0x2d2: {  	s6 =	sld [smem:$0x7E1]  }
0x2d3: {  	p3 =	seq.s32 s8, $0x1;
	s8 =	sld [smem:$0x7E2];
	_ =	sdelay $0x2  }
0x2d4: {  	[hbm4b:s2+s6] =	stream.linear.scatter @!p3 [tilespmem:s8], [sflag:$0x7], $0x1000, $0x38;
	[tilespmem:$0x19000] =	vst v63  }
0x2d5: {  	_ =	swait.ge @!p0 [sflag:s9], $0x4000  }
0x2d6: {  	s6 =	sld [smem:$0x7E3]  }
0x2d7: {  	[sflag:s9] =	ssyncset.done @!p0 $0x0  }
0x2d8: {  	[sflag:s9] =	ssyncadd.s32 @!p0 $0xFFFFC000  }
0x2d9: {  	_ =	swait.ge @!p1 [sflag:s6], $0x1000  }
0x2da: {  	[sflag:s6] =	ssyncset.done @!p1 $0x0  }
0x2db: {  	[sflag:s6] =	ssyncadd.s32 @!p1 $0xFFFFF000;
	s6 =	simm.s32 @!p0 $0xB80  }
0x2dc: {  	[tilespmem:s15], [sflag:$0x6] =	stream.indirect.gather @!p0 [hbm4b:s3+s29], $0x80, s6, s29, $0xb8;
	[tilespmem:$0x19000] =	vst v63  }
0x2dd: {  	_ =	swait.ge @!p0 [sflag:s14], $0x4000  }
0x2de: {  	s6 =	rddreg [dreg:$0x14]  }
0x2df: {  	[sflag:s14] =	ssyncset.done @!p0 $0x0;
	s20 =	sld [smem:$0x7FB]  }
0x2e0: {  	s8 =	sld [smem:$0x7E5];
	[sflag:s14] =	ssyncadd.s32 @!p0 $0xFFFFC000  }
0x2e1: {  	[hbm4b:s6+s1] =	stream.linear.scatter @!p0 [tilespmem:s25], [sflag:$0x8], $0x4000, $0x38;
	[tilespmem:$0x19000] =	vst v63  }
0x2e2: {  	s6 =	sld [smem:$0x7E4];
	_ =	sdelay $0x1  }
0x2e3: {  	p1 =	seq.s32 s20, $0x1  }
0x2e4: {  	[hbm4b:s2+s6] =	stream.linear.scatter @!p1 [tilespmem:s8], [sflag:$0x8], $0x1000, $0x38;
	[tilespmem:$0x19000] =	vst v63  }
0x2e5: {  	_ =	swait.ge @!p0 [sflag:s16], $0x4000  }
0x2e6: {  	s6 =	sld [smem:$0x7E6]  }
0x2e7: {  	[sflag:s16] =	ssyncset.done @!p0 $0x0  }
0x2e8: {  	[sflag:s16] =	ssyncadd.s32 @!p0 $0xFFFFC000  }
0x2e9: {  	_ =	swait.ge @!p3 [sflag:s6], $0x1000  }
0x2ea: {  	[sflag:s6] =	ssyncset.done @!p3 $0x0  }
0x2eb: {  	[sflag:s6] =	ssyncadd.s32 @!p3 $0xFFFFF000;
	s6 =	simm.s32 @!p0 $0xC00  }
0x2ec: {  	[tilespmem:s11], [sflag:$0x1] =	stream.indirect.gather @!p0 [hbm4b:s3+s29], $0x80, s6, s29, $0xb8;
	[tilespmem:$0x19000] =	vst v63  }
0x2ed: {  	_ =	swait.ge @!p0 [sflag:s18], $0x4000  }
0x2ee: {  	s6 =	rddreg [dreg:$0x15]  }
0x2ef: {  	[sflag:s18] =	ssyncset.done @!p0 $0x0;
	s25 =	sld [smem:$0x7FC]  }
0x2f0: {  	s8 =	sld [smem:$0x7E8];
	[sflag:s18] =	ssyncadd.s32 @!p0 $0xFFFFC000  }
0x2f1: {  	[hbm4b:s6+s1] =	stream.linear.scatter @!p0 [tilespmem:s30], [sflag:$0x9], $0x4000, $0x38;
	[tilespmem:$0x19000] =	vst v63  }
0x2f2: {  	s6 =	sld [smem:$0x7E7];
	_ =	sdelay $0x1  }
0x2f3: {  	p3 =	seq.s32 s25, $0x1  }
0x2f4: {  	[hbm4b:s2+s6] =	stream.linear.scatter @!p3 [tilespmem:s8], [sflag:$0x9], $0x1000, $0x38;
	[tilespmem:$0x19000] =	vst v63  }
0x2f5: {  	_ =	swait.ge @!p0 [sflag:s28], $0x4000  }
0x2f6: {  	[sflag:s28] =	ssyncset.done @!p0 $0x0  }
0x2f7: {  	s6 =	rddreg [dreg:$0x16];
	[sflag:s28] =	ssyncadd.s32 @!p0 $0xFFFFC000  }
0x2f8: {  	[hbm4b:s6+s1] =	stream.linear.scatter @!p0 [tilespmem:s0], [sflag:$0xA], $0x4000, $0x38;
	[tilespmem:$0x19000] =	vst v63  }
0x2f9: {  	s8 =	simm.s32 @!p5 $0xD000;
	s6 =	simm.s32 @!p5 $0x0  }
0x2fa: {  	[hbm4b:s2+s6] =	stream.linear.scatter @!p5 [tilespmem:s8], [sflag:$0xA], $0x1000, $0x38;
	[tilespmem:$0x19000] =	vst v63  }
0x2fb: {  	_ =	swait.ge @!p0 [sflag:s22], $0x4000  }
0x2fc: {  	[sflag:s22] =	ssyncset.done @!p0 $0x0  }
0x2fd: {  	s6 =	rddreg [dreg:$0x17];
	[sflag:s22] =	ssyncadd.s32 @!p0 $0xFFFFC000  }
0x2fe: {  	[hbm4b:s6+s1] =	stream.linear.scatter @!p0 [tilespmem:s10], [sflag:$0xB], $0x4000, $0x38;
	[tilespmem:$0x19000] =	vst v63  }
0x2ff: {  	s8 =	simm.s32 @!p4 $0x11000;
	s6 =	simm.s32 @!p4 $0x0  }
0x300: {  	[hbm4b:s2+s6] =	stream.linear.scatter @!p4 [tilespmem:s8], [sflag:$0xB], $0x1000, $0x38;
	[tilespmem:$0x19000] =	vst v63  }
0x301: {  	_ =	swait.ge @!p0 [sflag:s13], $0x4000  }
0x302: {  	[sflag:s13] =	ssyncset.done @!p0 $0x0  }
0x303: {  	s6 =	rddreg [dreg:$0x18];
	[sflag:s13] =	ssyncadd.s32 @!p0 $0xFFFFC000  }
0x304: {  	[hbm4b:s6+s1] =	stream.linear.scatter @!p0 [tilespmem:s15], [sflag:$0xC], $0x4000, $0x38;
	[tilespmem:$0x19000] =	vst v63  }
0x305: {  	s8 =	simm.s32 @!p2 $0x15000;
	s6 =	simm.s32 @!p2 $0x0  }
0x306: {  	[hbm4b:s2+s6] =	stream.linear.scatter @!p2 [tilespmem:s8], [sflag:$0xC], $0x1000, $0x38;
	[tilespmem:$0x19000] =	vst v63  }
0x307: {  	_ =	swait.ge @!p0 [sflag:s7], $0x4000  }
0x308: {  	[sflag:s7] =	ssyncset.done @!p0 $0x0  }
0x309: {  	s6 =	rddreg [dreg:$0x19];
	[sflag:s7] =	ssyncadd.s32 @!p0 $0xFFFFC000  }
0x30a: {  	[hbm4b:s6+s1] =	stream.linear.scatter @!p0 [tilespmem:s11], [sflag:$0x7], $0x4000, $0x38;
	[tilespmem:$0x19000] =	vst v63  }
0x30b: {  	s8 =	simm.s32 @!p6 $0x1000;
	s6 =	simm.s32 @!p6 $0x0  }
0x30c: {  	[hbm4b:s2+s6] =	stream.linear.scatter @!p6 [tilespmem:s8], [sflag:$0x7], $0x1000, $0x38;
	[tilespmem:$0x19000] =	vst v63  }
0x30d: {  	_ =	swait.ge @!p0 [sflag:s19], $0x4000  }
0x30e: {  	s6 =	sld [smem:$0x7E9]  }
0x30f: {  	[sflag:s19] =	ssyncset.done @!p0 $0x0  }
0x310: {  	[sflag:s19] =	ssyncadd.s32 @!p0 $0xFFFFC000  }
0x311: {  	_ =	swait.ge @!p1 [sflag:s6], $0x1000  }
0x312: {  	[sflag:s6] =	ssyncset.done @!p1 $0x0  }
0x313: {  	[sflag:s6] =	ssyncadd.s32 @!p1 $0xFFFFF000  }
0x314: {  	_ =	swait.ge @!p0 [sflag:s31], $0x4000  }
0x315: {  	s6 =	sld [smem:$0x7EA]  }
0x316: {  	[sflag:s31] =	ssyncset.done @!p0 $0x0  }
0x317: {  	[sflag:s31] =	ssyncadd.s32 @!p0 $0xFFFFC000  }
0x318: {  	_ =	swait.ge @!p3 [sflag:s6], $0x1000  }
0x319: {  	[sflag:s6] =	ssyncset.done @!p3 $0x0  }
0x31a: {  	[sflag:s6] =	ssyncadd.s32 @!p3 $0xFFFFF000  }
0x31b: {  	_ =	swait.ge @!p0 [sflag:s23], $0x4000  }
0x31c: {  	[sflag:s23] =	ssyncset.done @!p0 $0x0  }
0x31d: {  	s6 =	simm.s32 @!p5 $0xA;
	[sflag:s23] =	ssyncadd.s32 @!p0 $0xFFFFC000  }
0x31e: {  	_ =	swait.ge @!p5 [sflag:s6], $0x1000  }
0x31f: {  	[sflag:s6] =	ssyncset.done @!p5 $0x0  }
0x320: {  	[sflag:s6] =	ssyncadd.s32 @!p5 $0xFFFFF000  }
0x321: {  	_ =	swait.ge @!p0 [sflag:s24], $0x4000  }
0x322: {  	[sflag:s24] =	ssyncset.done @!p0 $0x0  }
0x323: {  	s6 =	simm.s32 @!p4 $0xB;
	[sflag:s24] =	ssyncadd.s32 @!p0 $0xFFFFC000  }
0x324: {  	_ =	swait.ge @!p4 [sflag:s6], $0x1000  }
0x325: {  	[sflag:s6] =	ssyncset.done @!p4 $0x0  }
0x326: {  	[sflag:s6] =	ssyncadd.s32 @!p4 $0xFFFFF000  }
0x327: {  	_ =	swait.ge @!p0 [sflag:s9], $0x4000  }
0x328: {  	[sflag:s9] =	ssyncset.done @!p0 $0x0  }
0x329: {  	s6 =	simm.s32 @!p2 $0xC;
	[sflag:s9] =	ssyncadd.s32 @!p0 $0xFFFFC000  }
0x32a: {  	_ =	swait.ge @!p2 [sflag:s6], $0x1000  }
0x32b: {  	[sflag:s6] =	ssyncset.done @!p2 $0x0  }
0x32c: {  	[sflag:s6] =	ssyncadd.s32 @!p2 $0xFFFFF000  }
0x32d: {  	_ =	swait.ge @!p0 [sflag:s16], $0x4000  }
0x32e: {  	[sflag:s16] =	ssyncset.done @!p0 $0x0  }
0x32f: {  	[sflag:s16] =	ssyncadd.s32 @!p0 $0xFFFFC000  }
0x330: {  	_ =	swait.ge @!p6 [sflag:s5], $0x1000  }
0x331: {  	s30 =	sld [smem:$0x7BB];
	_ =	sdelay $0x2  }
0x332: {  	p1 =	seq.s32 s30, $0x1  }
.Ltmp2:
0x333: {  	_ = 	snop;
	(pc) =	sbr.rel @p1 .LBB2_4-.Ltmp2, $3  }
0x334: {  	_ =	sdelay $0x1  }
0x335: {  	s12 =	simm.s32 $0x80  }
0x336: {  	s4 =	simm.s32 $0x0;
	s20 =	rddreg [dreg:$0x3];
	[sflag:s5] =	ssyncset.done @!p6 $0x0  }
0x337: {  	s28 =	rddreg [dreg:$0x2]  }
0x338: {  	s29 =	sld [smem:$0x7BC]  }
0x339: {  	s26 =	sld [smem:$0x7EB]  }
0x33a: {  	p2 =	por p6, p6;
	s24 =	stileid.u32;
	s30 =	sld [smem:$0x7BD]  }
0x33b: {  	s13 =	simm.s32 $0x11000;
	s14 =	simm.s32 $0xA;
	s15 =	simm.s32 $0x5  }
0x33c: {  	s7 =	simm.s32 $0x9000;
	s8 =	simm.s32 $0x1000;
	s9 =	simm.s32 $0x5000  }
0x33d: {  	s10 =	simm.s32 $0x8;
	s11 =	simm.s32 $0x3;
	s16 =	simm.s32 $0x7  }
0x33e: {  	s31 =	simm.s32 $0x2;
	s6 =	simm.s32 $0x1;
	s1 =	simm.s32 $0xD  }
.LBB2_6:
0x33f: {  	s19 =	sld [smem:$0x7EC];
	_ =	sdelay $0x2  }
0x340: {  	s0 =	simm.s32 @!p2 $0x0;
	p1 =	seq.s32 s19, $0x1  }
0x341: {  	s0 =	simm.s32 @p2 $0x1;
	p2 =	por p2, !p1  }
0x342: {  	[smem:$0x7BA] =	sst s0;
	[sflag:s5] =	ssyncadd.s32 @!p2 $0xFFFFF000  }
0x343: {  	[tilespmem:s4], [sflag:$0xD] =	stream.linear.gather [hbm4b:s20+s4], $0x1000, $0x38;
	[tilespmem:$0x19000] =	vst v63  }
0x344: {  	_ =	swait.ge [sflag:s1], $0x1000  }
0x345: {  	[sflag:s1] =	ssyncset.done $0x0  }
0x346: {  	[sflag:s1] =	ssyncadd.s32 $0xFFFFF000  }
0x347: {  	[tilespmem:s8], [sflag:$0x1] =	stream.indirect.gather [hbm4b:s3+s12], $0x80, s4, s12, $0xb8;
	[tilespmem:$0x19000] =	vst v63  }
0x348: {  	s20 =	rddreg [dreg:$0x1c]  }
0x349: {  	[tilespmem:s9], [sflag:$0x2] =	stream.indirect.gather [hbm4b:s3+s12], $0x80, s12, s12, $0xb8;
	[tilespmem:$0x19000] =	vst v63  }
0x34a: {  	s22 =	rddreg [dreg:$0x1a]  }
0x34b: {  	[tilespmem:s7], [sflag:$0x3] =	stream.indirect.gather [hbm4b:s3+s12], $0x80, s22, s12, $0xb8;
	[tilespmem:$0x19000] =	vst v63  }
0x34c: {  	s23 =	rddreg [dreg:$0x1b]  }
0x34d: {  	[tilespmem:s20], [sflag:$0x4] =	stream.indirect.gather [hbm4b:s3+s12], $0x80, s23, s12, $0xb8;
	[tilespmem:$0x19000] =	vst v63  }
0x34e: {  	s25 =	rddreg [dreg:$0x1d]  }
0x34f: {  	[tilespmem:s13], [sflag:$0x5] =	stream.indirect.gather [hbm4b:s3+s12], $0x80, s25, s12, $0xb8;
	[tilespmem:$0x19000] =	vst v63  }
0x350: {  	_ =	swait.ge [sflag:s6], $0x4000  }
0x351: {  	[sflag:s6] =	ssyncset.done $0x0  }
0x352: {  	s1 =	rddreg [dreg:$0x1f];
	[sflag:s6] =	ssyncadd.s32 $0xFFFFC000  }
0x353: {  	[hbm4b:s29+s4] =	stream.linear.scatter [tilespmem:s8], [sflag:$0x7], $0x4000, $0x38;
	[tilespmem:$0x19000] =	vst v63  }
0x354: {  	s5 =	rddreg [dreg:$0x1e]  }
0x355: {  	[tilespmem:s1], [sflag:$0x6] =	stream.indirect.gather [hbm4b:s3+s12], $0x80, s5, s12, $0xb8;
	[tilespmem:$0x19000] =	vst v63  }
0x356: {  	_ =	swait.ge [sflag:s31], $0x4000  }
0x357: {  	[sflag:s31] =	ssyncset.done $0x0  }
0x358: {  	s6 =	rddreg [dreg:$0x4];
	[sflag:s31] =	ssyncadd.s32 $0xFFFFC000  }
0x359: {  	[hbm4b:s6+s4] =	stream.linear.scatter [tilespmem:s9], [sflag:$0x8], $0x4000, $0x38;
	[tilespmem:$0x19000] =	vst v63  }
0x35a: {  	_ =	swait.ge [sflag:s16], $0x4000  }
0x35b: {  	s9 =	sld [smem:$0x7ED]  }
0x35c: {  	[sflag:s16] =	ssyncset.done $0x0  }
0x35d: {  	[sflag:s16] =	ssyncadd.s32 $0xFFFFC000  }
0x35e: {  	[tilespmem:s8], [sflag:$0x1] =	stream.indirect.gather [hbm4b:s3+s12], $0x80, s9, s12, $0xb8;
	[tilespmem:$0x19000] =	vst v63  }
0x35f: {  	_ =	swait.ge [sflag:s11], $0x4000  }
0x360: {  	[sflag:s11] =	ssyncset.done $0x0  }
0x361: {  	s16 =	rddreg [dreg:$0x5];
	[sflag:s11] =	ssyncadd.s32 $0xFFFFC000  }
0x362: {  	[hbm4b:s16+s4] =	stream.linear.scatter [tilespmem:s7], [sflag:$0x9], $0x4000, $0x38;
	[tilespmem:$0x19000] =	vst v63  }
0x363: {  	_ =	swait.ge [sflag:s10], $0x4000  }
0x364: {  	[sflag:s10] =	ssyncset.done $0x0  }
0x365: {  	s0 =	simm.s32 @p0 $0x4;
	[sflag:s10] =	ssyncadd.s32 $0xFFFFC000  }
0x366: {  	_ =	swait.ge @p0 [sflag:s0], $0x4000  }
0x367: {  	s1 =	simm.s32 @p0 $0x9;
	[sflag:s0] =	ssyncset.done @p0 $0x0  }
0x368: {  	s7 =	simm.s32 @p0 $0x0;
	[sflag:s0] =	ssyncadd.s32 @p0 $0xFFFFC000;
	s0 =	simm.s32 @p0 $0xD000  }
0x369: {  	[hbm4b:s30+s7] =	stream.linear.scatter @p0 [tilespmem:s0], [sflag:$0xA], $0x4000, $0x38;
	[tilespmem:$0x19000] =	vst v63  }
0x36a: {  	_ =	swait.ge @p0 [sflag:s1], $0x4000  }
0x36b: {  	s5 =	simm.s32 @!p0 $0x4;
	s9 =	simm.s32 @!p0 $0x5000;
	[sflag:s1] =	ssyncset.done @p0 $0x0  }
0x36c: {  	s8 =	simm.s32 @!p0 $0x80;
	s0 =	simm.s32 @!p0 $0x380;
	[sflag:s1] =	ssyncadd.s32 @p0 $0xFFFFC000  }
0x36d: {  	[tilespmem:s9], [sflag:$0x2] =	stream.indirect.gather @!p0 [hbm4b:s3+s8], $0x80, s0, s8, $0xb8;
	[tilespmem:$0x19000] =	vst v63  }
0x36e: {  	_ =	swait.ge @!p0 [sflag:s5], $0x4000  }
0x36f: {  	s6 =	simm.s32 @!p0 $0xD000;
	[sflag:s5] =	ssyncset.done @!p0 $0x0  }
0x370: {  	s1 =	simm.s32 @!p0 $0x0;
	s0 =	simm.s32 @!p0 $0x9;
	[sflag:s5] =	ssyncadd.s32 @!p0 $0xFFFFC000  }
0x371: {  	[hbm4b:s30+s1] =	stream.linear.scatter @!p0 [tilespmem:s6], [sflag:$0xA], $0x4000, $0x38;
	[tilespmem:$0x19000] =	vst v63  }
0x372: {  	_ =	swait.ge @!p0 [sflag:s0], $0x4000  }
0x373: {  	[sflag:s0] =	ssyncset.done @!p0 $0x0  }
0x374: {  	s11 =	simm.s32 @!p0 $0x400;
	s10 =	simm.s32 @!p0 $0x9000;
	[sflag:s0] =	ssyncadd.s32 @!p0 $0xFFFFC000  }
0x375: {  	[tilespmem:s10], [sflag:$0x3] =	stream.indirect.gather @!p0 [hbm4b:s3+s8], $0x80, s11, s8, $0xb8;
	[tilespmem:$0x19000] =	vst v63  }
0x376: {  	_ =	swait.ge [sflag:s15], $0x4000  }
0x377: {  	[sflag:s15] =	ssyncset.done $0x0  }
0x378: {  	s17 =	rddreg [dreg:$0x6];
	[sflag:s15] =	ssyncadd.s32 $0xFFFFC000  }
0x379: {  	[hbm4b:s17+s4] =	stream.linear.scatter [tilespmem:s13], [sflag:$0xB], $0x4000, $0x38;
	[tilespmem:$0x19000] =	vst v63  }
0x37a: {  	_ =	swait.ge [sflag:s14], $0x4000  }
0x37b: {  	[sflag:s14] =	ssyncset.done $0x0  }
0x37c: {  	s4 =	simm.s32 @p0 $0x6;
	[sflag:s14] =	ssyncadd.s32 $0xFFFFC000  }
0x37d: {  	_ =	swait.ge @p0 [sflag:s4], $0x4000  }
0x37e: {  	[sflag:s4] =	ssyncset.done @p0 $0x0  }
0x37f: {  	s11 =	simm.s32 @p0 $0xB;
	[sflag:s4] =	ssyncadd.s32 @p0 $0xFFFFC000;
	s4 =	simm.s32 @p0 $0x15000  }
0x380: {  	[hbm4b:s26+s7] =	stream.linear.scatter @p0 [tilespmem:s4], [sflag:$0xC], $0x4000, $0x38;
	[tilespmem:$0x19000] =	vst v63  }
0x381: {  	_ =	swait.ge @p0 [sflag:s11], $0x4000  }
0x382: {  	[sflag:s11] =	ssyncset.done @p0 $0x0  }
0x383: {  	s4 =	simm.s32 @p0 $0x1;
	[sflag:s11] =	ssyncadd.s32 @p0 $0xFFFFC000  }
0x384: {  	_ =	swait.ge @p0 [sflag:s4], $0x4000  }
0x385: {  	[sflag:s4] =	ssyncset.done @p0 $0x0  }
0x386: {  	s11 =	simm.s32 @!p0 $0x6;
	[sflag:s4] =	ssyncadd.s32 @p0 $0xFFFFC000;
	s4 =	simm.s32 @!p0 $0x480  }
0x387: {  	[tilespmem:s6], [sflag:$0x4] =	stream.indirect.gather @!p0 [hbm4b:s3+s8], $0x80, s4, s8, $0xb8;
	[tilespmem:$0x19000] =	vst v63  }
0x388: {  	_ =	swait.ge @!p0 [sflag:s11], $0x4000  }
0x389: {  	[sflag:s11] =	ssyncset.done @!p0 $0x0  }
0x38a: {  	s13 =	simm.s32 @!p0 $0x15000;
	s4 =	simm.s32 @!p0 $0xB;
	[sflag:s11] =	ssyncadd.s32 @!p0 $0xFFFFC000  }
0x38b: {  	[hbm4b:s26+s1] =	stream.linear.scatter @!p0 [tilespmem:s13], [sflag:$0xC], $0x4000, $0x38;
	[tilespmem:$0x19000] =	vst v63  }
0x38c: {  	_ =	swait.ge @!p0 [sflag:s4], $0x4000  }
0x38d: {  	s12 =	simm.s32 @!p0 $0x1;
	[sflag:s4] =	ssyncset.done @!p0 $0x0  }
0x38e: {  	s15 =	simm.s32 @!p0 $0x11000;
	s7 =	simm.s32 @!p0 $0x500;
	[sflag:s4] =	ssyncadd.s32 @!p0 $0xFFFFC000  }
0x38f: {  	[tilespmem:s15], [sflag:$0x5] =	stream.indirect.gather @!p0 [hbm4b:s3+s8], $0x80, s7, s8, $0xb8;
	[tilespmem:$0x19000] =	vst v63  }
0x390: {  	_ =	swait.ge @!p0 [sflag:s12], $0x4000  }
0x391: {  	[sflag:s12] =	ssyncset.done @!p0 $0x0;
	s18 =	sld [smem:$0x7EE]  }
0x392: {  	s14 =	simm.s32 @!p0 $0x1000;
	s7 =	rddreg [dreg:$0x7];
	[sflag:s12] =	ssyncadd.s32 @!p0 $0xFFFFC000  }
0x393: {  	[hbm4b:s7+s1] =	stream.linear.scatter @!p0 [tilespmem:s14], [sflag:$0x7], $0x4000, $0x38;
	[tilespmem:$0x19000] =	vst v63  }
0x394: {  	p2 =	seq.s32 s18, $0x1  }
0x395: {  	s7 =	simm.s32 @!p2 $0x0;
	s16 =	simm.s32 @!p2 $0x1000  }
0x396: {  	[hbm4b:s2+s7] =	stream.linear.scatter @!p2 [tilespmem:s16], [sflag:$0x7], $0x1000, $0x38;
	[tilespmem:$0x19000] =	vst v63  }
0x397: {  	_ =	swait.ge [sflag:s21], $0x4000  }
0x398: {  	[sflag:s21] =	ssyncset.done $0x0  }
0x399: {  	s18 =	simm.s32 @!p0 $0x2;
	s7 =	simm.s32 @!p0 $0x580;
	[sflag:s21] =	ssyncadd.s32 $0xFFFFC000  }
0x39a: {  	[tilespmem:s13], [sflag:$0x6] =	stream.indirect.gather @!p0 [hbm4b:s3+s8], $0x80, s7, s8, $0xb8;
	[tilespmem:$0x19000] =	vst v63  }
0x39b: {  	_ =	swait.ge @!p0 [sflag:s18], $0x4000  }
0x39c: {  	[sflag:s18] =	ssyncset.done @!p0 $0x0;
	s19 =	sld [smem:$0x7EF]  }
0x39d: {  	s7 =	rddreg [dreg:$0x8];
	[sflag:s18] =	ssyncadd.s32 @!p0 $0xFFFFC000  }
0x39e: {  	[hbm4b:s7+s1] =	stream.linear.scatter @!p0 [tilespmem:s9], [sflag:$0x8], $0x4000, $0x38;
	[tilespmem:$0x19000] =	vst v63  }
0x39f: {  	p3 =	seq.s32 s19, $0x1  }
0x3a0: {  	s7 =	simm.s32 @!p0 $0x7;
	s16 =	simm.s32 @!p3 $0x0;
	s17 =	simm.s32 @!p3 $0x5000  }
0x3a1: {  	[hbm4b:s2+s16] =	stream.linear.scatter @!p3 [tilespmem:s17], [sflag:$0x8], $0x1000, $0x38;
	[tilespmem:$0x19000] =	vst v63  }
0x3a2: {  	_ =	swait.ge @!p0 [sflag:s7], $0x4000  }
0x3a3: {  	[sflag:s7] =	ssyncset.done @!p0 $0x0  }
0x3a4: {  	s16 =	simm.s32 @!p2 $0x7;
	[sflag:s7] =	ssyncadd.s32 @!p0 $0xFFFFC000  }
0x3a5: {  	_ =	swait.ge @!p2 [sflag:s16], $0x1000  }
0x3a6: {  	[sflag:s16] =	ssyncset.done @!p2 $0x0  }
0x3a7: {  	s19 =	simm.s32 @!p0 $0x3;
	[sflag:s16] =	ssyncadd.s32 @!p2 $0xFFFFF000;
	s16 =	simm.s32 @!p0 $0x600  }
0x3a8: {  	[tilespmem:s14], [sflag:$0x1] =	stream.indirect.gather @!p0 [hbm4b:s3+s8], $0x80, s16, s8, $0xb8;
	[tilespmem:$0x19000] =	vst v63  }
0x3a9: {  	_ =	swait.ge @!p0 [sflag:s19], $0x4000  }
0x3aa: {  	[sflag:s19] =	ssyncset.done @!p0 $0x0;
	s20 =	sld [smem:$0x7F0]  }
0x3ab: {  	s16 =	rddreg [dreg:$0x9];
	[sflag:s19] =	ssyncadd.s32 @!p0 $0xFFFFC000  }
0x3ac: {  	[hbm4b:s16+s1] =	stream.linear.scatter @!p0 [tilespmem:s10], [sflag:$0x9], $0x4000, $0x38;
	[tilespmem:$0x19000] =	vst v63  }
0x3ad: {  	p2 =	seq.s32 s20, $0x1  }
0x3ae: {  	s16 =	simm.s32 @!p0 $0x8;
	s17 =	simm.s32 @!p2 $0x0;
	s20 =	simm.s32 @!p2 $0x9000  }
0x3af: {  	[hbm4b:s2+s17] =	stream.linear.scatter @!p2 [tilespmem:s20], [sflag:$0x9], $0x1000, $0x38;
	[tilespmem:$0x19000] =	vst v63  }
0x3b0: {  	_ =	swait.ge @!p0 [sflag:s16], $0x4000  }
0x3b1: {  	[sflag:s16] =	ssyncset.done @!p0 $0x0  }
0x3b2: {  	s17 =	simm.s32 @!p3 $0x8;
	[sflag:s16] =	ssyncadd.s32 @!p0 $0xFFFFC000  }
0x3b3: {  	_ =	swait.ge @!p3 [sflag:s17], $0x1000  }
0x3b4: {  	[sflag:s17] =	ssyncset.done @!p3 $0x0  }
0x3b5: {  	[sflag:s17] =	ssyncadd.s32 @!p3 $0xFFFFF000;
	s17 =	simm.s32 @!p0 $0x680  }
0x3b6: {  	[tilespmem:s9], [sflag:$0x2] =	stream.indirect.gather @!p0 [hbm4b:s3+s8], $0x80, s17, s8, $0xb8;
	[tilespmem:$0x19000] =	vst v63  }
0x3b7: {  	_ =	swait.ge @!p0 [sflag:s5], $0x4000  }
0x3b8: {  	[sflag:s5] =	ssyncset.done @!p0 $0x0;
	s21 =	sld [smem:$0x7F1]  }
0x3b9: {  	s17 =	rddreg [dreg:$0xa];
	[sflag:s5] =	ssyncadd.s32 @!p0 $0xFFFFC000  }
0x3ba: {  	[hbm4b:s17+s1] =	stream.linear.scatter @!p0 [tilespmem:s6], [sflag:$0xA], $0x4000, $0x38;
	[tilespmem:$0x19000] =	vst v63  }
0x3bb: {  	p3 =	seq.s32 s21, $0x1  }
0x3bc: {  	s17 =	simm.s32 @!p3 $0x0;
	s20 =	simm.s32 @!p3 $0xD000  }
0x3bd: {  	[hbm4b:s2+s17] =	stream.linear.scatter @!p3 [tilespmem:s20], [sflag:$0xA], $0x1000, $0x38;
	[tilespmem:$0x19000] =	vst v63  }
0x3be: {  	_ =	swait.ge @!p0 [sflag:s0], $0x4000  }
0x3bf: {  	[sflag:s0] =	ssyncset.done @!p0 $0x0  }
0x3c0: {  	s17 =	simm.s32 @!p2 $0x9;
	[sflag:s0] =	ssyncadd.s32 @!p0 $0xFFFFC000  }
0x3c1: {  	_ =	swait.ge @!p2 [sflag:s17], $0x1000  }
0x3c2: {  	[sflag:s17] =	ssyncset.done @!p2 $0x0  }
0x3c3: {  	s21 =	simm.s32 @!p0 $0x5;
	[sflag:s17] =	ssyncadd.s32 @!p2 $0xFFFFF000;
	s17 =	simm.s32 @!p0 $0x700  }
0x3c4: {  	[tilespmem:s10], [sflag:$0x3] =	stream.indirect.gather @!p0 [hbm4b:s3+s8], $0x80, s17, s8, $0xb8;
	[tilespmem:$0x19000] =	vst v63  }
0x3c5: {  	_ =	swait.ge @!p0 [sflag:s21], $0x4000  }
0x3c6: {  	[sflag:s21] =	ssyncset.done @!p0 $0x0;
	s22 =	sld [smem:$0x7F2]  }
0x3c7: {  	s17 =	rddreg [dreg:$0xb];
	[sflag:s21] =	ssyncadd.s32 @!p0 $0xFFFFC000  }
0x3c8: {  	[hbm4b:s17+s1] =	stream.linear.scatter @!p0 [tilespmem:s15], [sflag:$0xB], $0x4000, $0x38;
	[tilespmem:$0x19000] =	vst v63  }
0x3c9: {  	p2 =	seq.s32 s22, $0x1  }
0x3ca: {  	s17 =	simm.s32 @!p0 $0xA;
	s20 =	simm.s32 @!p2 $0x0;
	s22 =	simm.s32 @!p2 $0x11000  }
0x3cb: {  	[hbm4b:s2+s20] =	stream.linear.scatter @!p2 [tilespmem:s22], [sflag:$0xB], $0x1000, $0x38;
	[tilespmem:$0x19000] =	vst v63  }
0x3cc: {  	_ =	swait.ge @!p0 [sflag:s17], $0x4000  }
0x3cd: {  	[sflag:s17] =	ssyncset.done @!p0 $0x0  }
0x3ce: {  	s20 =	simm.s32 @!p3 $0xA;
	[sflag:s17] =	ssyncadd.s32 @!p0 $0xFFFFC000  }
0x3cf: {  	_ =	swait.ge @!p3 [sflag:s20], $0x1000  }
0x3d0: {  	[sflag:s20] =	ssyncset.done @!p3 $0x0  }
0x3d1: {  	[sflag:s20] =	ssyncadd.s32 @!p3 $0xFFFFF000;
	s20 =	simm.s32 @!p0 $0x780  }
0x3d2: {  	[tilespmem:s6], [sflag:$0x4] =	stream.indirect.gather @!p0 [hbm4b:s3+s8], $0x80, s20, s8, $0xb8;
	[tilespmem:$0x19000] =	vst v63  }
0x3d3: {  	_ =	swait.ge @!p0 [sflag:s11], $0x4000  }
0x3d4: {  	[sflag:s11] =	ssyncset.done @!p0 $0x0;
	s23 =	sld [smem:$0x7F3]  }
0x3d5: {  	s20 =	rddreg [dreg:$0xc];
	[sflag:s11] =	ssyncadd.s32 @!p0 $0xFFFFC000  }
0x3d6: {  	[hbm4b:s20+s1] =	stream.linear.scatter @!p0 [tilespmem:s13], [sflag:$0xC], $0x4000, $0x38;
	[tilespmem:$0x19000] =	vst v63  }
0x3d7: {  	p3 =	seq.s32 s23, $0x1  }
0x3d8: {  	s20 =	simm.s32 @!p3 $0x0;
	s22 =	simm.s32 @!p3 $0x15000  }
0x3d9: {  	[hbm4b:s2+s20] =	stream.linear.scatter @!p3 [tilespmem:s22], [sflag:$0xC], $0x1000, $0x38;
	[tilespmem:$0x19000] =	vst v63  }
0x3da: {  	_ =	swait.ge @!p0 [sflag:s4], $0x4000  }
0x3db: {  	[sflag:s4] =	ssyncset.done @!p0 $0x0  }
0x3dc: {  	s20 =	simm.s32 @!p2 $0xB;
	[sflag:s4] =	ssyncadd.s32 @!p0 $0xFFFFC000  }
0x3dd: {  	_ =	swait.ge @!p2 [sflag:s20], $0x1000  }
0x3de: {  	[sflag:s20] =	ssyncset.done @!p2 $0x0  }
0x3df: {  	[sflag:s20] =	ssyncadd.s32 @!p2 $0xFFFFF000;
	s20 =	simm.s32 @!p0 $0x800  }
0x3e0: {  	[tilespmem:s15], [sflag:$0x5] =	stream.indirect.gather @!p0 [hbm4b:s3+s8], $0x80, s20, s8, $0xb8;
	[tilespmem:$0x19000] =	vst v63  }
0x3e1: {  	_ =	swait.ge @!p0 [sflag:s12], $0x4000  }
0x3e2: {  	[sflag:s12] =	ssyncset.done @!p0 $0x0;
	s25 =	sld [smem:$0x7F4]  }
0x3e3: {  	s20 =	rddreg [dreg:$0xd];
	[sflag:s12] =	ssyncadd.s32 @!p0 $0xFFFFC000  }
0x3e4: {  	[hbm4b:s20+s1] =	stream.linear.scatter @!p0 [tilespmem:s14], [sflag:$0x7], $0x4000, $0x38;
	[tilespmem:$0x19000] =	vst v63  }
0x3e5: {  	p2 =	seq.s32 s25, $0x1  }
0x3e6: {  	s20 =	simm.s32 @!p0 $0xC;
	s22 =	simm.s32 @!p2 $0x0;
	s23 =	simm.s32 @!p2 $0x1000  }
0x3e7: {  	[hbm4b:s2+s22] =	stream.linear.scatter @!p2 [tilespmem:s23], [sflag:$0x7], $0x1000, $0x38;
	[tilespmem:$0x19000] =	vst v63  }
0x3e8: {  	_ =	swait.ge @!p0 [sflag:s20], $0x4000  }
0x3e9: {  	[sflag:s20] =	ssyncset.done @!p0 $0x0  }
0x3ea: {  	s22 =	simm.s32 @!p3 $0xC;
	[sflag:s20] =	ssyncadd.s32 @!p0 $0xFFFFC000  }
0x3eb: {  	_ =	swait.ge @!p3 [sflag:s22], $0x1000  }
0x3ec: {  	[sflag:s22] =	ssyncset.done @!p3 $0x0  }
0x3ed: {  	[sflag:s22] =	ssyncadd.s32 @!p3 $0xFFFFF000;
	s22 =	simm.s32 @!p0 $0x880  }
0x3ee: {  	[tilespmem:s13], [sflag:$0x6] =	stream.indirect.gather @!p0 [hbm4b:s3+s8], $0x80, s22, s8, $0xb8;
	[tilespmem:$0x19000] =	vst v63  }
0x3ef: {  	_ =	swait.ge @!p0 [sflag:s18], $0x4000  }
0x3f0: {  	[sflag:s18] =	ssyncset.done @!p0 $0x0;
	s26 =	sld [smem:$0x7F5]  }
0x3f1: {  	s22 =	rddreg [dreg:$0xe];
	[sflag:s18] =	ssyncadd.s32 @!p0 $0xFFFFC000  }
0x3f2: {  	[hbm4b:s22+s1] =	stream.linear.scatter @!p0 [tilespmem:s9], [sflag:$0x8], $0x4000, $0x38;
	[tilespmem:$0x19000] =	vst v63  }
0x3f3: {  	p3 =	seq.s32 s26, $0x1  }
0x3f4: {  	s22 =	simm.s32 @!p3 $0x0;
	s23 =	simm.s32 @!p3 $0x5000  }
0x3f5: {  	[hbm4b:s2+s22] =	stream.linear.scatter @!p3 [tilespmem:s23], [sflag:$0x8], $0x1000, $0x38;
	[tilespmem:$0x19000] =	vst v63  }
0x3f6: {  	_ =	swait.ge @!p0 [sflag:s7], $0x4000  }
0x3f7: {  	[sflag:s7] =	ssyncset.done @!p0 $0x0  }
0x3f8: {  	s22 =	simm.s32 @!p2 $0x7;
	[sflag:s7] =	ssyncadd.s32 @!p0 $0xFFFFC000  }
0x3f9: {  	_ =	swait.ge @!p2 [sflag:s22], $0x1000  }
0x3fa: {  	[sflag:s22] =	ssyncset.done @!p2 $0x0  }
0x3fb: {  	[sflag:s22] =	ssyncadd.s32 @!p2 $0xFFFFF000;
	s22 =	simm.s32 @!p0 $0x900  }
0x3fc: {  	[tilespmem:s14], [sflag:$0x1] =	stream.indirect.gather @!p0 [hbm4b:s3+s8], $0x80, s22, s8, $0xb8;
	[tilespmem:$0x19000] =	vst v63  }
0x3fd: {  	_ =	swait.ge @!p0 [sflag:s19], $0x4000  }
0x3fe: {  	[sflag:s19] =	ssyncset.done @!p0 $0x0;
	s29 =	sld [smem:$0x7F6]  }
0x3ff: {  	s22 =	rddreg [dreg:$0xf];
	[sflag:s19] =	ssyncadd.s32 @!p0 $0xFFFFC000  }
0x400: {  	[hbm4b:s22+s1] =	stream.linear.scatter @!p0 [tilespmem:s10], [sflag:$0x9], $0x4000, $0x38;
	[tilespmem:$0x19000] =	vst v63  }
0x401: {  	p2 =	seq.s32 s29, $0x1  }
0x402: {  	s22 =	simm.s32 @!p2 $0x0;
	s23 =	simm.s32 @!p2 $0x9000  }
0x403: {  	[hbm4b:s2+s22] =	stream.linear.scatter @!p2 [tilespmem:s23], [sflag:$0x9], $0x1000, $0x38;
	[tilespmem:$0x19000] =	vst v63  }
0x404: {  	_ =	swait.ge @!p0 [sflag:s16], $0x4000  }
0x405: {  	[sflag:s16] =	ssyncset.done @!p0 $0x0  }
0x406: {  	s22 =	simm.s32 @!p3 $0x8;
	[sflag:s16] =	ssyncadd.s32 @!p0 $0xFFFFC000  }
0x407: {  	_ =	swait.ge @!p3 [sflag:s22], $0x1000  }
0x408: {  	[sflag:s22] =	ssyncset.done @!p3 $0x0  }
0x409: {  	[sflag:s22] =	ssyncadd.s32 @!p3 $0xFFFFF000;
	s22 =	simm.s32 @!p0 $0x980  }
0x40a: {  	[tilespmem:s9], [sflag:$0x2] =	stream.indirect.gather @!p0 [hbm4b:s3+s8], $0x80, s22, s8, $0xb8;
	[tilespmem:$0x19000] =	vst v63  }
0x40b: {  	_ =	swait.ge @!p0 [sflag:s5], $0x4000  }
0x40c: {  	[sflag:s5] =	ssyncset.done @!p0 $0x0;
	s30 =	sld [smem:$0x7F7]  }
0x40d: {  	s22 =	rddreg [dreg:$0x10];
	[sflag:s5] =	ssyncadd.s32 @!p0 $0xFFFFC000  }
0x40e: {  	[hbm4b:s22+s1] =	stream.linear.scatter @!p0 [tilespmem:s6], [sflag:$0xA], $0x4000, $0x38;
	[tilespmem:$0x19000] =	vst v63  }
0x40f: {  	p3 =	seq.s32 s30, $0x1  }
0x410: {  	s22 =	simm.s32 @!p3 $0x0;
	s23 =	simm.s32 @!p3 $0xD000  }
0x411: {  	[hbm4b:s2+s22] =	stream.linear.scatter @!p3 [tilespmem:s23], [sflag:$0xA], $0x1000, $0x38;
	[tilespmem:$0x19000] =	vst v63  }
0x412: {  	_ =	swait.ge @!p0 [sflag:s0], $0x4000  }
0x413: {  	[sflag:s0] =	ssyncset.done @!p0 $0x0  }
0x414: {  	s22 =	simm.s32 @!p2 $0x9;
	[sflag:s0] =	ssyncadd.s32 @!p0 $0xFFFFC000  }
0x415: {  	_ =	swait.ge @!p2 [sflag:s22], $0x1000  }
0x416: {  	[sflag:s22] =	ssyncset.done @!p2 $0x0  }
0x417: {  	[sflag:s22] =	ssyncadd.s32 @!p2 $0xFFFFF000;
	s22 =	simm.s32 @!p0 $0xA00  }
0x418: {  	[tilespmem:s10], [sflag:$0x3] =	stream.indirect.gather @!p0 [hbm4b:s3+s8], $0x80, s22, s8, $0xb8;
	[tilespmem:$0x19000] =	vst v63  }
0x419: {  	_ =	swait.ge @!p0 [sflag:s21], $0x4000  }
0x41a: {  	[sflag:s21] =	ssyncset.done @!p0 $0x0;
	s31 =	sld [smem:$0x7F8]  }
0x41b: {  	s22 =	rddreg [dreg:$0x11];
	[sflag:s21] =	ssyncadd.s32 @!p0 $0xFFFFC000  }
0x41c: {  	[hbm4b:s22+s1] =	stream.linear.scatter @!p0 [tilespmem:s15], [sflag:$0xB], $0x4000, $0x38;
	[tilespmem:$0x19000] =	vst v63  }
0x41d: {  	p2 =	seq.s32 s31, $0x1  }
0x41e: {  	s22 =	simm.s32 @!p2 $0x0;
	s23 =	simm.s32 @!p2 $0x11000  }
0x41f: {  	[hbm4b:s2+s22] =	stream.linear.scatter @!p2 [tilespmem:s23], [sflag:$0xB], $0x1000, $0x38;
	[tilespmem:$0x19000] =	vst v63  }
0x420: {  	_ =	swait.ge @!p0 [sflag:s17], $0x4000  }
0x421: {  	[sflag:s17] =	ssyncset.done @!p0 $0x0  }
0x422: {  	s22 =	simm.s32 @!p3 $0xA;
	[sflag:s17] =	ssyncadd.s32 @!p0 $0xFFFFC000  }
0x423: {  	_ =	swait.ge @!p3 [sflag:s22], $0x1000  }
0x424: {  	[sflag:s22] =	ssyncset.done @!p3 $0x0  }
0x425: {  	[sflag:s22] =	ssyncadd.s32 @!p3 $0xFFFFF000;
	s22 =	simm.s32 @!p0 $0xA80  }
0x426: {  	[tilespmem:s6], [sflag:$0x4] =	stream.indirect.gather @!p0 [hbm4b:s3+s8], $0x80, s22, s8, $0xb8;
	[tilespmem:$0x19000] =	vst v63  }
0x427: {  	_ =	swait.ge @!p0 [sflag:s11], $0x4000  }
0x428: {  	[sflag:s11] =	ssyncset.done @!p0 $0x0;
	s23 =	sld [smem:$0x7F9]  }
0x429: {  	s22 =	rddreg [dreg:$0x12];
	[sflag:s11] =	ssyncadd.s32 @!p0 $0xFFFFC000  }
0x42a: {  	[hbm4b:s22+s1] =	stream.linear.scatter @!p0 [tilespmem:s13], [sflag:$0xC], $0x4000, $0x38;
	[tilespmem:$0x19000] =	vst v63  }
0x42b: {  	p3 =	seq.s32 s23, $0x1  }
0x42c: {  	s22 =	simm.s32 @!p3 $0x0;
	s23 =	simm.s32 @!p3 $0x15000  }
0x42d: {  	[hbm4b:s2+s22] =	stream.linear.scatter @!p3 [tilespmem:s23], [sflag:$0xC], $0x1000, $0x38;
	[tilespmem:$0x19000] =	vst v63  }
0x42e: {  	_ =	swait.ge @!p0 [sflag:s4], $0x4000  }
0x42f: {  	[sflag:s4] =	ssyncset.done @!p0 $0x0  }
0x430: {  	s22 =	simm.s32 @!p2 $0xB;
	[sflag:s4] =	ssyncadd.s32 @!p0 $0xFFFFC000  }
0x431: {  	_ =	swait.ge @!p2 [sflag:s22], $0x1000  }
0x432: {  	[sflag:s22] =	ssyncset.done @!p2 $0x0  }
0x433: {  	[sflag:s22] =	ssyncadd.s32 @!p2 $0xFFFFF000;
	s22 =	simm.s32 @!p0 $0xB00  }
0x434: {  	[tilespmem:s15], [sflag:$0x5] =	stream.indirect.gather @!p0 [hbm4b:s3+s8], $0x80, s22, s8, $0xb8;
	[tilespmem:$0x19000] =	vst v63  }
0x435: {  	_ =	swait.ge @!p0 [sflag:s12], $0x4000  }
0x436: {  	[sflag:s12] =	ssyncset.done @!p0 $0x0;
	s25 =	sld [smem:$0x7FA]  }
0x437: {  	s22 =	rddreg [dreg:$0x13];
	[sflag:s12] =	ssyncadd.s32 @!p0 $0xFFFFC000  }
0x438: {  	[hbm4b:s22+s1] =	stream.linear.scatter @!p0 [tilespmem:s14], [sflag:$0x7], $0x4000, $0x38;
	[tilespmem:$0x19000] =	vst v63  }
0x439: {  	p2 =	seq.s32 s25, $0x1  }
0x43a: {  	s22 =	simm.s32 @!p2 $0x0;
	s23 =	simm.s32 @!p2 $0x1000  }
0x43b: {  	[hbm4b:s2+s22] =	stream.linear.scatter @!p2 [tilespmem:s23], [sflag:$0x7], $0x1000, $0x38;
	[tilespmem:$0x19000] =	vst v63  }
0x43c: {  	_ =	swait.ge @!p0 [sflag:s20], $0x4000  }
0x43d: {  	[sflag:s20] =	ssyncset.done @!p0 $0x0  }
0x43e: {  	s22 =	simm.s32 @!p3 $0xC;
	[sflag:s20] =	ssyncadd.s32 @!p0 $0xFFFFC000  }
0x43f: {  	_ =	swait.ge @!p3 [sflag:s22], $0x1000  }
0x440: {  	[sflag:s22] =	ssyncset.done @!p3 $0x0  }
0x441: {  	[sflag:s22] =	ssyncadd.s32 @!p3 $0xFFFFF000;
	s22 =	simm.s32 @!p0 $0xB80  }
0x442: {  	[tilespmem:s13], [sflag:$0x6] =	stream.indirect.gather @!p0 [hbm4b:s3+s8], $0x80, s22, s8, $0xb8;
	[tilespmem:$0x19000] =	vst v63  }
0x443: {  	_ =	swait.ge @!p0 [sflag:s18], $0x4000  }
0x444: {  	[sflag:s18] =	ssyncset.done @!p0 $0x0;
	s26 =	sld [smem:$0x7FB]  }
0x445: {  	s22 =	rddreg [dreg:$0x14];
	[sflag:s18] =	ssyncadd.s32 @!p0 $0xFFFFC000  }
0x446: {  	[hbm4b:s22+s1] =	stream.linear.scatter @!p0 [tilespmem:s9], [sflag:$0x8], $0x4000, $0x38;
	[tilespmem:$0x19000] =	vst v63  }
0x447: {  	p1 =	seq.s32 s26, $0x1  }
0x448: {  	s9 =	simm.s32 @!p1 $0x0;
	s18 =	simm.s32 @!p1 $0x5000  }
0x449: {  	[hbm4b:s2+s9] =	stream.linear.scatter @!p1 [tilespmem:s18], [sflag:$0x8], $0x1000, $0x38;
	[tilespmem:$0x19000] =	vst v63  }
0x44a: {  	_ =	swait.ge @!p0 [sflag:s7], $0x4000  }
0x44b: {  	[sflag:s7] =	ssyncset.done @!p0 $0x0  }
0x44c: {  	s9 =	simm.s32 @!p2 $0x7;
	[sflag:s7] =	ssyncadd.s32 @!p0 $0xFFFFC000  }
0x44d: {  	_ =	swait.ge @!p2 [sflag:s9], $0x1000  }
0x44e: {  	[sflag:s9] =	ssyncset.done @!p2 $0x0  }
0x44f: {  	[sflag:s9] =	ssyncadd.s32 @!p2 $0xFFFFF000;
	s9 =	simm.s32 @!p0 $0xC00  }
0x450: {  	[tilespmem:s14], [sflag:$0x1] =	stream.indirect.gather @!p0 [hbm4b:s3+s8], $0x80, s9, s8, $0xb8;
	[tilespmem:$0x19000] =	vst v63  }
0x451: {  	_ =	swait.ge @!p0 [sflag:s19], $0x4000  }
0x452: {  	[sflag:s19] =	ssyncset.done @!p0 $0x0;
	s29 =	sld [smem:$0x7FC]  }
0x453: {  	s3 =	rddreg [dreg:$0x15];
	[sflag:s19] =	ssyncadd.s32 @!p0 $0xFFFFC000  }
0x454: {  	[hbm4b:s3+s1] =	stream.linear.scatter @!p0 [tilespmem:s10], [sflag:$0x9], $0x4000, $0x38;
	[tilespmem:$0x19000] =	vst v63  }
0x455: {  	p6 =	seq.s32 s29, $0x1  }
0x456: {  	s3 =	simm.s32 @!p6 $0x0;
	s8 =	simm.s32 @!p6 $0x9000  }
0x457: {  	[hbm4b:s2+s3] =	stream.linear.scatter @!p6 [tilespmem:s8], [sflag:$0x9], $0x1000, $0x38;
	[tilespmem:$0x19000] =	vst v63  }
0x458: {  	_ =	swait.ge @!p0 [sflag:s5], $0x4000  }
0x459: {  	[sflag:s5] =	ssyncset.done @!p0 $0x0  }
0x45a: {  	s3 =	rddreg [dreg:$0x16];
	[sflag:s5] =	ssyncadd.s32 @!p0 $0xFFFFC000  }
0x45b: {  	[hbm4b:s3+s1] =	stream.linear.scatter @!p0 [tilespmem:s6], [sflag:$0xA], $0x4000, $0x38;
	[tilespmem:$0x19000] =	vst v63  }
0x45c: {  	s5 =	simm.s32 @!p5 $0xD000;
	s3 =	simm.s32 @!p5 $0x0  }
0x45d: {  	[hbm4b:s2+s3] =	stream.linear.scatter @!p5 [tilespmem:s5], [sflag:$0xA], $0x1000, $0x38;
	[tilespmem:$0x19000] =	vst v63  }
0x45e: {  	_ =	swait.ge @!p0 [sflag:s21], $0x4000  }
0x45f: {  	[sflag:s21] =	ssyncset.done @!p0 $0x0  }
0x460: {  	s3 =	rddreg [dreg:$0x17];
	[sflag:s21] =	ssyncadd.s32 @!p0 $0xFFFFC000  }
0x461: {  	[hbm4b:s3+s1] =	stream.linear.scatter @!p0 [tilespmem:s15], [sflag:$0xB], $0x4000, $0x38;
	[tilespmem:$0x19000] =	vst v63  }
0x462: {  	s5 =	simm.s32 @!p4 $0x11000;
	s3 =	simm.s32 @!p4 $0x0  }
0x463: {  	[hbm4b:s2+s3] =	stream.linear.scatter @!p4 [tilespmem:s5], [sflag:$0xB], $0x1000, $0x38;
	[tilespmem:$0x19000] =	vst v63  }
0x464: {  	_ =	swait.ge @!p0 [sflag:s11], $0x4000  }
0x465: {  	[sflag:s11] =	ssyncset.done @!p0 $0x0;
	s30 =	sld [smem:$0x7FD]  }
0x466: {  	s3 =	rddreg [dreg:$0x18];
	[sflag:s11] =	ssyncadd.s32 @!p0 $0xFFFFC000  }
0x467: {  	[hbm4b:s3+s1] =	stream.linear.scatter @!p0 [tilespmem:s13], [sflag:$0xC], $0x4000, $0x38;
	[tilespmem:$0x19000] =	vst v63  }
0x468: {  	p3 =	seq.s32 s30, $0x1  }
0x469: {  	s3 =	simm.s32 @!p3 $0x0;
	s5 =	simm.s32 @!p3 $0x15000  }
0x46a: {  	[hbm4b:s2+s3] =	stream.linear.scatter @!p3 [tilespmem:s5], [sflag:$0xC], $0x1000, $0x38;
	[tilespmem:$0x19000] =	vst v63  }
0x46b: {  	_ =	swait.ge @!p0 [sflag:s12], $0x4000  }
0x46c: {  	[sflag:s12] =	ssyncset.done @!p0 $0x0;
	s31 =	sld [smem:$0x7BA]  }
0x46d: {  	s3 =	rddreg [dreg:$0x19];
	[sflag:s12] =	ssyncadd.s32 @!p0 $0xFFFFC000  }
0x46e: {  	[hbm4b:s3+s1] =	stream.linear.scatter @!p0 [tilespmem:s14], [sflag:$0x7], $0x4000, $0x38;
	[tilespmem:$0x19000] =	vst v63  }
0x46f: {  	p2 =	seq.s32 s31, $0x1  }
0x470: {  	s1 =	simm.s32 @!p2 $0x0;
	s3 =	simm.s32 @!p2 $0x1000  }
0x471: {  	[hbm4b:s2+s1] =	stream.linear.scatter @!p2 [tilespmem:s3], [sflag:$0x7], $0x1000, $0x38;
	[tilespmem:$0x19000] =	vst v63  }
0x472: {  	_ =	swait.ge @!p0 [sflag:s16], $0x4000  }
0x473: {  	[sflag:s16] =	ssyncset.done @!p0 $0x0  }
0x474: {  	s1 =	simm.s32 @!p1 $0x8;
	[sflag:s16] =	ssyncadd.s32 @!p0 $0xFFFFC000  }
0x475: {  	_ =	swait.ge @!p1 [sflag:s1], $0x1000  }
0x476: {  	[sflag:s1] =	ssyncset.done @!p1 $0x0  }
0x477: {  	[sflag:s1] =	ssyncadd.s32 @!p1 $0xFFFFF000  }
0x478: {  	_ =	swait.ge @!p0 [sflag:s0], $0x4000  }
0x479: {  	[sflag:s0] =	ssyncset.done @!p0 $0x0  }
0x47a: {  	[sflag:s0] =	ssyncadd.s32 @!p0 $0xFFFFC000;
	s0 =	simm.s32 @!p6 $0x9  }
0x47b: {  	_ =	swait.ge @!p6 [sflag:s0], $0x1000  }
0x47c: {  	[sflag:s0] =	ssyncset.done @!p6 $0x0  }
0x47d: {  	[sflag:s0] =	ssyncadd.s32 @!p6 $0xFFFFF000  }
0x47e: {  	_ =	swait.ge @!p0 [sflag:s17], $0x4000  }
0x47f: {  	[sflag:s17] =	ssyncset.done @!p0 $0x0  }
0x480: {  	s0 =	simm.s32 @!p5 $0xA;
	[sflag:s17] =	ssyncadd.s32 @!p0 $0xFFFFC000  }
0x481: {  	_ =	swait.ge @!p5 [sflag:s0], $0x1000  }
0x482: {  	[sflag:s0] =	ssyncset.done @!p5 $0x0  }
0x483: {  	[sflag:s0] =	ssyncadd.s32 @!p5 $0xFFFFF000  }
0x484: {  	_ =	swait.ge @!p0 [sflag:s4], $0x4000  }
0x485: {  	[sflag:s4] =	ssyncset.done @!p0 $0x0  }
0x486: {  	s0 =	simm.s32 @!p4 $0xB;
	[sflag:s4] =	ssyncadd.s32 @!p0 $0xFFFFC000  }
0x487: {  	_ =	swait.ge @!p4 [sflag:s0], $0x1000  }
0x488: {  	[sflag:s0] =	ssyncset.done @!p4 $0x0  }
0x489: {  	[sflag:s0] =	ssyncadd.s32 @!p4 $0xFFFFF000  }
0x48a: {  	_ =	swait.ge @!p0 [sflag:s20], $0x4000  }
0x48b: {  	[sflag:s20] =	ssyncset.done @!p0 $0x0  }
0x48c: {  	s0 =	simm.s32 @!p3 $0xC;
	[sflag:s20] =	ssyncadd.s32 @!p0 $0xFFFFC000  }
0x48d: {  	_ =	swait.ge @!p3 [sflag:s0], $0x1000  }
0x48e: {  	[sflag:s0] =	ssyncset.done @!p3 $0x0  }
0x48f: {  	[sflag:s0] =	ssyncadd.s32 @!p3 $0xFFFFF000  }
0x490: {  	_ =	swait.ge @!p0 [sflag:s7], $0x4000  }
0x491: {  	[sflag:s7] =	ssyncset.done @!p0 $0x0  }
0x492: {  	s0 =	simm.s32 @!p2 $0x7;
	[sflag:s7] =	ssyncadd.s32 @!p0 $0xFFFFC000  }
0x493: {  	_ =	swait.ge @!p2 [sflag:s0], $0x1000  }
0x494: {  	[sflag:s0] =	ssyncset.done @!p2 $0x0  }
0x495: {  	[sflag:s0] =	ssyncadd.s32 @!p2 $0xFFFFF000  }
0x496: {  	_ =	sfence.sel $0x180000  }
0x497: {  	[bflag:$0x0] =	sbarrier.arrive $0xFFFF  }
0x498: {  	p0 =	sne.s32 s24, $0x0;
	_ =	strace $0x90000047  }
0x499: {  	s0 =	sadd.s32 @!p0 $0x100000, s28;
	[bflag:$0x2] =	sbarrier.arrive $0xFFFF  }
0x49a: {  	[sflag:s0] =	ssyncadd.tile.s32 @!p0 $0x1;
	_ =	shalt  }
.LBB2_1:
.Ltmp3:
0x49b: {  	(pc) =	sbr.rel .LBB2_6-.Ltmp3, $4  }
0x49c: {  	p1 =	por $0x0, $0x0  }
0x49d: {  	s0 =	simm.s32 @!p1 $0x0  }
0x49e: {  	s0 =	simm.s32 @p1 $0x1  }
0x49f: {  	p2 =	por p6, p6;
	s24 =	stileid.u32;
	[smem:$0x7EC] =	sst s0  }
.LBB2_7:
0x4a0: {  	s28 =	rddreg [dreg:$0x2]  }
0x4a1: {  	s29 =	sld [smem:$0x7BC]  }
0x4a2: {  	s24 =	stileid.u32;
	s26 =	sld [smem:$0x7EB]  }
.Ltmp4:
0x4a3: {  	p2 =	por p6, p6;
	s30 =	sld [smem:$0x7BD];
	(pc) =	sbr.rel .LBB2_6-.Ltmp4, $4  }
0x4a4: {  	s13 =	simm.s32 $0x11000;
	s14 =	simm.s32 $0xA;
	s15 =	simm.s32 $0x5  }
0x4a5: {  	s7 =	simm.s32 $0x9000;
	s8 =	simm.s32 $0x1000;
	s9 =	simm.s32 $0x5000  }
0x4a6: {  	s10 =	simm.s32 $0x8;
	s11 =	simm.s32 $0x3;
	s16 =	simm.s32 $0x7  }
0x4a7: {  	s31 =	simm.s32 $0x2;
	s6 =	simm.s32 $0x1;
	s1 =	simm.s32 $0xD  }
.Lfunc_end2:
_tile_overlayer_lowered:
.L_overlay_start_2:
0x4a8: {  	(tag) =	ssettag $0x2  }
0x4a9: {  	s0 =	rddreg [dreg:$0x0];
	s2 =	stileid.u32  }
0x4aa: {  	s1 =	rddreg [dreg:$0x1];
	p0 =	sne.s32 s2, $0x0  }
0x4ab: {  	s3 =	rddreg [dreg:$0x2];
	[bflag:$0x3] =	sbarrier.arrive $0xFFFF;
	s2 =	simm.s32 @!p0 $0x1C0D  }
0x4ac: {  	[timem:s3], [sflag:s2] =	dma.local @!p0 [hbm:s0], s1  }
0x4ad: {  	s0 =	simm.s32 @!p0 $0xD  }
0x4ae: {  	_ =	swait.ge @!p0 [sflag:s0], s1  }
0x4af: {  	s1 =	ssub.s32 @!p0 $0x0, s1;
	[sflag:s0] =	ssyncset.done @!p0 $0x0  }
0x4b0: {  	[sflag:s0] =	ssyncadd.s32 @!p0 s1  }
0x4b1: {  	[bflag:$0x3] =	sbarrier.arrive $0xFFFF  }
0x4b2: {  	_ =	shalt  }

</sc_bundles>
